<compile_context>
chip_gen: v7x
topology: tpu7x:2x2x1
jax: 0.10.2.dev20260603
libtpu: 0.0.44.dev20260713+nightly
codegen_flags: <defaults>
</compile_context>

<pallas_src>
import jax
import jax.numpy as jnp
from jax import lax
from jax.experimental import pallas as pl
from jax.experimental.pallas import tpu as pltpu
from jax.experimental.pallas import tpu_sc as plsc

N = 10000
D = 128
EPS = 1e-5

NS = 16
CHUNK = 128
NP = 10240
ROWS_PER_TILE = NP // NS

BLK = 512
GRID = NP // BLK

_F32 = jnp.float32



def _phases(c0):
    ph = -(-(-(-c0 // 3)) // 8) * 8
    offs = list(range(0, c0, ph))
    return ph, [(o, min(ph, c0 - o)) for o in offs]


def _make_sc_agg(C, with_deg):
    mesh = plsc.VectorSubcoreMesh(core_axis_name="c", subcore_axis_name="s")
    ph, phases = _phases(C)
    out_type = [jax.ShapeDtypeStruct((NP, D), _F32)]
    if with_deg:
        out_type.append(jax.ShapeDtypeStruct((NP, D), _F32))

    def body(m_hbm, src_hbm, dst_hbm, acc_out, *rest):
        if with_deg:
            deg_out, src_v, dst_v, rows_v, acc_sh, gsem = rest
        else:
            src_v, dst_v, rows_v, acc_sh, gsem = rest
        cid = lax.axis_index("c")
        sid = lax.axis_index("s")
        is_gather = cid == 0
        active = (cid <= (1 if with_deg else 0))

        def zfill(i, _):
            r = i // (D // 16)
            c = i % (D // 16)
            rows_v[0, r, pl.ds(c * 16, 16)] = jnp.zeros((16,), _F32)
            return 0
        lax.fori_loop(0, CHUNK * (D // 16), zfill, 0)

        base = sid * ROWS_PER_TILE

        @pl.when(active)
        def _():
            def zcopy(i, _):
                pltpu.sync_copy(rows_v.at[0],
                                acc_sh.at[pl.ds(base + i * CHUNK, CHUNK)])
                return 0
            lax.fori_loop(0, ROWS_PER_TILE // CHUNK, zcopy, 0)

        if with_deg:
            @pl.when(~is_gather)
            def _():
                def ofill(i, _):
                    r = i // (D // 16)
                    c = i % (D // 16)
                    rows_v[0, r, pl.ds(c * 16, 16)] = jnp.ones((16,), _F32)
                    return 0
                lax.fori_loop(0, CHUNK * (D // 16), ofill, 0)

        plsc.subcore_barrier()

        for off, cap in phases:
            @pl.when(is_gather)
            def _():
                pltpu.sync_copy(src_hbm.at[sid, pl.ds(off, cap)],
                                src_v.at[pl.ds(0, cap)])

            @pl.when(active)
            def _():
                pltpu.sync_copy(dst_hbm.at[sid, pl.ds(off, cap)],
                                dst_v.at[pl.ds(0, cap)])

            @pl.when(is_gather)
            def _():
                for b in range(2):
                    pltpu.async_copy(m_hbm.at[src_v.at[b]],
                                     rows_v.at[b], gsem)

                def chunk(j, _):
                    b = j % 2
                    pltpu.make_async_copy(m_hbm.at[pl.ds(0, CHUNK)],
                                          rows_v.at[b], gsem).wait()
                    pltpu.sync_copy(rows_v.at[b], acc_sh.at[dst_v.at[j]],
                                    add=True)

                    @pl.when(j + 2 < cap)
                    def _():
                        pltpu.async_copy(m_hbm.at[src_v.at[j + 2]],
                                         rows_v.at[b], gsem)
                    return 0
                lax.fori_loop(0, cap, chunk, 0)

            if with_deg:
                @pl.when(~is_gather)
                def _():
                    def dchunk(j, _):
                        pltpu.sync_copy(rows_v.at[0],
                                        acc_sh.at[dst_v.at[j]], add=True)
                        return 0
                    lax.fori_loop(0, cap, dchunk, 0)

        plsc.subcore_barrier()

        @pl.when(is_gather)
        def _():
            pltpu.sync_copy(acc_sh.at[pl.ds(base, ROWS_PER_TILE)],
                            acc_out.at[pl.ds(base, ROWS_PER_TILE)])
        if with_deg:
            @pl.when(~is_gather)
            def _():
                pltpu.sync_copy(acc_sh.at[pl.ds(base, ROWS_PER_TILE)],
                                deg_out.at[pl.ds(base, ROWS_PER_TILE)])

    return pl.kernel(
        body,
        out_type=out_type,
        mesh=mesh,
        scratch_types=[
            pltpu.VMEM((ph, CHUNK), jnp.int32),
            pltpu.VMEM((ph, CHUNK), jnp.int32),
            pltpu.VMEM((2, CHUNK, D), _F32),
            pltpu.VMEM_SHARED((NP, D), _F32),
            pltpu.SemaphoreType.DMA,
        ])



def _dotT(a, w):
    return lax.dot_general(a, w, (((1,), (1,)), ((), ())),
                           preferred_element_type=_F32)


def _row_spec():
    return pl.BlockSpec((BLK, D), lambda i: (i, 0))


def _deg_spec():
    return pl.BlockSpec((BLK, D), lambda i: (i, 0))


def _full_spec(shape):
    return pl.BlockSpec(shape, lambda i: tuple(0 for _ in shape))


def _tc_in(x, Wl, Wr, bl):
    def body(x_ref, wl_ref, wr_ref, bl_ref, m_ref, z_ref):
        xv = x_ref[...]
        m_ref[...] = _dotT(xv, wl_ref[...])
        z_ref[...] = _dotT(xv, wr_ref[...]) + bl_ref[...]
    return pl.pallas_call(
        body,
        grid=(GRID,),
        in_specs=[_row_spec(), _full_spec((D, D)), _full_spec((D, D)),
                  _full_spec((1, D))],
        out_specs=[_row_spec(), _row_spec()],
        out_shape=[jax.ShapeDtypeStruct((NP, D), _F32),
                   jax.ShapeDtypeStruct((NP, D), _F32)],
    )(x, Wl, Wr, bl)


def _tc_mid(acc, deg, z, g, be, rm, rv, Wl, Wr, bl):
    def body(a_ref, d_ref, z_ref, g_ref, be_ref, rm_ref, rv_ref,
             wl_ref, wr_ref, bl_ref, m_ref, z2_ref):
        inv = 1.0 / jnp.maximum(d_ref[:, 0:1], 1.0)
        s = a_ref[...] * inv + z_ref[...]
        scale = g_ref[...] * lax.rsqrt(rv_ref[...] + EPS)
        h = jnp.maximum((s - rm_ref[...]) * scale + be_ref[...], 0.0)
        m_ref[...] = _dotT(h, wl_ref[...])
        z2_ref[...] = _dotT(h, wr_ref[...]) + bl_ref[...]
    return pl.pallas_call(
        body,
        grid=(GRID,),
        in_specs=[_row_spec(), _deg_spec(), _row_spec(),
                  _full_spec((1, D)), _full_spec((1, D)), _full_spec((1, D)),
                  _full_spec((1, D)),
                  _full_spec((D, D)), _full_spec((D, D)), _full_spec((1, D))],
        out_specs=[_row_spec(), _row_spec()],
        out_shape=[jax.ShapeDtypeStruct((NP, D), _F32),
                   jax.ShapeDtypeStruct((NP, D), _F32)],
    )(acc, deg, z, g, be, rm, rv, Wl, Wr, bl)


def _tc_out(acc, deg, z):
    def body(a_ref, d_ref, z_ref, o_ref):
        inv = 1.0 / jnp.maximum(d_ref[:, 0:1], 1.0)
        o_ref[...] = a_ref[...] * inv + z_ref[...]
    return pl.pallas_call(
        body,
        grid=(GRID,),
        in_specs=[_row_spec(), _deg_spec(), _row_spec()],
        out_specs=_row_spec(),
        out_shape=jax.ShapeDtypeStruct((N, D), _F32),
    )(acc, deg, z)



def kernel(x, edge_index, Wl0, bl0, Wr0, g0, be0, rm0, rv0,
           Wl1, bl1, Wr1, g1, be1, rm1, rv1, Wl2, bl2, Wr2):
    E = edge_index.shape[1]
    C = -(-E // (NS * CHUNK))
    e_pad = NS * C * CHUNK - E

    src = edge_index[0]
    dst = edge_index[1]
    src_p = jnp.concatenate([src, jnp.zeros((e_pad,), jnp.int32)])
    dst_p = jnp.concatenate([dst, jnp.full((e_pad,), N, jnp.int32)])
    src_p = src_p.reshape(NS, C, CHUNK)
    dst_p = dst_p.reshape(NS, C, CHUNK)

    x_pad = jnp.concatenate([x, jnp.zeros((NP - N, D), _F32)])

    r1 = lambda v: v.reshape(1, D)

    sc_agg_deg = _make_sc_agg(C, with_deg=True)
    sc_agg = _make_sc_agg(C, with_deg=False)

    m0, z0 = _tc_in(x_pad, Wl0, Wr0, r1(bl0))
    acc, deg = sc_agg_deg(m0, src_p, dst_p)
    m1, z1 = _tc_mid(acc, deg, z0,
                     r1(g0), r1(be0), r1(rm0), r1(rv0), Wl1, Wr1, r1(bl1))
    (acc,) = sc_agg(m1, src_p, dst_p)
    m2, z2 = _tc_mid(acc, deg, z1,
                     r1(g1), r1(be1), r1(rm1), r1(rv1), Wl2, Wr2, r1(bl2))
    (acc,) = sc_agg(m2, src_p, dst_p)
    return _tc_out(acc, deg, z2)

# --- scband reference (transcript-rebuilt; emitter-appended) ---
"""Pipeline reference for scband-sagedepth-emb-80676665688557 (READ-ONLY COPY).

The authoritative reference and input builder live on the scoring server;
editing this copy changes nothing except your own understanding.
"""

import jax, jax.numpy as jnp
import numpy as np

N = 10000
E = 320000
D = 128
EPS = 1e-5

def _glorot(k, shape):
    return jax.random.normal(k, shape, dtype=jnp.float32) * (1.0 / np.sqrt(shape[1]))

def setup_inputs(seed: int = 0) -> dict:
    key = jax.random.key(seed)
    ks = jax.random.split(key, 16)
    inp = {}
    inp['x'] = jax.random.normal(ks[0], (N, D), dtype=jnp.float32)
    inp['edge_index'] = jax.random.randint(ks[1], (2, E), 0, N, dtype=jnp.int32)
    # SAGEConv layer 0 (in->hidden)
    inp['Wl0'] = _glorot(ks[2], (D, D)); inp['bl0'] = jnp.zeros((D,), jnp.float32); inp['Wr0'] = _glorot(ks[3], (D, D))
    # BN 0 (eval mode buffers/params)
    inp['g0'] = jnp.ones((D,), jnp.float32); inp['be0'] = jnp.zeros((D,), jnp.float32)
    inp['rm0'] = jnp.zeros((D,), jnp.float32); inp['rv0'] = jnp.ones((D,), jnp.float32)
    # SAGEConv layer 1 (hidden->hidden)
    inp['Wl1'] = _glorot(ks[4], (D, D)); inp['bl1'] = jnp.zeros((D,), jnp.float32); inp['Wr1'] = _glorot(ks[5], (D, D))
    # BN 1
    inp['g1'] = jnp.ones((D,), jnp.float32); inp['be1'] = jnp.zeros((D,), jnp.float32)
    inp['rm1'] = jnp.zeros((D,), jnp.float32); inp['rv1'] = jnp.ones((D,), jnp.float32)
    # out_conv (hidden->out)
    inp['Wl2'] = _glorot(ks[6], (D, D)); inp['bl2'] = jnp.zeros((D,), jnp.float32); inp['Wr2'] = _glorot(ks[7], (D, D))
    return inp

def _sage_conv(x, src, dst, Wl, bl, Wr):
    # mean aggregation of source features at destination nodes
    msg = jnp.take(x, src, axis=0)
    agg = jax.ops.segment_sum(msg, dst, num_segments=N)
    deg = jax.ops.segment_sum(jnp.ones((src.shape[0],), x.dtype), dst, num_segments=N)
    agg = agg / jnp.clip(deg, 1.0)[:, None]
    return agg @ Wl.T + bl + x @ Wr.T

def _bn_eval(x, g, b, rm, rv):
    return (x - rm) / jnp.sqrt(rv + EPS) * g + b

def reference(x, edge_index, Wl0, bl0, Wr0, g0, be0, rm0, rv0, Wl1, bl1, Wr1, g1, be1, rm1, rv1, Wl2, bl2, Wr2):
    src, dst = edge_index[0], edge_index[1]
    h = _sage_conv(x, src, dst, Wl0, bl0, Wr0)
    h = jax.nn.relu(_bn_eval(h, g0, be0, rm0, rv0))
    # dropout is identity in eval mode
    h = _sage_conv(h, src, dst, Wl1, bl1, Wr1)
    h = jax.nn.relu(_bn_eval(h, g1, be1, rm1, rv1))
    out = _sage_conv(h, src, dst, Wl2, bl2, Wr2)
    return out

if __name__ == "__main__":
    import jax
    _d = setup_inputs()
    print(jax.jit(kernel)(*tuple(_d.values())))

</pallas_src>

<mosaic_0001>
#map = affine_map<(d0, d1) -> (0, 0)>
#map1 = affine_map<(d0, d1) -> (0, 0, 0)>
module attributes {stable_mosaic.version = 14 : i64} {
  func.func @body(%arg0: i32, %arg1: i32, %arg2: memref<10240x128xf32, #tpu.memory_space<hbm>>, %arg3: memref<16x157x128xi32, #tpu.memory_space<hbm>>, %arg4: memref<16x157x128xi32, #tpu.memory_space<hbm>>, %arg5: memref<10240x128xf32, #tpu.memory_space<hbm>>, %arg6: memref<56x128xi32, #tpu.memory_space<vmem>>, %arg7: memref<56x128xi32, #tpu.memory_space<vmem>>, %arg8: memref<2x128x128xf32, #tpu.memory_space<vmem>>, %arg9: memref<10240x128xf32, #tpu.memory_space<vmem_shared>>, %arg10: memref<!tpu.dma_semaphore, #tpu.memory_space<semaphore_mem>>) attributes {dimension_semantics = [#tpu.dimension_semantics<core_parallel>, #tpu.dimension_semantics<subcore_parallel>], iteration_bounds = array<i64: 2, 16>, scalar_prefetch = 0 : i64, scratch_operands = 5 : i64, tpu.core_type = #tpu.core_type<sc_vector_subcore>, window_params = [{transform_indices = #map}, {transform_indices = #map1}, {transform_indices = #map1}, {transform_indices = #map}]} {
    %eq3A = arith.constant 0 : i32
    %eq3A_0 = arith.cmpi eq, %arg0, %eq3A : i32
    %le3A = arith.constant 0 : i32
    %le3A_1 = arith.cmpi sle, %arg0, %le3A : i32
    %scan3A = arith.constant 0 : i32
    %scan3A_2 = arith.constant 0 : i32
    %scan3A_3 = arith.constant 1024 : i32
    %scan3A_4 = arith.addi %scan3A_2, %scan3A_3 : i32
    %scan3A_5 = arith.constant 1 : i32
    %scan3A_6 = scf.for %scan3A_41 = %scan3A_2 to %scan3A_4 step %scan3A_5 iter_args(%scan3A_42 = %scan3A) -> (i32)  : i32 {
      %jit3A = arith.constant 8 : i32
      %div3A = arith.divsi %scan3A_41, %jit3A : i32
      %sign3A = arith.constant 0 : i32
      %sign3A_43 = arith.cmpi sgt, %scan3A_41, %sign3A : i32
      %sign3A_44 = arith.extui %sign3A_43 : i1 to i32
      %sign3A_45 = arith.constant 0 : i32
      %sign3A_46 = arith.cmpi slt, %scan3A_41, %sign3A_45 : i32
      %sign3A_47 = arith.extui %sign3A_46 : i1 to i32
      %sign3A_48 = arith.subi %sign3A_44, %sign3A_47 : i32
      %sign3A_49 = arith.constant 0 : i32
      %sign3A_50 = arith.cmpi sgt, %jit3A, %sign3A_49 : i32
      %sign3A_51 = arith.extui %sign3A_50 : i1 to i32
      %sign3A_52 = arith.constant 0 : i32
      %sign3A_53 = arith.cmpi slt, %jit3A, %sign3A_52 : i32
      %sign3A_54 = arith.extui %sign3A_53 : i1 to i32
      %sign3A_55 = arith.subi %sign3A_51, %sign3A_54 : i32
      %ne3A = arith.cmpi ne, %sign3A_48, %sign3A_55 : i32
      %rem3A = arith.remsi %scan3A_41, %jit3A : i32
      %ne3A_56 = arith.constant 0 : i32
      %ne3A_57 = arith.cmpi ne, %rem3A, %ne3A_56 : i32
      %and3A = arith.andi %ne3A, %ne3A_57 : i1
      %sub3A = arith.constant 1 : i32
      %sub3A_58 = arith.subi %div3A, %sub3A : i32
      %select_n3A = arith.select %and3A, %sub3A_58, %div3A : i32
      %jit3A_59 = arith.constant 8 : i32
      %eq3A_60 = arith.constant 0 : i32
      %eq3A_61 = arith.cmpi eq, %jit3A_59, %eq3A_60 : i32
      %jit3A_62 = arith.constant 1 : i32
      %select_n3A_63 = arith.select %eq3A_61, %jit3A_62, %jit3A_59 : i32
      %rem3A_64 = arith.remsi %scan3A_41, %select_n3A_63 : i32
      %ne3A_65 = arith.constant 0 : i32
      %ne3A_66 = arith.cmpi ne, %rem3A_64, %ne3A_65 : i32
      %lt3A = arith.constant 0 : i32
      %lt3A_67 = arith.cmpi slt, %rem3A_64, %lt3A : i32
      %lt3A_68 = arith.constant 0 : i32
      %lt3A_69 = arith.cmpi slt, %select_n3A_63, %lt3A_68 : i32
      %ne3A_70 = arith.xori %lt3A_67, %lt3A_69 : i1
      %and3A_71 = arith.andi %ne3A_70, %ne3A_66 : i1
      %add3A = arith.addi %rem3A_64, %select_n3A_63 : i32
      %select_n3A_72 = arith.select %and3A_71, %add3A, %rem3A_64 : i32
      %broadcast_in_dim3A = arith.constant 0.000000e+00 : f32
      %broadcast_in_dim3A_73 = vector.broadcast %broadcast_in_dim3A : f32 to vector<16xf32>
      %mul3A_74 = arith.constant 16 : i32
      %mul3A_75 = arith.muli %select_n3A_72, %mul3A_74 : i32
      %swap3A = arith.constant 0 : i32
      %swap3A_76 = arith.index_cast %swap3A : i32 to index
      %swap3A_77 = arith.index_cast %select_n3A : i32 to index
      %swap3A_78 = arith.index_cast %mul3A_75 : i32 to index
      %swap3A_79 = tpu.vector_load %arg8[%swap3A_76, %swap3A_77, %swap3A_78] {strides = array<i32>} : memref<2x128x128xf32, #tpu.memory_space<vmem>>, vector<1x1x16xf32>,
      %swap3A_80 = vector.shape_cast %swap3A_79 : vector<1x1x16xf32> to vector<16xf32>
      %swap3A_81 = vector.shape_cast %broadcast_in_dim3A_73 : vector<16xf32> to vector<1x1x16xf32>
      tpu.vector_store %arg8[%swap3A_76, %swap3A_77, %swap3A_78], %swap3A_81 {strides = array<i32>} : memref<2x128x128xf32, #tpu.memory_space<vmem>>, vector<1x1x16xf32>,
      %scan3A_82 = arith.constant 0 : i32
      scf.yield %scan3A_82 : i32
    }
    %scan3A_7 = arith.constant 1024 : i32
    %mul3A = arith.constant 640 : i32
    %mul3A_8 = arith.muli %arg1, %mul3A : i32
    %convert_element_type3A = arith.extui %le3A_1 : i1 to i32
    %cond3A = arith.constant 0 : i32
    %cond3A_9 = arith.cmpi ne, %convert_element_type3A, %cond3A : i32
    scf.if %cond3A_9 {
      %scan3A_41 = arith.constant 0 : i32
      %scan3A_42 = arith.constant 0 : i32
      %scan3A_43 = arith.constant 5 : i32
      %scan3A_44 = arith.addi %scan3A_42, %scan3A_43 : i32
      %scan3A_45 = arith.constant 1 : i32
      %scan3A_46 = scf.for %scan3A_48 = %scan3A_42 to %scan3A_44 step %scan3A_45 iter_args(%scan3A_49 = %scan3A_41) -> (i32)  : i32 {
        %mul3A_50 = arith.constant 128 : i32
        %mul3A_51 = arith.muli %scan3A_48, %mul3A_50 : i32
        %add3A = arith.addi %mul3A_8, %mul3A_51 : i32
        %run_scoped3A = arith.constant 0 : i32
        "tpu.region"() ({
          %run_scoped3A_53 = tpu.sem_alloc : memref<!tpu.dma_semaphore, #tpu.memory_space<semaphore_mem>>
          %dma_start3A = arith.constant 0 : i32
          %dma_start3A_54 = arith.constant 0 : i32
          %dma_start3A_55 = tpu.memref_slice %arg8[%run_scoped3A, %dma_start3A, %dma_start3A_54] : memref<2x128x128xf32, #tpu.memory_space<vmem>> -> memref<1x128x128xf32, #tpu.memory_space<vmem>>
          %dma_start3A_56 = tpu.memref_squeeze %dma_start3A_55 : memref<1x128x128xf32, #tpu.memory_space<vmem>> -> memref<128x128xf32, #tpu.memory_space<vmem>>
          %dma_start3A_57 = arith.constant 0 : i32
          %dma_start3A_58 = tpu.memref_slice %arg9[%add3A, %dma_start3A_57] : memref<10240x128xf32, #tpu.memory_space<vmem_shared>> -> memref<128x128xf32, #tpu.memory_space<vmem_shared>>
          %dma_start3A_59 = arith.constant 0 : i32
          %dma_start3A_60 = tpu.memref_slice %arg9[%add3A, %dma_start3A_59] : memref<10240x128xf32, #tpu.memory_space<vmem_shared>> -> memref<128x128xf32, #tpu.memory_space<vmem_shared>>
          %dma_start3A_61 = arith.constant 0 : i32
          %dma_start3A_62 = arith.constant 0 : i32
          %dma_start3A_63 = tpu.memref_slice %arg8[%run_scoped3A, %dma_start3A_61, %dma_start3A_62] : memref<2x128x128xf32, #tpu.memory_space<vmem>> -> memref<1x128x128xf32, #tpu.memory_space<vmem>>
          %dma_start3A_64 = tpu.memref_squeeze %dma_start3A_63 : memref<1x128x128xf32, #tpu.memory_space<vmem>> -> memref<128x128xf32, #tpu.memory_space<vmem>>
          tpu.enqueue_dma source(%dma_start3A_64 : memref<128x128xf32, #tpu.memory_space<vmem>>) target(%dma_start3A_60 : memref<128x128xf32, #tpu.memory_space<vmem_shared>>) target_semaphore(%run_scoped3A_53 : memref<!tpu.dma_semaphore, #tpu.memory_space<semaphore_mem>>)
          %dma_wait3A = arith.constant 0 : i32
          %dma_wait3A_65 = arith.constant 0 : i32
          %dma_wait3A_66 = tpu.memref_slice %arg8[%run_scoped3A, %dma_wait3A, %dma_wait3A_65] : memref<2x128x128xf32, #tpu.memory_space<vmem>> -> memref<1x128x128xf32, #tpu.memory_space<vmem>>
          %dma_wait3A_67 = tpu.memref_squeeze %dma_wait3A_66 : memref<1x128x128xf32, #tpu.memory_space<vmem>> -> memref<128x128xf32, #tpu.memory_space<vmem>>
          %dma_wait3A_68 = arith.constant 0 : i32
          %dma_wait3A_69 = tpu.memref_slice %arg9[%add3A, %dma_wait3A_68] : memref<10240x128xf32, #tpu.memory_space<vmem_shared>> -> memref<128x128xf32, #tpu.memory_space<vmem_shared>>
          %dma_wait3A_70 = arith.constant 0 : i32
          %dma_wait3A_71 = tpu.memref_slice %arg9[%add3A, %dma_wait3A_70] : memref<10240x128xf32, #tpu.memory_space<vmem_shared>> -> memref<128x128xf32, #tpu.memory_space<vmem_shared>>
          %dma_wait3A_72 = arith.constant 0 : i32
          %dma_wait3A_73 = arith.constant 0 : i32
          %dma_wait3A_74 = tpu.memref_slice %arg8[%run_scoped3A, %dma_wait3A_72, %dma_wait3A_73] : memref<2x128x128xf32, #tpu.memory_space<vmem>> -> memref<1x128x128xf32, #tpu.memory_space<vmem>>
          %dma_wait3A_75 = tpu.memref_squeeze %dma_wait3A_74 : memref<1x128x128xf32, #tpu.memory_space<vmem>> -> memref<128x128xf32, #tpu.memory_space<vmem>>
          tpu.wait_dma2 semaphore(%run_scoped3A_53 : memref<!tpu.dma_semaphore, #tpu.memory_space<semaphore_mem>>) src(%dma_wait3A_75 : memref<128x128xf32, #tpu.memory_space<vmem>>) dst(%dma_wait3A_71 : memref<128x128xf32, #tpu.memory_space<vmem_shared>>)
          tpu.yield
        }) : () -> ()
        %scan3A_52 = arith.constant 0 : i32
        scf.yield %scan3A_52 : i32
      }
      %scan3A_47 = arith.constant 5 : i32
    } else {
    }
    %barrier3A = arith.constant 0 : index
    tpu.barrier barrier_id(%barrier3A)
    %convert_element_type3A_10 = arith.extui %eq3A_0 : i1 to i32
    %cond3A_11 = arith.constant 0 : i32
    %cond3A_12 = arith.cmpi ne, %convert_element_type3A_10, %cond3A_11 : i32
    scf.if %cond3A_12 {
      "tpu.region"() ({
        %run_scoped3A = tpu.sem_alloc : memref<!tpu.dma_semaphore, #tpu.memory_space<semaphore_mem>>
        %dma_start3A = arith.constant 0 : i32
        %dma_start3A_41 = arith.constant 0 : i32
        %dma_start3A_42 = tpu.memref_slice %arg6[%dma_start3A, %dma_start3A_41] : memref<56x128xi32, #tpu.memory_space<vmem>> -> memref<56x128xi32, #tpu.memory_space<vmem>>
        %dma_start3A_43 = arith.constant 0 : i32
        %dma_start3A_44 = arith.constant 0 : i32
        %dma_start3A_45 = tpu.memref_slice %arg3[%arg1, %dma_start3A_43, %dma_start3A_44] : memref<16x157x128xi32, #tpu.memory_space<hbm>> -> memref<1x56x128xi32, #tpu.memory_space<hbm>>
        %dma_start3A_46 = tpu.memref_squeeze %dma_start3A_45 : memref<1x56x128xi32, #tpu.memory_space<hbm>> -> memref<56x128xi32, #tpu.memory_space<hbm>>
        %dma_start3A_47 = arith.constant 0 : i32
        %dma_start3A_48 = arith.constant 0 : i32
        %dma_start3A_49 = tpu.memref_slice %arg6[%dma_start3A_47, %dma_start3A_48] : memref<56x128xi32, #tpu.memory_space<vmem>> -> memref<56x128xi32, #tpu.memory_space<vmem>>
        %dma_start3A_50 = arith.constant 0 : i32
        %dma_start3A_51 = arith.constant 0 : i32
        %dma_start3A_52 = tpu.memref_slice %arg3[%arg1, %dma_start3A_50, %dma_start3A_51] : memref<16x157x128xi32, #tpu.memory_space<hbm>> -> memref<1x56x128xi32, #tpu.memory_space<hbm>>
        %dma_start3A_53 = tpu.memref_squeeze %dma_start3A_52 : memref<1x56x128xi32, #tpu.memory_space<hbm>> -> memref<56x128xi32, #tpu.memory_space<hbm>>
        tpu.enqueue_dma source(%dma_start3A_53 : memref<56x128xi32, #tpu.memory_space<hbm>>) target(%dma_start3A_49 : memref<56x128xi32, #tpu.memory_space<vmem>>) target_semaphore(%run_scoped3A : memref<!tpu.dma_semaphore, #tpu.memory_space<semaphore_mem>>)
        %dma_wait3A = arith.constant 0 : i32
        %dma_wait3A_54 = arith.constant 0 : i32
        %dma_wait3A_55 = tpu.memref_slice %arg6[%dma_wait3A, %dma_wait3A_54] : memref<56x128xi32, #tpu.memory_space<vmem>> -> memref<56x128xi32, #tpu.memory_space<vmem>>
        %dma_wait3A_56 = arith.constant 0 : i32
        %dma_wait3A_57 = arith.constant 0 : i32
        %dma_wait3A_58 = tpu.memref_slice %arg3[%arg1, %dma_wait3A_56, %dma_wait3A_57] : memref<16x157x128xi32, #tpu.memory_space<hbm>> -> memref<1x56x128xi32, #tpu.memory_space<hbm>>
        %dma_wait3A_59 = tpu.memref_squeeze %dma_wait3A_58 : memref<1x56x128xi32, #tpu.memory_space<hbm>> -> memref<56x128xi32, #tpu.memory_space<hbm>>
        %dma_wait3A_60 = arith.constant 0 : i32
        %dma_wait3A_61 = arith.constant 0 : i32
        %dma_wait3A_62 = tpu.memref_slice %arg6[%dma_wait3A_60, %dma_wait3A_61] : memref<56x128xi32, #tpu.memory_space<vmem>> -> memref<56x128xi32, #tpu.memory_space<vmem>>
        %dma_wait3A_63 = arith.constant 0 : i32
        %dma_wait3A_64 = arith.constant 0 : i32
        %dma_wait3A_65 = tpu.memref_slice %arg3[%arg1, %dma_wait3A_63, %dma_wait3A_64] : memref<16x157x128xi32, #tpu.memory_space<hbm>> -> memref<1x56x128xi32, #tpu.memory_space<hbm>>
        %dma_wait3A_66 = tpu.memref_squeeze %dma_wait3A_65 : memref<1x56x128xi32, #tpu.memory_space<hbm>> -> memref<56x128xi32, #tpu.memory_space<hbm>>
        tpu.wait_dma2 semaphore(%run_scoped3A : memref<!tpu.dma_semaphore, #tpu.memory_space<semaphore_mem>>) src(%dma_wait3A_66 : memref<56x128xi32, #tpu.memory_space<hbm>>) dst(%dma_wait3A_62 : memref<56x128xi32, #tpu.memory_space<vmem>>)
        tpu.yield
      }) : () -> ()
    } else {
    }
    %convert_element_type3A_13 = arith.extui %le3A_1 : i1 to i32
    %cond3A_14 = arith.constant 0 : i32
    %cond3A_15 = arith.cmpi ne, %convert_element_type3A_13, %cond3A_14 : i32
    scf.if %cond3A_15 {
      "tpu.region"() ({
        %run_scoped3A = tpu.sem_alloc : memref<!tpu.dma_semaphore, #tpu.memory_space<semaphore_mem>>
        %dma_start3A = arith.constant 0 : i32
        %dma_start3A_41 = arith.constant 0 : i32
        %dma_start3A_42 = tpu.memref_slice %arg7[%dma_start3A, %dma_start3A_41] : memref<56x128xi32, #tpu.memory_space<vmem>> -> memref<56x128xi32, #tpu.memory_space<vmem>>
        %dma_start3A_43 = arith.constant 0 : i32
        %dma_start3A_44 = arith.constant 0 : i32
        %dma_start3A_45 = tpu.memref_slice %arg4[%arg1, %dma_start3A_43, %dma_start3A_44] : memref<16x157x128xi32, #tpu.memory_space<hbm>> -> memref<1x56x128xi32, #tpu.memory_space<hbm>>
        %dma_start3A_46 = tpu.memref_squeeze %dma_start3A_45 : memref<1x56x128xi32, #tpu.memory_space<hbm>> -> memref<56x128xi32, #tpu.memory_space<hbm>>
        %dma_start3A_47 = arith.constant 0 : i32
        %dma_start3A_48 = arith.constant 0 : i32
        %dma_start3A_49 = tpu.memref_slice %arg7[%dma_start3A_47, %dma_start3A_48] : memref<56x128xi32, #tpu.memory_space<vmem>> -> memref<56x128xi32, #tpu.memory_space<vmem>>
        %dma_start3A_50 = arith.constant 0 : i32
        %dma_start3A_51 = arith.constant 0 : i32
        %dma_start3A_52 = tpu.memref_slice %arg4[%arg1, %dma_start3A_50, %dma_start3A_51] : memref<16x157x128xi32, #tpu.memory_space<hbm>> -> memref<1x56x128xi32, #tpu.memory_space<hbm>>
        %dma_start3A_53 = tpu.memref_squeeze %dma_start3A_52 : memref<1x56x128xi32, #tpu.memory_space<hbm>> -> memref<56x128xi32, #tpu.memory_space<hbm>>
        tpu.enqueue_dma source(%dma_start3A_53 : memref<56x128xi32, #tpu.memory_space<hbm>>) target(%dma_start3A_49 : memref<56x128xi32, #tpu.memory_space<vmem>>) target_semaphore(%run_scoped3A : memref<!tpu.dma_semaphore, #tpu.memory_space<semaphore_mem>>)
        %dma_wait3A = arith.constant 0 : i32
        %dma_wait3A_54 = arith.constant 0 : i32
        %dma_wait3A_55 = tpu.memref_slice %arg7[%dma_wait3A, %dma_wait3A_54] : memref<56x128xi32, #tpu.memory_space<vmem>> -> memref<56x128xi32, #tpu.memory_space<vmem>>
        %dma_wait3A_56 = arith.constant 0 : i32
        %dma_wait3A_57 = arith.constant 0 : i32
        %dma_wait3A_58 = tpu.memref_slice %arg4[%arg1, %dma_wait3A_56, %dma_wait3A_57] : memref<16x157x128xi32, #tpu.memory_space<hbm>> -> memref<1x56x128xi32, #tpu.memory_space<hbm>>
        %dma_wait3A_59 = tpu.memref_squeeze %dma_wait3A_58 : memref<1x56x128xi32, #tpu.memory_space<hbm>> -> memref<56x128xi32, #tpu.memory_space<hbm>>
        %dma_wait3A_60 = arith.constant 0 : i32
        %dma_wait3A_61 = arith.constant 0 : i32
        %dma_wait3A_62 = tpu.memref_slice %arg7[%dma_wait3A_60, %dma_wait3A_61] : memref<56x128xi32, #tpu.memory_space<vmem>> -> memref<56x128xi32, #tpu.memory_space<vmem>>
        %dma_wait3A_63 = arith.constant 0 : i32
        %dma_wait3A_64 = arith.constant 0 : i32
        %dma_wait3A_65 = tpu.memref_slice %arg4[%arg1, %dma_wait3A_63, %dma_wait3A_64] : memref<16x157x128xi32, #tpu.memory_space<hbm>> -> memref<1x56x128xi32, #tpu.memory_space<hbm>>
        %dma_wait3A_66 = tpu.memref_squeeze %dma_wait3A_65 : memref<1x56x128xi32, #tpu.memory_space<hbm>> -> memref<56x128xi32, #tpu.memory_space<hbm>>
        tpu.wait_dma2 semaphore(%run_scoped3A : memref<!tpu.dma_semaphore, #tpu.memory_space<semaphore_mem>>) src(%dma_wait3A_66 : memref<56x128xi32, #tpu.memory_space<hbm>>) dst(%dma_wait3A_62 : memref<56x128xi32, #tpu.memory_space<vmem>>)
        tpu.yield
      }) : () -> ()
    } else {
    }
    %convert_element_type3A_16 = arith.extui %eq3A_0 : i1 to i32
    %cond3A_17 = arith.constant 0 : i32
    %cond3A_18 = arith.cmpi ne, %convert_element_type3A_16, %cond3A_17 : i32
    scf.if %cond3A_18 {
      %dma_start3A = arith.constant 0 : i32
      %dma_start3A_41 = arith.constant 0 : i32
      %dma_start3A_42 = arith.constant 0 : i32
      %dma_start3A_43 = arith.constant 0 : i32
      %dma_start3A_44 = tpu.memref_slice %arg8[%dma_start3A_41, %dma_start3A_42, %dma_start3A_43] : memref<2x128x128xf32, #tpu.memory_space<vmem>> -> memref<1x128x128xf32, #tpu.memory_space<vmem>>
      %dma_start3A_45 = tpu.memref_squeeze %dma_start3A_44 : memref<1x128x128xf32, #tpu.memory_space<vmem>> -> memref<128x128xf32, #tpu.memory_space<vmem>>
      %dma_start3A_46 = arith.constant 0 : i32
      %dma_start3A_47 = tpu.memref_slice %arg6[%dma_start3A, %dma_start3A_46] : memref<56x128xi32, #tpu.memory_space<vmem>> -> memref<1x128xi32, #tpu.memory_space<vmem>>
      %dma_start3A_48 = tpu.memref_squeeze %dma_start3A_47 : memref<1x128xi32, #tpu.memory_space<vmem>> -> memref<128xi32, #tpu.memory_space<vmem>>
      %dma_start3A_49 = arith.constant 0 : i32
      %dma_start3A_50 = arith.constant 0 : i32
      %dma_start3A_51 = tpu.memref_slice %arg2[%dma_start3A_49, %dma_start3A_50] : memref<10240x128xf32, #tpu.memory_space<hbm>> -> memref<10240x128xf32, #tpu.memory_space<hbm>>
      tpu.enqueue_indirect_dma source(%dma_start3A_51 : memref<10240x128xf32, #tpu.memory_space<hbm>>) target(%dma_start3A_45 : memref<128x128xf32, #tpu.memory_space<vmem>>) offsets(%dma_start3A_48 : memref<128xi32, #tpu.memory_space<vmem>>) semaphore(%arg10 : memref<!tpu.dma_semaphore, #tpu.memory_space<semaphore_mem>>)
      %dma_start3A_52 = arith.constant 1 : i32
      %dma_start3A_53 = arith.constant 1 : i32
      %dma_start3A_54 = arith.constant 0 : i32
      %dma_start3A_55 = arith.constant 0 : i32
      %dma_start3A_56 = tpu.memref_slice %arg8[%dma_start3A_53, %dma_start3A_54, %dma_start3A_55] : memref<2x128x128xf32, #tpu.memory_space<vmem>> -> memref<1x128x128xf32, #tpu.memory_space<vmem>>
      %dma_start3A_57 = tpu.memref_squeeze %dma_start3A_56 : memref<1x128x128xf32, #tpu.memory_space<vmem>> -> memref<128x128xf32, #tpu.memory_space<vmem>>
      %dma_start3A_58 = arith.constant 0 : i32
      %dma_start3A_59 = tpu.memref_slice %arg6[%dma_start3A_52, %dma_start3A_58] : memref<56x128xi32, #tpu.memory_space<vmem>> -> memref<1x128xi32, #tpu.memory_space<vmem>>
      %dma_start3A_60 = tpu.memref_squeeze %dma_start3A_59 : memref<1x128xi32, #tpu.memory_space<vmem>> -> memref<128xi32, #tpu.memory_space<vmem>>
      %dma_start3A_61 = arith.constant 0 : i32
      %dma_start3A_62 = arith.constant 0 : i32
      %dma_start3A_63 = tpu.memref_slice %arg2[%dma_start3A_61, %dma_start3A_62] : memref<10240x128xf32, #tpu.memory_space<hbm>> -> memref<10240x128xf32, #tpu.memory_space<hbm>>
      tpu.enqueue_indirect_dma source(%dma_start3A_63 : memref<10240x128xf32, #tpu.memory_space<hbm>>) target(%dma_start3A_57 : memref<128x128xf32, #tpu.memory_space<vmem>>) offsets(%dma_start3A_60 : memref<128xi32, #tpu.memory_space<vmem>>) semaphore(%arg10 : memref<!tpu.dma_semaphore, #tpu.memory_space<semaphore_mem>>)
      %scan3A_64 = arith.constant 0 : i32
      %scan3A_65 = arith.constant 0 : i32
      %scan3A_66 = arith.constant 56 : i32
      %scan3A_67 = arith.addi %scan3A_65, %scan3A_66 : i32
      %scan3A_68 = arith.constant 1 : i32
      %scan3A_69 = scf.for %scan3A_71 = %scan3A_65 to %scan3A_67 step %scan3A_68 iter_args(%scan3A_72 = %scan3A_64) -> (i32)  : i32 {
        %jit3A = arith.constant 2 : i32
        %eq3A_73 = arith.constant 0 : i32
        %eq3A_74 = arith.cmpi eq, %jit3A, %eq3A_73 : i32
        %jit3A_75 = arith.constant 1 : i32
        %select_n3A = arith.select %eq3A_74, %jit3A_75, %jit3A : i32
        %rem3A = arith.remsi %scan3A_71, %select_n3A : i32
        %ne3A = arith.constant 0 : i32
        %ne3A_76 = arith.cmpi ne, %rem3A, %ne3A : i32
        %lt3A = arith.constant 0 : i32
        %lt3A_77 = arith.cmpi slt, %rem3A, %lt3A : i32
        %lt3A_78 = arith.constant 0 : i32
        %lt3A_79 = arith.cmpi slt, %select_n3A, %lt3A_78 : i32
        %ne3A_80 = arith.xori %lt3A_77, %lt3A_79 : i1
        %and3A = arith.andi %ne3A_80, %ne3A_76 : i1
        %add3A = arith.addi %rem3A, %select_n3A : i32
        %select_n3A_81 = arith.select %and3A, %add3A, %rem3A : i32
        %dma_wait3A = arith.constant 0 : i32
        %dma_wait3A_82 = arith.constant 0 : i32
        %dma_wait3A_83 = tpu.memref_slice %arg8[%select_n3A_81, %dma_wait3A, %dma_wait3A_82] : memref<2x128x128xf32, #tpu.memory_space<vmem>> -> memref<1x128x128xf32, #tpu.memory_space<vmem>>
        %dma_wait3A_84 = tpu.memref_squeeze %dma_wait3A_83 : memref<1x128x128xf32, #tpu.memory_space<vmem>> -> memref<128x128xf32, #tpu.memory_space<vmem>>
        %dma_wait3A_85 = arith.constant 0 : i32
        %dma_wait3A_86 = arith.constant 0 : i32
        %dma_wait3A_87 = tpu.memref_slice %arg2[%dma_wait3A_85, %dma_wait3A_86] : memref<10240x128xf32, #tpu.memory_space<hbm>> -> memref<128x128xf32, #tpu.memory_space<hbm>>
        %dma_wait3A_88 = arith.constant 0 : i32
        %dma_wait3A_89 = arith.constant 0 : i32
        %dma_wait3A_90 = tpu.memref_slice %arg8[%select_n3A_81, %dma_wait3A_88, %dma_wait3A_89] : memref<2x128x128xf32, #tpu.memory_space<vmem>> -> memref<1x128x128xf32, #tpu.memory_space<vmem>>
        %dma_wait3A_91 = tpu.memref_squeeze %dma_wait3A_90 : memref<1x128x128xf32, #tpu.memory_space<vmem>> -> memref<128x128xf32, #tpu.memory_space<vmem>>
        %dma_wait3A_92 = arith.constant 0 : i32
        %dma_wait3A_93 = arith.constant 0 : i32
        %dma_wait3A_94 = tpu.memref_slice %arg2[%dma_wait3A_92, %dma_wait3A_93] : memref<10240x128xf32, #tpu.memory_space<hbm>> -> memref<128x128xf32, #tpu.memory_space<hbm>>
        tpu.wait_dma2 semaphore(%arg10 : memref<!tpu.dma_semaphore, #tpu.memory_space<semaphore_mem>>) src(%dma_wait3A_94 : memref<128x128xf32, #tpu.memory_space<hbm>>) dst(%dma_wait3A_91 : memref<128x128xf32, #tpu.memory_space<vmem>>)
        "tpu.region"() ({
          %run_scoped3A = tpu.sem_alloc : memref<!tpu.dma_semaphore, #tpu.memory_space<semaphore_mem>>
          %dma_start3A_103 = arith.constant 0 : i32
          %dma_start3A_104 = arith.constant 0 : i32
          %dma_start3A_105 = tpu.memref_slice %arg8[%select_n3A_81, %dma_start3A_103, %dma_start3A_104] : memref<2x128x128xf32, #tpu.memory_space<vmem>> -> memref<1x128x128xf32, #tpu.memory_space<vmem>>
          %dma_start3A_106 = tpu.memref_squeeze %dma_start3A_105 : memref<1x128x128xf32, #tpu.memory_space<vmem>> -> memref<128x128xf32, #tpu.memory_space<vmem>>
          %dma_start3A_107 = arith.constant 0 : i32
          %dma_start3A_108 = tpu.memref_slice %arg7[%scan3A_71, %dma_start3A_107] : memref<56x128xi32, #tpu.memory_space<vmem>> -> memref<1x128xi32, #tpu.memory_space<vmem>>
          %dma_start3A_109 = tpu.memref_squeeze %dma_start3A_108 : memref<1x128xi32, #tpu.memory_space<vmem>> -> memref<128xi32, #tpu.memory_space<vmem>>
          %dma_start3A_110 = arith.constant 0 : i32
          %dma_start3A_111 = arith.constant 0 : i32
          %dma_start3A_112 = tpu.memref_slice %arg9[%dma_start3A_110, %dma_start3A_111] : memref<10240x128xf32, #tpu.memory_space<vmem_shared>> -> memref<10240x128xf32, #tpu.memory_space<vmem_shared>>
          tpu.enqueue_indirect_dma source(%dma_start3A_106 : memref<128x128xf32, #tpu.memory_space<vmem>>) target(%dma_start3A_112 : memref<10240x128xf32, #tpu.memory_space<vmem_shared>>) offsets(%dma_start3A_109 : memref<128xi32, #tpu.memory_space<vmem>>) semaphore(%run_scoped3A : memref<!tpu.dma_semaphore, #tpu.memory_space<semaphore_mem>>) {add = true}
          %dma_wait3A_113 = arith.constant 0 : i32
          %dma_wait3A_114 = arith.constant 0 : i32
          %dma_wait3A_115 = tpu.memref_slice %arg8[%select_n3A_81, %dma_wait3A_113, %dma_wait3A_114] : memref<2x128x128xf32, #tpu.memory_space<vmem>> -> memref<1x128x128xf32, #tpu.memory_space<vmem>>
          %dma_wait3A_116 = tpu.memref_squeeze %dma_wait3A_115 : memref<1x128x128xf32, #tpu.memory_space<vmem>> -> memref<128x128xf32, #tpu.memory_space<vmem>>
          %dma_wait3A_117 = arith.constant 0 : i32
          %dma_wait3A_118 = tpu.memref_slice %arg7[%scan3A_71, %dma_wait3A_117] : memref<56x128xi32, #tpu.memory_space<vmem>> -> memref<1x128xi32, #tpu.memory_space<vmem>>
          %dma_wait3A_119 = tpu.memref_squeeze %dma_wait3A_118 : memref<1x128xi32, #tpu.memory_space<vmem>> -> memref<128xi32, #tpu.memory_space<vmem>>
          %dma_wait3A_120 = arith.constant 0 : i32
          %dma_wait3A_121 = arith.constant 0 : i32
          %dma_wait3A_122 = tpu.memref_slice %arg9[%dma_wait3A_120, %dma_wait3A_121] : memref<10240x128xf32, #tpu.memory_space<vmem_shared>> -> memref<10240x128xf32, #tpu.memory_space<vmem_shared>>
          tpu.wait_indirect_dma semaphore(%run_scoped3A : memref<!tpu.dma_semaphore, #tpu.memory_space<semaphore_mem>>) src(%dma_wait3A_116 : memref<128x128xf32, #tpu.memory_space<vmem>>) dst(%dma_wait3A_122 : memref<10240x128xf32, #tpu.memory_space<vmem_shared>>)
          tpu.yield
        }) : () -> ()
        %add3A_95 = arith.constant 2 : i32
        %add3A_96 = arith.addi %scan3A_71, %add3A_95 : i32
        %lt3A_97 = arith.constant 56 : i32
        %lt3A_98 = arith.cmpi slt, %add3A_96, %lt3A_97 : i32
        %convert_element_type3A_99 = arith.extui %lt3A_98 : i1 to i32
        %cond3A_100 = arith.constant 0 : i32
        %cond3A_101 = arith.cmpi ne, %convert_element_type3A_99, %cond3A_100 : i32
        scf.if %cond3A_101 {
          %add3A_103 = arith.constant 2 : i32
          %add3A_104 = arith.addi %scan3A_71, %add3A_103 : i32
          %dma_start3A_105 = arith.constant 0 : i32
          %dma_start3A_106 = arith.constant 0 : i32
          %dma_start3A_107 = tpu.memref_slice %arg8[%select_n3A_81, %dma_start3A_105, %dma_start3A_106] : memref<2x128x128xf32, #tpu.memory_space<vmem>> -> memref<1x128x128xf32, #tpu.memory_space<vmem>>
          %dma_start3A_108 = tpu.memref_squeeze %dma_start3A_107 : memref<1x128x128xf32, #tpu.memory_space<vmem>> -> memref<128x128xf32, #tpu.memory_space<vmem>>
          %dma_start3A_109 = arith.constant 0 : i32
          %dma_start3A_110 = tpu.memref_slice %arg6[%add3A_104, %dma_start3A_109] : memref<56x128xi32, #tpu.memory_space<vmem>> -> memref<1x128xi32, #tpu.memory_space<vmem>>
          %dma_start3A_111 = tpu.memref_squeeze %dma_start3A_110 : memref<1x128xi32, #tpu.memory_space<vmem>> -> memref<128xi32, #tpu.memory_space<vmem>>
          %dma_start3A_112 = arith.constant 0 : i32
          %dma_start3A_113 = arith.constant 0 : i32
          %dma_start3A_114 = tpu.memref_slice %arg2[%dma_start3A_112, %dma_start3A_113] : memref<10240x128xf32, #tpu.memory_space<hbm>> -> memref<10240x128xf32, #tpu.memory_space<hbm>>
          tpu.enqueue_indirect_dma source(%dma_start3A_114 : memref<10240x128xf32, #tpu.memory_space<hbm>>) target(%dma_start3A_108 : memref<128x128xf32, #tpu.memory_space<vmem>>) offsets(%dma_start3A_111 : memref<128xi32, #tpu.memory_space<vmem>>) semaphore(%arg10 : memref<!tpu.dma_semaphore, #tpu.memory_space<semaphore_mem>>)
        } else {
        }
        %scan3A_102 = arith.constant 0 : i32
        scf.yield %scan3A_102 : i32
      }
      %scan3A_70 = arith.constant 56 : i32
    } else {
    }
    %convert_element_type3A_19 = arith.extui %eq3A_0 : i1 to i32
    %cond3A_20 = arith.constant 0 : i32
    %cond3A_21 = arith.cmpi ne, %convert_element_type3A_19, %cond3A_20 : i32
    scf.if %cond3A_21 {
      "tpu.region"() ({
        %run_scoped3A = tpu.sem_alloc : memref<!tpu.dma_semaphore, #tpu.memory_space<semaphore_mem>>
        %dma_start3A = arith.constant 0 : i32
        %dma_start3A_41 = arith.constant 0 : i32
        %dma_start3A_42 = tpu.memref_slice %arg6[%dma_start3A, %dma_start3A_41] : memref<56x128xi32, #tpu.memory_space<vmem>> -> memref<56x128xi32, #tpu.memory_space<vmem>>
        %dma_start3A_43 = arith.constant 56 : i32
        %dma_start3A_44 = arith.constant 0 : i32
        %dma_start3A_45 = tpu.memref_slice %arg3[%arg1, %dma_start3A_43, %dma_start3A_44] : memref<16x157x128xi32, #tpu.memory_space<hbm>> -> memref<1x56x128xi32, #tpu.memory_space<hbm>>
        %dma_start3A_46 = tpu.memref_squeeze %dma_start3A_45 : memref<1x56x128xi32, #tpu.memory_space<hbm>> -> memref<56x128xi32, #tpu.memory_space<hbm>>
        %dma_start3A_47 = arith.constant 0 : i32
        %dma_start3A_48 = arith.constant 0 : i32
        %dma_start3A_49 = tpu.memref_slice %arg6[%dma_start3A_47, %dma_start3A_48] : memref<56x128xi32, #tpu.memory_space<vmem>> -> memref<56x128xi32, #tpu.memory_space<vmem>>
        %dma_start3A_50 = arith.constant 56 : i32
        %dma_start3A_51 = arith.constant 0 : i32
        %dma_start3A_52 = tpu.memref_slice %arg3[%arg1, %dma_start3A_50, %dma_start3A_51] : memref<16x157x128xi32, #tpu.memory_space<hbm>> -> memref<1x56x128xi32, #tpu.memory_space<hbm>>
        %dma_start3A_53 = tpu.memref_squeeze %dma_start3A_52 : memref<1x56x128xi32, #tpu.memory_space<hbm>> -> memref<56x128xi32, #tpu.memory_space<hbm>>
        tpu.enqueue_dma source(%dma_start3A_53 : memref<56x128xi32, #tpu.memory_space<hbm>>) target(%dma_start3A_49 : memref<56x128xi32, #tpu.memory_space<vmem>>) target_semaphore(%run_scoped3A : memref<!tpu.dma_semaphore, #tpu.memory_space<semaphore_mem>>)
        %dma_wait3A = arith.constant 0 : i32
        %dma_wait3A_54 = arith.constant 0 : i32
        %dma_wait3A_55 = tpu.memref_slice %arg6[%dma_wait3A, %dma_wait3A_54] : memref<56x128xi32, #tpu.memory_space<vmem>> -> memref<56x128xi32, #tpu.memory_space<vmem>>
        %dma_wait3A_56 = arith.constant 56 : i32
        %dma_wait3A_57 = arith.constant 0 : i32
        %dma_wait3A_58 = tpu.memref_slice %arg3[%arg1, %dma_wait3A_56, %dma_wait3A_57] : memref<16x157x128xi32, #tpu.memory_space<hbm>> -> memref<1x56x128xi32, #tpu.memory_space<hbm>>
        %dma_wait3A_59 = tpu.memref_squeeze %dma_wait3A_58 : memref<1x56x128xi32, #tpu.memory_space<hbm>> -> memref<56x128xi32, #tpu.memory_space<hbm>>
        %dma_wait3A_60 = arith.constant 0 : i32
        %dma_wait3A_61 = arith.constant 0 : i32
        %dma_wait3A_62 = tpu.memref_slice %arg6[%dma_wait3A_60, %dma_wait3A_61] : memref<56x128xi32, #tpu.memory_space<vmem>> -> memref<56x128xi32, #tpu.memory_space<vmem>>
        %dma_wait3A_63 = arith.constant 56 : i32
        %dma_wait3A_64 = arith.constant 0 : i32
        %dma_wait3A_65 = tpu.memref_slice %arg3[%arg1, %dma_wait3A_63, %dma_wait3A_64] : memref<16x157x128xi32, #tpu.memory_space<hbm>> -> memref<1x56x128xi32, #tpu.memory_space<hbm>>
        %dma_wait3A_66 = tpu.memref_squeeze %dma_wait3A_65 : memref<1x56x128xi32, #tpu.memory_space<hbm>> -> memref<56x128xi32, #tpu.memory_space<hbm>>
        tpu.wait_dma2 semaphore(%run_scoped3A : memref<!tpu.dma_semaphore, #tpu.memory_space<semaphore_mem>>) src(%dma_wait3A_66 : memref<56x128xi32, #tpu.memory_space<hbm>>) dst(%dma_wait3A_62 : memref<56x128xi32, #tpu.memory_space<vmem>>)
        tpu.yield
      }) : () -> ()
    } else {
    }
    %convert_element_type3A_22 = arith.extui %le3A_1 : i1 to i32
    %cond3A_23 = arith.constant 0 : i32
    %cond3A_24 = arith.cmpi ne, %convert_element_type3A_22, %cond3A_23 : i32
    scf.if %cond3A_24 {
      "tpu.region"() ({
        %run_scoped3A = tpu.sem_alloc : memref<!tpu.dma_semaphore, #tpu.memory_space<semaphore_mem>>
        %dma_start3A = arith.constant 0 : i32
        %dma_start3A_41 = arith.constant 0 : i32
        %dma_start3A_42 = tpu.memref_slice %arg7[%dma_start3A, %dma_start3A_41] : memref<56x128xi32, #tpu.memory_space<vmem>> -> memref<56x128xi32, #tpu.memory_space<vmem>>
        %dma_start3A_43 = arith.constant 56 : i32
        %dma_start3A_44 = arith.constant 0 : i32
        %dma_start3A_45 = tpu.memref_slice %arg4[%arg1, %dma_start3A_43, %dma_start3A_44] : memref<16x157x128xi32, #tpu.memory_space<hbm>> -> memref<1x56x128xi32, #tpu.memory_space<hbm>>
        %dma_start3A_46 = tpu.memref_squeeze %dma_start3A_45 : memref<1x56x128xi32, #tpu.memory_space<hbm>> -> memref<56x128xi32, #tpu.memory_space<hbm>>
        %dma_start3A_47 = arith.constant 0 : i32
        %dma_start3A_48 = arith.constant 0 : i32
        %dma_start3A_49 = tpu.memref_slice %arg7[%dma_start3A_47, %dma_start3A_48] : memref<56x128xi32, #tpu.memory_space<vmem>> -> memref<56x128xi32, #tpu.memory_space<vmem>>
        %dma_start3A_50 = arith.constant 56 : i32
        %dma_start3A_51 = arith.constant 0 : i32
        %dma_start3A_52 = tpu.memref_slice %arg4[%arg1, %dma_start3A_50, %dma_start3A_51] : memref<16x157x128xi32, #tpu.memory_space<hbm>> -> memref<1x56x128xi32, #tpu.memory_space<hbm>>
        %dma_start3A_53 = tpu.memref_squeeze %dma_start3A_52 : memref<1x56x128xi32, #tpu.memory_space<hbm>> -> memref<56x128xi32, #tpu.memory_space<hbm>>
        tpu.enqueue_dma source(%dma_start3A_53 : memref<56x128xi32, #tpu.memory_space<hbm>>) target(%dma_start3A_49 : memref<56x128xi32, #tpu.memory_space<vmem>>) target_semaphore(%run_scoped3A : memref<!tpu.dma_semaphore, #tpu.memory_space<semaphore_mem>>)
        %dma_wait3A = arith.constant 0 : i32
        %dma_wait3A_54 = arith.constant 0 : i32
        %dma_wait3A_55 = tpu.memref_slice %arg7[%dma_wait3A, %dma_wait3A_54] : memref<56x128xi32, #tpu.memory_space<vmem>> -> memref<56x128xi32, #tpu.memory_space<vmem>>
        %dma_wait3A_56 = arith.constant 56 : i32
        %dma_wait3A_57 = arith.constant 0 : i32
        %dma_wait3A_58 = tpu.memref_slice %arg4[%arg1, %dma_wait3A_56, %dma_wait3A_57] : memref<16x157x128xi32, #tpu.memory_space<hbm>> -> memref<1x56x128xi32, #tpu.memory_space<hbm>>
        %dma_wait3A_59 = tpu.memref_squeeze %dma_wait3A_58 : memref<1x56x128xi32, #tpu.memory_space<hbm>> -> memref<56x128xi32, #tpu.memory_space<hbm>>
        %dma_wait3A_60 = arith.constant 0 : i32
        %dma_wait3A_61 = arith.constant 0 : i32
        %dma_wait3A_62 = tpu.memref_slice %arg7[%dma_wait3A_60, %dma_wait3A_61] : memref<56x128xi32, #tpu.memory_space<vmem>> -> memref<56x128xi32, #tpu.memory_space<vmem>>
        %dma_wait3A_63 = arith.constant 56 : i32
        %dma_wait3A_64 = arith.constant 0 : i32
        %dma_wait3A_65 = tpu.memref_slice %arg4[%arg1, %dma_wait3A_63, %dma_wait3A_64] : memref<16x157x128xi32, #tpu.memory_space<hbm>> -> memref<1x56x128xi32, #tpu.memory_space<hbm>>
        %dma_wait3A_66 = tpu.memref_squeeze %dma_wait3A_65 : memref<1x56x128xi32, #tpu.memory_space<hbm>> -> memref<56x128xi32, #tpu.memory_space<hbm>>
        tpu.wait_dma2 semaphore(%run_scoped3A : memref<!tpu.dma_semaphore, #tpu.memory_space<semaphore_mem>>) src(%dma_wait3A_66 : memref<56x128xi32, #tpu.memory_space<hbm>>) dst(%dma_wait3A_62 : memref<56x128xi32, #tpu.memory_space<vmem>>)
        tpu.yield
      }) : () -> ()
    } else {
    }
    %convert_element_type3A_25 = arith.extui %eq3A_0 : i1 to i32
    %cond3A_26 = arith.constant 0 : i32
    %cond3A_27 = arith.cmpi ne, %convert_element_type3A_25, %cond3A_26 : i32
    scf.if %cond3A_27 {
      %dma_start3A = arith.constant 0 : i32
      %dma_start3A_41 = arith.constant 0 : i32
      %dma_start3A_42 = arith.constant 0 : i32
      %dma_start3A_43 = arith.constant 0 : i32
      %dma_start3A_44 = tpu.memref_slice %arg8[%dma_start3A_41, %dma_start3A_42, %dma_start3A_43] : memref<2x128x128xf32, #tpu.memory_space<vmem>> -> memref<1x128x128xf32, #tpu.memory_space<vmem>>
      %dma_start3A_45 = tpu.memref_squeeze %dma_start3A_44 : memref<1x128x128xf32, #tpu.memory_space<vmem>> -> memref<128x128xf32, #tpu.memory_space<vmem>>
      %dma_start3A_46 = arith.constant 0 : i32
      %dma_start3A_47 = tpu.memref_slice %arg6[%dma_start3A, %dma_start3A_46] : memref<56x128xi32, #tpu.memory_space<vmem>> -> memref<1x128xi32, #tpu.memory_space<vmem>>
      %dma_start3A_48 = tpu.memref_squeeze %dma_start3A_47 : memref<1x128xi32, #tpu.memory_space<vmem>> -> memref<128xi32, #tpu.memory_space<vmem>>
      %dma_start3A_49 = arith.constant 0 : i32
      %dma_start3A_50 = arith.constant 0 : i32
      %dma_start3A_51 = tpu.memref_slice %arg2[%dma_start3A_49, %dma_start3A_50] : memref<10240x128xf32, #tpu.memory_space<hbm>> -> memref<10240x128xf32, #tpu.memory_space<hbm>>
      tpu.enqueue_indirect_dma source(%dma_start3A_51 : memref<10240x128xf32, #tpu.memory_space<hbm>>) target(%dma_start3A_45 : memref<128x128xf32, #tpu.memory_space<vmem>>) offsets(%dma_start3A_48 : memref<128xi32, #tpu.memory_space<vmem>>) semaphore(%arg10 : memref<!tpu.dma_semaphore, #tpu.memory_space<semaphore_mem>>)
      %dma_start3A_52 = arith.constant 1 : i32
      %dma_start3A_53 = arith.constant 1 : i32
      %dma_start3A_54 = arith.constant 0 : i32
      %dma_start3A_55 = arith.constant 0 : i32
      %dma_start3A_56 = tpu.memref_slice %arg8[%dma_start3A_53, %dma_start3A_54, %dma_start3A_55] : memref<2x128x128xf32, #tpu.memory_space<vmem>> -> memref<1x128x128xf32, #tpu.memory_space<vmem>>
      %dma_start3A_57 = tpu.memref_squeeze %dma_start3A_56 : memref<1x128x128xf32, #tpu.memory_space<vmem>> -> memref<128x128xf32, #tpu.memory_space<vmem>>
      %dma_start3A_58 = arith.constant 0 : i32
      %dma_start3A_59 = tpu.memref_slice %arg6[%dma_start3A_52, %dma_start3A_58] : memref<56x128xi32, #tpu.memory_space<vmem>> -> memref<1x128xi32, #tpu.memory_space<vmem>>
      %dma_start3A_60 = tpu.memref_squeeze %dma_start3A_59 : memref<1x128xi32, #tpu.memory_space<vmem>> -> memref<128xi32, #tpu.memory_space<vmem>>
      %dma_start3A_61 = arith.constant 0 : i32
      %dma_start3A_62 = arith.constant 0 : i32
      %dma_start3A_63 = tpu.memref_slice %arg2[%dma_start3A_61, %dma_start3A_62] : memref<10240x128xf32, #tpu.memory_space<hbm>> -> memref<10240x128xf32, #tpu.memory_space<hbm>>
      tpu.enqueue_indirect_dma source(%dma_start3A_63 : memref<10240x128xf32, #tpu.memory_space<hbm>>) target(%dma_start3A_57 : memref<128x128xf32, #tpu.memory_space<vmem>>) offsets(%dma_start3A_60 : memref<128xi32, #tpu.memory_space<vmem>>) semaphore(%arg10 : memref<!tpu.dma_semaphore, #tpu.memory_space<semaphore_mem>>)
      %scan3A_64 = arith.constant 0 : i32
      %scan3A_65 = arith.constant 0 : i32
      %scan3A_66 = arith.constant 56 : i32
      %scan3A_67 = arith.addi %scan3A_65, %scan3A_66 : i32
      %scan3A_68 = arith.constant 1 : i32
      %scan3A_69 = scf.for %scan3A_71 = %scan3A_65 to %scan3A_67 step %scan3A_68 iter_args(%scan3A_72 = %scan3A_64) -> (i32)  : i32 {
        %jit3A = arith.constant 2 : i32
        %eq3A_73 = arith.constant 0 : i32
        %eq3A_74 = arith.cmpi eq, %jit3A, %eq3A_73 : i32
        %jit3A_75 = arith.constant 1 : i32
        %select_n3A = arith.select %eq3A_74, %jit3A_75, %jit3A : i32
        %rem3A = arith.remsi %scan3A_71, %select_n3A : i32
        %ne3A = arith.constant 0 : i32
        %ne3A_76 = arith.cmpi ne, %rem3A, %ne3A : i32
        %lt3A = arith.constant 0 : i32
        %lt3A_77 = arith.cmpi slt, %rem3A, %lt3A : i32
        %lt3A_78 = arith.constant 0 : i32
        %lt3A_79 = arith.cmpi slt, %select_n3A, %lt3A_78 : i32
        %ne3A_80 = arith.xori %lt3A_77, %lt3A_79 : i1
        %and3A = arith.andi %ne3A_80, %ne3A_76 : i1
        %add3A = arith.addi %rem3A, %select_n3A : i32
        %select_n3A_81 = arith.select %and3A, %add3A, %rem3A : i32
        %dma_wait3A = arith.constant 0 : i32
        %dma_wait3A_82 = arith.constant 0 : i32
        %dma_wait3A_83 = tpu.memref_slice %arg8[%select_n3A_81, %dma_wait3A, %dma_wait3A_82] : memref<2x128x128xf32, #tpu.memory_space<vmem>> -> memref<1x128x128xf32, #tpu.memory_space<vmem>>
        %dma_wait3A_84 = tpu.memref_squeeze %dma_wait3A_83 : memref<1x128x128xf32, #tpu.memory_space<vmem>> -> memref<128x128xf32, #tpu.memory_space<vmem>>
        %dma_wait3A_85 = arith.constant 0 : i32
        %dma_wait3A_86 = arith.constant 0 : i32
        %dma_wait3A_87 = tpu.memref_slice %arg2[%dma_wait3A_85, %dma_wait3A_86] : memref<10240x128xf32, #tpu.memory_space<hbm>> -> memref<128x128xf32, #tpu.memory_space<hbm>>
        %dma_wait3A_88 = arith.constant 0 : i32
        %dma_wait3A_89 = arith.constant 0 : i32
        %dma_wait3A_90 = tpu.memref_slice %arg8[%select_n3A_81, %dma_wait3A_88, %dma_wait3A_89] : memref<2x128x128xf32, #tpu.memory_space<vmem>> -> memref<1x128x128xf32, #tpu.memory_space<vmem>>
        %dma_wait3A_91 = tpu.memref_squeeze %dma_wait3A_90 : memref<1x128x128xf32, #tpu.memory_space<vmem>> -> memref<128x128xf32, #tpu.memory_space<vmem>>
        %dma_wait3A_92 = arith.constant 0 : i32
        %dma_wait3A_93 = arith.constant 0 : i32
        %dma_wait3A_94 = tpu.memref_slice %arg2[%dma_wait3A_92, %dma_wait3A_93] : memref<10240x128xf32, #tpu.memory_space<hbm>> -> memref<128x128xf32, #tpu.memory_space<hbm>>
        tpu.wait_dma2 semaphore(%arg10 : memref<!tpu.dma_semaphore, #tpu.memory_space<semaphore_mem>>) src(%dma_wait3A_94 : memref<128x128xf32, #tpu.memory_space<hbm>>) dst(%dma_wait3A_91 : memref<128x128xf32, #tpu.memory_space<vmem>>)
        "tpu.region"() ({
          %run_scoped3A = tpu.sem_alloc : memref<!tpu.dma_semaphore, #tpu.memory_space<semaphore_mem>>
          %dma_start3A_103 = arith.constant 0 : i32
          %dma_start3A_104 = arith.constant 0 : i32
          %dma_start3A_105 = tpu.memref_slice %arg8[%select_n3A_81, %dma_start3A_103, %dma_start3A_104] : memref<2x128x128xf32, #tpu.memory_space<vmem>> -> memref<1x128x128xf32, #tpu.memory_space<vmem>>
          %dma_start3A_106 = tpu.memref_squeeze %dma_start3A_105 : memref<1x128x128xf32, #tpu.memory_space<vmem>> -> memref<128x128xf32, #tpu.memory_space<vmem>>
          %dma_start3A_107 = arith.constant 0 : i32
          %dma_start3A_108 = tpu.memref_slice %arg7[%scan3A_71, %dma_start3A_107] : memref<56x128xi32, #tpu.memory_space<vmem>> -> memref<1x128xi32, #tpu.memory_space<vmem>>
          %dma_start3A_109 = tpu.memref_squeeze %dma_start3A_108 : memref<1x128xi32, #tpu.memory_space<vmem>> -> memref<128xi32, #tpu.memory_space<vmem>>
          %dma_start3A_110 = arith.constant 0 : i32
          %dma_start3A_111 = arith.constant 0 : i32
          %dma_start3A_112 = tpu.memref_slice %arg9[%dma_start3A_110, %dma_start3A_111] : memref<10240x128xf32, #tpu.memory_space<vmem_shared>> -> memref<10240x128xf32, #tpu.memory_space<vmem_shared>>
          tpu.enqueue_indirect_dma source(%dma_start3A_106 : memref<128x128xf32, #tpu.memory_space<vmem>>) target(%dma_start3A_112 : memref<10240x128xf32, #tpu.memory_space<vmem_shared>>) offsets(%dma_start3A_109 : memref<128xi32, #tpu.memory_space<vmem>>) semaphore(%run_scoped3A : memref<!tpu.dma_semaphore, #tpu.memory_space<semaphore_mem>>) {add = true}
          %dma_wait3A_113 = arith.constant 0 : i32
          %dma_wait3A_114 = arith.constant 0 : i32
          %dma_wait3A_115 = tpu.memref_slice %arg8[%select_n3A_81, %dma_wait3A_113, %dma_wait3A_114] : memref<2x128x128xf32, #tpu.memory_space<vmem>> -> memref<1x128x128xf32, #tpu.memory_space<vmem>>
          %dma_wait3A_116 = tpu.memref_squeeze %dma_wait3A_115 : memref<1x128x128xf32, #tpu.memory_space<vmem>> -> memref<128x128xf32, #tpu.memory_space<vmem>>
          %dma_wait3A_117 = arith.constant 0 : i32
          %dma_wait3A_118 = tpu.memref_slice %arg7[%scan3A_71, %dma_wait3A_117] : memref<56x128xi32, #tpu.memory_space<vmem>> -> memref<1x128xi32, #tpu.memory_space<vmem>>
          %dma_wait3A_119 = tpu.memref_squeeze %dma_wait3A_118 : memref<1x128xi32, #tpu.memory_space<vmem>> -> memref<128xi32, #tpu.memory_space<vmem>>
          %dma_wait3A_120 = arith.constant 0 : i32
          %dma_wait3A_121 = arith.constant 0 : i32
          %dma_wait3A_122 = tpu.memref_slice %arg9[%dma_wait3A_120, %dma_wait3A_121] : memref<10240x128xf32, #tpu.memory_space<vmem_shared>> -> memref<10240x128xf32, #tpu.memory_space<vmem_shared>>
          tpu.wait_indirect_dma semaphore(%run_scoped3A : memref<!tpu.dma_semaphore, #tpu.memory_space<semaphore_mem>>) src(%dma_wait3A_116 : memref<128x128xf32, #tpu.memory_space<vmem>>) dst(%dma_wait3A_122 : memref<10240x128xf32, #tpu.memory_space<vmem_shared>>)
          tpu.yield
        }) : () -> ()
        %add3A_95 = arith.constant 2 : i32
        %add3A_96 = arith.addi %scan3A_71, %add3A_95 : i32
        %lt3A_97 = arith.constant 56 : i32
        %lt3A_98 = arith.cmpi slt, %add3A_96, %lt3A_97 : i32
        %convert_element_type3A_99 = arith.extui %lt3A_98 : i1 to i32
        %cond3A_100 = arith.constant 0 : i32
        %cond3A_101 = arith.cmpi ne, %convert_element_type3A_99, %cond3A_100 : i32
        scf.if %cond3A_101 {
          %add3A_103 = arith.constant 2 : i32
          %add3A_104 = arith.addi %scan3A_71, %add3A_103 : i32
          %dma_start3A_105 = arith.constant 0 : i32
          %dma_start3A_106 = arith.constant 0 : i32
          %dma_start3A_107 = tpu.memref_slice %arg8[%select_n3A_81, %dma_start3A_105, %dma_start3A_106] : memref<2x128x128xf32, #tpu.memory_space<vmem>> -> memref<1x128x128xf32, #tpu.memory_space<vmem>>
          %dma_start3A_108 = tpu.memref_squeeze %dma_start3A_107 : memref<1x128x128xf32, #tpu.memory_space<vmem>> -> memref<128x128xf32, #tpu.memory_space<vmem>>
          %dma_start3A_109 = arith.constant 0 : i32
          %dma_start3A_110 = tpu.memref_slice %arg6[%add3A_104, %dma_start3A_109] : memref<56x128xi32, #tpu.memory_space<vmem>> -> memref<1x128xi32, #tpu.memory_space<vmem>>
          %dma_start3A_111 = tpu.memref_squeeze %dma_start3A_110 : memref<1x128xi32, #tpu.memory_space<vmem>> -> memref<128xi32, #tpu.memory_space<vmem>>
          %dma_start3A_112 = arith.constant 0 : i32
          %dma_start3A_113 = arith.constant 0 : i32
          %dma_start3A_114 = tpu.memref_slice %arg2[%dma_start3A_112, %dma_start3A_113] : memref<10240x128xf32, #tpu.memory_space<hbm>> -> memref<10240x128xf32, #tpu.memory_space<hbm>>
          tpu.enqueue_indirect_dma source(%dma_start3A_114 : memref<10240x128xf32, #tpu.memory_space<hbm>>) target(%dma_start3A_108 : memref<128x128xf32, #tpu.memory_space<vmem>>) offsets(%dma_start3A_111 : memref<128xi32, #tpu.memory_space<vmem>>) semaphore(%arg10 : memref<!tpu.dma_semaphore, #tpu.memory_space<semaphore_mem>>)
        } else {
        }
        %scan3A_102 = arith.constant 0 : i32
        scf.yield %scan3A_102 : i32
      }
      %scan3A_70 = arith.constant 56 : i32
    } else {
    }
    %convert_element_type3A_28 = arith.extui %eq3A_0 : i1 to i32
    %cond3A_29 = arith.constant 0 : i32
    %cond3A_30 = arith.cmpi ne, %convert_element_type3A_28, %cond3A_29 : i32
    scf.if %cond3A_30 {
      "tpu.region"() ({
        %run_scoped3A = tpu.sem_alloc : memref<!tpu.dma_semaphore, #tpu.memory_space<semaphore_mem>>
        %dma_start3A = arith.constant 0 : i32
        %dma_start3A_41 = arith.constant 0 : i32
        %dma_start3A_42 = tpu.memref_slice %arg6[%dma_start3A, %dma_start3A_41] : memref<56x128xi32, #tpu.memory_space<vmem>> -> memref<45x128xi32, #tpu.memory_space<vmem>>
        %dma_start3A_43 = arith.constant 112 : i32
        %dma_start3A_44 = arith.constant 0 : i32
        %dma_start3A_45 = tpu.memref_slice %arg3[%arg1, %dma_start3A_43, %dma_start3A_44] : memref<16x157x128xi32, #tpu.memory_space<hbm>> -> memref<1x45x128xi32, #tpu.memory_space<hbm>>
        %dma_start3A_46 = tpu.memref_squeeze %dma_start3A_45 : memref<1x45x128xi32, #tpu.memory_space<hbm>> -> memref<45x128xi32, #tpu.memory_space<hbm>>
        %dma_start3A_47 = arith.constant 0 : i32
        %dma_start3A_48 = arith.constant 0 : i32
        %dma_start3A_49 = tpu.memref_slice %arg6[%dma_start3A_47, %dma_start3A_48] : memref<56x128xi32, #tpu.memory_space<vmem>> -> memref<45x128xi32, #tpu.memory_space<vmem>>
        %dma_start3A_50 = arith.constant 112 : i32
        %dma_start3A_51 = arith.constant 0 : i32
        %dma_start3A_52 = tpu.memref_slice %arg3[%arg1, %dma_start3A_50, %dma_start3A_51] : memref<16x157x128xi32, #tpu.memory_space<hbm>> -> memref<1x45x128xi32, #tpu.memory_space<hbm>>
        %dma_start3A_53 = tpu.memref_squeeze %dma_start3A_52 : memref<1x45x128xi32, #tpu.memory_space<hbm>> -> memref<45x128xi32, #tpu.memory_space<hbm>>
        tpu.enqueue_dma source(%dma_start3A_53 : memref<45x128xi32, #tpu.memory_space<hbm>>) target(%dma_start3A_49 : memref<45x128xi32, #tpu.memory_space<vmem>>) target_semaphore(%run_scoped3A : memref<!tpu.dma_semaphore, #tpu.memory_space<semaphore_mem>>)
        %dma_wait3A = arith.constant 0 : i32
        %dma_wait3A_54 = arith.constant 0 : i32
        %dma_wait3A_55 = tpu.memref_slice %arg6[%dma_wait3A, %dma_wait3A_54] : memref<56x128xi32, #tpu.memory_space<vmem>> -> memref<45x128xi32, #tpu.memory_space<vmem>>
        %dma_wait3A_56 = arith.constant 112 : i32
        %dma_wait3A_57 = arith.constant 0 : i32
        %dma_wait3A_58 = tpu.memref_slice %arg3[%arg1, %dma_wait3A_56, %dma_wait3A_57] : memref<16x157x128xi32, #tpu.memory_space<hbm>> -> memref<1x45x128xi32, #tpu.memory_space<hbm>>
        %dma_wait3A_59 = tpu.memref_squeeze %dma_wait3A_58 : memref<1x45x128xi32, #tpu.memory_space<hbm>> -> memref<45x128xi32, #tpu.memory_space<hbm>>
        %dma_wait3A_60 = arith.constant 0 : i32
        %dma_wait3A_61 = arith.constant 0 : i32
        %dma_wait3A_62 = tpu.memref_slice %arg6[%dma_wait3A_60, %dma_wait3A_61] : memref<56x128xi32, #tpu.memory_space<vmem>> -> memref<45x128xi32, #tpu.memory_space<vmem>>
        %dma_wait3A_63 = arith.constant 112 : i32
        %dma_wait3A_64 = arith.constant 0 : i32
        %dma_wait3A_65 = tpu.memref_slice %arg3[%arg1, %dma_wait3A_63, %dma_wait3A_64] : memref<16x157x128xi32, #tpu.memory_space<hbm>> -> memref<1x45x128xi32, #tpu.memory_space<hbm>>
        %dma_wait3A_66 = tpu.memref_squeeze %dma_wait3A_65 : memref<1x45x128xi32, #tpu.memory_space<hbm>> -> memref<45x128xi32, #tpu.memory_space<hbm>>
        tpu.wait_dma2 semaphore(%run_scoped3A : memref<!tpu.dma_semaphore, #tpu.memory_space<semaphore_mem>>) src(%dma_wait3A_66 : memref<45x128xi32, #tpu.memory_space<hbm>>) dst(%dma_wait3A_62 : memref<45x128xi32, #tpu.memory_space<vmem>>)
        tpu.yield
      }) : () -> ()
    } else {
    }
    %convert_element_type3A_31 = arith.extui %le3A_1 : i1 to i32
    %cond3A_32 = arith.constant 0 : i32
    %cond3A_33 = arith.cmpi ne, %convert_element_type3A_31, %cond3A_32 : i32
    scf.if %cond3A_33 {
      "tpu.region"() ({
        %run_scoped3A = tpu.sem_alloc : memref<!tpu.dma_semaphore, #tpu.memory_space<semaphore_mem>>
        %dma_start3A = arith.constant 0 : i32
        %dma_start3A_41 = arith.constant 0 : i32
        %dma_start3A_42 = tpu.memref_slice %arg7[%dma_start3A, %dma_start3A_41] : memref<56x128xi32, #tpu.memory_space<vmem>> -> memref<45x128xi32, #tpu.memory_space<vmem>>
        %dma_start3A_43 = arith.constant 112 : i32
        %dma_start3A_44 = arith.constant 0 : i32
        %dma_start3A_45 = tpu.memref_slice %arg4[%arg1, %dma_start3A_43, %dma_start3A_44] : memref<16x157x128xi32, #tpu.memory_space<hbm>> -> memref<1x45x128xi32, #tpu.memory_space<hbm>>
        %dma_start3A_46 = tpu.memref_squeeze %dma_start3A_45 : memref<1x45x128xi32, #tpu.memory_space<hbm>> -> memref<45x128xi32, #tpu.memory_space<hbm>>
        %dma_start3A_47 = arith.constant 0 : i32
        %dma_start3A_48 = arith.constant 0 : i32
        %dma_start3A_49 = tpu.memref_slice %arg7[%dma_start3A_47, %dma_start3A_48] : memref<56x128xi32, #tpu.memory_space<vmem>> -> memref<45x128xi32, #tpu.memory_space<vmem>>
        %dma_start3A_50 = arith.constant 112 : i32
        %dma_start3A_51 = arith.constant 0 : i32
        %dma_start3A_52 = tpu.memref_slice %arg4[%arg1, %dma_start3A_50, %dma_start3A_51] : memref<16x157x128xi32, #tpu.memory_space<hbm>> -> memref<1x45x128xi32, #tpu.memory_space<hbm>>
        %dma_start3A_53 = tpu.memref_squeeze %dma_start3A_52 : memref<1x45x128xi32, #tpu.memory_space<hbm>> -> memref<45x128xi32, #tpu.memory_space<hbm>>
        tpu.enqueue_dma source(%dma_start3A_53 : memref<45x128xi32, #tpu.memory_space<hbm>>) target(%dma_start3A_49 : memref<45x128xi32, #tpu.memory_space<vmem>>) target_semaphore(%run_scoped3A : memref<!tpu.dma_semaphore, #tpu.memory_space<semaphore_mem>>)
        %dma_wait3A = arith.constant 0 : i32
        %dma_wait3A_54 = arith.constant 0 : i32
        %dma_wait3A_55 = tpu.memref_slice %arg7[%dma_wait3A, %dma_wait3A_54] : memref<56x128xi32, #tpu.memory_space<vmem>> -> memref<45x128xi32, #tpu.memory_space<vmem>>
        %dma_wait3A_56 = arith.constant 112 : i32
        %dma_wait3A_57 = arith.constant 0 : i32
        %dma_wait3A_58 = tpu.memref_slice %arg4[%arg1, %dma_wait3A_56, %dma_wait3A_57] : memref<16x157x128xi32, #tpu.memory_space<hbm>> -> memref<1x45x128xi32, #tpu.memory_space<hbm>>
        %dma_wait3A_59 = tpu.memref_squeeze %dma_wait3A_58 : memref<1x45x128xi32, #tpu.memory_space<hbm>> -> memref<45x128xi32, #tpu.memory_space<hbm>>
        %dma_wait3A_60 = arith.constant 0 : i32
        %dma_wait3A_61 = arith.constant 0 : i32
        %dma_wait3A_62 = tpu.memref_slice %arg7[%dma_wait3A_60, %dma_wait3A_61] : memref<56x128xi32, #tpu.memory_space<vmem>> -> memref<45x128xi32, #tpu.memory_space<vmem>>
        %dma_wait3A_63 = arith.constant 112 : i32
        %dma_wait3A_64 = arith.constant 0 : i32
        %dma_wait3A_65 = tpu.memref_slice %arg4[%arg1, %dma_wait3A_63, %dma_wait3A_64] : memref<16x157x128xi32, #tpu.memory_space<hbm>> -> memref<1x45x128xi32, #tpu.memory_space<hbm>>
        %dma_wait3A_66 = tpu.memref_squeeze %dma_wait3A_65 : memref<1x45x128xi32, #tpu.memory_space<hbm>> -> memref<45x128xi32, #tpu.memory_space<hbm>>
        tpu.wait_dma2 semaphore(%run_scoped3A : memref<!tpu.dma_semaphore, #tpu.memory_space<semaphore_mem>>) src(%dma_wait3A_66 : memref<45x128xi32, #tpu.memory_space<hbm>>) dst(%dma_wait3A_62 : memref<45x128xi32, #tpu.memory_space<vmem>>)
        tpu.yield
      }) : () -> ()
    } else {
    }
    %convert_element_type3A_34 = arith.extui %eq3A_0 : i1 to i32
    %cond3A_35 = arith.constant 0 : i32
    %cond3A_36 = arith.cmpi ne, %convert_element_type3A_34, %cond3A_35 : i32
    scf.if %cond3A_36 {
      %dma_start3A = arith.constant 0 : i32
      %dma_start3A_41 = arith.constant 0 : i32
      %dma_start3A_42 = arith.constant 0 : i32
      %dma_start3A_43 = arith.constant 0 : i32
      %dma_start3A_44 = tpu.memref_slice %arg8[%dma_start3A_41, %dma_start3A_42, %dma_start3A_43] : memref<2x128x128xf32, #tpu.memory_space<vmem>> -> memref<1x128x128xf32, #tpu.memory_space<vmem>>
      %dma_start3A_45 = tpu.memref_squeeze %dma_start3A_44 : memref<1x128x128xf32, #tpu.memory_space<vmem>> -> memref<128x128xf32, #tpu.memory_space<vmem>>
      %dma_start3A_46 = arith.constant 0 : i32
      %dma_start3A_47 = tpu.memref_slice %arg6[%dma_start3A, %dma_start3A_46] : memref<56x128xi32, #tpu.memory_space<vmem>> -> memref<1x128xi32, #tpu.memory_space<vmem>>
      %dma_start3A_48 = tpu.memref_squeeze %dma_start3A_47 : memref<1x128xi32, #tpu.memory_space<vmem>> -> memref<128xi32, #tpu.memory_space<vmem>>
      %dma_start3A_49 = arith.constant 0 : i32
      %dma_start3A_50 = arith.constant 0 : i32
      %dma_start3A_51 = tpu.memref_slice %arg2[%dma_start3A_49, %dma_start3A_50] : memref<10240x128xf32, #tpu.memory_space<hbm>> -> memref<10240x128xf32, #tpu.memory_space<hbm>>
      tpu.enqueue_indirect_dma source(%dma_start3A_51 : memref<10240x128xf32, #tpu.memory_space<hbm>>) target(%dma_start3A_45 : memref<128x128xf32, #tpu.memory_space<vmem>>) offsets(%dma_start3A_48 : memref<128xi32, #tpu.memory_space<vmem>>) semaphore(%arg10 : memref<!tpu.dma_semaphore, #tpu.memory_space<semaphore_mem>>)
      %dma_start3A_52 = arith.constant 1 : i32
      %dma_start3A_53 = arith.constant 1 : i32
      %dma_start3A_54 = arith.constant 0 : i32
      %dma_start3A_55 = arith.constant 0 : i32
      %dma_start3A_56 = tpu.memref_slice %arg8[%dma_start3A_53, %dma_start3A_54, %dma_start3A_55] : memref<2x128x128xf32, #tpu.memory_space<vmem>> -> memref<1x128x128xf32, #tpu.memory_space<vmem>>
      %dma_start3A_57 = tpu.memref_squeeze %dma_start3A_56 : memref<1x128x128xf32, #tpu.memory_space<vmem>> -> memref<128x128xf32, #tpu.memory_space<vmem>>
      %dma_start3A_58 = arith.constant 0 : i32
      %dma_start3A_59 = tpu.memref_slice %arg6[%dma_start3A_52, %dma_start3A_58] : memref<56x128xi32, #tpu.memory_space<vmem>> -> memref<1x128xi32, #tpu.memory_space<vmem>>
      %dma_start3A_60 = tpu.memref_squeeze %dma_start3A_59 : memref<1x128xi32, #tpu.memory_space<vmem>> -> memref<128xi32, #tpu.memory_space<vmem>>
      %dma_start3A_61 = arith.constant 0 : i32
      %dma_start3A_62 = arith.constant 0 : i32
      %dma_start3A_63 = tpu.memref_slice %arg2[%dma_start3A_61, %dma_start3A_62] : memref<10240x128xf32, #tpu.memory_space<hbm>> -> memref<10240x128xf32, #tpu.memory_space<hbm>>
      tpu.enqueue_indirect_dma source(%dma_start3A_63 : memref<10240x128xf32, #tpu.memory_space<hbm>>) target(%dma_start3A_57 : memref<128x128xf32, #tpu.memory_space<vmem>>) offsets(%dma_start3A_60 : memref<128xi32, #tpu.memory_space<vmem>>) semaphore(%arg10 : memref<!tpu.dma_semaphore, #tpu.memory_space<semaphore_mem>>)
      %scan3A_64 = arith.constant 0 : i32
      %scan3A_65 = arith.constant 0 : i32
      %scan3A_66 = arith.constant 45 : i32
      %scan3A_67 = arith.addi %scan3A_65, %scan3A_66 : i32
      %scan3A_68 = arith.constant 1 : i32
      %scan3A_69 = scf.for %scan3A_71 = %scan3A_65 to %scan3A_67 step %scan3A_68 iter_args(%scan3A_72 = %scan3A_64) -> (i32)  : i32 {
        %jit3A = arith.constant 2 : i32
        %eq3A_73 = arith.constant 0 : i32
        %eq3A_74 = arith.cmpi eq, %jit3A, %eq3A_73 : i32
        %jit3A_75 = arith.constant 1 : i32
        %select_n3A = arith.select %eq3A_74, %jit3A_75, %jit3A : i32
        %rem3A = arith.remsi %scan3A_71, %select_n3A : i32
        %ne3A = arith.constant 0 : i32
        %ne3A_76 = arith.cmpi ne, %rem3A, %ne3A : i32
        %lt3A = arith.constant 0 : i32
        %lt3A_77 = arith.cmpi slt, %rem3A, %lt3A : i32
        %lt3A_78 = arith.constant 0 : i32
        %lt3A_79 = arith.cmpi slt, %select_n3A, %lt3A_78 : i32
        %ne3A_80 = arith.xori %lt3A_77, %lt3A_79 : i1
        %and3A = arith.andi %ne3A_80, %ne3A_76 : i1
        %add3A = arith.addi %rem3A, %select_n3A : i32
        %select_n3A_81 = arith.select %and3A, %add3A, %rem3A : i32
        %dma_wait3A = arith.constant 0 : i32
        %dma_wait3A_82 = arith.constant 0 : i32
        %dma_wait3A_83 = tpu.memref_slice %arg8[%select_n3A_81, %dma_wait3A, %dma_wait3A_82] : memref<2x128x128xf32, #tpu.memory_space<vmem>> -> memref<1x128x128xf32, #tpu.memory_space<vmem>>
        %dma_wait3A_84 = tpu.memref_squeeze %dma_wait3A_83 : memref<1x128x128xf32, #tpu.memory_space<vmem>> -> memref<128x128xf32, #tpu.memory_space<vmem>>
        %dma_wait3A_85 = arith.constant 0 : i32
        %dma_wait3A_86 = arith.constant 0 : i32
        %dma_wait3A_87 = tpu.memref_slice %arg2[%dma_wait3A_85, %dma_wait3A_86] : memref<10240x128xf32, #tpu.memory_space<hbm>> -> memref<128x128xf32, #tpu.memory_space<hbm>>
        %dma_wait3A_88 = arith.constant 0 : i32
        %dma_wait3A_89 = arith.constant 0 : i32
        %dma_wait3A_90 = tpu.memref_slice %arg8[%select_n3A_81, %dma_wait3A_88, %dma_wait3A_89] : memref<2x128x128xf32, #tpu.memory_space<vmem>> -> memref<1x128x128xf32, #tpu.memory_space<vmem>>
        %dma_wait3A_91 = tpu.memref_squeeze %dma_wait3A_90 : memref<1x128x128xf32, #tpu.memory_space<vmem>> -> memref<128x128xf32, #tpu.memory_space<vmem>>
        %dma_wait3A_92 = arith.constant 0 : i32
        %dma_wait3A_93 = arith.constant 0 : i32
        %dma_wait3A_94 = tpu.memref_slice %arg2[%dma_wait3A_92, %dma_wait3A_93] : memref<10240x128xf32, #tpu.memory_space<hbm>> -> memref<128x128xf32, #tpu.memory_space<hbm>>
        tpu.wait_dma2 semaphore(%arg10 : memref<!tpu.dma_semaphore, #tpu.memory_space<semaphore_mem>>) src(%dma_wait3A_94 : memref<128x128xf32, #tpu.memory_space<hbm>>) dst(%dma_wait3A_91 : memref<128x128xf32, #tpu.memory_space<vmem>>)
        "tpu.region"() ({
          %run_scoped3A = tpu.sem_alloc : memref<!tpu.dma_semaphore, #tpu.memory_space<semaphore_mem>>
          %dma_start3A_103 = arith.constant 0 : i32
          %dma_start3A_104 = arith.constant 0 : i32
          %dma_start3A_105 = tpu.memref_slice %arg8[%select_n3A_81, %dma_start3A_103, %dma_start3A_104] : memref<2x128x128xf32, #tpu.memory_space<vmem>> -> memref<1x128x128xf32, #tpu.memory_space<vmem>>
          %dma_start3A_106 = tpu.memref_squeeze %dma_start3A_105 : memref<1x128x128xf32, #tpu.memory_space<vmem>> -> memref<128x128xf32, #tpu.memory_space<vmem>>
          %dma_start3A_107 = arith.constant 0 : i32
          %dma_start3A_108 = tpu.memref_slice %arg7[%scan3A_71, %dma_start3A_107] : memref<56x128xi32, #tpu.memory_space<vmem>> -> memref<1x128xi32, #tpu.memory_space<vmem>>
          %dma_start3A_109 = tpu.memref_squeeze %dma_start3A_108 : memref<1x128xi32, #tpu.memory_space<vmem>> -> memref<128xi32, #tpu.memory_space<vmem>>
          %dma_start3A_110 = arith.constant 0 : i32
          %dma_start3A_111 = arith.constant 0 : i32
          %dma_start3A_112 = tpu.memref_slice %arg9[%dma_start3A_110, %dma_start3A_111] : memref<10240x128xf32, #tpu.memory_space<vmem_shared>> -> memref<10240x128xf32, #tpu.memory_space<vmem_shared>>
          tpu.enqueue_indirect_dma source(%dma_start3A_106 : memref<128x128xf32, #tpu.memory_space<vmem>>) target(%dma_start3A_112 : memref<10240x128xf32, #tpu.memory_space<vmem_shared>>) offsets(%dma_start3A_109 : memref<128xi32, #tpu.memory_space<vmem>>) semaphore(%run_scoped3A : memref<!tpu.dma_semaphore, #tpu.memory_space<semaphore_mem>>) {add = true}
          %dma_wait3A_113 = arith.constant 0 : i32
          %dma_wait3A_114 = arith.constant 0 : i32
          %dma_wait3A_115 = tpu.memref_slice %arg8[%select_n3A_81, %dma_wait3A_113, %dma_wait3A_114] : memref<2x128x128xf32, #tpu.memory_space<vmem>> -> memref<1x128x128xf32, #tpu.memory_space<vmem>>
          %dma_wait3A_116 = tpu.memref_squeeze %dma_wait3A_115 : memref<1x128x128xf32, #tpu.memory_space<vmem>> -> memref<128x128xf32, #tpu.memory_space<vmem>>
          %dma_wait3A_117 = arith.constant 0 : i32
          %dma_wait3A_118 = tpu.memref_slice %arg7[%scan3A_71, %dma_wait3A_117] : memref<56x128xi32, #tpu.memory_space<vmem>> -> memref<1x128xi32, #tpu.memory_space<vmem>>
          %dma_wait3A_119 = tpu.memref_squeeze %dma_wait3A_118 : memref<1x128xi32, #tpu.memory_space<vmem>> -> memref<128xi32, #tpu.memory_space<vmem>>
          %dma_wait3A_120 = arith.constant 0 : i32
          %dma_wait3A_121 = arith.constant 0 : i32
          %dma_wait3A_122 = tpu.memref_slice %arg9[%dma_wait3A_120, %dma_wait3A_121] : memref<10240x128xf32, #tpu.memory_space<vmem_shared>> -> memref<10240x128xf32, #tpu.memory_space<vmem_shared>>
          tpu.wait_indirect_dma semaphore(%run_scoped3A : memref<!tpu.dma_semaphore, #tpu.memory_space<semaphore_mem>>) src(%dma_wait3A_116 : memref<128x128xf32, #tpu.memory_space<vmem>>) dst(%dma_wait3A_122 : memref<10240x128xf32, #tpu.memory_space<vmem_shared>>)
          tpu.yield
        }) : () -> ()
        %add3A_95 = arith.constant 2 : i32
        %add3A_96 = arith.addi %scan3A_71, %add3A_95 : i32
        %lt3A_97 = arith.constant 45 : i32
        %lt3A_98 = arith.cmpi slt, %add3A_96, %lt3A_97 : i32
        %convert_element_type3A_99 = arith.extui %lt3A_98 : i1 to i32
        %cond3A_100 = arith.constant 0 : i32
        %cond3A_101 = arith.cmpi ne, %convert_element_type3A_99, %cond3A_100 : i32
        scf.if %cond3A_101 {
          %add3A_103 = arith.constant 2 : i32
          %add3A_104 = arith.addi %scan3A_71, %add3A_103 : i32
          %dma_start3A_105 = arith.constant 0 : i32
          %dma_start3A_106 = arith.constant 0 : i32
          %dma_start3A_107 = tpu.memref_slice %arg8[%select_n3A_81, %dma_start3A_105, %dma_start3A_106] : memref<2x128x128xf32, #tpu.memory_space<vmem>> -> memref<1x128x128xf32, #tpu.memory_space<vmem>>
          %dma_start3A_108 = tpu.memref_squeeze %dma_start3A_107 : memref<1x128x128xf32, #tpu.memory_space<vmem>> -> memref<128x128xf32, #tpu.memory_space<vmem>>
          %dma_start3A_109 = arith.constant 0 : i32
          %dma_start3A_110 = tpu.memref_slice %arg6[%add3A_104, %dma_start3A_109] : memref<56x128xi32, #tpu.memory_space<vmem>> -> memref<1x128xi32, #tpu.memory_space<vmem>>
          %dma_start3A_111 = tpu.memref_squeeze %dma_start3A_110 : memref<1x128xi32, #tpu.memory_space<vmem>> -> memref<128xi32, #tpu.memory_space<vmem>>
          %dma_start3A_112 = arith.constant 0 : i32
          %dma_start3A_113 = arith.constant 0 : i32
          %dma_start3A_114 = tpu.memref_slice %arg2[%dma_start3A_112, %dma_start3A_113] : memref<10240x128xf32, #tpu.memory_space<hbm>> -> memref<10240x128xf32, #tpu.memory_space<hbm>>
          tpu.enqueue_indirect_dma source(%dma_start3A_114 : memref<10240x128xf32, #tpu.memory_space<hbm>>) target(%dma_start3A_108 : memref<128x128xf32, #tpu.memory_space<vmem>>) offsets(%dma_start3A_111 : memref<128xi32, #tpu.memory_space<vmem>>) semaphore(%arg10 : memref<!tpu.dma_semaphore, #tpu.memory_space<semaphore_mem>>)
        } else {
        }
        %scan3A_102 = arith.constant 0 : i32
        scf.yield %scan3A_102 : i32
      }
      %scan3A_70 = arith.constant 45 : i32
    } else {
    }
    %barrier3A_37 = arith.constant 0 : index
    tpu.barrier barrier_id(%barrier3A_37)
    %convert_element_type3A_38 = arith.extui %eq3A_0 : i1 to i32
    %cond3A_39 = arith.constant 0 : i32
    %cond3A_40 = arith.cmpi ne, %convert_element_type3A_38, %cond3A_39 : i32
    scf.if %cond3A_40 {
      "tpu.region"() ({
        %run_scoped3A = tpu.sem_alloc : memref<!tpu.dma_semaphore, #tpu.memory_space<semaphore_mem>>
        %dma_start3A = arith.constant 0 : i32
        %dma_start3A_41 = tpu.memref_slice %arg5[%mul3A_8, %dma_start3A] : memref<10240x128xf32, #tpu.memory_space<hbm>> -> memref<640x128xf32, #tpu.memory_space<hbm>>
        %dma_start3A_42 = arith.constant 0 : i32
        %dma_start3A_43 = tpu.memref_slice %arg9[%mul3A_8, %dma_start3A_42] : memref<10240x128xf32, #tpu.memory_space<vmem_shared>> -> memref<640x128xf32, #tpu.memory_space<vmem_shared>>
        tpu.enqueue_dma source(%dma_start3A_43 : memref<640x128xf32, #tpu.memory_space<vmem_shared>>) target(%dma_start3A_41 : memref<640x128xf32, #tpu.memory_space<hbm>>) target_semaphore(%run_scoped3A : memref<!tpu.dma_semaphore, #tpu.memory_space<semaphore_mem>>)
        %dma_wait3A = arith.constant 0 : i32
        %dma_wait3A_44 = tpu.memref_slice %arg5[%mul3A_8, %dma_wait3A] : memref<10240x128xf32, #tpu.memory_space<hbm>> -> memref<640x128xf32, #tpu.memory_space<hbm>>
        %dma_wait3A_45 = arith.constant 0 : i32
        %dma_wait3A_46 = tpu.memref_slice %arg9[%mul3A_8, %dma_wait3A_45] : memref<10240x128xf32, #tpu.memory_space<vmem_shared>> -> memref<640x128xf32, #tpu.memory_space<vmem_shared>>
        tpu.wait_dma2 semaphore(%run_scoped3A : memref<!tpu.dma_semaphore, #tpu.memory_space<semaphore_mem>>) src(%dma_wait3A_46 : memref<640x128xf32, #tpu.memory_space<vmem_shared>>) dst(%dma_wait3A_44 : memref<640x128xf32, #tpu.memory_space<hbm>>)
        tpu.yield
      }) : () -> ()
    } else {
    }
    return
  }
}

#map = affine_map<(d0, d1) -> (0, 0)>
#map1 = affine_map<(d0, d1) -> (0, 0, 0)>
module attributes {stable_mosaic.version = 14 : i64} {
  func.func @body(%arg0: i32, %arg1: i32, %arg2: memref<10240x128xf32, #tpu.memory_space<hbm>>, %arg3: memref<16x157x128xi32, #tpu.memory_space<hbm>>, %arg4: memref<16x157x128xi32, #tpu.memory_space<hbm>>, %arg5: memref<10240x128xf32, #tpu.memory_space<hbm>>, %arg6: memref<10240x128xf32, #tpu.memory_space<hbm>>, %arg7: memref<56x128xi32, #tpu.memory_space<vmem>>, %arg8: memref<56x128xi32, #tpu.memory_space<vmem>>, %arg9: memref<2x128x128xf32, #tpu.memory_space<vmem>>, %arg10: memref<10240x128xf32, #tpu.memory_space<vmem_shared>>, %arg11: memref<!tpu.dma_semaphore, #tpu.memory_space<semaphore_mem>>) attributes {dimension_semantics = [#tpu.dimension_semantics<core_parallel>, #tpu.dimension_semantics<subcore_parallel>], iteration_bounds = array<i64: 2, 16>, scalar_prefetch = 0 : i64, scratch_operands = 5 : i64, tpu.core_type = #tpu.core_type<sc_vector_subcore>, window_params = [{transform_indices = #map}, {transform_indices = #map1}, {transform_indices = #map1}, {transform_indices = #map}, {transform_indices = #map}]} {
    %eq3A = arith.constant 0 : i32
    %eq3A_0 = arith.cmpi eq, %arg0, %eq3A : i32
    %le3A = arith.constant 1 : i32
    %le3A_1 = arith.cmpi sle, %arg0, %le3A : i32
    %scan3A = arith.constant 0 : i32
    %scan3A_2 = arith.constant 0 : i32
    %scan3A_3 = arith.constant 1024 : i32
    %scan3A_4 = arith.addi %scan3A_2, %scan3A_3 : i32
    %scan3A_5 = arith.constant 1 : i32
    %scan3A_6 = scf.for %scan3A_65 = %scan3A_2 to %scan3A_4 step %scan3A_5 iter_args(%scan3A_66 = %scan3A) -> (i32)  : i32 {
      %jit3A = arith.constant 8 : i32
      %div3A = arith.divsi %scan3A_65, %jit3A : i32
      %sign3A = arith.constant 0 : i32
      %sign3A_67 = arith.cmpi sgt, %scan3A_65, %sign3A : i32
      %sign3A_68 = arith.extui %sign3A_67 : i1 to i32
      %sign3A_69 = arith.constant 0 : i32
      %sign3A_70 = arith.cmpi slt, %scan3A_65, %sign3A_69 : i32
      %sign3A_71 = arith.extui %sign3A_70 : i1 to i32
      %sign3A_72 = arith.subi %sign3A_68, %sign3A_71 : i32
      %sign3A_73 = arith.constant 0 : i32
      %sign3A_74 = arith.cmpi sgt, %jit3A, %sign3A_73 : i32
      %sign3A_75 = arith.extui %sign3A_74 : i1 to i32
      %sign3A_76 = arith.constant 0 : i32
      %sign3A_77 = arith.cmpi slt, %jit3A, %sign3A_76 : i32
      %sign3A_78 = arith.extui %sign3A_77 : i1 to i32
      %sign3A_79 = arith.subi %sign3A_75, %sign3A_78 : i32
      %ne3A = arith.cmpi ne, %sign3A_72, %sign3A_79 : i32
      %rem3A = arith.remsi %scan3A_65, %jit3A : i32
      %ne3A_80 = arith.constant 0 : i32
      %ne3A_81 = arith.cmpi ne, %rem3A, %ne3A_80 : i32
      %and3A = arith.andi %ne3A, %ne3A_81 : i1
      %sub3A = arith.constant 1 : i32
      %sub3A_82 = arith.subi %div3A, %sub3A : i32
      %select_n3A = arith.select %and3A, %sub3A_82, %div3A : i32
      %jit3A_83 = arith.constant 8 : i32
      %eq3A_84 = arith.constant 0 : i32
      %eq3A_85 = arith.cmpi eq, %jit3A_83, %eq3A_84 : i32
      %jit3A_86 = arith.constant 1 : i32
      %select_n3A_87 = arith.select %eq3A_85, %jit3A_86, %jit3A_83 : i32
      %rem3A_88 = arith.remsi %scan3A_65, %select_n3A_87 : i32
      %ne3A_89 = arith.constant 0 : i32
      %ne3A_90 = arith.cmpi ne, %rem3A_88, %ne3A_89 : i32
      %lt3A = arith.constant 0 : i32
      %lt3A_91 = arith.cmpi slt, %rem3A_88, %lt3A : i32
      %lt3A_92 = arith.constant 0 : i32
      %lt3A_93 = arith.cmpi slt, %select_n3A_87, %lt3A_92 : i32
      %ne3A_94 = arith.xori %lt3A_91, %lt3A_93 : i1
      %and3A_95 = arith.andi %ne3A_94, %ne3A_90 : i1
      %add3A = arith.addi %rem3A_88, %select_n3A_87 : i32
      %select_n3A_96 = arith.select %and3A_95, %add3A, %rem3A_88 : i32
      %broadcast_in_dim3A = arith.constant 0.000000e+00 : f32
      %broadcast_in_dim3A_97 = vector.broadcast %broadcast_in_dim3A : f32 to vector<16xf32>
      %mul3A_98 = arith.constant 16 : i32
      %mul3A_99 = arith.muli %select_n3A_96, %mul3A_98 : i32
      %swap3A = arith.constant 0 : i32
      %swap3A_100 = arith.index_cast %swap3A : i32 to index
      %swap3A_101 = arith.index_cast %select_n3A : i32 to index
      %swap3A_102 = arith.index_cast %mul3A_99 : i32 to index
      %swap3A_103 = tpu.vector_load %arg9[%swap3A_100, %swap3A_101, %swap3A_102] {strides = array<i32>} : memref<2x128x128xf32, #tpu.memory_space<vmem>>, vector<1x1x16xf32>,
      %swap3A_104 = vector.shape_cast %swap3A_103 : vector<1x1x16xf32> to vector<16xf32>
      %swap3A_105 = vector.shape_cast %broadcast_in_dim3A_97 : vector<16xf32> to vector<1x1x16xf32>
      tpu.vector_store %arg9[%swap3A_100, %swap3A_101, %swap3A_102], %swap3A_105 {strides = array<i32>} : memref<2x128x128xf32, #tpu.memory_space<vmem>>, vector<1x1x16xf32>,
      %scan3A_106 = arith.constant 0 : i32
      scf.yield %scan3A_106 : i32
    }
    %scan3A_7 = arith.constant 1024 : i32
    %mul3A = arith.constant 640 : i32
    %mul3A_8 = arith.muli %arg1, %mul3A : i32
    %convert_element_type3A = arith.extui %le3A_1 : i1 to i32
    %cond3A = arith.constant 0 : i32
    %cond3A_9 = arith.cmpi ne, %convert_element_type3A, %cond3A : i32
    scf.if %cond3A_9 {
      %scan3A_65 = arith.constant 0 : i32
      %scan3A_66 = arith.constant 0 : i32
      %scan3A_67 = arith.constant 5 : i32
      %scan3A_68 = arith.addi %scan3A_66, %scan3A_67 : i32
      %scan3A_69 = arith.constant 1 : i32
      %scan3A_70 = scf.for %scan3A_72 = %scan3A_66 to %scan3A_68 step %scan3A_69 iter_args(%scan3A_73 = %scan3A_65) -> (i32)  : i32 {
        %mul3A_74 = arith.constant 128 : i32
        %mul3A_75 = arith.muli %scan3A_72, %mul3A_74 : i32
        %add3A = arith.addi %mul3A_8, %mul3A_75 : i32
        %run_scoped3A = arith.constant 0 : i32
        "tpu.region"() ({
          %run_scoped3A_77 = tpu.sem_alloc : memref<!tpu.dma_semaphore, #tpu.memory_space<semaphore_mem>>
          %dma_start3A = arith.constant 0 : i32
          %dma_start3A_78 = arith.constant 0 : i32
          %dma_start3A_79 = tpu.memref_slice %arg9[%run_scoped3A, %dma_start3A, %dma_start3A_78] : memref<2x128x128xf32, #tpu.memory_space<vmem>> -> memref<1x128x128xf32, #tpu.memory_space<vmem>>
          %dma_start3A_80 = tpu.memref_squeeze %dma_start3A_79 : memref<1x128x128xf32, #tpu.memory_space<vmem>> -> memref<128x128xf32, #tpu.memory_space<vmem>>
          %dma_start3A_81 = arith.constant 0 : i32
          %dma_start3A_82 = tpu.memref_slice %arg10[%add3A, %dma_start3A_81] : memref<10240x128xf32, #tpu.memory_space<vmem_shared>> -> memref<128x128xf32, #tpu.memory_space<vmem_shared>>
          %dma_start3A_83 = arith.constant 0 : i32
          %dma_start3A_84 = tpu.memref_slice %arg10[%add3A, %dma_start3A_83] : memref<10240x128xf32, #tpu.memory_space<vmem_shared>> -> memref<128x128xf32, #tpu.memory_space<vmem_shared>>
          %dma_start3A_85 = arith.constant 0 : i32
          %dma_start3A_86 = arith.constant 0 : i32
          %dma_start3A_87 = tpu.memref_slice %arg9[%run_scoped3A, %dma_start3A_85, %dma_start3A_86] : memref<2x128x128xf32, #tpu.memory_space<vmem>> -> memref<1x128x128xf32, #tpu.memory_space<vmem>>
          %dma_start3A_88 = tpu.memref_squeeze %dma_start3A_87 : memref<1x128x128xf32, #tpu.memory_space<vmem>> -> memref<128x128xf32, #tpu.memory_space<vmem>>
          tpu.enqueue_dma source(%dma_start3A_88 : memref<128x128xf32, #tpu.memory_space<vmem>>) target(%dma_start3A_84 : memref<128x128xf32, #tpu.memory_space<vmem_shared>>) target_semaphore(%run_scoped3A_77 : memref<!tpu.dma_semaphore, #tpu.memory_space<semaphore_mem>>)
          %dma_wait3A = arith.constant 0 : i32
          %dma_wait3A_89 = arith.constant 0 : i32
          %dma_wait3A_90 = tpu.memref_slice %arg9[%run_scoped3A, %dma_wait3A, %dma_wait3A_89] : memref<2x128x128xf32, #tpu.memory_space<vmem>> -> memref<1x128x128xf32, #tpu.memory_space<vmem>>
          %dma_wait3A_91 = tpu.memref_squeeze %dma_wait3A_90 : memref<1x128x128xf32, #tpu.memory_space<vmem>> -> memref<128x128xf32, #tpu.memory_space<vmem>>
          %dma_wait3A_92 = arith.constant 0 : i32
          %dma_wait3A_93 = tpu.memref_slice %arg10[%add3A, %dma_wait3A_92] : memref<10240x128xf32, #tpu.memory_space<vmem_shared>> -> memref<128x128xf32, #tpu.memory_space<vmem_shared>>
          %dma_wait3A_94 = arith.constant 0 : i32
          %dma_wait3A_95 = tpu.memref_slice %arg10[%add3A, %dma_wait3A_94] : memref<10240x128xf32, #tpu.memory_space<vmem_shared>> -> memref<128x128xf32, #tpu.memory_space<vmem_shared>>
          %dma_wait3A_96 = arith.constant 0 : i32
          %dma_wait3A_97 = arith.constant 0 : i32
          %dma_wait3A_98 = tpu.memref_slice %arg9[%run_scoped3A, %dma_wait3A_96, %dma_wait3A_97] : memref<2x128x128xf32, #tpu.memory_space<vmem>> -> memref<1x128x128xf32, #tpu.memory_space<vmem>>
          %dma_wait3A_99 = tpu.memref_squeeze %dma_wait3A_98 : memref<1x128x128xf32, #tpu.memory_space<vmem>> -> memref<128x128xf32, #tpu.memory_space<vmem>>
          tpu.wait_dma2 semaphore(%run_scoped3A_77 : memref<!tpu.dma_semaphore, #tpu.memory_space<semaphore_mem>>) src(%dma_wait3A_99 : memref<128x128xf32, #tpu.memory_space<vmem>>) dst(%dma_wait3A_95 : memref<128x128xf32, #tpu.memory_space<vmem_shared>>)
          tpu.yield
        }) : () -> ()
        %scan3A_76 = arith.constant 0 : i32
        scf.yield %scan3A_76 : i32
      }
      %scan3A_71 = arith.constant 5 : i32
    } else {
    }
    %not3A = arith.constant true
    %not3A_10 = arith.xori %eq3A_0, %not3A : i1
    %convert_element_type3A_11 = arith.extui %not3A_10 : i1 to i32
    %cond3A_12 = arith.constant 0 : i32
    %cond3A_13 = arith.cmpi ne, %convert_element_type3A_11, %cond3A_12 : i32
    scf.if %cond3A_13 {
      %scan3A_65 = arith.constant 0 : i32
      %scan3A_66 = arith.constant 0 : i32
      %scan3A_67 = arith.constant 1024 : i32
      %scan3A_68 = arith.addi %scan3A_66, %scan3A_67 : i32
      %scan3A_69 = arith.constant 1 : i32
      %scan3A_70 = scf.for %scan3A_72 = %scan3A_66 to %scan3A_68 step %scan3A_69 iter_args(%scan3A_73 = %scan3A_65) -> (i32)  : i32 {
        %jit3A = arith.constant 8 : i32
        %div3A = arith.divsi %scan3A_72, %jit3A : i32
        %sign3A = arith.constant 0 : i32
        %sign3A_74 = arith.cmpi sgt, %scan3A_72, %sign3A : i32
        %sign3A_75 = arith.extui %sign3A_74 : i1 to i32
        %sign3A_76 = arith.constant 0 : i32
        %sign3A_77 = arith.cmpi slt, %scan3A_72, %sign3A_76 : i32
        %sign3A_78 = arith.extui %sign3A_77 : i1 to i32
        %sign3A_79 = arith.subi %sign3A_75, %sign3A_78 : i32
        %sign3A_80 = arith.constant 0 : i32
        %sign3A_81 = arith.cmpi sgt, %jit3A, %sign3A_80 : i32
        %sign3A_82 = arith.extui %sign3A_81 : i1 to i32
        %sign3A_83 = arith.constant 0 : i32
        %sign3A_84 = arith.cmpi slt, %jit3A, %sign3A_83 : i32
        %sign3A_85 = arith.extui %sign3A_84 : i1 to i32
        %sign3A_86 = arith.subi %sign3A_82, %sign3A_85 : i32
        %ne3A = arith.cmpi ne, %sign3A_79, %sign3A_86 : i32
        %rem3A = arith.remsi %scan3A_72, %jit3A : i32
        %ne3A_87 = arith.constant 0 : i32
        %ne3A_88 = arith.cmpi ne, %rem3A, %ne3A_87 : i32
        %and3A = arith.andi %ne3A, %ne3A_88 : i1
        %sub3A = arith.constant 1 : i32
        %sub3A_89 = arith.subi %div3A, %sub3A : i32
        %select_n3A = arith.select %and3A, %sub3A_89, %div3A : i32
        %jit3A_90 = arith.constant 8 : i32
        %eq3A_91 = arith.constant 0 : i32
        %eq3A_92 = arith.cmpi eq, %jit3A_90, %eq3A_91 : i32
        %jit3A_93 = arith.constant 1 : i32
        %select_n3A_94 = arith.select %eq3A_92, %jit3A_93, %jit3A_90 : i32
        %rem3A_95 = arith.remsi %scan3A_72, %select_n3A_94 : i32
        %ne3A_96 = arith.constant 0 : i32
        %ne3A_97 = arith.cmpi ne, %rem3A_95, %ne3A_96 : i32
        %lt3A = arith.constant 0 : i32
        %lt3A_98 = arith.cmpi slt, %rem3A_95, %lt3A : i32
        %lt3A_99 = arith.constant 0 : i32
        %lt3A_100 = arith.cmpi slt, %select_n3A_94, %lt3A_99 : i32
        %ne3A_101 = arith.xori %lt3A_98, %lt3A_100 : i1
        %and3A_102 = arith.andi %ne3A_101, %ne3A_97 : i1
        %add3A = arith.addi %rem3A_95, %select_n3A_94 : i32
        %select_n3A_103 = arith.select %and3A_102, %add3A, %rem3A_95 : i32
        %broadcast_in_dim3A = arith.constant 1.000000e+00 : f32
        %broadcast_in_dim3A_104 = vector.broadcast %broadcast_in_dim3A : f32 to vector<16xf32>
        %mul3A_105 = arith.constant 16 : i32
        %mul3A_106 = arith.muli %select_n3A_103, %mul3A_105 : i32
        %swap3A = arith.constant 0 : i32
        %swap3A_107 = arith.index_cast %swap3A : i32 to index
        %swap3A_108 = arith.index_cast %select_n3A : i32 to index
        %swap3A_109 = arith.index_cast %mul3A_106 : i32 to index
        %swap3A_110 = tpu.vector_load %arg9[%swap3A_107, %swap3A_108, %swap3A_109] {strides = array<i32>} : memref<2x128x128xf32, #tpu.memory_space<vmem>>, vector<1x1x16xf32>,
        %swap3A_111 = vector.shape_cast %swap3A_110 : vector<1x1x16xf32> to vector<16xf32>
        %swap3A_112 = vector.shape_cast %broadcast_in_dim3A_104 : vector<16xf32> to vector<1x1x16xf32>
        tpu.vector_store %arg9[%swap3A_107, %swap3A_108, %swap3A_109], %swap3A_112 {strides = array<i32>} : memref<2x128x128xf32, #tpu.memory_space<vmem>>, vector<1x1x16xf32>,
        %scan3A_113 = arith.constant 0 : i32
        scf.yield %scan3A_113 : i32
      }
      %scan3A_71 = arith.constant 1024 : i32
    } else {
    }
    %barrier3A = arith.constant 0 : index
    tpu.barrier barrier_id(%barrier3A)
    %convert_element_type3A_14 = arith.extui %eq3A_0 : i1 to i32
    %cond3A_15 = arith.constant 0 : i32
    %cond3A_16 = arith.cmpi ne, %convert_element_type3A_14, %cond3A_15 : i32
    scf.if %cond3A_16 {
      "tpu.region"() ({
        %run_scoped3A = tpu.sem_alloc : memref<!tpu.dma_semaphore, #tpu.memory_space<semaphore_mem>>
        %dma_start3A = arith.constant 0 : i32
        %dma_start3A_65 = arith.constant 0 : i32
        %dma_start3A_66 = tpu.memref_slice %arg7[%dma_start3A, %dma_start3A_65] : memref<56x128xi32, #tpu.memory_space<vmem>> -> memref<56x128xi32, #tpu.memory_space<vmem>>
        %dma_start3A_67 = arith.constant 0 : i32
        %dma_start3A_68 = arith.constant 0 : i32
        %dma_start3A_69 = tpu.memref_slice %arg3[%arg1, %dma_start3A_67, %dma_start3A_68] : memref<16x157x128xi32, #tpu.memory_space<hbm>> -> memref<1x56x128xi32, #tpu.memory_space<hbm>>
        %dma_start3A_70 = tpu.memref_squeeze %dma_start3A_69 : memref<1x56x128xi32, #tpu.memory_space<hbm>> -> memref<56x128xi32, #tpu.memory_space<hbm>>
        %dma_start3A_71 = arith.constant 0 : i32
        %dma_start3A_72 = arith.constant 0 : i32
        %dma_start3A_73 = tpu.memref_slice %arg7[%dma_start3A_71, %dma_start3A_72] : memref<56x128xi32, #tpu.memory_space<vmem>> -> memref<56x128xi32, #tpu.memory_space<vmem>>
        %dma_start3A_74 = arith.constant 0 : i32
        %dma_start3A_75 = arith.constant 0 : i32
        %dma_start3A_76 = tpu.memref_slice %arg3[%arg1, %dma_start3A_74, %dma_start3A_75] : memref<16x157x128xi32, #tpu.memory_space<hbm>> -> memref<1x56x128xi32, #tpu.memory_space<hbm>>
        %dma_start3A_77 = tpu.memref_squeeze %dma_start3A_76 : memref<1x56x128xi32, #tpu.memory_space<hbm>> -> memref<56x128xi32, #tpu.memory_space<hbm>>
        tpu.enqueue_dma source(%dma_start3A_77 : memref<56x128xi32, #tpu.memory_space<hbm>>) target(%dma_start3A_73 : memref<56x128xi32, #tpu.memory_space<vmem>>) target_semaphore(%run_scoped3A : memref<!tpu.dma_semaphore, #tpu.memory_space<semaphore_mem>>)
        %dma_wait3A = arith.constant 0 : i32
        %dma_wait3A_78 = arith.constant 0 : i32
        %dma_wait3A_79 = tpu.memref_slice %arg7[%dma_wait3A, %dma_wait3A_78] : memref<56x128xi32, #tpu.memory_space<vmem>> -> memref<56x128xi32, #tpu.memory_space<vmem>>
        %dma_wait3A_80 = arith.constant 0 : i32
        %dma_wait3A_81 = arith.constant 0 : i32
        %dma_wait3A_82 = tpu.memref_slice %arg3[%arg1, %dma_wait3A_80, %dma_wait3A_81] : memref<16x157x128xi32, #tpu.memory_space<hbm>> -> memref<1x56x128xi32, #tpu.memory_space<hbm>>
        %dma_wait3A_83 = tpu.memref_squeeze %dma_wait3A_82 : memref<1x56x128xi32, #tpu.memory_space<hbm>> -> memref<56x128xi32, #tpu.memory_space<hbm>>
        %dma_wait3A_84 = arith.constant 0 : i32
        %dma_wait3A_85 = arith.constant 0 : i32
        %dma_wait3A_86 = tpu.memref_slice %arg7[%dma_wait3A_84, %dma_wait3A_85] : memref<56x128xi32, #tpu.memory_space<vmem>> -> memref<56x128xi32, #tpu.memory_space<vmem>>
        %dma_wait3A_87 = arith.constant 0 : i32
        %dma_wait3A_88 = arith.constant 0 : i32
        %dma_wait3A_89 = tpu.memref_slice %arg3[%arg1, %dma_wait3A_87, %dma_wait3A_88] : memref<16x157x128xi32, #tpu.memory_space<hbm>> -> memref<1x56x128xi32, #tpu.memory_space<hbm>>
        %dma_wait3A_90 = tpu.memref_squeeze %dma_wait3A_89 : memref<1x56x128xi32, #tpu.memory_space<hbm>> -> memref<56x128xi32, #tpu.memory_space<hbm>>
        tpu.wait_dma2 semaphore(%run_scoped3A : memref<!tpu.dma_semaphore, #tpu.memory_space<semaphore_mem>>) src(%dma_wait3A_90 : memref<56x128xi32, #tpu.memory_space<hbm>>) dst(%dma_wait3A_86 : memref<56x128xi32, #tpu.memory_space<vmem>>)
        tpu.yield
      }) : () -> ()
    } else {
    }
    %convert_element_type3A_17 = arith.extui %le3A_1 : i1 to i32
    %cond3A_18 = arith.constant 0 : i32
    %cond3A_19 = arith.cmpi ne, %convert_element_type3A_17, %cond3A_18 : i32
    scf.if %cond3A_19 {
      "tpu.region"() ({
        %run_scoped3A = tpu.sem_alloc : memref<!tpu.dma_semaphore, #tpu.memory_space<semaphore_mem>>
        %dma_start3A = arith.constant 0 : i32
        %dma_start3A_65 = arith.constant 0 : i32
        %dma_start3A_66 = tpu.memref_slice %arg8[%dma_start3A, %dma_start3A_65] : memref<56x128xi32, #tpu.memory_space<vmem>> -> memref<56x128xi32, #tpu.memory_space<vmem>>
        %dma_start3A_67 = arith.constant 0 : i32
        %dma_start3A_68 = arith.constant 0 : i32
        %dma_start3A_69 = tpu.memref_slice %arg4[%arg1, %dma_start3A_67, %dma_start3A_68] : memref<16x157x128xi32, #tpu.memory_space<hbm>> -> memref<1x56x128xi32, #tpu.memory_space<hbm>>
        %dma_start3A_70 = tpu.memref_squeeze %dma_start3A_69 : memref<1x56x128xi32, #tpu.memory_space<hbm>> -> memref<56x128xi32, #tpu.memory_space<hbm>>
        %dma_start3A_71 = arith.constant 0 : i32
        %dma_start3A_72 = arith.constant 0 : i32
        %dma_start3A_73 = tpu.memref_slice %arg8[%dma_start3A_71, %dma_start3A_72] : memref<56x128xi32, #tpu.memory_space<vmem>> -> memref<56x128xi32, #tpu.memory_space<vmem>>
        %dma_start3A_74 = arith.constant 0 : i32
        %dma_start3A_75 = arith.constant 0 : i32
        %dma_start3A_76 = tpu.memref_slice %arg4[%arg1, %dma_start3A_74, %dma_start3A_75] : memref<16x157x128xi32, #tpu.memory_space<hbm>> -> memref<1x56x128xi32, #tpu.memory_space<hbm>>
        %dma_start3A_77 = tpu.memref_squeeze %dma_start3A_76 : memref<1x56x128xi32, #tpu.memory_space<hbm>> -> memref<56x128xi32, #tpu.memory_space<hbm>>
        tpu.enqueue_dma source(%dma_start3A_77 : memref<56x128xi32, #tpu.memory_space<hbm>>) target(%dma_start3A_73 : memref<56x128xi32, #tpu.memory_space<vmem>>) target_semaphore(%run_scoped3A : memref<!tpu.dma_semaphore, #tpu.memory_space<semaphore_mem>>)
        %dma_wait3A = arith.constant 0 : i32
        %dma_wait3A_78 = arith.constant 0 : i32
        %dma_wait3A_79 = tpu.memref_slice %arg8[%dma_wait3A, %dma_wait3A_78] : memref<56x128xi32, #tpu.memory_space<vmem>> -> memref<56x128xi32, #tpu.memory_space<vmem>>
        %dma_wait3A_80 = arith.constant 0 : i32
        %dma_wait3A_81 = arith.constant 0 : i32
        %dma_wait3A_82 = tpu.memref_slice %arg4[%arg1, %dma_wait3A_80, %dma_wait3A_81] : memref<16x157x128xi32, #tpu.memory_space<hbm>> -> memref<1x56x128xi32, #tpu.memory_space<hbm>>
        %dma_wait3A_83 = tpu.memref_squeeze %dma_wait3A_82 : memref<1x56x128xi32, #tpu.memory_space<hbm>> -> memref<56x128xi32, #tpu.memory_space<hbm>>
        %dma_wait3A_84 = arith.constant 0 : i32
        %dma_wait3A_85 = arith.constant 0 : i32
        %dma_wait3A_86 = tpu.memref_slice %arg8[%dma_wait3A_84, %dma_wait3A_85] : memref<56x128xi32, #tpu.memory_space<vmem>> -> memref<56x128xi32, #tpu.memory_space<vmem>>
        %dma_wait3A_87 = arith.constant 0 : i32
        %dma_wait3A_88 = arith.constant 0 : i32
        %dma_wait3A_89 = tpu.memref_slice %arg4[%arg1, %dma_wait3A_87, %dma_wait3A_88] : memref<16x157x128xi32, #tpu.memory_space<hbm>> -> memref<1x56x128xi32, #tpu.memory_space<hbm>>
        %dma_wait3A_90 = tpu.memref_squeeze %dma_wait3A_89 : memref<1x56x128xi32, #tpu.memory_space<hbm>> -> memref<56x128xi32, #tpu.memory_space<hbm>>
        tpu.wait_dma2 semaphore(%run_scoped3A : memref<!tpu.dma_semaphore, #tpu.memory_space<semaphore_mem>>) src(%dma_wait3A_90 : memref<56x128xi32, #tpu.memory_space<hbm>>) dst(%dma_wait3A_86 : memref<56x128xi32, #tpu.memory_space<vmem>>)
        tpu.yield
      }) : () -> ()
    } else {
    }
    %convert_element_type3A_20 = arith.extui %eq3A_0 : i1 to i32
    %cond3A_21 = arith.constant 0 : i32
    %cond3A_22 = arith.cmpi ne, %convert_element_type3A_20, %cond3A_21 : i32
    scf.if %cond3A_22 {
      %dma_start3A = arith.constant 0 : i32
      %dma_start3A_65 = arith.constant 0 : i32
      %dma_start3A_66 = arith.constant 0 : i32
      %dma_start3A_67 = arith.constant 0 : i32
      %dma_start3A_68 = tpu.memref_slice %arg9[%dma_start3A_65, %dma_start3A_66, %dma_start3A_67] : memref<2x128x128xf32, #tpu.memory_space<vmem>> -> memref<1x128x128xf32, #tpu.memory_space<vmem>>
      %dma_start3A_69 = tpu.memref_squeeze %dma_start3A_68 : memref<1x128x128xf32, #tpu.memory_space<vmem>> -> memref<128x128xf32, #tpu.memory_space<vmem>>
      %dma_start3A_70 = arith.constant 0 : i32
      %dma_start3A_71 = tpu.memref_slice %arg7[%dma_start3A, %dma_start3A_70] : memref<56x128xi32, #tpu.memory_space<vmem>> -> memref<1x128xi32, #tpu.memory_space<vmem>>
      %dma_start3A_72 = tpu.memref_squeeze %dma_start3A_71 : memref<1x128xi32, #tpu.memory_space<vmem>> -> memref<128xi32, #tpu.memory_space<vmem>>
      %dma_start3A_73 = arith.constant 0 : i32
      %dma_start3A_74 = arith.constant 0 : i32
      %dma_start3A_75 = tpu.memref_slice %arg2[%dma_start3A_73, %dma_start3A_74] : memref<10240x128xf32, #tpu.memory_space<hbm>> -> memref<10240x128xf32, #tpu.memory_space<hbm>>
      tpu.enqueue_indirect_dma source(%dma_start3A_75 : memref<10240x128xf32, #tpu.memory_space<hbm>>) target(%dma_start3A_69 : memref<128x128xf32, #tpu.memory_space<vmem>>) offsets(%dma_start3A_72 : memref<128xi32, #tpu.memory_space<vmem>>) semaphore(%arg11 : memref<!tpu.dma_semaphore, #tpu.memory_space<semaphore_mem>>)
      %dma_start3A_76 = arith.constant 1 : i32
      %dma_start3A_77 = arith.constant 1 : i32
      %dma_start3A_78 = arith.constant 0 : i32
      %dma_start3A_79 = arith.constant 0 : i32
      %dma_start3A_80 = tpu.memref_slice %arg9[%dma_start3A_77, %dma_start3A_78, %dma_start3A_79] : memref<2x128x128xf32, #tpu.memory_space<vmem>> -> memref<1x128x128xf32, #tpu.memory_space<vmem>>
      %dma_start3A_81 = tpu.memref_squeeze %dma_start3A_80 : memref<1x128x128xf32, #tpu.memory_space<vmem>> -> memref<128x128xf32, #tpu.memory_space<vmem>>
      %dma_start3A_82 = arith.constant 0 : i32
      %dma_start3A_83 = tpu.memref_slice %arg7[%dma_start3A_76, %dma_start3A_82] : memref<56x128xi32, #tpu.memory_space<vmem>> -> memref<1x128xi32, #tpu.memory_space<vmem>>
      %dma_start3A_84 = tpu.memref_squeeze %dma_start3A_83 : memref<1x128xi32, #tpu.memory_space<vmem>> -> memref<128xi32, #tpu.memory_space<vmem>>
      %dma_start3A_85 = arith.constant 0 : i32
      %dma_start3A_86 = arith.constant 0 : i32
      %dma_start3A_87 = tpu.memref_slice %arg2[%dma_start3A_85, %dma_start3A_86] : memref<10240x128xf32, #tpu.memory_space<hbm>> -> memref<10240x128xf32, #tpu.memory_space<hbm>>
      tpu.enqueue_indirect_dma source(%dma_start3A_87 : memref<10240x128xf32, #tpu.memory_space<hbm>>) target(%dma_start3A_81 : memref<128x128xf32, #tpu.memory_space<vmem>>) offsets(%dma_start3A_84 : memref<128xi32, #tpu.memory_space<vmem>>) semaphore(%arg11 : memref<!tpu.dma_semaphore, #tpu.memory_space<semaphore_mem>>)
      %scan3A_88 = arith.constant 0 : i32
      %scan3A_89 = arith.constant 0 : i32
      %scan3A_90 = arith.constant 56 : i32
      %scan3A_91 = arith.addi %scan3A_89, %scan3A_90 : i32
      %scan3A_92 = arith.constant 1 : i32
      %scan3A_93 = scf.for %scan3A_95 = %scan3A_89 to %scan3A_91 step %scan3A_92 iter_args(%scan3A_96 = %scan3A_88) -> (i32)  : i32 {
        %jit3A = arith.constant 2 : i32
        %eq3A_97 = arith.constant 0 : i32
        %eq3A_98 = arith.cmpi eq, %jit3A, %eq3A_97 : i32
        %jit3A_99 = arith.constant 1 : i32
        %select_n3A = arith.select %eq3A_98, %jit3A_99, %jit3A : i32
        %rem3A = arith.remsi %scan3A_95, %select_n3A : i32
        %ne3A = arith.constant 0 : i32
        %ne3A_100 = arith.cmpi ne, %rem3A, %ne3A : i32
        %lt3A = arith.constant 0 : i32
        %lt3A_101 = arith.cmpi slt, %rem3A, %lt3A : i32
        %lt3A_102 = arith.constant 0 : i32
        %lt3A_103 = arith.cmpi slt, %select_n3A, %lt3A_102 : i32
        %ne3A_104 = arith.xori %lt3A_101, %lt3A_103 : i1
        %and3A = arith.andi %ne3A_104, %ne3A_100 : i1
        %add3A = arith.addi %rem3A, %select_n3A : i32
        %select_n3A_105 = arith.select %and3A, %add3A, %rem3A : i32
        %dma_wait3A = arith.constant 0 : i32
        %dma_wait3A_106 = arith.constant 0 : i32
        %dma_wait3A_107 = tpu.memref_slice %arg9[%select_n3A_105, %dma_wait3A, %dma_wait3A_106] : memref<2x128x128xf32, #tpu.memory_space<vmem>> -> memref<1x128x128xf32, #tpu.memory_space<vmem>>
        %dma_wait3A_108 = tpu.memref_squeeze %dma_wait3A_107 : memref<1x128x128xf32, #tpu.memory_space<vmem>> -> memref<128x128xf32, #tpu.memory_space<vmem>>
        %dma_wait3A_109 = arith.constant 0 : i32
        %dma_wait3A_110 = arith.constant 0 : i32
        %dma_wait3A_111 = tpu.memref_slice %arg2[%dma_wait3A_109, %dma_wait3A_110] : memref<10240x128xf32, #tpu.memory_space<hbm>> -> memref<128x128xf32, #tpu.memory_space<hbm>>
        %dma_wait3A_112 = arith.constant 0 : i32
        %dma_wait3A_113 = arith.constant 0 : i32
        %dma_wait3A_114 = tpu.memref_slice %arg9[%select_n3A_105, %dma_wait3A_112, %dma_wait3A_113] : memref<2x128x128xf32, #tpu.memory_space<vmem>> -> memref<1x128x128xf32, #tpu.memory_space<vmem>>
        %dma_wait3A_115 = tpu.memref_squeeze %dma_wait3A_114 : memref<1x128x128xf32, #tpu.memory_space<vmem>> -> memref<128x128xf32, #tpu.memory_space<vmem>>
        %dma_wait3A_116 = arith.constant 0 : i32
        %dma_wait3A_117 = arith.constant 0 : i32
        %dma_wait3A_118 = tpu.memref_slice %arg2[%dma_wait3A_116, %dma_wait3A_117] : memref<10240x128xf32, #tpu.memory_space<hbm>> -> memref<128x128xf32, #tpu.memory_space<hbm>>
        tpu.wait_dma2 semaphore(%arg11 : memref<!tpu.dma_semaphore, #tpu.memory_space<semaphore_mem>>) src(%dma_wait3A_118 : memref<128x128xf32, #tpu.memory_space<hbm>>) dst(%dma_wait3A_115 : memref<128x128xf32, #tpu.memory_space<vmem>>)
        "tpu.region"() ({
          %run_scoped3A = tpu.sem_alloc : memref<!tpu.dma_semaphore, #tpu.memory_space<semaphore_mem>>
          %dma_start3A_127 = arith.constant 0 : i32
          %dma_start3A_128 = arith.constant 0 : i32
          %dma_start3A_129 = tpu.memref_slice %arg9[%select_n3A_105, %dma_start3A_127, %dma_start3A_128] : memref<2x128x128xf32, #tpu.memory_space<vmem>> -> memref<1x128x128xf32, #tpu.memory_space<vmem>>
          %dma_start3A_130 = tpu.memref_squeeze %dma_start3A_129 : memref<1x128x128xf32, #tpu.memory_space<vmem>> -> memref<128x128xf32, #tpu.memory_space<vmem>>
          %dma_start3A_131 = arith.constant 0 : i32
          %dma_start3A_132 = tpu.memref_slice %arg8[%scan3A_95, %dma_start3A_131] : memref<56x128xi32, #tpu.memory_space<vmem>> -> memref<1x128xi32, #tpu.memory_space<vmem>>
          %dma_start3A_133 = tpu.memref_squeeze %dma_start3A_132 : memref<1x128xi32, #tpu.memory_space<vmem>> -> memref<128xi32, #tpu.memory_space<vmem>>
          %dma_start3A_134 = arith.constant 0 : i32
          %dma_start3A_135 = arith.constant 0 : i32
          %dma_start3A_136 = tpu.memref_slice %arg10[%dma_start3A_134, %dma_start3A_135] : memref<10240x128xf32, #tpu.memory_space<vmem_shared>> -> memref<10240x128xf32, #tpu.memory_space<vmem_shared>>
          tpu.enqueue_indirect_dma source(%dma_start3A_130 : memref<128x128xf32, #tpu.memory_space<vmem>>) target(%dma_start3A_136 : memref<10240x128xf32, #tpu.memory_space<vmem_shared>>) offsets(%dma_start3A_133 : memref<128xi32, #tpu.memory_space<vmem>>) semaphore(%run_scoped3A : memref<!tpu.dma_semaphore, #tpu.memory_space<semaphore_mem>>) {add = true}
          %dma_wait3A_137 = arith.constant 0 : i32
          %dma_wait3A_138 = arith.constant 0 : i32
          %dma_wait3A_139 = tpu.memref_slice %arg9[%select_n3A_105, %dma_wait3A_137, %dma_wait3A_138] : memref<2x128x128xf32, #tpu.memory_space<vmem>> -> memref<1x128x128xf32, #tpu.memory_space<vmem>>
          %dma_wait3A_140 = tpu.memref_squeeze %dma_wait3A_139 : memref<1x128x128xf32, #tpu.memory_space<vmem>> -> memref<128x128xf32, #tpu.memory_space<vmem>>
          %dma_wait3A_141 = arith.constant 0 : i32
          %dma_wait3A_142 = tpu.memref_slice %arg8[%scan3A_95, %dma_wait3A_141] : memref<56x128xi32, #tpu.memory_space<vmem>> -> memref<1x128xi32, #tpu.memory_space<vmem>>
          %dma_wait3A_143 = tpu.memref_squeeze %dma_wait3A_142 : memref<1x128xi32, #tpu.memory_space<vmem>> -> memref<128xi32, #tpu.memory_space<vmem>>
          %dma_wait3A_144 = arith.constant 0 : i32
          %dma_wait3A_145 = arith.constant 0 : i32
          %dma_wait3A_146 = tpu.memref_slice %arg10[%dma_wait3A_144, %dma_wait3A_145] : memref<10240x128xf32, #tpu.memory_space<vmem_shared>> -> memref<10240x128xf32, #tpu.memory_space<vmem_shared>>
          tpu.wait_indirect_dma semaphore(%run_scoped3A : memref<!tpu.dma_semaphore, #tpu.memory_space<semaphore_mem>>) src(%dma_wait3A_140 : memref<128x128xf32, #tpu.memory_space<vmem>>) dst(%dma_wait3A_146 : memref<10240x128xf32, #tpu.memory_space<vmem_shared>>)
          tpu.yield
        }) : () -> ()
        %add3A_119 = arith.constant 2 : i32
        %add3A_120 = arith.addi %scan3A_95, %add3A_119 : i32
        %lt3A_121 = arith.constant 56 : i32
        %lt3A_122 = arith.cmpi slt, %add3A_120, %lt3A_121 : i32
        %convert_element_type3A_123 = arith.extui %lt3A_122 : i1 to i32
        %cond3A_124 = arith.constant 0 : i32
        %cond3A_125 = arith.cmpi ne, %convert_element_type3A_123, %cond3A_124 : i32
        scf.if %cond3A_125 {
          %add3A_127 = arith.constant 2 : i32
          %add3A_128 = arith.addi %scan3A_95, %add3A_127 : i32
          %dma_start3A_129 = arith.constant 0 : i32
          %dma_start3A_130 = arith.constant 0 : i32
          %dma_start3A_131 = tpu.memref_slice %arg9[%select_n3A_105, %dma_start3A_129, %dma_start3A_130] : memref<2x128x128xf32, #tpu.memory_space<vmem>> -> memref<1x128x128xf32, #tpu.memory_space<vmem>>
          %dma_start3A_132 = tpu.memref_squeeze %dma_start3A_131 : memref<1x128x128xf32, #tpu.memory_space<vmem>> -> memref<128x128xf32, #tpu.memory_space<vmem>>
          %dma_start3A_133 = arith.constant 0 : i32
          %dma_start3A_134 = tpu.memref_slice %arg7[%add3A_128, %dma_start3A_133] : memref<56x128xi32, #tpu.memory_space<vmem>> -> memref<1x128xi32, #tpu.memory_space<vmem>>
          %dma_start3A_135 = tpu.memref_squeeze %dma_start3A_134 : memref<1x128xi32, #tpu.memory_space<vmem>> -> memref<128xi32, #tpu.memory_space<vmem>>
          %dma_start3A_136 = arith.constant 0 : i32
          %dma_start3A_137 = arith.constant 0 : i32
          %dma_start3A_138 = tpu.memref_slice %arg2[%dma_start3A_136, %dma_start3A_137] : memref<10240x128xf32, #tpu.memory_space<hbm>> -> memref<10240x128xf32, #tpu.memory_space<hbm>>
          tpu.enqueue_indirect_dma source(%dma_start3A_138 : memref<10240x128xf32, #tpu.memory_space<hbm>>) target(%dma_start3A_132 : memref<128x128xf32, #tpu.memory_space<vmem>>) offsets(%dma_start3A_135 : memref<128xi32, #tpu.memory_space<vmem>>) semaphore(%arg11 : memref<!tpu.dma_semaphore, #tpu.memory_space<semaphore_mem>>)
        } else {
        }
        %scan3A_126 = arith.constant 0 : i32
        scf.yield %scan3A_126 : i32
      }
      %scan3A_94 = arith.constant 56 : i32
    } else {
    }
    %not3A_23 = arith.constant true
    %not3A_24 = arith.xori %eq3A_0, %not3A_23 : i1
    %convert_element_type3A_25 = arith.extui %not3A_24 : i1 to i32
    %cond3A_26 = arith.constant 0 : i32
    %cond3A_27 = arith.cmpi ne, %convert_element_type3A_25, %cond3A_26 : i32
    scf.if %cond3A_27 {
      %scan3A_65 = arith.constant 0 : i32
      %scan3A_66 = arith.constant 0 : i32
      %scan3A_67 = arith.constant 56 : i32
      %scan3A_68 = arith.addi %scan3A_66, %scan3A_67 : i32
      %scan3A_69 = arith.constant 1 : i32
      %scan3A_70 = scf.for %scan3A_72 = %scan3A_66 to %scan3A_68 step %scan3A_69 iter_args(%scan3A_73 = %scan3A_65) -> (i32)  : i32 {
        %run_scoped3A = arith.constant 0 : i32
        "tpu.region"() ({
          %run_scoped3A_75 = tpu.sem_alloc : memref<!tpu.dma_semaphore, #tpu.memory_space<semaphore_mem>>
          %dma_start3A = arith.constant 0 : i32
          %dma_start3A_76 = arith.constant 0 : i32
          %dma_start3A_77 = tpu.memref_slice %arg9[%run_scoped3A, %dma_start3A, %dma_start3A_76] : memref<2x128x128xf32, #tpu.memory_space<vmem>> -> memref<1x128x128xf32, #tpu.memory_space<vmem>>
          %dma_start3A_78 = tpu.memref_squeeze %dma_start3A_77 : memref<1x128x128xf32, #tpu.memory_space<vmem>> -> memref<128x128xf32, #tpu.memory_space<vmem>>
          %dma_start3A_79 = arith.constant 0 : i32
          %dma_start3A_80 = tpu.memref_slice %arg8[%scan3A_72, %dma_start3A_79] : memref<56x128xi32, #tpu.memory_space<vmem>> -> memref<1x128xi32, #tpu.memory_space<vmem>>
          %dma_start3A_81 = tpu.memref_squeeze %dma_start3A_80 : memref<1x128xi32, #tpu.memory_space<vmem>> -> memref<128xi32, #tpu.memory_space<vmem>>
          %dma_start3A_82 = arith.constant 0 : i32
          %dma_start3A_83 = arith.constant 0 : i32
          %dma_start3A_84 = tpu.memref_slice %arg10[%dma_start3A_82, %dma_start3A_83] : memref<10240x128xf32, #tpu.memory_space<vmem_shared>> -> memref<10240x128xf32, #tpu.memory_space<vmem_shared>>
          tpu.enqueue_indirect_dma source(%dma_start3A_78 : memref<128x128xf32, #tpu.memory_space<vmem>>) target(%dma_start3A_84 : memref<10240x128xf32, #tpu.memory_space<vmem_shared>>) offsets(%dma_start3A_81 : memref<128xi32, #tpu.memory_space<vmem>>) semaphore(%run_scoped3A_75 : memref<!tpu.dma_semaphore, #tpu.memory_space<semaphore_mem>>) {add = true}
          %dma_wait3A = arith.constant 0 : i32
          %dma_wait3A_85 = arith.constant 0 : i32
          %dma_wait3A_86 = tpu.memref_slice %arg9[%run_scoped3A, %dma_wait3A, %dma_wait3A_85] : memref<2x128x128xf32, #tpu.memory_space<vmem>> -> memref<1x128x128xf32, #tpu.memory_space<vmem>>
          %dma_wait3A_87 = tpu.memref_squeeze %dma_wait3A_86 : memref<1x128x128xf32, #tpu.memory_space<vmem>> -> memref<128x128xf32, #tpu.memory_space<vmem>>
          %dma_wait3A_88 = arith.constant 0 : i32
          %dma_wait3A_89 = tpu.memref_slice %arg8[%scan3A_72, %dma_wait3A_88] : memref<56x128xi32, #tpu.memory_space<vmem>> -> memref<1x128xi32, #tpu.memory_space<vmem>>
          %dma_wait3A_90 = tpu.memref_squeeze %dma_wait3A_89 : memref<1x128xi32, #tpu.memory_space<vmem>> -> memref<128xi32, #tpu.memory_space<vmem>>
          %dma_wait3A_91 = arith.constant 0 : i32
          %dma_wait3A_92 = arith.constant 0 : i32
          %dma_wait3A_93 = tpu.memref_slice %arg10[%dma_wait3A_91, %dma_wait3A_92] : memref<10240x128xf32, #tpu.memory_space<vmem_shared>> -> memref<10240x128xf32, #tpu.memory_space<vmem_shared>>
          tpu.wait_indirect_dma semaphore(%run_scoped3A_75 : memref<!tpu.dma_semaphore, #tpu.memory_space<semaphore_mem>>) src(%dma_wait3A_87 : memref<128x128xf32, #tpu.memory_space<vmem>>) dst(%dma_wait3A_93 : memref<10240x128xf32, #tpu.memory_space<vmem_shared>>)
          tpu.yield
        }) : () -> ()
        %scan3A_74 = arith.constant 0 : i32
        scf.yield %scan3A_74 : i32
      }
      %scan3A_71 = arith.constant 56 : i32
    } else {
    }
    %convert_element_type3A_28 = arith.extui %eq3A_0 : i1 to i32
    %cond3A_29 = arith.constant 0 : i32
    %cond3A_30 = arith.cmpi ne, %convert_element_type3A_28, %cond3A_29 : i32
    scf.if %cond3A_30 {
      "tpu.region"() ({
        %run_scoped3A = tpu.sem_alloc : memref<!tpu.dma_semaphore, #tpu.memory_space<semaphore_mem>>
        %dma_start3A = arith.constant 0 : i32
        %dma_start3A_65 = arith.constant 0 : i32
        %dma_start3A_66 = tpu.memref_slice %arg7[%dma_start3A, %dma_start3A_65] : memref<56x128xi32, #tpu.memory_space<vmem>> -> memref<56x128xi32, #tpu.memory_space<vmem>>
        %dma_start3A_67 = arith.constant 56 : i32
        %dma_start3A_68 = arith.constant 0 : i32
        %dma_start3A_69 = tpu.memref_slice %arg3[%arg1, %dma_start3A_67, %dma_start3A_68] : memref<16x157x128xi32, #tpu.memory_space<hbm>> -> memref<1x56x128xi32, #tpu.memory_space<hbm>>
        %dma_start3A_70 = tpu.memref_squeeze %dma_start3A_69 : memref<1x56x128xi32, #tpu.memory_space<hbm>> -> memref<56x128xi32, #tpu.memory_space<hbm>>
        %dma_start3A_71 = arith.constant 0 : i32
        %dma_start3A_72 = arith.constant 0 : i32
        %dma_start3A_73 = tpu.memref_slice %arg7[%dma_start3A_71, %dma_start3A_72] : memref<56x128xi32, #tpu.memory_space<vmem>> -> memref<56x128xi32, #tpu.memory_space<vmem>>
        %dma_start3A_74 = arith.constant 56 : i32
        %dma_start3A_75 = arith.constant 0 : i32
        %dma_start3A_76 = tpu.memref_slice %arg3[%arg1, %dma_start3A_74, %dma_start3A_75] : memref<16x157x128xi32, #tpu.memory_space<hbm>> -> memref<1x56x128xi32, #tpu.memory_space<hbm>>
        %dma_start3A_77 = tpu.memref_squeeze %dma_start3A_76 : memref<1x56x128xi32, #tpu.memory_space<hbm>> -> memref<56x128xi32, #tpu.memory_space<hbm>>
        tpu.enqueue_dma source(%dma_start3A_77 : memref<56x128xi32, #tpu.memory_space<hbm>>) target(%dma_start3A_73 : memref<56x128xi32, #tpu.memory_space<vmem>>) target_semaphore(%run_scoped3A : memref<!tpu.dma_semaphore, #tpu.memory_space<semaphore_mem>>)
        %dma_wait3A = arith.constant 0 : i32
        %dma_wait3A_78 = arith.constant 0 : i32
        %dma_wait3A_79 = tpu.memref_slice %arg7[%dma_wait3A, %dma_wait3A_78] : memref<56x128xi32, #tpu.memory_space<vmem>> -> memref<56x128xi32, #tpu.memory_space<vmem>>
        %dma_wait3A_80 = arith.constant 56 : i32
        %dma_wait3A_81 = arith.constant 0 : i32
        %dma_wait3A_82 = tpu.memref_slice %arg3[%arg1, %dma_wait3A_80, %dma_wait3A_81] : memref<16x157x128xi32, #tpu.memory_space<hbm>> -> memref<1x56x128xi32, #tpu.memory_space<hbm>>
        %dma_wait3A_83 = tpu.memref_squeeze %dma_wait3A_82 : memref<1x56x128xi32, #tpu.memory_space<hbm>> -> memref<56x128xi32, #tpu.memory_space<hbm>>
        %dma_wait3A_84 = arith.constant 0 : i32
        %dma_wait3A_85 = arith.constant 0 : i32
        %dma_wait3A_86 = tpu.memref_slice %arg7[%dma_wait3A_84, %dma_wait3A_85] : memref<56x128xi32, #tpu.memory_space<vmem>> -> memref<56x128xi32, #tpu.memory_space<vmem>>
        %dma_wait3A_87 = arith.constant 56 : i32
        %dma_wait3A_88 = arith.constant 0 : i32
        %dma_wait3A_89 = tpu.memref_slice %arg3[%arg1, %dma_wait3A_87, %dma_wait3A_88] : memref<16x157x128xi32, #tpu.memory_space<hbm>> -> memref<1x56x128xi32, #tpu.memory_space<hbm>>
        %dma_wait3A_90 = tpu.memref_squeeze %dma_wait3A_89 : memref<1x56x128xi32, #tpu.memory_space<hbm>> -> memref<56x128xi32, #tpu.memory_space<hbm>>
        tpu.wait_dma2 semaphore(%run_scoped3A : memref<!tpu.dma_semaphore, #tpu.memory_space<semaphore_mem>>) src(%dma_wait3A_90 : memref<56x128xi32, #tpu.memory_space<hbm>>) dst(%dma_wait3A_86 : memref<56x128xi32, #tpu.memory_space<vmem>>)
        tpu.yield
      }) : () -> ()
    } else {
    }
    %convert_element_type3A_31 = arith.extui %le3A_1 : i1 to i32
    %cond3A_32 = arith.constant 0 : i32
    %cond3A_33 = arith.cmpi ne, %convert_element_type3A_31, %cond3A_32 : i32
    scf.if %cond3A_33 {
      "tpu.region"() ({
        %run_scoped3A = tpu.sem_alloc : memref<!tpu.dma_semaphore, #tpu.memory_space<semaphore_mem>>
        %dma_start3A = arith.constant 0 : i32
        %dma_start3A_65 = arith.constant 0 : i32
        %dma_start3A_66 = tpu.memref_slice %arg8[%dma_start3A, %dma_start3A_65] : memref<56x128xi32, #tpu.memory_space<vmem>> -> memref<56x128xi32, #tpu.memory_space<vmem>>
        %dma_start3A_67 = arith.constant 56 : i32
        %dma_start3A_68 = arith.constant 0 : i32
        %dma_start3A_69 = tpu.memref_slice %arg4[%arg1, %dma_start3A_67, %dma_start3A_68] : memref<16x157x128xi32, #tpu.memory_space<hbm>> -> memref<1x56x128xi32, #tpu.memory_space<hbm>>
        %dma_start3A_70 = tpu.memref_squeeze %dma_start3A_69 : memref<1x56x128xi32, #tpu.memory_space<hbm>> -> memref<56x128xi32, #tpu.memory_space<hbm>>
        %dma_start3A_71 = arith.constant 0 : i32
        %dma_start3A_72 = arith.constant 0 : i32
        %dma_start3A_73 = tpu.memref_slice %arg8[%dma_start3A_71, %dma_start3A_72] : memref<56x128xi32, #tpu.memory_space<vmem>> -> memref<56x128xi32, #tpu.memory_space<vmem>>
        %dma_start3A_74 = arith.constant 56 : i32
        %dma_start3A_75 = arith.constant 0 : i32
        %dma_start3A_76 = tpu.memref_slice %arg4[%arg1, %dma_start3A_74, %dma_start3A_75] : memref<16x157x128xi32, #tpu.memory_space<hbm>> -> memref<1x56x128xi32, #tpu.memory_space<hbm>>
        %dma_start3A_77 = tpu.memref_squeeze %dma_start3A_76 : memref<1x56x128xi32, #tpu.memory_space<hbm>> -> memref<56x128xi32, #tpu.memory_space<hbm>>
        tpu.enqueue_dma source(%dma_start3A_77 : memref<56x128xi32, #tpu.memory_space<hbm>>) target(%dma_start3A_73 : memref<56x128xi32, #tpu.memory_space<vmem>>) target_semaphore(%run_scoped3A : memref<!tpu.dma_semaphore, #tpu.memory_space<semaphore_mem>>)
        %dma_wait3A = arith.constant 0 : i32
        %dma_wait3A_78 = arith.constant 0 : i32
        %dma_wait3A_79 = tpu.memref_slice %arg8[%dma_wait3A, %dma_wait3A_78] : memref<56x128xi32, #tpu.memory_space<vmem>> -> memref<56x128xi32, #tpu.memory_space<vmem>>
        %dma_wait3A_80 = arith.constant 56 : i32
        %dma_wait3A_81 = arith.constant 0 : i32
        %dma_wait3A_82 = tpu.memref_slice %arg4[%arg1, %dma_wait3A_80, %dma_wait3A_81] : memref<16x157x128xi32, #tpu.memory_space<hbm>> -> memref<1x56x128xi32, #tpu.memory_space<hbm>>
        %dma_wait3A_83 = tpu.memref_squeeze %dma_wait3A_82 : memref<1x56x128xi32, #tpu.memory_space<hbm>> -> memref<56x128xi32, #tpu.memory_space<hbm>>
        %dma_wait3A_84 = arith.constant 0 : i32
        %dma_wait3A_85 = arith.constant 0 : i32
        %dma_wait3A_86 = tpu.memref_slice %arg8[%dma_wait3A_84, %dma_wait3A_85] : memref<56x128xi32, #tpu.memory_space<vmem>> -> memref<56x128xi32, #tpu.memory_space<vmem>>
        %dma_wait3A_87 = arith.constant 56 : i32
        %dma_wait3A_88 = arith.constant 0 : i32
        %dma_wait3A_89 = tpu.memref_slice %arg4[%arg1, %dma_wait3A_87, %dma_wait3A_88] : memref<16x157x128xi32, #tpu.memory_space<hbm>> -> memref<1x56x128xi32, #tpu.memory_space<hbm>>
        %dma_wait3A_90 = tpu.memref_squeeze %dma_wait3A_89 : memref<1x56x128xi32, #tpu.memory_space<hbm>> -> memref<56x128xi32, #tpu.memory_space<hbm>>
        tpu.wait_dma2 semaphore(%run_scoped3A : memref<!tpu.dma_semaphore, #tpu.memory_space<semaphore_mem>>) src(%dma_wait3A_90 : memref<56x128xi32, #tpu.memory_space<hbm>>) dst(%dma_wait3A_86 : memref<56x128xi32, #tpu.memory_space<vmem>>)
        tpu.yield
      }) : () -> ()
    } else {
    }
    %convert_element_type3A_34 = arith.extui %eq3A_0 : i1 to i32
    %cond3A_35 = arith.constant 0 : i32
    %cond3A_36 = arith.cmpi ne, %convert_element_type3A_34, %cond3A_35 : i32
    scf.if %cond3A_36 {
      %dma_start3A = arith.constant 0 : i32
      %dma_start3A_65 = arith.constant 0 : i32
      %dma_start3A_66 = arith.constant 0 : i32
      %dma_start3A_67 = arith.constant 0 : i32
      %dma_start3A_68 = tpu.memref_slice %arg9[%dma_start3A_65, %dma_start3A_66, %dma_start3A_67] : memref<2x128x128xf32, #tpu.memory_space<vmem>> -> memref<1x128x128xf32, #tpu.memory_space<vmem>>
      %dma_start3A_69 = tpu.memref_squeeze %dma_start3A_68 : memref<1x128x128xf32, #tpu.memory_space<vmem>> -> memref<128x128xf32, #tpu.memory_space<vmem>>
      %dma_start3A_70 = arith.constant 0 : i32
      %dma_start3A_71 = tpu.memref_slice %arg7[%dma_start3A, %dma_start3A_70] : memref<56x128xi32, #tpu.memory_space<vmem>> -> memref<1x128xi32, #tpu.memory_space<vmem>>
      %dma_start3A_72 = tpu.memref_squeeze %dma_start3A_71 : memref<1x128xi32, #tpu.memory_space<vmem>> -> memref<128xi32, #tpu.memory_space<vmem>>
      %dma_start3A_73 = arith.constant 0 : i32
      %dma_start3A_74 = arith.constant 0 : i32
      %dma_start3A_75 = tpu.memref_slice %arg2[%dma_start3A_73, %dma_start3A_74] : memref<10240x128xf32, #tpu.memory_space<hbm>> -> memref<10240x128xf32, #tpu.memory_space<hbm>>
      tpu.enqueue_indirect_dma source(%dma_start3A_75 : memref<10240x128xf32, #tpu.memory_space<hbm>>) target(%dma_start3A_69 : memref<128x128xf32, #tpu.memory_space<vmem>>) offsets(%dma_start3A_72 : memref<128xi32, #tpu.memory_space<vmem>>) semaphore(%arg11 : memref<!tpu.dma_semaphore, #tpu.memory_space<semaphore_mem>>)
      %dma_start3A_76 = arith.constant 1 : i32
      %dma_start3A_77 = arith.constant 1 : i32
      %dma_start3A_78 = arith.constant 0 : i32
      %dma_start3A_79 = arith.constant 0 : i32
      %dma_start3A_80 = tpu.memref_slice %arg9[%dma_start3A_77, %dma_start3A_78, %dma_start3A_79] : memref<2x128x128xf32, #tpu.memory_space<vmem>> -> memref<1x128x128xf32, #tpu.memory_space<vmem>>
      %dma_start3A_81 = tpu.memref_squeeze %dma_start3A_80 : memref<1x128x128xf32, #tpu.memory_space<vmem>> -> memref<128x128xf32, #tpu.memory_space<vmem>>
      %dma_start3A_82 = arith.constant 0 : i32
      %dma_start3A_83 = tpu.memref_slice %arg7[%dma_start3A_76, %dma_start3A_82] : memref<56x128xi32, #tpu.memory_space<vmem>> -> memref<1x128xi32, #tpu.memory_space<vmem>>
      %dma_start3A_84 = tpu.memref_squeeze %dma_start3A_83 : memref<1x128xi32, #tpu.memory_space<vmem>> -> memref<128xi32, #tpu.memory_space<vmem>>
      %dma_start3A_85 = arith.constant 0 : i32
      %dma_start3A_86 = arith.constant 0 : i32
      %dma_start3A_87 = tpu.memref_slice %arg2[%dma_start3A_85, %dma_start3A_86] : memref<10240x128xf32, #tpu.memory_space<hbm>> -> memref<10240x128xf32, #tpu.memory_space<hbm>>
      tpu.enqueue_indirect_dma source(%dma_start3A_87 : memref<10240x128xf32, #tpu.memory_space<hbm>>) target(%dma_start3A_81 : memref<128x128xf32, #tpu.memory_space<vmem>>) offsets(%dma_start3A_84 : memref<128xi32, #tpu.memory_space<vmem>>) semaphore(%arg11 : memref<!tpu.dma_semaphore, #tpu.memory_space<semaphore_mem>>)
      %scan3A_88 = arith.constant 0 : i32
      %scan3A_89 = arith.constant 0 : i32
      %scan3A_90 = arith.constant 56 : i32
      %scan3A_91 = arith.addi %scan3A_89, %scan3A_90 : i32
      %scan3A_92 = arith.constant 1 : i32
      %scan3A_93 = scf.for %scan3A_95 = %scan3A_89 to %scan3A_91 step %scan3A_92 iter_args(%scan3A_96 = %scan3A_88) -> (i32)  : i32 {
        %jit3A = arith.constant 2 : i32
        %eq3A_97 = arith.constant 0 : i32
        %eq3A_98 = arith.cmpi eq, %jit3A, %eq3A_97 : i32
        %jit3A_99 = arith.constant 1 : i32
        %select_n3A = arith.select %eq3A_98, %jit3A_99, %jit3A : i32
        %rem3A = arith.remsi %scan3A_95, %select_n3A : i32
        %ne3A = arith.constant 0 : i32
        %ne3A_100 = arith.cmpi ne, %rem3A, %ne3A : i32
        %lt3A = arith.constant 0 : i32
        %lt3A_101 = arith.cmpi slt, %rem3A, %lt3A : i32
        %lt3A_102 = arith.constant 0 : i32
        %lt3A_103 = arith.cmpi slt, %select_n3A, %lt3A_102 : i32
        %ne3A_104 = arith.xori %lt3A_101, %lt3A_103 : i1
        %and3A = arith.andi %ne3A_104, %ne3A_100 : i1
        %add3A = arith.addi %rem3A, %select_n3A : i32
        %select_n3A_105 = arith.select %and3A, %add3A, %rem3A : i32
        %dma_wait3A = arith.constant 0 : i32
        %dma_wait3A_106 = arith.constant 0 : i32
        %dma_wait3A_107 = tpu.memref_slice %arg9[%select_n3A_105, %dma_wait3A, %dma_wait3A_106] : memref<2x128x128xf32, #tpu.memory_space<vmem>> -> memref<1x128x128xf32, #tpu.memory_space<vmem>>
        %dma_wait3A_108 = tpu.memref_squeeze %dma_wait3A_107 : memref<1x128x128xf32, #tpu.memory_space<vmem>> -> memref<128x128xf32, #tpu.memory_space<vmem>>
        %dma_wait3A_109 = arith.constant 0 : i32
        %dma_wait3A_110 = arith.constant 0 : i32
        %dma_wait3A_111 = tpu.memref_slice %arg2[%dma_wait3A_109, %dma_wait3A_110] : memref<10240x128xf32, #tpu.memory_space<hbm>> -> memref<128x128xf32, #tpu.memory_space<hbm>>
        %dma_wait3A_112 = arith.constant 0 : i32
        %dma_wait3A_113 = arith.constant 0 : i32
        %dma_wait3A_114 = tpu.memref_slice %arg9[%select_n3A_105, %dma_wait3A_112, %dma_wait3A_113] : memref<2x128x128xf32, #tpu.memory_space<vmem>> -> memref<1x128x128xf32, #tpu.memory_space<vmem>>
        %dma_wait3A_115 = tpu.memref_squeeze %dma_wait3A_114 : memref<1x128x128xf32, #tpu.memory_space<vmem>> -> memref<128x128xf32, #tpu.memory_space<vmem>>
        %dma_wait3A_116 = arith.constant 0 : i32
        %dma_wait3A_117 = arith.constant 0 : i32
        %dma_wait3A_118 = tpu.memref_slice %arg2[%dma_wait3A_116, %dma_wait3A_117] : memref<10240x128xf32, #tpu.memory_space<hbm>> -> memref<128x128xf32, #tpu.memory_space<hbm>>
        tpu.wait_dma2 semaphore(%arg11 : memref<!tpu.dma_semaphore, #tpu.memory_space<semaphore_mem>>) src(%dma_wait3A_118 : memref<128x128xf32, #tpu.memory_space<hbm>>) dst(%dma_wait3A_115 : memref<128x128xf32, #tpu.memory_space<vmem>>)
        "tpu.region"() ({
          %run_scoped3A = tpu.sem_alloc : memref<!tpu.dma_semaphore, #tpu.memory_space<semaphore_mem>>
          %dma_start3A_127 = arith.constant 0 : i32
          %dma_start3A_128 = arith.constant 0 : i32
          %dma_start3A_129 = tpu.memref_slice %arg9[%select_n3A_105, %dma_start3A_127, %dma_start3A_128] : memref<2x128x128xf32, #tpu.memory_space<vmem>> -> memref<1x128x128xf32, #tpu.memory_space<vmem>>
          %dma_start3A_130 = tpu.memref_squeeze %dma_start3A_129 : memref<1x128x128xf32, #tpu.memory_space<vmem>> -> memref<128x128xf32, #tpu.memory_space<vmem>>
          %dma_start3A_131 = arith.constant 0 : i32
          %dma_start3A_132 = tpu.memref_slice %arg8[%scan3A_95, %dma_start3A_131] : memref<56x128xi32, #tpu.memory_space<vmem>> -> memref<1x128xi32, #tpu.memory_space<vmem>>
          %dma_start3A_133 = tpu.memref_squeeze %dma_start3A_132 : memref<1x128xi32, #tpu.memory_space<vmem>> -> memref<128xi32, #tpu.memory_space<vmem>>
          %dma_start3A_134 = arith.constant 0 : i32
          %dma_start3A_135 = arith.constant 0 : i32
          %dma_start3A_136 = tpu.memref_slice %arg10[%dma_start3A_134, %dma_start3A_135] : memref<10240x128xf32, #tpu.memory_space<vmem_shared>> -> memref<10240x128xf32, #tpu.memory_space<vmem_shared>>
          tpu.enqueue_indirect_dma source(%dma_start3A_130 : memref<128x128xf32, #tpu.memory_space<vmem>>) target(%dma_start3A_136 : memref<10240x128xf32, #tpu.memory_space<vmem_shared>>) offsets(%dma_start3A_133 : memref<128xi32, #tpu.memory_space<vmem>>) semaphore(%run_scoped3A : memref<!tpu.dma_semaphore, #tpu.memory_space<semaphore_mem>>) {add = true}
          %dma_wait3A_137 = arith.constant 0 : i32
          %dma_wait3A_138 = arith.constant 0 : i32
          %dma_wait3A_139 = tpu.memref_slice %arg9[%select_n3A_105, %dma_wait3A_137, %dma_wait3A_138] : memref<2x128x128xf32, #tpu.memory_space<vmem>> -> memref<1x128x128xf32, #tpu.memory_space<vmem>>
          %dma_wait3A_140 = tpu.memref_squeeze %dma_wait3A_139 : memref<1x128x128xf32, #tpu.memory_space<vmem>> -> memref<128x128xf32, #tpu.memory_space<vmem>>
          %dma_wait3A_141 = arith.constant 0 : i32
          %dma_wait3A_142 = tpu.memref_slice %arg8[%scan3A_95, %dma_wait3A_141] : memref<56x128xi32, #tpu.memory_space<vmem>> -> memref<1x128xi32, #tpu.memory_space<vmem>>
          %dma_wait3A_143 = tpu.memref_squeeze %dma_wait3A_142 : memref<1x128xi32, #tpu.memory_space<vmem>> -> memref<128xi32, #tpu.memory_space<vmem>>
          %dma_wait3A_144 = arith.constant 0 : i32
          %dma_wait3A_145 = arith.constant 0 : i32
          %dma_wait3A_146 = tpu.memref_slice %arg10[%dma_wait3A_144, %dma_wait3A_145] : memref<10240x128xf32, #tpu.memory_space<vmem_shared>> -> memref<10240x128xf32, #tpu.memory_space<vmem_shared>>
          tpu.wait_indirect_dma semaphore(%run_scoped3A : memref<!tpu.dma_semaphore, #tpu.memory_space<semaphore_mem>>) src(%dma_wait3A_140 : memref<128x128xf32, #tpu.memory_space<vmem>>) dst(%dma_wait3A_146 : memref<10240x128xf32, #tpu.memory_space<vmem_shared>>)
          tpu.yield
        }) : () -> ()
        %add3A_119 = arith.constant 2 : i32
        %add3A_120 = arith.addi %scan3A_95, %add3A_119 : i32
        %lt3A_121 = arith.constant 56 : i32
        %lt3A_122 = arith.cmpi slt, %add3A_120, %lt3A_121 : i32
        %convert_element_type3A_123 = arith.extui %lt3A_122 : i1 to i32
        %cond3A_124 = arith.constant 0 : i32
        %cond3A_125 = arith.cmpi ne, %convert_element_type3A_123, %cond3A_124 : i32
        scf.if %cond3A_125 {
          %add3A_127 = arith.constant 2 : i32
          %add3A_128 = arith.addi %scan3A_95, %add3A_127 : i32
          %dma_start3A_129 = arith.constant 0 : i32
          %dma_start3A_130 = arith.constant 0 : i32
          %dma_start3A_131 = tpu.memref_slice %arg9[%select_n3A_105, %dma_start3A_129, %dma_start3A_130] : memref<2x128x128xf32, #tpu.memory_space<vmem>> -> memref<1x128x128xf32, #tpu.memory_space<vmem>>
          %dma_start3A_132 = tpu.memref_squeeze %dma_start3A_131 : memref<1x128x128xf32, #tpu.memory_space<vmem>> -> memref<128x128xf32, #tpu.memory_space<vmem>>
          %dma_start3A_133 = arith.constant 0 : i32
          %dma_start3A_134 = tpu.memref_slice %arg7[%add3A_128, %dma_start3A_133] : memref<56x128xi32, #tpu.memory_space<vmem>> -> memref<1x128xi32, #tpu.memory_space<vmem>>
          %dma_start3A_135 = tpu.memref_squeeze %dma_start3A_134 : memref<1x128xi32, #tpu.memory_space<vmem>> -> memref<128xi32, #tpu.memory_space<vmem>>
          %dma_start3A_136 = arith.constant 0 : i32
          %dma_start3A_137 = arith.constant 0 : i32
          %dma_start3A_138 = tpu.memref_slice %arg2[%dma_start3A_136, %dma_start3A_137] : memref<10240x128xf32, #tpu.memory_space<hbm>> -> memref<10240x128xf32, #tpu.memory_space<hbm>>
          tpu.enqueue_indirect_dma source(%dma_start3A_138 : memref<10240x128xf32, #tpu.memory_space<hbm>>) target(%dma_start3A_132 : memref<128x128xf32, #tpu.memory_space<vmem>>) offsets(%dma_start3A_135 : memref<128xi32, #tpu.memory_space<vmem>>) semaphore(%arg11 : memref<!tpu.dma_semaphore, #tpu.memory_space<semaphore_mem>>)
        } else {
        }
        %scan3A_126 = arith.constant 0 : i32
        scf.yield %scan3A_126 : i32
      }
      %scan3A_94 = arith.constant 56 : i32
    } else {
    }
    %not3A_37 = arith.constant true
    %not3A_38 = arith.xori %eq3A_0, %not3A_37 : i1
    %convert_element_type3A_39 = arith.extui %not3A_38 : i1 to i32
    %cond3A_40 = arith.constant 0 : i32
    %cond3A_41 = arith.cmpi ne, %convert_element_type3A_39, %cond3A_40 : i32
    scf.if %cond3A_41 {
      %scan3A_65 = arith.constant 0 : i32
      %scan3A_66 = arith.constant 0 : i32
      %scan3A_67 = arith.constant 56 : i32
      %scan3A_68 = arith.addi %scan3A_66, %scan3A_67 : i32
      %scan3A_69 = arith.constant 1 : i32
      %scan3A_70 = scf.for %scan3A_72 = %scan3A_66 to %scan3A_68 step %scan3A_69 iter_args(%scan3A_73 = %scan3A_65) -> (i32)  : i32 {
        %run_scoped3A = arith.constant 0 : i32
        "tpu.region"() ({
          %run_scoped3A_75 = tpu.sem_alloc : memref<!tpu.dma_semaphore, #tpu.memory_space<semaphore_mem>>
          %dma_start3A = arith.constant 0 : i32
          %dma_start3A_76 = arith.constant 0 : i32
          %dma_start3A_77 = tpu.memref_slice %arg9[%run_scoped3A, %dma_start3A, %dma_start3A_76] : memref<2x128x128xf32, #tpu.memory_space<vmem>> -> memref<1x128x128xf32, #tpu.memory_space<vmem>>
          %dma_start3A_78 = tpu.memref_squeeze %dma_start3A_77 : memref<1x128x128xf32, #tpu.memory_space<vmem>> -> memref<128x128xf32, #tpu.memory_space<vmem>>
          %dma_start3A_79 = arith.constant 0 : i32
          %dma_start3A_80 = tpu.memref_slice %arg8[%scan3A_72, %dma_start3A_79] : memref<56x128xi32, #tpu.memory_space<vmem>> -> memref<1x128xi32, #tpu.memory_space<vmem>>
          %dma_start3A_81 = tpu.memref_squeeze %dma_start3A_80 : memref<1x128xi32, #tpu.memory_space<vmem>> -> memref<128xi32, #tpu.memory_space<vmem>>
          %dma_start3A_82 = arith.constant 0 : i32
          %dma_start3A_83 = arith.constant 0 : i32
          %dma_start3A_84 = tpu.memref_slice %arg10[%dma_start3A_82, %dma_start3A_83] : memref<10240x128xf32, #tpu.memory_space<vmem_shared>> -> memref<10240x128xf32, #tpu.memory_space<vmem_shared>>
          tpu.enqueue_indirect_dma source(%dma_start3A_78 : memref<128x128xf32, #tpu.memory_space<vmem>>) target(%dma_start3A_84 : memref<10240x128xf32, #tpu.memory_space<vmem_shared>>) offsets(%dma_start3A_81 : memref<128xi32, #tpu.memory_space<vmem>>) semaphore(%run_scoped3A_75 : memref<!tpu.dma_semaphore, #tpu.memory_space<semaphore_mem>>) {add = true}
          %dma_wait3A = arith.constant 0 : i32
          %dma_wait3A_85 = arith.constant 0 : i32
          %dma_wait3A_86 = tpu.memref_slice %arg9[%run_scoped3A, %dma_wait3A, %dma_wait3A_85] : memref<2x128x128xf32, #tpu.memory_space<vmem>> -> memref<1x128x128xf32, #tpu.memory_space<vmem>>
          %dma_wait3A_87 = tpu.memref_squeeze %dma_wait3A_86 : memref<1x128x128xf32, #tpu.memory_space<vmem>> -> memref<128x128xf32, #tpu.memory_space<vmem>>
          %dma_wait3A_88 = arith.constant 0 : i32
          %dma_wait3A_89 = tpu.memref_slice %arg8[%scan3A_72, %dma_wait3A_88] : memref<56x128xi32, #tpu.memory_space<vmem>> -> memref<1x128xi32, #tpu.memory_space<vmem>>
          %dma_wait3A_90 = tpu.memref_squeeze %dma_wait3A_89 : memref<1x128xi32, #tpu.memory_space<vmem>> -> memref<128xi32, #tpu.memory_space<vmem>>
          %dma_wait3A_91 = arith.constant 0 : i32
          %dma_wait3A_92 = arith.constant 0 : i32
          %dma_wait3A_93 = tpu.memref_slice %arg10[%dma_wait3A_91, %dma_wait3A_92] : memref<10240x128xf32, #tpu.memory_space<vmem_shared>> -> memref<10240x128xf32, #tpu.memory_space<vmem_shared>>
          tpu.wait_indirect_dma semaphore(%run_scoped3A_75 : memref<!tpu.dma_semaphore, #tpu.memory_space<semaphore_mem>>) src(%dma_wait3A_87 : memref<128x128xf32, #tpu.memory_space<vmem>>) dst(%dma_wait3A_93 : memref<10240x128xf32, #tpu.memory_space<vmem_shared>>)
          tpu.yield
        }) : () -> ()
        %scan3A_74 = arith.constant 0 : i32
        scf.yield %scan3A_74 : i32
      }
      %scan3A_71 = arith.constant 56 : i32
    } else {
    }
    %convert_element_type3A_42 = arith.extui %eq3A_0 : i1 to i32
    %cond3A_43 = arith.constant 0 : i32
    %cond3A_44 = arith.cmpi ne, %convert_element_type3A_42, %cond3A_43 : i32
    scf.if %cond3A_44 {
      "tpu.region"() ({
        %run_scoped3A = tpu.sem_alloc : memref<!tpu.dma_semaphore, #tpu.memory_space<semaphore_mem>>
        %dma_start3A = arith.constant 0 : i32
        %dma_start3A_65 = arith.constant 0 : i32
        %dma_start3A_66 = tpu.memref_slice %arg7[%dma_start3A, %dma_start3A_65] : memref<56x128xi32, #tpu.memory_space<vmem>> -> memref<45x128xi32, #tpu.memory_space<vmem>>
        %dma_start3A_67 = arith.constant 112 : i32
        %dma_start3A_68 = arith.constant 0 : i32
        %dma_start3A_69 = tpu.memref_slice %arg3[%arg1, %dma_start3A_67, %dma_start3A_68] : memref<16x157x128xi32, #tpu.memory_space<hbm>> -> memref<1x45x128xi32, #tpu.memory_space<hbm>>
        %dma_start3A_70 = tpu.memref_squeeze %dma_start3A_69 : memref<1x45x128xi32, #tpu.memory_space<hbm>> -> memref<45x128xi32, #tpu.memory_space<hbm>>
        %dma_start3A_71 = arith.constant 0 : i32
        %dma_start3A_72 = arith.constant 0 : i32
        %dma_start3A_73 = tpu.memref_slice %arg7[%dma_start3A_71, %dma_start3A_72] : memref<56x128xi32, #tpu.memory_space<vmem>> -> memref<45x128xi32, #tpu.memory_space<vmem>>
        %dma_start3A_74 = arith.constant 112 : i32
        %dma_start3A_75 = arith.constant 0 : i32
        %dma_start3A_76 = tpu.memref_slice %arg3[%arg1, %dma_start3A_74, %dma_start3A_75] : memref<16x157x128xi32, #tpu.memory_space<hbm>> -> memref<1x45x128xi32, #tpu.memory_space<hbm>>
        %dma_start3A_77 = tpu.memref_squeeze %dma_start3A_76 : memref<1x45x128xi32, #tpu.memory_space<hbm>> -> memref<45x128xi32, #tpu.memory_space<hbm>>
        tpu.enqueue_dma source(%dma_start3A_77 : memref<45x128xi32, #tpu.memory_space<hbm>>) target(%dma_start3A_73 : memref<45x128xi32, #tpu.memory_space<vmem>>) target_semaphore(%run_scoped3A : memref<!tpu.dma_semaphore, #tpu.memory_space<semaphore_mem>>)
        %dma_wait3A = arith.constant 0 : i32
        %dma_wait3A_78 = arith.constant 0 : i32
        %dma_wait3A_79 = tpu.memref_slice %arg7[%dma_wait3A, %dma_wait3A_78] : memref<56x128xi32, #tpu.memory_space<vmem>> -> memref<45x128xi32, #tpu.memory_space<vmem>>
        %dma_wait3A_80 = arith.constant 112 : i32
        %dma_wait3A_81 = arith.constant 0 : i32
        %dma_wait3A_82 = tpu.memref_slice %arg3[%arg1, %dma_wait3A_80, %dma_wait3A_81] : memref<16x157x128xi32, #tpu.memory_space<hbm>> -> memref<1x45x128xi32, #tpu.memory_space<hbm>>
        %dma_wait3A_83 = tpu.memref_squeeze %dma_wait3A_82 : memref<1x45x128xi32, #tpu.memory_space<hbm>> -> memref<45x128xi32, #tpu.memory_space<hbm>>
        %dma_wait3A_84 = arith.constant 0 : i32
        %dma_wait3A_85 = arith.constant 0 : i32
        %dma_wait3A_86 = tpu.memref_slice %arg7[%dma_wait3A_84, %dma_wait3A_85] : memref<56x128xi32, #tpu.memory_space<vmem>> -> memref<45x128xi32, #tpu.memory_space<vmem>>
        %dma_wait3A_87 = arith.constant 112 : i32
        %dma_wait3A_88 = arith.constant 0 : i32
        %dma_wait3A_89 = tpu.memref_slice %arg3[%arg1, %dma_wait3A_87, %dma_wait3A_88] : memref<16x157x128xi32, #tpu.memory_space<hbm>> -> memref<1x45x128xi32, #tpu.memory_space<hbm>>
        %dma_wait3A_90 = tpu.memref_squeeze %dma_wait3A_89 : memref<1x45x128xi32, #tpu.memory_space<hbm>> -> memref<45x128xi32, #tpu.memory_space<hbm>>
        tpu.wait_dma2 semaphore(%run_scoped3A : memref<!tpu.dma_semaphore, #tpu.memory_space<semaphore_mem>>) src(%dma_wait3A_90 : memref<45x128xi32, #tpu.memory_space<hbm>>) dst(%dma_wait3A_86 : memref<45x128xi32, #tpu.memory_space<vmem>>)
        tpu.yield
      }) : () -> ()
    } else {
    }
    %convert_element_type3A_45 = arith.extui %le3A_1 : i1 to i32
    %cond3A_46 = arith.constant 0 : i32
    %cond3A_47 = arith.cmpi ne, %convert_element_type3A_45, %cond3A_46 : i32
    scf.if %cond3A_47 {
      "tpu.region"() ({
        %run_scoped3A = tpu.sem_alloc : memref<!tpu.dma_semaphore, #tpu.memory_space<semaphore_mem>>
        %dma_start3A = arith.constant 0 : i32
        %dma_start3A_65 = arith.constant 0 : i32
        %dma_start3A_66 = tpu.memref_slice %arg8[%dma_start3A, %dma_start3A_65] : memref<56x128xi32, #tpu.memory_space<vmem>> -> memref<45x128xi32, #tpu.memory_space<vmem>>
        %dma_start3A_67 = arith.constant 112 : i32
        %dma_start3A_68 = arith.constant 0 : i32
        %dma_start3A_69 = tpu.memref_slice %arg4[%arg1, %dma_start3A_67, %dma_start3A_68] : memref<16x157x128xi32, #tpu.memory_space<hbm>> -> memref<1x45x128xi32, #tpu.memory_space<hbm>>
        %dma_start3A_70 = tpu.memref_squeeze %dma_start3A_69 : memref<1x45x128xi32, #tpu.memory_space<hbm>> -> memref<45x128xi32, #tpu.memory_space<hbm>>
        %dma_start3A_71 = arith.constant 0 : i32
        %dma_start3A_72 = arith.constant 0 : i32
        %dma_start3A_73 = tpu.memref_slice %arg8[%dma_start3A_71, %dma_start3A_72] : memref<56x128xi32, #tpu.memory_space<vmem>> -> memref<45x128xi32, #tpu.memory_space<vmem>>
        %dma_start3A_74 = arith.constant 112 : i32
        %dma_start3A_75 = arith.constant 0 : i32
        %dma_start3A_76 = tpu.memref_slice %arg4[%arg1, %dma_start3A_74, %dma_start3A_75] : memref<16x157x128xi32, #tpu.memory_space<hbm>> -> memref<1x45x128xi32, #tpu.memory_space<hbm>>
        %dma_start3A_77 = tpu.memref_squeeze %dma_start3A_76 : memref<1x45x128xi32, #tpu.memory_space<hbm>> -> memref<45x128xi32, #tpu.memory_space<hbm>>
        tpu.enqueue_dma source(%dma_start3A_77 : memref<45x128xi32, #tpu.memory_space<hbm>>) target(%dma_start3A_73 : memref<45x128xi32, #tpu.memory_space<vmem>>) target_semaphore(%run_scoped3A : memref<!tpu.dma_semaphore, #tpu.memory_space<semaphore_mem>>)
        %dma_wait3A = arith.constant 0 : i32
        %dma_wait3A_78 = arith.constant 0 : i32
        %dma_wait3A_79 = tpu.memref_slice %arg8[%dma_wait3A, %dma_wait3A_78] : memref<56x128xi32, #tpu.memory_space<vmem>> -> memref<45x128xi32, #tpu.memory_space<vmem>>
        %dma_wait3A_80 = arith.constant 112 : i32
        %dma_wait3A_81 = arith.constant 0 : i32
        %dma_wait3A_82 = tpu.memref_slice %arg4[%arg1, %dma_wait3A_80, %dma_wait3A_81] : memref<16x157x128xi32, #tpu.memory_space<hbm>> -> memref<1x45x128xi32, #tpu.memory_space<hbm>>
        %dma_wait3A_83 = tpu.memref_squeeze %dma_wait3A_82 : memref<1x45x128xi32, #tpu.memory_space<hbm>> -> memref<45x128xi32, #tpu.memory_space<hbm>>
        %dma_wait3A_84 = arith.constant 0 : i32
        %dma_wait3A_85 = arith.constant 0 : i32
        %dma_wait3A_86 = tpu.memref_slice %arg8[%dma_wait3A_84, %dma_wait3A_85] : memref<56x128xi32, #tpu.memory_space<vmem>> -> memref<45x128xi32, #tpu.memory_space<vmem>>
        %dma_wait3A_87 = arith.constant 112 : i32
        %dma_wait3A_88 = arith.constant 0 : i32
        %dma_wait3A_89 = tpu.memref_slice %arg4[%arg1, %dma_wait3A_87, %dma_wait3A_88] : memref<16x157x128xi32, #tpu.memory_space<hbm>> -> memref<1x45x128xi32, #tpu.memory_space<hbm>>
        %dma_wait3A_90 = tpu.memref_squeeze %dma_wait3A_89 : memref<1x45x128xi32, #tpu.memory_space<hbm>> -> memref<45x128xi32, #tpu.memory_space<hbm>>
        tpu.wait_dma2 semaphore(%run_scoped3A : memref<!tpu.dma_semaphore, #tpu.memory_space<semaphore_mem>>) src(%dma_wait3A_90 : memref<45x128xi32, #tpu.memory_space<hbm>>) dst(%dma_wait3A_86 : memref<45x128xi32, #tpu.memory_space<vmem>>)
        tpu.yield
      }) : () -> ()
    } else {
    }
    %convert_element_type3A_48 = arith.extui %eq3A_0 : i1 to i32
    %cond3A_49 = arith.constant 0 : i32
    %cond3A_50 = arith.cmpi ne, %convert_element_type3A_48, %cond3A_49 : i32
    scf.if %cond3A_50 {
      %dma_start3A = arith.constant 0 : i32
      %dma_start3A_65 = arith.constant 0 : i32
      %dma_start3A_66 = arith.constant 0 : i32
      %dma_start3A_67 = arith.constant 0 : i32
      %dma_start3A_68 = tpu.memref_slice %arg9[%dma_start3A_65, %dma_start3A_66, %dma_start3A_67] : memref<2x128x128xf32, #tpu.memory_space<vmem>> -> memref<1x128x128xf32, #tpu.memory_space<vmem>>
      %dma_start3A_69 = tpu.memref_squeeze %dma_start3A_68 : memref<1x128x128xf32, #tpu.memory_space<vmem>> -> memref<128x128xf32, #tpu.memory_space<vmem>>
      %dma_start3A_70 = arith.constant 0 : i32
      %dma_start3A_71 = tpu.memref_slice %arg7[%dma_start3A, %dma_start3A_70] : memref<56x128xi32, #tpu.memory_space<vmem>> -> memref<1x128xi32, #tpu.memory_space<vmem>>
      %dma_start3A_72 = tpu.memref_squeeze %dma_start3A_71 : memref<1x128xi32, #tpu.memory_space<vmem>> -> memref<128xi32, #tpu.memory_space<vmem>>
      %dma_start3A_73 = arith.constant 0 : i32
      %dma_start3A_74 = arith.constant 0 : i32
      %dma_start3A_75 = tpu.memref_slice %arg2[%dma_start3A_73, %dma_start3A_74] : memref<10240x128xf32, #tpu.memory_space<hbm>> -> memref<10240x128xf32, #tpu.memory_space<hbm>>
      tpu.enqueue_indirect_dma source(%dma_start3A_75 : memref<10240x128xf32, #tpu.memory_space<hbm>>) target(%dma_start3A_69 : memref<128x128xf32, #tpu.memory_space<vmem>>) offsets(%dma_start3A_72 : memref<128xi32, #tpu.memory_space<vmem>>) semaphore(%arg11 : memref<!tpu.dma_semaphore, #tpu.memory_space<semaphore_mem>>)
      %dma_start3A_76 = arith.constant 1 : i32
      %dma_start3A_77 = arith.constant 1 : i32
      %dma_start3A_78 = arith.constant 0 : i32
      %dma_start3A_79 = arith.constant 0 : i32
      %dma_start3A_80 = tpu.memref_slice %arg9[%dma_start3A_77, %dma_start3A_78, %dma_start3A_79] : memref<2x128x128xf32, #tpu.memory_space<vmem>> -> memref<1x128x128xf32, #tpu.memory_space<vmem>>
      %dma_start3A_81 = tpu.memref_squeeze %dma_start3A_80 : memref<1x128x128xf32, #tpu.memory_space<vmem>> -> memref<128x128xf32, #tpu.memory_space<vmem>>
      %dma_start3A_82 = arith.constant 0 : i32
      %dma_start3A_83 = tpu.memref_slice %arg7[%dma_start3A_76, %dma_start3A_82] : memref<56x128xi32, #tpu.memory_space<vmem>> -> memref<1x128xi32, #tpu.memory_space<vmem>>
      %dma_start3A_84 = tpu.memref_squeeze %dma_start3A_83 : memref<1x128xi32, #tpu.memory_space<vmem>> -> memref<128xi32, #tpu.memory_space<vmem>>
      %dma_start3A_85 = arith.constant 0 : i32
      %dma_start3A_86 = arith.constant 0 : i32
      %dma_start3A_87 = tpu.memref_slice %arg2[%dma_start3A_85, %dma_start3A_86] : memref<10240x128xf32, #tpu.memory_space<hbm>> -> memref<10240x128xf32, #tpu.memory_space<hbm>>
      tpu.enqueue_indirect_dma source(%dma_start3A_87 : memref<10240x128xf32, #tpu.memory_space<hbm>>) target(%dma_start3A_81 : memref<128x128xf32, #tpu.memory_space<vmem>>) offsets(%dma_start3A_84 : memref<128xi32, #tpu.memory_space<vmem>>) semaphore(%arg11 : memref<!tpu.dma_semaphore, #tpu.memory_space<semaphore_mem>>)
      %scan3A_88 = arith.constant 0 : i32
      %scan3A_89 = arith.constant 0 : i32
      %scan3A_90 = arith.constant 45 : i32
      %scan3A_91 = arith.addi %scan3A_89, %scan3A_90 : i32
      %scan3A_92 = arith.constant 1 : i32
      %scan3A_93 = scf.for %scan3A_95 = %scan3A_89 to %scan3A_91 step %scan3A_92 iter_args(%scan3A_96 = %scan3A_88) -> (i32)  : i32 {
        %jit3A = arith.constant 2 : i32
        %eq3A_97 = arith.constant 0 : i32
        %eq3A_98 = arith.cmpi eq, %jit3A, %eq3A_97 : i32
        %jit3A_99 = arith.constant 1 : i32
        %select_n3A = arith.select %eq3A_98, %jit3A_99, %jit3A : i32
        %rem3A = arith.remsi %scan3A_95, %select_n3A : i32
        %ne3A = arith.constant 0 : i32
        %ne3A_100 = arith.cmpi ne, %rem3A, %ne3A : i32
        %lt3A = arith.constant 0 : i32
        %lt3A_101 = arith.cmpi slt, %rem3A, %lt3A : i32
        %lt3A_102 = arith.constant 0 : i32
        %lt3A_103 = arith.cmpi slt, %select_n3A, %lt3A_102 : i32
        %ne3A_104 = arith.xori %lt3A_101, %lt3A_103 : i1
        %and3A = arith.andi %ne3A_104, %ne3A_100 : i1
        %add3A = arith.addi %rem3A, %select_n3A : i32
        %select_n3A_105 = arith.select %and3A, %add3A, %rem3A : i32
        %dma_wait3A = arith.constant 0 : i32
        %dma_wait3A_106 = arith.constant 0 : i32
        %dma_wait3A_107 = tpu.memref_slice %arg9[%select_n3A_105, %dma_wait3A, %dma_wait3A_106] : memref<2x128x128xf32, #tpu.memory_space<vmem>> -> memref<1x128x128xf32, #tpu.memory_space<vmem>>
        %dma_wait3A_108 = tpu.memref_squeeze %dma_wait3A_107 : memref<1x128x128xf32, #tpu.memory_space<vmem>> -> memref<128x128xf32, #tpu.memory_space<vmem>>
        %dma_wait3A_109 = arith.constant 0 : i32
        %dma_wait3A_110 = arith.constant 0 : i32
        %dma_wait3A_111 = tpu.memref_slice %arg2[%dma_wait3A_109, %dma_wait3A_110] : memref<10240x128xf32, #tpu.memory_space<hbm>> -> memref<128x128xf32, #tpu.memory_space<hbm>>
        %dma_wait3A_112 = arith.constant 0 : i32
        %dma_wait3A_113 = arith.constant 0 : i32
        %dma_wait3A_114 = tpu.memref_slice %arg9[%select_n3A_105, %dma_wait3A_112, %dma_wait3A_113] : memref<2x128x128xf32, #tpu.memory_space<vmem>> -> memref<1x128x128xf32, #tpu.memory_space<vmem>>
        %dma_wait3A_115 = tpu.memref_squeeze %dma_wait3A_114 : memref<1x128x128xf32, #tpu.memory_space<vmem>> -> memref<128x128xf32, #tpu.memory_space<vmem>>
        %dma_wait3A_116 = arith.constant 0 : i32
        %dma_wait3A_117 = arith.constant 0 : i32
        %dma_wait3A_118 = tpu.memref_slice %arg2[%dma_wait3A_116, %dma_wait3A_117] : memref<10240x128xf32, #tpu.memory_space<hbm>> -> memref<128x128xf32, #tpu.memory_space<hbm>>
        tpu.wait_dma2 semaphore(%arg11 : memref<!tpu.dma_semaphore, #tpu.memory_space<semaphore_mem>>) src(%dma_wait3A_118 : memref<128x128xf32, #tpu.memory_space<hbm>>) dst(%dma_wait3A_115 : memref<128x128xf32, #tpu.memory_space<vmem>>)
        "tpu.region"() ({
          %run_scoped3A = tpu.sem_alloc : memref<!tpu.dma_semaphore, #tpu.memory_space<semaphore_mem>>
          %dma_start3A_127 = arith.constant 0 : i32
          %dma_start3A_128 = arith.constant 0 : i32
          %dma_start3A_129 = tpu.memref_slice %arg9[%select_n3A_105, %dma_start3A_127, %dma_start3A_128] : memref<2x128x128xf32, #tpu.memory_space<vmem>> -> memref<1x128x128xf32, #tpu.memory_space<vmem>>
          %dma_start3A_130 = tpu.memref_squeeze %dma_start3A_129 : memref<1x128x128xf32, #tpu.memory_space<vmem>> -> memref<128x128xf32, #tpu.memory_space<vmem>>
          %dma_start3A_131 = arith.constant 0 : i32
          %dma_start3A_132 = tpu.memref_slice %arg8[%scan3A_95, %dma_start3A_131] : memref<56x128xi32, #tpu.memory_space<vmem>> -> memref<1x128xi32, #tpu.memory_space<vmem>>
          %dma_start3A_133 = tpu.memref_squeeze %dma_start3A_132 : memref<1x128xi32, #tpu.memory_space<vmem>> -> memref<128xi32, #tpu.memory_space<vmem>>
          %dma_start3A_134 = arith.constant 0 : i32
          %dma_start3A_135 = arith.constant 0 : i32
          %dma_start3A_136 = tpu.memref_slice %arg10[%dma_start3A_134, %dma_start3A_135] : memref<10240x128xf32, #tpu.memory_space<vmem_shared>> -> memref<10240x128xf32, #tpu.memory_space<vmem_shared>>
          tpu.enqueue_indirect_dma source(%dma_start3A_130 : memref<128x128xf32, #tpu.memory_space<vmem>>) target(%dma_start3A_136 : memref<10240x128xf32, #tpu.memory_space<vmem_shared>>) offsets(%dma_start3A_133 : memref<128xi32, #tpu.memory_space<vmem>>) semaphore(%run_scoped3A : memref<!tpu.dma_semaphore, #tpu.memory_space<semaphore_mem>>) {add = true}
          %dma_wait3A_137 = arith.constant 0 : i32
          %dma_wait3A_138 = arith.constant 0 : i32
          %dma_wait3A_139 = tpu.memref_slice %arg9[%select_n3A_105, %dma_wait3A_137, %dma_wait3A_138] : memref<2x128x128xf32, #tpu.memory_space<vmem>> -> memref<1x128x128xf32, #tpu.memory_space<vmem>>
          %dma_wait3A_140 = tpu.memref_squeeze %dma_wait3A_139 : memref<1x128x128xf32, #tpu.memory_space<vmem>> -> memref<128x128xf32, #tpu.memory_space<vmem>>
          %dma_wait3A_141 = arith.constant 0 : i32
          %dma_wait3A_142 = tpu.memref_slice %arg8[%scan3A_95, %dma_wait3A_141] : memref<56x128xi32, #tpu.memory_space<vmem>> -> memref<1x128xi32, #tpu.memory_space<vmem>>
          %dma_wait3A_143 = tpu.memref_squeeze %dma_wait3A_142 : memref<1x128xi32, #tpu.memory_space<vmem>> -> memref<128xi32, #tpu.memory_space<vmem>>
          %dma_wait3A_144 = arith.constant 0 : i32
          %dma_wait3A_145 = arith.constant 0 : i32
          %dma_wait3A_146 = tpu.memref_slice %arg10[%dma_wait3A_144, %dma_wait3A_145] : memref<10240x128xf32, #tpu.memory_space<vmem_shared>> -> memref<10240x128xf32, #tpu.memory_space<vmem_shared>>
          tpu.wait_indirect_dma semaphore(%run_scoped3A : memref<!tpu.dma_semaphore, #tpu.memory_space<semaphore_mem>>) src(%dma_wait3A_140 : memref<128x128xf32, #tpu.memory_space<vmem>>) dst(%dma_wait3A_146 : memref<10240x128xf32, #tpu.memory_space<vmem_shared>>)
          tpu.yield
        }) : () -> ()
        %add3A_119 = arith.constant 2 : i32
        %add3A_120 = arith.addi %scan3A_95, %add3A_119 : i32
        %lt3A_121 = arith.constant 45 : i32
        %lt3A_122 = arith.cmpi slt, %add3A_120, %lt3A_121 : i32
        %convert_element_type3A_123 = arith.extui %lt3A_122 : i1 to i32
        %cond3A_124 = arith.constant 0 : i32
        %cond3A_125 = arith.cmpi ne, %convert_element_type3A_123, %cond3A_124 : i32
        scf.if %cond3A_125 {
          %add3A_127 = arith.constant 2 : i32
          %add3A_128 = arith.addi %scan3A_95, %add3A_127 : i32
          %dma_start3A_129 = arith.constant 0 : i32
          %dma_start3A_130 = arith.constant 0 : i32
          %dma_start3A_131 = tpu.memref_slice %arg9[%select_n3A_105, %dma_start3A_129, %dma_start3A_130] : memref<2x128x128xf32, #tpu.memory_space<vmem>> -> memref<1x128x128xf32, #tpu.memory_space<vmem>>
          %dma_start3A_132 = tpu.memref_squeeze %dma_start3A_131 : memref<1x128x128xf32, #tpu.memory_space<vmem>> -> memref<128x128xf32, #tpu.memory_space<vmem>>
          %dma_start3A_133 = arith.constant 0 : i32
          %dma_start3A_134 = tpu.memref_slice %arg7[%add3A_128, %dma_start3A_133] : memref<56x128xi32, #tpu.memory_space<vmem>> -> memref<1x128xi32, #tpu.memory_space<vmem>>
          %dma_start3A_135 = tpu.memref_squeeze %dma_start3A_134 : memref<1x128xi32, #tpu.memory_space<vmem>> -> memref<128xi32, #tpu.memory_space<vmem>>
          %dma_start3A_136 = arith.constant 0 : i32
          %dma_start3A_137 = arith.constant 0 : i32
          %dma_start3A_138 = tpu.memref_slice %arg2[%dma_start3A_136, %dma_start3A_137] : memref<10240x128xf32, #tpu.memory_space<hbm>> -> memref<10240x128xf32, #tpu.memory_space<hbm>>
          tpu.enqueue_indirect_dma source(%dma_start3A_138 : memref<10240x128xf32, #tpu.memory_space<hbm>>) target(%dma_start3A_132 : memref<128x128xf32, #tpu.memory_space<vmem>>) offsets(%dma_start3A_135 : memref<128xi32, #tpu.memory_space<vmem>>) semaphore(%arg11 : memref<!tpu.dma_semaphore, #tpu.memory_space<semaphore_mem>>)
        } else {
        }
        %scan3A_126 = arith.constant 0 : i32
        scf.yield %scan3A_126 : i32
      }
      %scan3A_94 = arith.constant 45 : i32
    } else {
    }
    %not3A_51 = arith.constant true
    %not3A_52 = arith.xori %eq3A_0, %not3A_51 : i1
    %convert_element_type3A_53 = arith.extui %not3A_52 : i1 to i32
    %cond3A_54 = arith.constant 0 : i32
    %cond3A_55 = arith.cmpi ne, %convert_element_type3A_53, %cond3A_54 : i32
    scf.if %cond3A_55 {
      %scan3A_65 = arith.constant 0 : i32
      %scan3A_66 = arith.constant 0 : i32
      %scan3A_67 = arith.constant 45 : i32
      %scan3A_68 = arith.addi %scan3A_66, %scan3A_67 : i32
      %scan3A_69 = arith.constant 1 : i32
      %scan3A_70 = scf.for %scan3A_72 = %scan3A_66 to %scan3A_68 step %scan3A_69 iter_args(%scan3A_73 = %scan3A_65) -> (i32)  : i32 {
        %run_scoped3A = arith.constant 0 : i32
        "tpu.region"() ({
          %run_scoped3A_75 = tpu.sem_alloc : memref<!tpu.dma_semaphore, #tpu.memory_space<semaphore_mem>>
          %dma_start3A = arith.constant 0 : i32
          %dma_start3A_76 = arith.constant 0 : i32
          %dma_start3A_77 = tpu.memref_slice %arg9[%run_scoped3A, %dma_start3A, %dma_start3A_76] : memref<2x128x128xf32, #tpu.memory_space<vmem>> -> memref<1x128x128xf32, #tpu.memory_space<vmem>>
          %dma_start3A_78 = tpu.memref_squeeze %dma_start3A_77 : memref<1x128x128xf32, #tpu.memory_space<vmem>> -> memref<128x128xf32, #tpu.memory_space<vmem>>
          %dma_start3A_79 = arith.constant 0 : i32
          %dma_start3A_80 = tpu.memref_slice %arg8[%scan3A_72, %dma_start3A_79] : memref<56x128xi32, #tpu.memory_space<vmem>> -> memref<1x128xi32, #tpu.memory_space<vmem>>
          %dma_start3A_81 = tpu.memref_squeeze %dma_start3A_80 : memref<1x128xi32, #tpu.memory_space<vmem>> -> memref<128xi32, #tpu.memory_space<vmem>>
          %dma_start3A_82 = arith.constant 0 : i32
          %dma_start3A_83 = arith.constant 0 : i32
          %dma_start3A_84 = tpu.memref_slice %arg10[%dma_start3A_82, %dma_start3A_83] : memref<10240x128xf32, #tpu.memory_space<vmem_shared>> -> memref<10240x128xf32, #tpu.memory_space<vmem_shared>>
          tpu.enqueue_indirect_dma source(%dma_start3A_78 : memref<128x128xf32, #tpu.memory_space<vmem>>) target(%dma_start3A_84 : memref<10240x128xf32, #tpu.memory_space<vmem_shared>>) offsets(%dma_start3A_81 : memref<128xi32, #tpu.memory_space<vmem>>) semaphore(%run_scoped3A_75 : memref<!tpu.dma_semaphore, #tpu.memory_space<semaphore_mem>>) {add = true}
          %dma_wait3A = arith.constant 0 : i32
          %dma_wait3A_85 = arith.constant 0 : i32
          %dma_wait3A_86 = tpu.memref_slice %arg9[%run_scoped3A, %dma_wait3A, %dma_wait3A_85] : memref<2x128x128xf32, #tpu.memory_space<vmem>> -> memref<1x128x128xf32, #tpu.memory_space<vmem>>
          %dma_wait3A_87 = tpu.memref_squeeze %dma_wait3A_86 : memref<1x128x128xf32, #tpu.memory_space<vmem>> -> memref<128x128xf32, #tpu.memory_space<vmem>>
          %dma_wait3A_88 = arith.constant 0 : i32
          %dma_wait3A_89 = tpu.memref_slice %arg8[%scan3A_72, %dma_wait3A_88] : memref<56x128xi32, #tpu.memory_space<vmem>> -> memref<1x128xi32, #tpu.memory_space<vmem>>
          %dma_wait3A_90 = tpu.memref_squeeze %dma_wait3A_89 : memref<1x128xi32, #tpu.memory_space<vmem>> -> memref<128xi32, #tpu.memory_space<vmem>>
          %dma_wait3A_91 = arith.constant 0 : i32
          %dma_wait3A_92 = arith.constant 0 : i32
          %dma_wait3A_93 = tpu.memref_slice %arg10[%dma_wait3A_91, %dma_wait3A_92] : memref<10240x128xf32, #tpu.memory_space<vmem_shared>> -> memref<10240x128xf32, #tpu.memory_space<vmem_shared>>
          tpu.wait_indirect_dma semaphore(%run_scoped3A_75 : memref<!tpu.dma_semaphore, #tpu.memory_space<semaphore_mem>>) src(%dma_wait3A_87 : memref<128x128xf32, #tpu.memory_space<vmem>>) dst(%dma_wait3A_93 : memref<10240x128xf32, #tpu.memory_space<vmem_shared>>)
          tpu.yield
        }) : () -> ()
        %scan3A_74 = arith.constant 0 : i32
        scf.yield %scan3A_74 : i32
      }
      %scan3A_71 = arith.constant 45 : i32
    } else {
    }
    %barrier3A_56 = arith.constant 0 : index
    tpu.barrier barrier_id(%barrier3A_56)
    %convert_element_type3A_57 = arith.extui %eq3A_0 : i1 to i32
    %cond3A_58 = arith.constant 0 : i32
    %cond3A_59 = arith.cmpi ne, %convert_element_type3A_57, %cond3A_58 : i32
    scf.if %cond3A_59 {
      "tpu.region"() ({
        %run_scoped3A = tpu.sem_alloc : memref<!tpu.dma_semaphore, #tpu.memory_space<semaphore_mem>>
        %dma_start3A = arith.constant 0 : i32
        %dma_start3A_65 = tpu.memref_slice %arg5[%mul3A_8, %dma_start3A] : memref<10240x128xf32, #tpu.memory_space<hbm>> -> memref<640x128xf32, #tpu.memory_space<hbm>>
        %dma_start3A_66 = arith.constant 0 : i32
        %dma_start3A_67 = tpu.memref_slice %arg10[%mul3A_8, %dma_start3A_66] : memref<10240x128xf32, #tpu.memory_space<vmem_shared>> -> memref<640x128xf32, #tpu.memory_space<vmem_shared>>
        tpu.enqueue_dma source(%dma_start3A_67 : memref<640x128xf32, #tpu.memory_space<vmem_shared>>) target(%dma_start3A_65 : memref<640x128xf32, #tpu.memory_space<hbm>>) target_semaphore(%run_scoped3A : memref<!tpu.dma_semaphore, #tpu.memory_space<semaphore_mem>>)
        %dma_wait3A = arith.constant 0 : i32
        %dma_wait3A_68 = tpu.memref_slice %arg5[%mul3A_8, %dma_wait3A] : memref<10240x128xf32, #tpu.memory_space<hbm>> -> memref<640x128xf32, #tpu.memory_space<hbm>>
        %dma_wait3A_69 = arith.constant 0 : i32
        %dma_wait3A_70 = tpu.memref_slice %arg10[%mul3A_8, %dma_wait3A_69] : memref<10240x128xf32, #tpu.memory_space<vmem_shared>> -> memref<640x128xf32, #tpu.memory_space<vmem_shared>>
        tpu.wait_dma2 semaphore(%run_scoped3A : memref<!tpu.dma_semaphore, #tpu.memory_space<semaphore_mem>>) src(%dma_wait3A_70 : memref<640x128xf32, #tpu.memory_space<vmem_shared>>) dst(%dma_wait3A_68 : memref<640x128xf32, #tpu.memory_space<hbm>>)
        tpu.yield
      }) : () -> ()
    } else {
    }
    %not3A_60 = arith.constant true
    %not3A_61 = arith.xori %eq3A_0, %not3A_60 : i1
    %convert_element_type3A_62 = arith.extui %not3A_61 : i1 to i32
    %cond3A_63 = arith.constant 0 : i32
    %cond3A_64 = arith.cmpi ne, %convert_element_type3A_62, %cond3A_63 : i32
    scf.if %cond3A_64 {
      "tpu.region"() ({
        %run_scoped3A = tpu.sem_alloc : memref<!tpu.dma_semaphore, #tpu.memory_space<semaphore_mem>>
        %dma_start3A = arith.constant 0 : i32
        %dma_start3A_65 = tpu.memref_slice %arg6[%mul3A_8, %dma_start3A] : memref<10240x128xf32, #tpu.memory_space<hbm>> -> memref<640x128xf32, #tpu.memory_space<hbm>>
        %dma_start3A_66 = arith.constant 0 : i32
        %dma_start3A_67 = tpu.memref_slice %arg10[%mul3A_8, %dma_start3A_66] : memref<10240x128xf32, #tpu.memory_space<vmem_shared>> -> memref<640x128xf32, #tpu.memory_space<vmem_shared>>
        tpu.enqueue_dma source(%dma_start3A_67 : memref<640x128xf32, #tpu.memory_space<vmem_shared>>) target(%dma_start3A_65 : memref<640x128xf32, #tpu.memory_space<hbm>>) target_semaphore(%run_scoped3A : memref<!tpu.dma_semaphore, #tpu.memory_space<semaphore_mem>>)
        %dma_wait3A = arith.constant 0 : i32
        %dma_wait3A_68 = tpu.memref_slice %arg6[%mul3A_8, %dma_wait3A] : memref<10240x128xf32, #tpu.memory_space<hbm>> -> memref<640x128xf32, #tpu.memory_space<hbm>>
        %dma_wait3A_69 = arith.constant 0 : i32
        %dma_wait3A_70 = tpu.memref_slice %arg10[%mul3A_8, %dma_wait3A_69] : memref<10240x128xf32, #tpu.memory_space<vmem_shared>> -> memref<640x128xf32, #tpu.memory_space<vmem_shared>>
        tpu.wait_dma2 semaphore(%run_scoped3A : memref<!tpu.dma_semaphore, #tpu.memory_space<semaphore_mem>>) src(%dma_wait3A_70 : memref<640x128xf32, #tpu.memory_space<vmem_shared>>) dst(%dma_wait3A_68 : memref<640x128xf32, #tpu.memory_space<hbm>>)
        tpu.yield
      }) : () -> ()
    } else {
    }
    return
  }
}

#map = affine_map<(d0, d1) -> (0, 0)>
#map1 = affine_map<(d0, d1) -> (0, 0, 0)>
module attributes {stable_mosaic.version = 14 : i64} {
  func.func @body(%arg0: i32, %arg1: i32, %arg2: memref<10240x128xf32, #tpu.memory_space<hbm>>, %arg3: memref<16x157x128xi32, #tpu.memory_space<hbm>>, %arg4: memref<16x157x128xi32, #tpu.memory_space<hbm>>, %arg5: memref<10240x128xf32, #tpu.memory_space<hbm>>, %arg6: memref<56x128xi32, #tpu.memory_space<vmem>>, %arg7: memref<56x128xi32, #tpu.memory_space<vmem>>, %arg8: memref<2x128x128xf32, #tpu.memory_space<vmem>>, %arg9: memref<10240x128xf32, #tpu.memory_space<vmem_shared>>, %arg10: memref<!tpu.dma_semaphore, #tpu.memory_space<semaphore_mem>>) attributes {dimension_semantics = [#tpu.dimension_semantics<core_parallel>, #tpu.dimension_semantics<subcore_parallel>], iteration_bounds = array<i64: 2, 16>, scalar_prefetch = 0 : i64, scratch_operands = 5 : i64, tpu.core_type = #tpu.core_type<sc_vector_subcore>, window_params = [{transform_indices = #map}, {transform_indices = #map1}, {transform_indices = #map1}, {transform_indices = #map}]} {
    %eq3A = arith.constant 0 : i32
    %eq3A_0 = arith.cmpi eq, %arg0, %eq3A : i32
    %le3A = arith.constant 0 : i32
    %le3A_1 = arith.cmpi sle, %arg0, %le3A : i32
    %scan3A = arith.constant 0 : i32
    %scan3A_2 = arith.constant 0 : i32
    %scan3A_3 = arith.constant 1024 : i32
    %scan3A_4 = arith.addi %scan3A_2, %scan3A_3 : i32
    %scan3A_5 = arith.constant 1 : i32
    %scan3A_6 = scf.for %scan3A_41 = %scan3A_2 to %scan3A_4 step %scan3A_5 iter_args(%scan3A_42 = %scan3A) -> (i32)  : i32 {
      %jit3A = arith.constant 8 : i32
      %div3A = arith.divsi %scan3A_41, %jit3A : i32
      %sign3A = arith.constant 0 : i32
      %sign3A_43 = arith.cmpi sgt, %scan3A_41, %sign3A : i32
      %sign3A_44 = arith.extui %sign3A_43 : i1 to i32
      %sign3A_45 = arith.constant 0 : i32
      %sign3A_46 = arith.cmpi slt, %scan3A_41, %sign3A_45 : i32
      %sign3A_47 = arith.extui %sign3A_46 : i1 to i32
      %sign3A_48 = arith.subi %sign3A_44, %sign3A_47 : i32
      %sign3A_49 = arith.constant 0 : i32
      %sign3A_50 = arith.cmpi sgt, %jit3A, %sign3A_49 : i32
      %sign3A_51 = arith.extui %sign3A_50 : i1 to i32
      %sign3A_52 = arith.constant 0 : i32
      %sign3A_53 = arith.cmpi slt, %jit3A, %sign3A_52 : i32
      %sign3A_54 = arith.extui %sign3A_53 : i1 to i32
      %sign3A_55 = arith.subi %sign3A_51, %sign3A_54 : i32
      %ne3A = arith.cmpi ne, %sign3A_48, %sign3A_55 : i32
      %rem3A = arith.remsi %scan3A_41, %jit3A : i32
      %ne3A_56 = arith.constant 0 : i32
      %ne3A_57 = arith.cmpi ne, %rem3A, %ne3A_56 : i32
      %and3A = arith.andi %ne3A, %ne3A_57 : i1
      %sub3A = arith.constant 1 : i32
      %sub3A_58 = arith.subi %div3A, %sub3A : i32
      %select_n3A = arith.select %and3A, %sub3A_58, %div3A : i32
      %jit3A_59 = arith.constant 8 : i32
      %eq3A_60 = arith.constant 0 : i32
      %eq3A_61 = arith.cmpi eq, %jit3A_59, %eq3A_60 : i32
      %jit3A_62 = arith.constant 1 : i32
      %select_n3A_63 = arith.select %eq3A_61, %jit3A_62, %jit3A_59 : i32
      %rem3A_64 = arith.remsi %scan3A_41, %select_n3A_63 : i32
      %ne3A_65 = arith.constant 0 : i32
      %ne3A_66 = arith.cmpi ne, %rem3A_64, %ne3A_65 : i32
      %lt3A = arith.constant 0 : i32
      %lt3A_67 = arith.cmpi slt, %rem3A_64, %lt3A : i32
      %lt3A_68 = arith.constant 0 : i32
      %lt3A_69 = arith.cmpi slt, %select_n3A_63, %lt3A_68 : i32
      %ne3A_70 = arith.xori %lt3A_67, %lt3A_69 : i1
      %and3A_71 = arith.andi %ne3A_70, %ne3A_66 : i1
      %add3A = arith.addi %rem3A_64, %select_n3A_63 : i32
      %select_n3A_72 = arith.select %and3A_71, %add3A, %rem3A_64 : i32
      %broadcast_in_dim3A = arith.constant 0.000000e+00 : f32
      %broadcast_in_dim3A_73 = vector.broadcast %broadcast_in_dim3A : f32 to vector<16xf32>
      %mul3A_74 = arith.constant 16 : i32
      %mul3A_75 = arith.muli %select_n3A_72, %mul3A_74 : i32
      %swap3A = arith.constant 0 : i32
      %swap3A_76 = arith.index_cast %swap3A : i32 to index
      %swap3A_77 = arith.index_cast %select_n3A : i32 to index
      %swap3A_78 = arith.index_cast %mul3A_75 : i32 to index
      %swap3A_79 = tpu.vector_load %arg8[%swap3A_76, %swap3A_77, %swap3A_78] {strides = array<i32>} : memref<2x128x128xf32, #tpu.memory_space<vmem>>, vector<1x1x16xf32>,
      %swap3A_80 = vector.shape_cast %swap3A_79 : vector<1x1x16xf32> to vector<16xf32>
      %swap3A_81 = vector.shape_cast %broadcast_in_dim3A_73 : vector<16xf32> to vector<1x1x16xf32>
      tpu.vector_store %arg8[%swap3A_76, %swap3A_77, %swap3A_78], %swap3A_81 {strides = array<i32>} : memref<2x128x128xf32, #tpu.memory_space<vmem>>, vector<1x1x16xf32>,
      %scan3A_82 = arith.constant 0 : i32
      scf.yield %scan3A_82 : i32
    }
    %scan3A_7 = arith.constant 1024 : i32
    %mul3A = arith.constant 640 : i32
    %mul3A_8 = arith.muli %arg1, %mul3A : i32
    %convert_element_type3A = arith.extui %le3A_1 : i1 to i32
    %cond3A = arith.constant 0 : i32
    %cond3A_9 = arith.cmpi ne, %convert_element_type3A, %cond3A : i32
    scf.if %cond3A_9 {
      %scan3A_41 = arith.constant 0 : i32
      %scan3A_42 = arith.constant 0 : i32
      %scan3A_43 = arith.constant 5 : i32
      %scan3A_44 = arith.addi %scan3A_42, %scan3A_43 : i32
      %scan3A_45 = arith.constant 1 : i32
      %scan3A_46 = scf.for %scan3A_48 = %scan3A_42 to %scan3A_44 step %scan3A_45 iter_args(%scan3A_49 = %scan3A_41) -> (i32)  : i32 {
        %mul3A_50 = arith.constant 128 : i32
        %mul3A_51 = arith.muli %scan3A_48, %mul3A_50 : i32
        %add3A = arith.addi %mul3A_8, %mul3A_51 : i32
        %run_scoped3A = arith.constant 0 : i32
        "tpu.region"() ({
          %run_scoped3A_53 = tpu.sem_alloc : memref<!tpu.dma_semaphore, #tpu.memory_space<semaphore_mem>>
          %dma_start3A = arith.constant 0 : i32
          %dma_start3A_54 = arith.constant 0 : i32
          %dma_start3A_55 = tpu.memref_slice %arg8[%run_scoped3A, %dma_start3A, %dma_start3A_54] : memref<2x128x128xf32, #tpu.memory_space<vmem>> -> memref<1x128x128xf32, #tpu.memory_space<vmem>>
          %dma_start3A_56 = tpu.memref_squeeze %dma_start3A_55 : memref<1x128x128xf32, #tpu.memory_space<vmem>> -> memref<128x128xf32, #tpu.memory_space<vmem>>
          %dma_start3A_57 = arith.constant 0 : i32
          %dma_start3A_58 = tpu.memref_slice %arg9[%add3A, %dma_start3A_57] : memref<10240x128xf32, #tpu.memory_space<vmem_shared>> -> memref<128x128xf32, #tpu.memory_space<vmem_shared>>
          %dma_start3A_59 = arith.constant 0 : i32
          %dma_start3A_60 = tpu.memref_slice %arg9[%add3A, %dma_start3A_59] : memref<10240x128xf32, #tpu.memory_space<vmem_shared>> -> memref<128x128xf32, #tpu.memory_space<vmem_shared>>
          %dma_start3A_61 = arith.constant 0 : i32
          %dma_start3A_62 = arith.constant 0 : i32
          %dma_start3A_63 = tpu.memref_slice %arg8[%run_scoped3A, %dma_start3A_61, %dma_start3A_62] : memref<2x128x128xf32, #tpu.memory_space<vmem>> -> memref<1x128x128xf32, #tpu.memory_space<vmem>>
          %dma_start3A_64 = tpu.memref_squeeze %dma_start3A_63 : memref<1x128x128xf32, #tpu.memory_space<vmem>> -> memref<128x128xf32, #tpu.memory_space<vmem>>
          tpu.enqueue_dma source(%dma_start3A_64 : memref<128x128xf32, #tpu.memory_space<vmem>>) target(%dma_start3A_60 : memref<128x128xf32, #tpu.memory_space<vmem_shared>>) target_semaphore(%run_scoped3A_53 : memref<!tpu.dma_semaphore, #tpu.memory_space<semaphore_mem>>)
          %dma_wait3A = arith.constant 0 : i32
          %dma_wait3A_65 = arith.constant 0 : i32
          %dma_wait3A_66 = tpu.memref_slice %arg8[%run_scoped3A, %dma_wait3A, %dma_wait3A_65] : memref<2x128x128xf32, #tpu.memory_space<vmem>> -> memref<1x128x128xf32, #tpu.memory_space<vmem>>
          %dma_wait3A_67 = tpu.memref_squeeze %dma_wait3A_66 : memref<1x128x128xf32, #tpu.memory_space<vmem>> -> memref<128x128xf32, #tpu.memory_space<vmem>>
          %dma_wait3A_68 = arith.constant 0 : i32
          %dma_wait3A_69 = tpu.memref_slice %arg9[%add3A, %dma_wait3A_68] : memref<10240x128xf32, #tpu.memory_space<vmem_shared>> -> memref<128x128xf32, #tpu.memory_space<vmem_shared>>
          %dma_wait3A_70 = arith.constant 0 : i32
          %dma_wait3A_71 = tpu.memref_slice %arg9[%add3A, %dma_wait3A_70] : memref<10240x128xf32, #tpu.memory_space<vmem_shared>> -> memref<128x128xf32, #tpu.memory_space<vmem_shared>>
          %dma_wait3A_72 = arith.constant 0 : i32
          %dma_wait3A_73 = arith.constant 0 : i32
          %dma_wait3A_74 = tpu.memref_slice %arg8[%run_scoped3A, %dma_wait3A_72, %dma_wait3A_73] : memref<2x128x128xf32, #tpu.memory_space<vmem>> -> memref<1x128x128xf32, #tpu.memory_space<vmem>>
          %dma_wait3A_75 = tpu.memref_squeeze %dma_wait3A_74 : memref<1x128x128xf32, #tpu.memory_space<vmem>> -> memref<128x128xf32, #tpu.memory_space<vmem>>
          tpu.wait_dma2 semaphore(%run_scoped3A_53 : memref<!tpu.dma_semaphore, #tpu.memory_space<semaphore_mem>>) src(%dma_wait3A_75 : memref<128x128xf32, #tpu.memory_space<vmem>>) dst(%dma_wait3A_71 : memref<128x128xf32, #tpu.memory_space<vmem_shared>>)
          tpu.yield
        }) : () -> ()
        %scan3A_52 = arith.constant 0 : i32
        scf.yield %scan3A_52 : i32
      }
      %scan3A_47 = arith.constant 5 : i32
    } else {
    }
    %barrier3A = arith.constant 0 : index
    tpu.barrier barrier_id(%barrier3A)
    %convert_element_type3A_10 = arith.extui %eq3A_0 : i1 to i32
    %cond3A_11 = arith.constant 0 : i32
    %cond3A_12 = arith.cmpi ne, %convert_element_type3A_10, %cond3A_11 : i32
    scf.if %cond3A_12 {
      "tpu.region"() ({
        %run_scoped3A = tpu.sem_alloc : memref<!tpu.dma_semaphore, #tpu.memory_space<semaphore_mem>>
        %dma_start3A = arith.constant 0 : i32
        %dma_start3A_41 = arith.constant 0 : i32
        %dma_start3A_42 = tpu.memref_slice %arg6[%dma_start3A, %dma_start3A_41] : memref<56x128xi32, #tpu.memory_space<vmem>> -> memref<56x128xi32, #tpu.memory_space<vmem>>
        %dma_start3A_43 = arith.constant 0 : i32
        %dma_start3A_44 = arith.constant 0 : i32
        %dma_start3A_45 = tpu.memref_slice %arg3[%arg1, %dma_start3A_43, %dma_start3A_44] : memref<16x157x128xi32, #tpu.memory_space<hbm>> -> memref<1x56x128xi32, #tpu.memory_space<hbm>>
        %dma_start3A_46 = tpu.memref_squeeze %dma_start3A_45 : memref<1x56x128xi32, #tpu.memory_space<hbm>> -> memref<56x128xi32, #tpu.memory_space<hbm>>
        %dma_start3A_47 = arith.constant 0 : i32
        %dma_start3A_48 = arith.constant 0 : i32
        %dma_start3A_49 = tpu.memref_slice %arg6[%dma_start3A_47, %dma_start3A_48] : memref<56x128xi32, #tpu.memory_space<vmem>> -> memref<56x128xi32, #tpu.memory_space<vmem>>
        %dma_start3A_50 = arith.constant 0 : i32
        %dma_start3A_51 = arith.constant 0 : i32
        %dma_start3A_52 = tpu.memref_slice %arg3[%arg1, %dma_start3A_50, %dma_start3A_51] : memref<16x157x128xi32, #tpu.memory_space<hbm>> -> memref<1x56x128xi32, #tpu.memory_space<hbm>>
        %dma_start3A_53 = tpu.memref_squeeze %dma_start3A_52 : memref<1x56x128xi32, #tpu.memory_space<hbm>> -> memref<56x128xi32, #tpu.memory_space<hbm>>
        tpu.enqueue_dma source(%dma_start3A_53 : memref<56x128xi32, #tpu.memory_space<hbm>>) target(%dma_start3A_49 : memref<56x128xi32, #tpu.memory_space<vmem>>) target_semaphore(%run_scoped3A : memref<!tpu.dma_semaphore, #tpu.memory_space<semaphore_mem>>)
        %dma_wait3A = arith.constant 0 : i32
        %dma_wait3A_54 = arith.constant 0 : i32
        %dma_wait3A_55 = tpu.memref_slice %arg6[%dma_wait3A, %dma_wait3A_54] : memref<56x128xi32, #tpu.memory_space<vmem>> -> memref<56x128xi32, #tpu.memory_space<vmem>>
        %dma_wait3A_56 = arith.constant 0 : i32
        %dma_wait3A_57 = arith.constant 0 : i32
        %dma_wait3A_58 = tpu.memref_slice %arg3[%arg1, %dma_wait3A_56, %dma_wait3A_57] : memref<16x157x128xi32, #tpu.memory_space<hbm>> -> memref<1x56x128xi32, #tpu.memory_space<hbm>>
        %dma_wait3A_59 = tpu.memref_squeeze %dma_wait3A_58 : memref<1x56x128xi32, #tpu.memory_space<hbm>> -> memref<56x128xi32, #tpu.memory_space<hbm>>
        %dma_wait3A_60 = arith.constant 0 : i32
        %dma_wait3A_61 = arith.constant 0 : i32
        %dma_wait3A_62 = tpu.memref_slice %arg6[%dma_wait3A_60, %dma_wait3A_61] : memref<56x128xi32, #tpu.memory_space<vmem>> -> memref<56x128xi32, #tpu.memory_space<vmem>>
        %dma_wait3A_63 = arith.constant 0 : i32
        %dma_wait3A_64 = arith.constant 0 : i32
        %dma_wait3A_65 = tpu.memref_slice %arg3[%arg1, %dma_wait3A_63, %dma_wait3A_64] : memref<16x157x128xi32, #tpu.memory_space<hbm>> -> memref<1x56x128xi32, #tpu.memory_space<hbm>>
        %dma_wait3A_66 = tpu.memref_squeeze %dma_wait3A_65 : memref<1x56x128xi32, #tpu.memory_space<hbm>> -> memref<56x128xi32, #tpu.memory_space<hbm>>
        tpu.wait_dma2 semaphore(%run_scoped3A : memref<!tpu.dma_semaphore, #tpu.memory_space<semaphore_mem>>) src(%dma_wait3A_66 : memref<56x128xi32, #tpu.memory_space<hbm>>) dst(%dma_wait3A_62 : memref<56x128xi32, #tpu.memory_space<vmem>>)
        tpu.yield
      }) : () -> ()
    } else {
    }
    %convert_element_type3A_13 = arith.extui %le3A_1 : i1 to i32
    %cond3A_14 = arith.constant 0 : i32
    %cond3A_15 = arith.cmpi ne, %convert_element_type3A_13, %cond3A_14 : i32
    scf.if %cond3A_15 {
      "tpu.region"() ({
        %run_scoped3A = tpu.sem_alloc : memref<!tpu.dma_semaphore, #tpu.memory_space<semaphore_mem>>
        %dma_start3A = arith.constant 0 : i32
        %dma_start3A_41 = arith.constant 0 : i32
        %dma_start3A_42 = tpu.memref_slice %arg7[%dma_start3A, %dma_start3A_41] : memref<56x128xi32, #tpu.memory_space<vmem>> -> memref<56x128xi32, #tpu.memory_space<vmem>>
        %dma_start3A_43 = arith.constant 0 : i32
        %dma_start3A_44 = arith.constant 0 : i32
        %dma_start3A_45 = tpu.memref_slice %arg4[%arg1, %dma_start3A_43, %dma_start3A_44] : memref<16x157x128xi32, #tpu.memory_space<hbm>> -> memref<1x56x128xi32, #tpu.memory_space<hbm>>
        %dma_start3A_46 = tpu.memref_squeeze %dma_start3A_45 : memref<1x56x128xi32, #tpu.memory_space<hbm>> -> memref<56x128xi32, #tpu.memory_space<hbm>>
        %dma_start3A_47 = arith.constant 0 : i32
        %dma_start3A_48 = arith.constant 0 : i32
        %dma_start3A_49 = tpu.memref_slice %arg7[%dma_start3A_47, %dma_start3A_48] : memref<56x128xi32, #tpu.memory_space<vmem>> -> memref<56x128xi32, #tpu.memory_space<vmem>>
        %dma_start3A_50 = arith.constant 0 : i32
        %dma_start3A_51 = arith.constant 0 : i32
        %dma_start3A_52 = tpu.memref_slice %arg4[%arg1, %dma_start3A_50, %dma_start3A_51] : memref<16x157x128xi32, #tpu.memory_space<hbm>> -> memref<1x56x128xi32, #tpu.memory_space<hbm>>
        %dma_start3A_53 = tpu.memref_squeeze %dma_start3A_52 : memref<1x56x128xi32, #tpu.memory_space<hbm>> -> memref<56x128xi32, #tpu.memory_space<hbm>>
        tpu.enqueue_dma source(%dma_start3A_53 : memref<56x128xi32, #tpu.memory_space<hbm>>) target(%dma_start3A_49 : memref<56x128xi32, #tpu.memory_space<vmem>>) target_semaphore(%run_scoped3A : memref<!tpu.dma_semaphore, #tpu.memory_space<semaphore_mem>>)
        %dma_wait3A = arith.constant 0 : i32
        %dma_wait3A_54 = arith.constant 0 : i32
        %dma_wait3A_55 = tpu.memref_slice %arg7[%dma_wait3A, %dma_wait3A_54] : memref<56x128xi32, #tpu.memory_space<vmem>> -> memref<56x128xi32, #tpu.memory_space<vmem>>
        %dma_wait3A_56 = arith.constant 0 : i32
        %dma_wait3A_57 = arith.constant 0 : i32
        %dma_wait3A_58 = tpu.memref_slice %arg4[%arg1, %dma_wait3A_56, %dma_wait3A_57] : memref<16x157x128xi32, #tpu.memory_space<hbm>> -> memref<1x56x128xi32, #tpu.memory_space<hbm>>
        %dma_wait3A_59 = tpu.memref_squeeze %dma_wait3A_58 : memref<1x56x128xi32, #tpu.memory_space<hbm>> -> memref<56x128xi32, #tpu.memory_space<hbm>>
        %dma_wait3A_60 = arith.constant 0 : i32
        %dma_wait3A_61 = arith.constant 0 : i32
        %dma_wait3A_62 = tpu.memref_slice %arg7[%dma_wait3A_60, %dma_wait3A_61] : memref<56x128xi32, #tpu.memory_space<vmem>> -> memref<56x128xi32, #tpu.memory_space<vmem>>
        %dma_wait3A_63 = arith.constant 0 : i32
        %dma_wait3A_64 = arith.constant 0 : i32
        %dma_wait3A_65 = tpu.memref_slice %arg4[%arg1, %dma_wait3A_63, %dma_wait3A_64] : memref<16x157x128xi32, #tpu.memory_space<hbm>> -> memref<1x56x128xi32, #tpu.memory_space<hbm>>
        %dma_wait3A_66 = tpu.memref_squeeze %dma_wait3A_65 : memref<1x56x128xi32, #tpu.memory_space<hbm>> -> memref<56x128xi32, #tpu.memory_space<hbm>>
        tpu.wait_dma2 semaphore(%run_scoped3A : memref<!tpu.dma_semaphore, #tpu.memory_space<semaphore_mem>>) src(%dma_wait3A_66 : memref<56x128xi32, #tpu.memory_space<hbm>>) dst(%dma_wait3A_62 : memref<56x128xi32, #tpu.memory_space<vmem>>)
        tpu.yield
      }) : () -> ()
    } else {
    }
    %convert_element_type3A_16 = arith.extui %eq3A_0 : i1 to i32
    %cond3A_17 = arith.constant 0 : i32
    %cond3A_18 = arith.cmpi ne, %convert_element_type3A_16, %cond3A_17 : i32
    scf.if %cond3A_18 {
      %dma_start3A = arith.constant 0 : i32
      %dma_start3A_41 = arith.constant 0 : i32
      %dma_start3A_42 = arith.constant 0 : i32
      %dma_start3A_43 = arith.constant 0 : i32
      %dma_start3A_44 = tpu.memref_slice %arg8[%dma_start3A_41, %dma_start3A_42, %dma_start3A_43] : memref<2x128x128xf32, #tpu.memory_space<vmem>> -> memref<1x128x128xf32, #tpu.memory_space<vmem>>
      %dma_start3A_45 = tpu.memref_squeeze %dma_start3A_44 : memref<1x128x128xf32, #tpu.memory_space<vmem>> -> memref<128x128xf32, #tpu.memory_space<vmem>>
      %dma_start3A_46 = arith.constant 0 : i32
      %dma_start3A_47 = tpu.memref_slice %arg6[%dma_start3A, %dma_start3A_46] : memref<56x128xi32, #tpu.memory_space<vmem>> -> memref<1x128xi32, #tpu.memory_space<vmem>>
      %dma_start3A_48 = tpu.memref_squeeze %dma_start3A_47 : memref<1x128xi32, #tpu.memory_space<vmem>> -> memref<128xi32, #tpu.memory_space<vmem>>
      %dma_start3A_49 = arith.constant 0 : i32
      %dma_start3A_50 = arith.constant 0 : i32
      %dma_start3A_51 = tpu.memref_slice %arg2[%dma_start3A_49, %dma_start3A_50] : memref<10240x128xf32, #tpu.memory_space<hbm>> -> memref<10240x128xf32, #tpu.memory_space<hbm>>
      tpu.enqueue_indirect_dma source(%dma_start3A_51 : memref<10240x128xf32, #tpu.memory_space<hbm>>) target(%dma_start3A_45 : memref<128x128xf32, #tpu.memory_space<vmem>>) offsets(%dma_start3A_48 : memref<128xi32, #tpu.memory_space<vmem>>) semaphore(%arg10 : memref<!tpu.dma_semaphore, #tpu.memory_space<semaphore_mem>>)
      %dma_start3A_52 = arith.constant 1 : i32
      %dma_start3A_53 = arith.constant 1 : i32
      %dma_start3A_54 = arith.constant 0 : i32
      %dma_start3A_55 = arith.constant 0 : i32
      %dma_start3A_56 = tpu.memref_slice %arg8[%dma_start3A_53, %dma_start3A_54, %dma_start3A_55] : memref<2x128x128xf32, #tpu.memory_space<vmem>> -> memref<1x128x128xf32, #tpu.memory_space<vmem>>
      %dma_start3A_57 = tpu.memref_squeeze %dma_start3A_56 : memref<1x128x128xf32, #tpu.memory_space<vmem>> -> memref<128x128xf32, #tpu.memory_space<vmem>>
      %dma_start3A_58 = arith.constant 0 : i32
      %dma_start3A_59 = tpu.memref_slice %arg6[%dma_start3A_52, %dma_start3A_58] : memref<56x128xi32, #tpu.memory_space<vmem>> -> memref<1x128xi32, #tpu.memory_space<vmem>>
      %dma_start3A_60 = tpu.memref_squeeze %dma_start3A_59 : memref<1x128xi32, #tpu.memory_space<vmem>> -> memref<128xi32, #tpu.memory_space<vmem>>
      %dma_start3A_61 = arith.constant 0 : i32
      %dma_start3A_62 = arith.constant 0 : i32
      %dma_start3A_63 = tpu.memref_slice %arg2[%dma_start3A_61, %dma_start3A_62] : memref<10240x128xf32, #tpu.memory_space<hbm>> -> memref<10240x128xf32, #tpu.memory_space<hbm>>
      tpu.enqueue_indirect_dma source(%dma_start3A_63 : memref<10240x128xf32, #tpu.memory_space<hbm>>) target(%dma_start3A_57 : memref<128x128xf32, #tpu.memory_space<vmem>>) offsets(%dma_start3A_60 : memref<128xi32, #tpu.memory_space<vmem>>) semaphore(%arg10 : memref<!tpu.dma_semaphore, #tpu.memory_space<semaphore_mem>>)
      %scan3A_64 = arith.constant 0 : i32
      %scan3A_65 = arith.constant 0 : i32
      %scan3A_66 = arith.constant 56 : i32
      %scan3A_67 = arith.addi %scan3A_65, %scan3A_66 : i32
      %scan3A_68 = arith.constant 1 : i32
      %scan3A_69 = scf.for %scan3A_71 = %scan3A_65 to %scan3A_67 step %scan3A_68 iter_args(%scan3A_72 = %scan3A_64) -> (i32)  : i32 {
        %jit3A = arith.constant 2 : i32
        %eq3A_73 = arith.constant 0 : i32
        %eq3A_74 = arith.cmpi eq, %jit3A, %eq3A_73 : i32
        %jit3A_75 = arith.constant 1 : i32
        %select_n3A = arith.select %eq3A_74, %jit3A_75, %jit3A : i32
        %rem3A = arith.remsi %scan3A_71, %select_n3A : i32
        %ne3A = arith.constant 0 : i32
        %ne3A_76 = arith.cmpi ne, %rem3A, %ne3A : i32
        %lt3A = arith.constant 0 : i32
        %lt3A_77 = arith.cmpi slt, %rem3A, %lt3A : i32
        %lt3A_78 = arith.constant 0 : i32
        %lt3A_79 = arith.cmpi slt, %select_n3A, %lt3A_78 : i32
        %ne3A_80 = arith.xori %lt3A_77, %lt3A_79 : i1
        %and3A = arith.andi %ne3A_80, %ne3A_76 : i1
        %add3A = arith.addi %rem3A, %select_n3A : i32
        %select_n3A_81 = arith.select %and3A, %add3A, %rem3A : i32
        %dma_wait3A = arith.constant 0 : i32
        %dma_wait3A_82 = arith.constant 0 : i32
        %dma_wait3A_83 = tpu.memref_slice %arg8[%select_n3A_81, %dma_wait3A, %dma_wait3A_82] : memref<2x128x128xf32, #tpu.memory_space<vmem>> -> memref<1x128x128xf32, #tpu.memory_space<vmem>>
        %dma_wait3A_84 = tpu.memref_squeeze %dma_wait3A_83 : memref<1x128x128xf32, #tpu.memory_space<vmem>> -> memref<128x128xf32, #tpu.memory_space<vmem>>
        %dma_wait3A_85 = arith.constant 0 : i32
        %dma_wait3A_86 = arith.constant 0 : i32
        %dma_wait3A_87 = tpu.memref_slice %arg2[%dma_wait3A_85, %dma_wait3A_86] : memref<10240x128xf32, #tpu.memory_space<hbm>> -> memref<128x128xf32, #tpu.memory_space<hbm>>
        %dma_wait3A_88 = arith.constant 0 : i32
        %dma_wait3A_89 = arith.constant 0 : i32
        %dma_wait3A_90 = tpu.memref_slice %arg8[%select_n3A_81, %dma_wait3A_88, %dma_wait3A_89] : memref<2x128x128xf32, #tpu.memory_space<vmem>> -> memref<1x128x128xf32, #tpu.memory_space<vmem>>
        %dma_wait3A_91 = tpu.memref_squeeze %dma_wait3A_90 : memref<1x128x128xf32, #tpu.memory_space<vmem>> -> memref<128x128xf32, #tpu.memory_space<vmem>>
        %dma_wait3A_92 = arith.constant 0 : i32
        %dma_wait3A_93 = arith.constant 0 : i32
        %dma_wait3A_94 = tpu.memref_slice %arg2[%dma_wait3A_92, %dma_wait3A_93] : memref<10240x128xf32, #tpu.memory_space<hbm>> -> memref<128x128xf32, #tpu.memory_space<hbm>>
        tpu.wait_dma2 semaphore(%arg10 : memref<!tpu.dma_semaphore, #tpu.memory_space<semaphore_mem>>) src(%dma_wait3A_94 : memref<128x128xf32, #tpu.memory_space<hbm>>) dst(%dma_wait3A_91 : memref<128x128xf32, #tpu.memory_space<vmem>>)
        "tpu.region"() ({
          %run_scoped3A = tpu.sem_alloc : memref<!tpu.dma_semaphore, #tpu.memory_space<semaphore_mem>>
          %dma_start3A_103 = arith.constant 0 : i32
          %dma_start3A_104 = arith.constant 0 : i32
          %dma_start3A_105 = tpu.memref_slice %arg8[%select_n3A_81, %dma_start3A_103, %dma_start3A_104] : memref<2x128x128xf32, #tpu.memory_space<vmem>> -> memref<1x128x128xf32, #tpu.memory_space<vmem>>
          %dma_start3A_106 = tpu.memref_squeeze %dma_start3A_105 : memref<1x128x128xf32, #tpu.memory_space<vmem>> -> memref<128x128xf32, #tpu.memory_space<vmem>>
          %dma_start3A_107 = arith.constant 0 : i32
          %dma_start3A_108 = tpu.memref_slice %arg7[%scan3A_71, %dma_start3A_107] : memref<56x128xi32, #tpu.memory_space<vmem>> -> memref<1x128xi32, #tpu.memory_space<vmem>>
          %dma_start3A_109 = tpu.memref_squeeze %dma_start3A_108 : memref<1x128xi32, #tpu.memory_space<vmem>> -> memref<128xi32, #tpu.memory_space<vmem>>
          %dma_start3A_110 = arith.constant 0 : i32
          %dma_start3A_111 = arith.constant 0 : i32
          %dma_start3A_112 = tpu.memref_slice %arg9[%dma_start3A_110, %dma_start3A_111] : memref<10240x128xf32, #tpu.memory_space<vmem_shared>> -> memref<10240x128xf32, #tpu.memory_space<vmem_shared>>
          tpu.enqueue_indirect_dma source(%dma_start3A_106 : memref<128x128xf32, #tpu.memory_space<vmem>>) target(%dma_start3A_112 : memref<10240x128xf32, #tpu.memory_space<vmem_shared>>) offsets(%dma_start3A_109 : memref<128xi32, #tpu.memory_space<vmem>>) semaphore(%run_scoped3A : memref<!tpu.dma_semaphore, #tpu.memory_space<semaphore_mem>>) {add = true}
          %dma_wait3A_113 = arith.constant 0 : i32
          %dma_wait3A_114 = arith.constant 0 : i32
          %dma_wait3A_115 = tpu.memref_slice %arg8[%select_n3A_81, %dma_wait3A_113, %dma_wait3A_114] : memref<2x128x128xf32, #tpu.memory_space<vmem>> -> memref<1x128x128xf32, #tpu.memory_space<vmem>>
          %dma_wait3A_116 = tpu.memref_squeeze %dma_wait3A_115 : memref<1x128x128xf32, #tpu.memory_space<vmem>> -> memref<128x128xf32, #tpu.memory_space<vmem>>
          %dma_wait3A_117 = arith.constant 0 : i32
          %dma_wait3A_118 = tpu.memref_slice %arg7[%scan3A_71, %dma_wait3A_117] : memref<56x128xi32, #tpu.memory_space<vmem>> -> memref<1x128xi32, #tpu.memory_space<vmem>>
          %dma_wait3A_119 = tpu.memref_squeeze %dma_wait3A_118 : memref<1x128xi32, #tpu.memory_space<vmem>> -> memref<128xi32, #tpu.memory_space<vmem>>
          %dma_wait3A_120 = arith.constant 0 : i32
          %dma_wait3A_121 = arith.constant 0 : i32
          %dma_wait3A_122 = tpu.memref_slice %arg9[%dma_wait3A_120, %dma_wait3A_121] : memref<10240x128xf32, #tpu.memory_space<vmem_shared>> -> memref<10240x128xf32, #tpu.memory_space<vmem_shared>>
          tpu.wait_indirect_dma semaphore(%run_scoped3A : memref<!tpu.dma_semaphore, #tpu.memory_space<semaphore_mem>>) src(%dma_wait3A_116 : memref<128x128xf32, #tpu.memory_space<vmem>>) dst(%dma_wait3A_122 : memref<10240x128xf32, #tpu.memory_space<vmem_shared>>)
          tpu.yield
        }) : () -> ()
        %add3A_95 = arith.constant 2 : i32
        %add3A_96 = arith.addi %scan3A_71, %add3A_95 : i32
        %lt3A_97 = arith.constant 56 : i32
        %lt3A_98 = arith.cmpi slt, %add3A_96, %lt3A_97 : i32
        %convert_element_type3A_99 = arith.extui %lt3A_98 : i1 to i32
        %cond3A_100 = arith.constant 0 : i32
        %cond3A_101 = arith.cmpi ne, %convert_element_type3A_99, %cond3A_100 : i32
        scf.if %cond3A_101 {
          %add3A_103 = arith.constant 2 : i32
          %add3A_104 = arith.addi %scan3A_71, %add3A_103 : i32
          %dma_start3A_105 = arith.constant 0 : i32
          %dma_start3A_106 = arith.constant 0 : i32
          %dma_start3A_107 = tpu.memref_slice %arg8[%select_n3A_81, %dma_start3A_105, %dma_start3A_106] : memref<2x128x128xf32, #tpu.memory_space<vmem>> -> memref<1x128x128xf32, #tpu.memory_space<vmem>>
          %dma_start3A_108 = tpu.memref_squeeze %dma_start3A_107 : memref<1x128x128xf32, #tpu.memory_space<vmem>> -> memref<128x128xf32, #tpu.memory_space<vmem>>
          %dma_start3A_109 = arith.constant 0 : i32
          %dma_start3A_110 = tpu.memref_slice %arg6[%add3A_104, %dma_start3A_109] : memref<56x128xi32, #tpu.memory_space<vmem>> -> memref<1x128xi32, #tpu.memory_space<vmem>>
          %dma_start3A_111 = tpu.memref_squeeze %dma_start3A_110 : memref<1x128xi32, #tpu.memory_space<vmem>> -> memref<128xi32, #tpu.memory_space<vmem>>
          %dma_start3A_112 = arith.constant 0 : i32
          %dma_start3A_113 = arith.constant 0 : i32
          %dma_start3A_114 = tpu.memref_slice %arg2[%dma_start3A_112, %dma_start3A_113] : memref<10240x128xf32, #tpu.memory_space<hbm>> -> memref<10240x128xf32, #tpu.memory_space<hbm>>
          tpu.enqueue_indirect_dma source(%dma_start3A_114 : memref<10240x128xf32, #tpu.memory_space<hbm>>) target(%dma_start3A_108 : memref<128x128xf32, #tpu.memory_space<vmem>>) offsets(%dma_start3A_111 : memref<128xi32, #tpu.memory_space<vmem>>) semaphore(%arg10 : memref<!tpu.dma_semaphore, #tpu.memory_space<semaphore_mem>>)
        } else {
        }
        %scan3A_102 = arith.constant 0 : i32
        scf.yield %scan3A_102 : i32
      }
      %scan3A_70 = arith.constant 56 : i32
    } else {
    }
    %convert_element_type3A_19 = arith.extui %eq3A_0 : i1 to i32
    %cond3A_20 = arith.constant 0 : i32
    %cond3A_21 = arith.cmpi ne, %convert_element_type3A_19, %cond3A_20 : i32
    scf.if %cond3A_21 {
      "tpu.region"() ({
        %run_scoped3A = tpu.sem_alloc : memref<!tpu.dma_semaphore, #tpu.memory_space<semaphore_mem>>
        %dma_start3A = arith.constant 0 : i32
        %dma_start3A_41 = arith.constant 0 : i32
        %dma_start3A_42 = tpu.memref_slice %arg6[%dma_start3A, %dma_start3A_41] : memref<56x128xi32, #tpu.memory_space<vmem>> -> memref<56x128xi32, #tpu.memory_space<vmem>>
        %dma_start3A_43 = arith.constant 56 : i32
        %dma_start3A_44 = arith.constant 0 : i32
        %dma_start3A_45 = tpu.memref_slice %arg3[%arg1, %dma_start3A_43, %dma_start3A_44] : memref<16x157x128xi32, #tpu.memory_space<hbm>> -> memref<1x56x128xi32, #tpu.memory_space<hbm>>
        %dma_start3A_46 = tpu.memref_squeeze %dma_start3A_45 : memref<1x56x128xi32, #tpu.memory_space<hbm>> -> memref<56x128xi32, #tpu.memory_space<hbm>>
        %dma_start3A_47 = arith.constant 0 : i32
        %dma_start3A_48 = arith.constant 0 : i32
        %dma_start3A_49 = tpu.memref_slice %arg6[%dma_start3A_47, %dma_start3A_48] : memref<56x128xi32, #tpu.memory_space<vmem>> -> memref<56x128xi32, #tpu.memory_space<vmem>>
        %dma_start3A_50 = arith.constant 56 : i32
        %dma_start3A_51 = arith.constant 0 : i32
        %dma_start3A_52 = tpu.memref_slice %arg3[%arg1, %dma_start3A_50, %dma_start3A_51] : memref<16x157x128xi32, #tpu.memory_space<hbm>> -> memref<1x56x128xi32, #tpu.memory_space<hbm>>
        %dma_start3A_53 = tpu.memref_squeeze %dma_start3A_52 : memref<1x56x128xi32, #tpu.memory_space<hbm>> -> memref<56x128xi32, #tpu.memory_space<hbm>>
        tpu.enqueue_dma source(%dma_start3A_53 : memref<56x128xi32, #tpu.memory_space<hbm>>) target(%dma_start3A_49 : memref<56x128xi32, #tpu.memory_space<vmem>>) target_semaphore(%run_scoped3A : memref<!tpu.dma_semaphore, #tpu.memory_space<semaphore_mem>>)
        %dma_wait3A = arith.constant 0 : i32
        %dma_wait3A_54 = arith.constant 0 : i32
        %dma_wait3A_55 = tpu.memref_slice %arg6[%dma_wait3A, %dma_wait3A_54] : memref<56x128xi32, #tpu.memory_space<vmem>> -> memref<56x128xi32, #tpu.memory_space<vmem>>
        %dma_wait3A_56 = arith.constant 56 : i32
        %dma_wait3A_57 = arith.constant 0 : i32
        %dma_wait3A_58 = tpu.memref_slice %arg3[%arg1, %dma_wait3A_56, %dma_wait3A_57] : memref<16x157x128xi32, #tpu.memory_space<hbm>> -> memref<1x56x128xi32, #tpu.memory_space<hbm>>
        %dma_wait3A_59 = tpu.memref_squeeze %dma_wait3A_58 : memref<1x56x128xi32, #tpu.memory_space<hbm>> -> memref<56x128xi32, #tpu.memory_space<hbm>>
        %dma_wait3A_60 = arith.constant 0 : i32
        %dma_wait3A_61 = arith.constant 0 : i32
        %dma_wait3A_62 = tpu.memref_slice %arg6[%dma_wait3A_60, %dma_wait3A_61] : memref<56x128xi32, #tpu.memory_space<vmem>> -> memref<56x128xi32, #tpu.memory_space<vmem>>
        %dma_wait3A_63 = arith.constant 56 : i32
        %dma_wait3A_64 = arith.constant 0 : i32
        %dma_wait3A_65 = tpu.memref_slice %arg3[%arg1, %dma_wait3A_63, %dma_wait3A_64] : memref<16x157x128xi32, #tpu.memory_space<hbm>> -> memref<1x56x128xi32, #tpu.memory_space<hbm>>
        %dma_wait3A_66 = tpu.memref_squeeze %dma_wait3A_65 : memref<1x56x128xi32, #tpu.memory_space<hbm>> -> memref<56x128xi32, #tpu.memory_space<hbm>>
        tpu.wait_dma2 semaphore(%run_scoped3A : memref<!tpu.dma_semaphore, #tpu.memory_space<semaphore_mem>>) src(%dma_wait3A_66 : memref<56x128xi32, #tpu.memory_space<hbm>>) dst(%dma_wait3A_62 : memref<56x128xi32, #tpu.memory_space<vmem>>)
        tpu.yield
      }) : () -> ()
    } else {
    }
    %convert_element_type3A_22 = arith.extui %le3A_1 : i1 to i32
    %cond3A_23 = arith.constant 0 : i32
    %cond3A_24 = arith.cmpi ne, %convert_element_type3A_22, %cond3A_23 : i32
    scf.if %cond3A_24 {
      "tpu.region"() ({
        %run_scoped3A = tpu.sem_alloc : memref<!tpu.dma_semaphore, #tpu.memory_space<semaphore_mem>>
        %dma_start3A = arith.constant 0 : i32
        %dma_start3A_41 = arith.constant 0 : i32
        %dma_start3A_42 = tpu.memref_slice %arg7[%dma_start3A, %dma_start3A_41] : memref<56x128xi32, #tpu.memory_space<vmem>> -> memref<56x128xi32, #tpu.memory_space<vmem>>
        %dma_start3A_43 = arith.constant 56 : i32
        %dma_start3A_44 = arith.constant 0 : i32
        %dma_start3A_45 = tpu.memref_slice %arg4[%arg1, %dma_start3A_43, %dma_start3A_44] : memref<16x157x128xi32, #tpu.memory_space<hbm>> -> memref<1x56x128xi32, #tpu.memory_space<hbm>>
        %dma_start3A_46 = tpu.memref_squeeze %dma_start3A_45 : memref<1x56x128xi32, #tpu.memory_space<hbm>> -> memref<56x128xi32, #tpu.memory_space<hbm>>
        %dma_start3A_47 = arith.constant 0 : i32
        %dma_start3A_48 = arith.constant 0 : i32
        %dma_start3A_49 = tpu.memref_slice %arg7[%dma_start3A_47, %dma_start3A_48] : memref<56x128xi32, #tpu.memory_space<vmem>> -> memref<56x128xi32, #tpu.memory_space<vmem>>
        %dma_start3A_50 = arith.constant 56 : i32
        %dma_start3A_51 = arith.constant 0 : i32
        %dma_start3A_52 = tpu.memref_slice %arg4[%arg1, %dma_start3A_50, %dma_start3A_51] : memref<16x157x128xi32, #tpu.memory_space<hbm>> -> memref<1x56x128xi32, #tpu.memory_space<hbm>>
        %dma_start3A_53 = tpu.memref_squeeze %dma_start3A_52 : memref<1x56x128xi32, #tpu.memory_space<hbm>> -> memref<56x128xi32, #tpu.memory_space<hbm>>
        tpu.enqueue_dma source(%dma_start3A_53 : memref<56x128xi32, #tpu.memory_space<hbm>>) target(%dma_start3A_49 : memref<56x128xi32, #tpu.memory_space<vmem>>) target_semaphore(%run_scoped3A : memref<!tpu.dma_semaphore, #tpu.memory_space<semaphore_mem>>)
        %dma_wait3A = arith.constant 0 : i32
        %dma_wait3A_54 = arith.constant 0 : i32
        %dma_wait3A_55 = tpu.memref_slice %arg7[%dma_wait3A, %dma_wait3A_54] : memref<56x128xi32, #tpu.memory_space<vmem>> -> memref<56x128xi32, #tpu.memory_space<vmem>>
        %dma_wait3A_56 = arith.constant 56 : i32
        %dma_wait3A_57 = arith.constant 0 : i32
        %dma_wait3A_58 = tpu.memref_slice %arg4[%arg1, %dma_wait3A_56, %dma_wait3A_57] : memref<16x157x128xi32, #tpu.memory_space<hbm>> -> memref<1x56x128xi32, #tpu.memory_space<hbm>>
        %dma_wait3A_59 = tpu.memref_squeeze %dma_wait3A_58 : memref<1x56x128xi32, #tpu.memory_space<hbm>> -> memref<56x128xi32, #tpu.memory_space<hbm>>
        %dma_wait3A_60 = arith.constant 0 : i32
        %dma_wait3A_61 = arith.constant 0 : i32
        %dma_wait3A_62 = tpu.memref_slice %arg7[%dma_wait3A_60, %dma_wait3A_61] : memref<56x128xi32, #tpu.memory_space<vmem>> -> memref<56x128xi32, #tpu.memory_space<vmem>>
        %dma_wait3A_63 = arith.constant 56 : i32
        %dma_wait3A_64 = arith.constant 0 : i32
        %dma_wait3A_65 = tpu.memref_slice %arg4[%arg1, %dma_wait3A_63, %dma_wait3A_64] : memref<16x157x128xi32, #tpu.memory_space<hbm>> -> memref<1x56x128xi32, #tpu.memory_space<hbm>>
        %dma_wait3A_66 = tpu.memref_squeeze %dma_wait3A_65 : memref<1x56x128xi32, #tpu.memory_space<hbm>> -> memref<56x128xi32, #tpu.memory_space<hbm>>
        tpu.wait_dma2 semaphore(%run_scoped3A : memref<!tpu.dma_semaphore, #tpu.memory_space<semaphore_mem>>) src(%dma_wait3A_66 : memref<56x128xi32, #tpu.memory_space<hbm>>) dst(%dma_wait3A_62 : memref<56x128xi32, #tpu.memory_space<vmem>>)
        tpu.yield
      }) : () -> ()
    } else {
    }
    %convert_element_type3A_25 = arith.extui %eq3A_0 : i1 to i32
    %cond3A_26 = arith.constant 0 : i32
    %cond3A_27 = arith.cmpi ne, %convert_element_type3A_25, %cond3A_26 : i32
    scf.if %cond3A_27 {
      %dma_start3A = arith.constant 0 : i32
      %dma_start3A_41 = arith.constant 0 : i32
      %dma_start3A_42 = arith.constant 0 : i32
      %dma_start3A_43 = arith.constant 0 : i32
      %dma_start3A_44 = tpu.memref_slice %arg8[%dma_start3A_41, %dma_start3A_42, %dma_start3A_43] : memref<2x128x128xf32, #tpu.memory_space<vmem>> -> memref<1x128x128xf32, #tpu.memory_space<vmem>>
      %dma_start3A_45 = tpu.memref_squeeze %dma_start3A_44 : memref<1x128x128xf32, #tpu.memory_space<vmem>> -> memref<128x128xf32, #tpu.memory_space<vmem>>
      %dma_start3A_46 = arith.constant 0 : i32
      %dma_start3A_47 = tpu.memref_slice %arg6[%dma_start3A, %dma_start3A_46] : memref<56x128xi32, #tpu.memory_space<vmem>> -> memref<1x128xi32, #tpu.memory_space<vmem>>
      %dma_start3A_48 = tpu.memref_squeeze %dma_start3A_47 : memref<1x128xi32, #tpu.memory_space<vmem>> -> memref<128xi32, #tpu.memory_space<vmem>>
      %dma_start3A_49 = arith.constant 0 : i32
      %dma_start3A_50 = arith.constant 0 : i32
      %dma_start3A_51 = tpu.memref_slice %arg2[%dma_start3A_49, %dma_start3A_50] : memref<10240x128xf32, #tpu.memory_space<hbm>> -> memref<10240x128xf32, #tpu.memory_space<hbm>>
      tpu.enqueue_indirect_dma source(%dma_start3A_51 : memref<10240x128xf32, #tpu.memory_space<hbm>>) target(%dma_start3A_45 : memref<128x128xf32, #tpu.memory_space<vmem>>) offsets(%dma_start3A_48 : memref<128xi32, #tpu.memory_space<vmem>>) semaphore(%arg10 : memref<!tpu.dma_semaphore, #tpu.memory_space<semaphore_mem>>)
      %dma_start3A_52 = arith.constant 1 : i32
      %dma_start3A_53 = arith.constant 1 : i32
      %dma_start3A_54 = arith.constant 0 : i32
      %dma_start3A_55 = arith.constant 0 : i32
      %dma_start3A_56 = tpu.memref_slice %arg8[%dma_start3A_53, %dma_start3A_54, %dma_start3A_55] : memref<2x128x128xf32, #tpu.memory_space<vmem>> -> memref<1x128x128xf32, #tpu.memory_space<vmem>>
      %dma_start3A_57 = tpu.memref_squeeze %dma_start3A_56 : memref<1x128x128xf32, #tpu.memory_space<vmem>> -> memref<128x128xf32, #tpu.memory_space<vmem>>
      %dma_start3A_58 = arith.constant 0 : i32
      %dma_start3A_59 = tpu.memref_slice %arg6[%dma_start3A_52, %dma_start3A_58] : memref<56x128xi32, #tpu.memory_space<vmem>> -> memref<1x128xi32, #tpu.memory_space<vmem>>
      %dma_start3A_60 = tpu.memref_squeeze %dma_start3A_59 : memref<1x128xi32, #tpu.memory_space<vmem>> -> memref<128xi32, #tpu.memory_space<vmem>>
      %dma_start3A_61 = arith.constant 0 : i32
      %dma_start3A_62 = arith.constant 0 : i32
      %dma_start3A_63 = tpu.memref_slice %arg2[%dma_start3A_61, %dma_start3A_62] : memref<10240x128xf32, #tpu.memory_space<hbm>> -> memref<10240x128xf32, #tpu.memory_space<hbm>>
      tpu.enqueue_indirect_dma source(%dma_start3A_63 : memref<10240x128xf32, #tpu.memory_space<hbm>>) target(%dma_start3A_57 : memref<128x128xf32, #tpu.memory_space<vmem>>) offsets(%dma_start3A_60 : memref<128xi32, #tpu.memory_space<vmem>>) semaphore(%arg10 : memref<!tpu.dma_semaphore, #tpu.memory_space<semaphore_mem>>)
      %scan3A_64 = arith.constant 0 : i32
      %scan3A_65 = arith.constant 0 : i32
      %scan3A_66 = arith.constant 56 : i32
      %scan3A_67 = arith.addi %scan3A_65, %scan3A_66 : i32
      %scan3A_68 = arith.constant 1 : i32
      %scan3A_69 = scf.for %scan3A_71 = %scan3A_65 to %scan3A_67 step %scan3A_68 iter_args(%scan3A_72 = %scan3A_64) -> (i32)  : i32 {
        %jit3A = arith.constant 2 : i32
        %eq3A_73 = arith.constant 0 : i32
        %eq3A_74 = arith.cmpi eq, %jit3A, %eq3A_73 : i32
        %jit3A_75 = arith.constant 1 : i32
        %select_n3A = arith.select %eq3A_74, %jit3A_75, %jit3A : i32
        %rem3A = arith.remsi %scan3A_71, %select_n3A : i32
        %ne3A = arith.constant 0 : i32
        %ne3A_76 = arith.cmpi ne, %rem3A, %ne3A : i32
        %lt3A = arith.constant 0 : i32
        %lt3A_77 = arith.cmpi slt, %rem3A, %lt3A : i32
        %lt3A_78 = arith.constant 0 : i32
        %lt3A_79 = arith.cmpi slt, %select_n3A, %lt3A_78 : i32
        %ne3A_80 = arith.xori %lt3A_77, %lt3A_79 : i1
        %and3A = arith.andi %ne3A_80, %ne3A_76 : i1
        %add3A = arith.addi %rem3A, %select_n3A : i32
        %select_n3A_81 = arith.select %and3A, %add3A, %rem3A : i32
        %dma_wait3A = arith.constant 0 : i32
        %dma_wait3A_82 = arith.constant 0 : i32
        %dma_wait3A_83 = tpu.memref_slice %arg8[%select_n3A_81, %dma_wait3A, %dma_wait3A_82] : memref<2x128x128xf32, #tpu.memory_space<vmem>> -> memref<1x128x128xf32, #tpu.memory_space<vmem>>
        %dma_wait3A_84 = tpu.memref_squeeze %dma_wait3A_83 : memref<1x128x128xf32, #tpu.memory_space<vmem>> -> memref<128x128xf32, #tpu.memory_space<vmem>>
        %dma_wait3A_85 = arith.constant 0 : i32
        %dma_wait3A_86 = arith.constant 0 : i32
        %dma_wait3A_87 = tpu.memref_slice %arg2[%dma_wait3A_85, %dma_wait3A_86] : memref<10240x128xf32, #tpu.memory_space<hbm>> -> memref<128x128xf32, #tpu.memory_space<hbm>>
        %dma_wait3A_88 = arith.constant 0 : i32
        %dma_wait3A_89 = arith.constant 0 : i32
        %dma_wait3A_90 = tpu.memref_slice %arg8[%select_n3A_81, %dma_wait3A_88, %dma_wait3A_89] : memref<2x128x128xf32, #tpu.memory_space<vmem>> -> memref<1x128x128xf32, #tpu.memory_space<vmem>>
        %dma_wait3A_91 = tpu.memref_squeeze %dma_wait3A_90 : memref<1x128x128xf32, #tpu.memory_space<vmem>> -> memref<128x128xf32, #tpu.memory_space<vmem>>
        %dma_wait3A_92 = arith.constant 0 : i32
        %dma_wait3A_93 = arith.constant 0 : i32
        %dma_wait3A_94 = tpu.memref_slice %arg2[%dma_wait3A_92, %dma_wait3A_93] : memref<10240x128xf32, #tpu.memory_space<hbm>> -> memref<128x128xf32, #tpu.memory_space<hbm>>
        tpu.wait_dma2 semaphore(%arg10 : memref<!tpu.dma_semaphore, #tpu.memory_space<semaphore_mem>>) src(%dma_wait3A_94 : memref<128x128xf32, #tpu.memory_space<hbm>>) dst(%dma_wait3A_91 : memref<128x128xf32, #tpu.memory_space<vmem>>)
        "tpu.region"() ({
          %run_scoped3A = tpu.sem_alloc : memref<!tpu.dma_semaphore, #tpu.memory_space<semaphore_mem>>
          %dma_start3A_103 = arith.constant 0 : i32
          %dma_start3A_104 = arith.constant 0 : i32
          %dma_start3A_105 = tpu.memref_slice %arg8[%select_n3A_81, %dma_start3A_103, %dma_start3A_104] : memref<2x128x128xf32, #tpu.memory_space<vmem>> -> memref<1x128x128xf32, #tpu.memory_space<vmem>>
          %dma_start3A_106 = tpu.memref_squeeze %dma_start3A_105 : memref<1x128x128xf32, #tpu.memory_space<vmem>> -> memref<128x128xf32, #tpu.memory_space<vmem>>
          %dma_start3A_107 = arith.constant 0 : i32
          %dma_start3A_108 = tpu.memref_slice %arg7[%scan3A_71, %dma_start3A_107] : memref<56x128xi32, #tpu.memory_space<vmem>> -> memref<1x128xi32, #tpu.memory_space<vmem>>
          %dma_start3A_109 = tpu.memref_squeeze %dma_start3A_108 : memref<1x128xi32, #tpu.memory_space<vmem>> -> memref<128xi32, #tpu.memory_space<vmem>>
          %dma_start3A_110 = arith.constant 0 : i32
          %dma_start3A_111 = arith.constant 0 : i32
          %dma_start3A_112 = tpu.memref_slice %arg9[%dma_start3A_110, %dma_start3A_111] : memref<10240x128xf32, #tpu.memory_space<vmem_shared>> -> memref<10240x128xf32, #tpu.memory_space<vmem_shared>>
          tpu.enqueue_indirect_dma source(%dma_start3A_106 : memref<128x128xf32, #tpu.memory_space<vmem>>) target(%dma_start3A_112 : memref<10240x128xf32, #tpu.memory_space<vmem_shared>>) offsets(%dma_start3A_109 : memref<128xi32, #tpu.memory_space<vmem>>) semaphore(%run_scoped3A : memref<!tpu.dma_semaphore, #tpu.memory_space<semaphore_mem>>) {add = true}
          %dma_wait3A_113 = arith.constant 0 : i32
          %dma_wait3A_114 = arith.constant 0 : i32
          %dma_wait3A_115 = tpu.memref_slice %arg8[%select_n3A_81, %dma_wait3A_113, %dma_wait3A_114] : memref<2x128x128xf32, #tpu.memory_space<vmem>> -> memref<1x128x128xf32, #tpu.memory_space<vmem>>
          %dma_wait3A_116 = tpu.memref_squeeze %dma_wait3A_115 : memref<1x128x128xf32, #tpu.memory_space<vmem>> -> memref<128x128xf32, #tpu.memory_space<vmem>>
          %dma_wait3A_117 = arith.constant 0 : i32
          %dma_wait3A_118 = tpu.memref_slice %arg7[%scan3A_71, %dma_wait3A_117] : memref<56x128xi32, #tpu.memory_space<vmem>> -> memref<1x128xi32, #tpu.memory_space<vmem>>
          %dma_wait3A_119 = tpu.memref_squeeze %dma_wait3A_118 : memref<1x128xi32, #tpu.memory_space<vmem>> -> memref<128xi32, #tpu.memory_space<vmem>>
          %dma_wait3A_120 = arith.constant 0 : i32
          %dma_wait3A_121 = arith.constant 0 : i32
          %dma_wait3A_122 = tpu.memref_slice %arg9[%dma_wait3A_120, %dma_wait3A_121] : memref<10240x128xf32, #tpu.memory_space<vmem_shared>> -> memref<10240x128xf32, #tpu.memory_space<vmem_shared>>
          tpu.wait_indirect_dma semaphore(%run_scoped3A : memref<!tpu.dma_semaphore, #tpu.memory_space<semaphore_mem>>) src(%dma_wait3A_116 : memref<128x128xf32, #tpu.memory_space<vmem>>) dst(%dma_wait3A_122 : memref<10240x128xf32, #tpu.memory_space<vmem_shared>>)
          tpu.yield
        }) : () -> ()
        %add3A_95 = arith.constant 2 : i32
        %add3A_96 = arith.addi %scan3A_71, %add3A_95 : i32
        %lt3A_97 = arith.constant 56 : i32
        %lt3A_98 = arith.cmpi slt, %add3A_96, %lt3A_97 : i32
        %convert_element_type3A_99 = arith.extui %lt3A_98 : i1 to i32
        %cond3A_100 = arith.constant 0 : i32
        %cond3A_101 = arith.cmpi ne, %convert_element_type3A_99, %cond3A_100 : i32
        scf.if %cond3A_101 {
          %add3A_103 = arith.constant 2 : i32
          %add3A_104 = arith.addi %scan3A_71, %add3A_103 : i32
          %dma_start3A_105 = arith.constant 0 : i32
          %dma_start3A_106 = arith.constant 0 : i32
          %dma_start3A_107 = tpu.memref_slice %arg8[%select_n3A_81, %dma_start3A_105, %dma_start3A_106] : memref<2x128x128xf32, #tpu.memory_space<vmem>> -> memref<1x128x128xf32, #tpu.memory_space<vmem>>
          %dma_start3A_108 = tpu.memref_squeeze %dma_start3A_107 : memref<1x128x128xf32, #tpu.memory_space<vmem>> -> memref<128x128xf32, #tpu.memory_space<vmem>>
          %dma_start3A_109 = arith.constant 0 : i32
          %dma_start3A_110 = tpu.memref_slice %arg6[%add3A_104, %dma_start3A_109] : memref<56x128xi32, #tpu.memory_space<vmem>> -> memref<1x128xi32, #tpu.memory_space<vmem>>
          %dma_start3A_111 = tpu.memref_squeeze %dma_start3A_110 : memref<1x128xi32, #tpu.memory_space<vmem>> -> memref<128xi32, #tpu.memory_space<vmem>>
          %dma_start3A_112 = arith.constant 0 : i32
          %dma_start3A_113 = arith.constant 0 : i32
          %dma_start3A_114 = tpu.memref_slice %arg2[%dma_start3A_112, %dma_start3A_113] : memref<10240x128xf32, #tpu.memory_space<hbm>> -> memref<10240x128xf32, #tpu.memory_space<hbm>>
          tpu.enqueue_indirect_dma source(%dma_start3A_114 : memref<10240x128xf32, #tpu.memory_space<hbm>>) target(%dma_start3A_108 : memref<128x128xf32, #tpu.memory_space<vmem>>) offsets(%dma_start3A_111 : memref<128xi32, #tpu.memory_space<vmem>>) semaphore(%arg10 : memref<!tpu.dma_semaphore, #tpu.memory_space<semaphore_mem>>)
        } else {
        }
        %scan3A_102 = arith.constant 0 : i32
        scf.yield %scan3A_102 : i32
      }
      %scan3A_70 = arith.constant 56 : i32
    } else {
    }
    %convert_element_type3A_28 = arith.extui %eq3A_0 : i1 to i32
    %cond3A_29 = arith.constant 0 : i32
    %cond3A_30 = arith.cmpi ne, %convert_element_type3A_28, %cond3A_29 : i32
    scf.if %cond3A_30 {
      "tpu.region"() ({
        %run_scoped3A = tpu.sem_alloc : memref<!tpu.dma_semaphore, #tpu.memory_space<semaphore_mem>>
        %dma_start3A = arith.constant 0 : i32
        %dma_start3A_41 = arith.constant 0 : i32
        %dma_start3A_42 = tpu.memref_slice %arg6[%dma_start3A, %dma_start3A_41] : memref<56x128xi32, #tpu.memory_space<vmem>> -> memref<45x128xi32, #tpu.memory_space<vmem>>
        %dma_start3A_43 = arith.constant 112 : i32
        %dma_start3A_44 = arith.constant 0 : i32
        %dma_start3A_45 = tpu.memref_slice %arg3[%arg1, %dma_start3A_43, %dma_start3A_44] : memref<16x157x128xi32, #tpu.memory_space<hbm>> -> memref<1x45x128xi32, #tpu.memory_space<hbm>>
        %dma_start3A_46 = tpu.memref_squeeze %dma_start3A_45 : memref<1x45x128xi32, #tpu.memory_space<hbm>> -> memref<45x128xi32, #tpu.memory_space<hbm>>
        %dma_start3A_47 = arith.constant 0 : i32
        %dma_start3A_48 = arith.constant 0 : i32
        %dma_start3A_49 = tpu.memref_slice %arg6[%dma_start3A_47, %dma_start3A_48] : memref<56x128xi32, #tpu.memory_space<vmem>> -> memref<45x128xi32, #tpu.memory_space<vmem>>
        %dma_start3A_50 = arith.constant 112 : i32
        %dma_start3A_51 = arith.constant 0 : i32
        %dma_start3A_52 = tpu.memref_slice %arg3[%arg1, %dma_start3A_50, %dma_start3A_51] : memref<16x157x128xi32, #tpu.memory_space<hbm>> -> memref<1x45x128xi32, #tpu.memory_space<hbm>>
        %dma_start3A_53 = tpu.memref_squeeze %dma_start3A_52 : memref<1x45x128xi32, #tpu.memory_space<hbm>> -> memref<45x128xi32, #tpu.memory_space<hbm>>
        tpu.enqueue_dma source(%dma_start3A_53 : memref<45x128xi32, #tpu.memory_space<hbm>>) target(%dma_start3A_49 : memref<45x128xi32, #tpu.memory_space<vmem>>) target_semaphore(%run_scoped3A : memref<!tpu.dma_semaphore, #tpu.memory_space<semaphore_mem>>)
        %dma_wait3A = arith.constant 0 : i32
        %dma_wait3A_54 = arith.constant 0 : i32
        %dma_wait3A_55 = tpu.memref_slice %arg6[%dma_wait3A, %dma_wait3A_54] : memref<56x128xi32, #tpu.memory_space<vmem>> -> memref<45x128xi32, #tpu.memory_space<vmem>>
        %dma_wait3A_56 = arith.constant 112 : i32
        %dma_wait3A_57 = arith.constant 0 : i32
        %dma_wait3A_58 = tpu.memref_slice %arg3[%arg1, %dma_wait3A_56, %dma_wait3A_57] : memref<16x157x128xi32, #tpu.memory_space<hbm>> -> memref<1x45x128xi32, #tpu.memory_space<hbm>>
        %dma_wait3A_59 = tpu.memref_squeeze %dma_wait3A_58 : memref<1x45x128xi32, #tpu.memory_space<hbm>> -> memref<45x128xi32, #tpu.memory_space<hbm>>
        %dma_wait3A_60 = arith.constant 0 : i32
        %dma_wait3A_61 = arith.constant 0 : i32
        %dma_wait3A_62 = tpu.memref_slice %arg6[%dma_wait3A_60, %dma_wait3A_61] : memref<56x128xi32, #tpu.memory_space<vmem>> -> memref<45x128xi32, #tpu.memory_space<vmem>>
        %dma_wait3A_63 = arith.constant 112 : i32
        %dma_wait3A_64 = arith.constant 0 : i32
        %dma_wait3A_65 = tpu.memref_slice %arg3[%arg1, %dma_wait3A_63, %dma_wait3A_64] : memref<16x157x128xi32, #tpu.memory_space<hbm>> -> memref<1x45x128xi32, #tpu.memory_space<hbm>>
        %dma_wait3A_66 = tpu.memref_squeeze %dma_wait3A_65 : memref<1x45x128xi32, #tpu.memory_space<hbm>> -> memref<45x128xi32, #tpu.memory_space<hbm>>
        tpu.wait_dma2 semaphore(%run_scoped3A : memref<!tpu.dma_semaphore, #tpu.memory_space<semaphore_mem>>) src(%dma_wait3A_66 : memref<45x128xi32, #tpu.memory_space<hbm>>) dst(%dma_wait3A_62 : memref<45x128xi32, #tpu.memory_space<vmem>>)
        tpu.yield
      }) : () -> ()
    } else {
    }
    %convert_element_type3A_31 = arith.extui %le3A_1 : i1 to i32
    %cond3A_32 = arith.constant 0 : i32
    %cond3A_33 = arith.cmpi ne, %convert_element_type3A_31, %cond3A_32 : i32
    scf.if %cond3A_33 {
      "tpu.region"() ({
        %run_scoped3A = tpu.sem_alloc : memref<!tpu.dma_semaphore, #tpu.memory_space<semaphore_mem>>
        %dma_start3A = arith.constant 0 : i32
        %dma_start3A_41 = arith.constant 0 : i32
        %dma_start3A_42 = tpu.memref_slice %arg7[%dma_start3A, %dma_start3A_41] : memref<56x128xi32, #tpu.memory_space<vmem>> -> memref<45x128xi32, #tpu.memory_space<vmem>>
        %dma_start3A_43 = arith.constant 112 : i32
        %dma_start3A_44 = arith.constant 0 : i32
        %dma_start3A_45 = tpu.memref_slice %arg4[%arg1, %dma_start3A_43, %dma_start3A_44] : memref<16x157x128xi32, #tpu.memory_space<hbm>> -> memref<1x45x128xi32, #tpu.memory_space<hbm>>
        %dma_start3A_46 = tpu.memref_squeeze %dma_start3A_45 : memref<1x45x128xi32, #tpu.memory_space<hbm>> -> memref<45x128xi32, #tpu.memory_space<hbm>>
        %dma_start3A_47 = arith.constant 0 : i32
        %dma_start3A_48 = arith.constant 0 : i32
        %dma_start3A_49 = tpu.memref_slice %arg7[%dma_start3A_47, %dma_start3A_48] : memref<56x128xi32, #tpu.memory_space<vmem>> -> memref<45x128xi32, #tpu.memory_space<vmem>>
        %dma_start3A_50 = arith.constant 112 : i32
        %dma_start3A_51 = arith.constant 0 : i32
        %dma_start3A_52 = tpu.memref_slice %arg4[%arg1, %dma_start3A_50, %dma_start3A_51] : memref<16x157x128xi32, #tpu.memory_space<hbm>> -> memref<1x45x128xi32, #tpu.memory_space<hbm>>
        %dma_start3A_53 = tpu.memref_squeeze %dma_start3A_52 : memref<1x45x128xi32, #tpu.memory_space<hbm>> -> memref<45x128xi32, #tpu.memory_space<hbm>>
        tpu.enqueue_dma source(%dma_start3A_53 : memref<45x128xi32, #tpu.memory_space<hbm>>) target(%dma_start3A_49 : memref<45x128xi32, #tpu.memory_space<vmem>>) target_semaphore(%run_scoped3A : memref<!tpu.dma_semaphore, #tpu.memory_space<semaphore_mem>>)
        %dma_wait3A = arith.constant 0 : i32
        %dma_wait3A_54 = arith.constant 0 : i32
        %dma_wait3A_55 = tpu.memref_slice %arg7[%dma_wait3A, %dma_wait3A_54] : memref<56x128xi32, #tpu.memory_space<vmem>> -> memref<45x128xi32, #tpu.memory_space<vmem>>
        %dma_wait3A_56 = arith.constant 112 : i32
        %dma_wait3A_57 = arith.constant 0 : i32
        %dma_wait3A_58 = tpu.memref_slice %arg4[%arg1, %dma_wait3A_56, %dma_wait3A_57] : memref<16x157x128xi32, #tpu.memory_space<hbm>> -> memref<1x45x128xi32, #tpu.memory_space<hbm>>
        %dma_wait3A_59 = tpu.memref_squeeze %dma_wait3A_58 : memref<1x45x128xi32, #tpu.memory_space<hbm>> -> memref<45x128xi32, #tpu.memory_space<hbm>>
        %dma_wait3A_60 = arith.constant 0 : i32
        %dma_wait3A_61 = arith.constant 0 : i32
        %dma_wait3A_62 = tpu.memref_slice %arg7[%dma_wait3A_60, %dma_wait3A_61] : memref<56x128xi32, #tpu.memory_space<vmem>> -> memref<45x128xi32, #tpu.memory_space<vmem>>
        %dma_wait3A_63 = arith.constant 112 : i32
        %dma_wait3A_64 = arith.constant 0 : i32
        %dma_wait3A_65 = tpu.memref_slice %arg4[%arg1, %dma_wait3A_63, %dma_wait3A_64] : memref<16x157x128xi32, #tpu.memory_space<hbm>> -> memref<1x45x128xi32, #tpu.memory_space<hbm>>
        %dma_wait3A_66 = tpu.memref_squeeze %dma_wait3A_65 : memref<1x45x128xi32, #tpu.memory_space<hbm>> -> memref<45x128xi32, #tpu.memory_space<hbm>>
        tpu.wait_dma2 semaphore(%run_scoped3A : memref<!tpu.dma_semaphore, #tpu.memory_space<semaphore_mem>>) src(%dma_wait3A_66 : memref<45x128xi32, #tpu.memory_space<hbm>>) dst(%dma_wait3A_62 : memref<45x128xi32, #tpu.memory_space<vmem>>)
        tpu.yield
      }) : () -> ()
    } else {
    }
    %convert_element_type3A_34 = arith.extui %eq3A_0 : i1 to i32
    %cond3A_35 = arith.constant 0 : i32
    %cond3A_36 = arith.cmpi ne, %convert_element_type3A_34, %cond3A_35 : i32
    scf.if %cond3A_36 {
      %dma_start3A = arith.constant 0 : i32
      %dma_start3A_41 = arith.constant 0 : i32
      %dma_start3A_42 = arith.constant 0 : i32
      %dma_start3A_43 = arith.constant 0 : i32
      %dma_start3A_44 = tpu.memref_slice %arg8[%dma_start3A_41, %dma_start3A_42, %dma_start3A_43] : memref<2x128x128xf32, #tpu.memory_space<vmem>> -> memref<1x128x128xf32, #tpu.memory_space<vmem>>
      %dma_start3A_45 = tpu.memref_squeeze %dma_start3A_44 : memref<1x128x128xf32, #tpu.memory_space<vmem>> -> memref<128x128xf32, #tpu.memory_space<vmem>>
      %dma_start3A_46 = arith.constant 0 : i32
      %dma_start3A_47 = tpu.memref_slice %arg6[%dma_start3A, %dma_start3A_46] : memref<56x128xi32, #tpu.memory_space<vmem>> -> memref<1x128xi32, #tpu.memory_space<vmem>>
      %dma_start3A_48 = tpu.memref_squeeze %dma_start3A_47 : memref<1x128xi32, #tpu.memory_space<vmem>> -> memref<128xi32, #tpu.memory_space<vmem>>
      %dma_start3A_49 = arith.constant 0 : i32
      %dma_start3A_50 = arith.constant 0 : i32
      %dma_start3A_51 = tpu.memref_slice %arg2[%dma_start3A_49, %dma_start3A_50] : memref<10240x128xf32, #tpu.memory_space<hbm>> -> memref<10240x128xf32, #tpu.memory_space<hbm>>
      tpu.enqueue_indirect_dma source(%dma_start3A_51 : memref<10240x128xf32, #tpu.memory_space<hbm>>) target(%dma_start3A_45 : memref<128x128xf32, #tpu.memory_space<vmem>>) offsets(%dma_start3A_48 : memref<128xi32, #tpu.memory_space<vmem>>) semaphore(%arg10 : memref<!tpu.dma_semaphore, #tpu.memory_space<semaphore_mem>>)
      %dma_start3A_52 = arith.constant 1 : i32
      %dma_start3A_53 = arith.constant 1 : i32
      %dma_start3A_54 = arith.constant 0 : i32
      %dma_start3A_55 = arith.constant 0 : i32
      %dma_start3A_56 = tpu.memref_slice %arg8[%dma_start3A_53, %dma_start3A_54, %dma_start3A_55] : memref<2x128x128xf32, #tpu.memory_space<vmem>> -> memref<1x128x128xf32, #tpu.memory_space<vmem>>
      %dma_start3A_57 = tpu.memref_squeeze %dma_start3A_56 : memref<1x128x128xf32, #tpu.memory_space<vmem>> -> memref<128x128xf32, #tpu.memory_space<vmem>>
      %dma_start3A_58 = arith.constant 0 : i32
      %dma_start3A_59 = tpu.memref_slice %arg6[%dma_start3A_52, %dma_start3A_58] : memref<56x128xi32, #tpu.memory_space<vmem>> -> memref<1x128xi32, #tpu.memory_space<vmem>>
      %dma_start3A_60 = tpu.memref_squeeze %dma_start3A_59 : memref<1x128xi32, #tpu.memory_space<vmem>> -> memref<128xi32, #tpu.memory_space<vmem>>
      %dma_start3A_61 = arith.constant 0 : i32
      %dma_start3A_62 = arith.constant 0 : i32
      %dma_start3A_63 = tpu.memref_slice %arg2[%dma_start3A_61, %dma_start3A_62] : memref<10240x128xf32, #tpu.memory_space<hbm>> -> memref<10240x128xf32, #tpu.memory_space<hbm>>
      tpu.enqueue_indirect_dma source(%dma_start3A_63 : memref<10240x128xf32, #tpu.memory_space<hbm>>) target(%dma_start3A_57 : memref<128x128xf32, #tpu.memory_space<vmem>>) offsets(%dma_start3A_60 : memref<128xi32, #tpu.memory_space<vmem>>) semaphore(%arg10 : memref<!tpu.dma_semaphore, #tpu.memory_space<semaphore_mem>>)
      %scan3A_64 = arith.constant 0 : i32
      %scan3A_65 = arith.constant 0 : i32
      %scan3A_66 = arith.constant 45 : i32
      %scan3A_67 = arith.addi %scan3A_65, %scan3A_66 : i32
      %scan3A_68 = arith.constant 1 : i32
      %scan3A_69 = scf.for %scan3A_71 = %scan3A_65 to %scan3A_67 step %scan3A_68 iter_args(%scan3A_72 = %scan3A_64) -> (i32)  : i32 {
        %jit3A = arith.constant 2 : i32
        %eq3A_73 = arith.constant 0 : i32
        %eq3A_74 = arith.cmpi eq, %jit3A, %eq3A_73 : i32
        %jit3A_75 = arith.constant 1 : i32
        %select_n3A = arith.select %eq3A_74, %jit3A_75, %jit3A : i32
        %rem3A = arith.remsi %scan3A_71, %select_n3A : i32
        %ne3A = arith.constant 0 : i32
        %ne3A_76 = arith.cmpi ne, %rem3A, %ne3A : i32
        %lt3A = arith.constant 0 : i32
        %lt3A_77 = arith.cmpi slt, %rem3A, %lt3A : i32
        %lt3A_78 = arith.constant 0 : i32
        %lt3A_79 = arith.cmpi slt, %select_n3A, %lt3A_78 : i32
        %ne3A_80 = arith.xori %lt3A_77, %lt3A_79 : i1
        %and3A = arith.andi %ne3A_80, %ne3A_76 : i1
        %add3A = arith.addi %rem3A, %select_n3A : i32
        %select_n3A_81 = arith.select %and3A, %add3A, %rem3A : i32
        %dma_wait3A = arith.constant 0 : i32
        %dma_wait3A_82 = arith.constant 0 : i32
        %dma_wait3A_83 = tpu.memref_slice %arg8[%select_n3A_81, %dma_wait3A, %dma_wait3A_82] : memref<2x128x128xf32, #tpu.memory_space<vmem>> -> memref<1x128x128xf32, #tpu.memory_space<vmem>>
        %dma_wait3A_84 = tpu.memref_squeeze %dma_wait3A_83 : memref<1x128x128xf32, #tpu.memory_space<vmem>> -> memref<128x128xf32, #tpu.memory_space<vmem>>
        %dma_wait3A_85 = arith.constant 0 : i32
        %dma_wait3A_86 = arith.constant 0 : i32
        %dma_wait3A_87 = tpu.memref_slice %arg2[%dma_wait3A_85, %dma_wait3A_86] : memref<10240x128xf32, #tpu.memory_space<hbm>> -> memref<128x128xf32, #tpu.memory_space<hbm>>
        %dma_wait3A_88 = arith.constant 0 : i32
        %dma_wait3A_89 = arith.constant 0 : i32
        %dma_wait3A_90 = tpu.memref_slice %arg8[%select_n3A_81, %dma_wait3A_88, %dma_wait3A_89] : memref<2x128x128xf32, #tpu.memory_space<vmem>> -> memref<1x128x128xf32, #tpu.memory_space<vmem>>
        %dma_wait3A_91 = tpu.memref_squeeze %dma_wait3A_90 : memref<1x128x128xf32, #tpu.memory_space<vmem>> -> memref<128x128xf32, #tpu.memory_space<vmem>>
        %dma_wait3A_92 = arith.constant 0 : i32
        %dma_wait3A_93 = arith.constant 0 : i32
        %dma_wait3A_94 = tpu.memref_slice %arg2[%dma_wait3A_92, %dma_wait3A_93] : memref<10240x128xf32, #tpu.memory_space<hbm>> -> memref<128x128xf32, #tpu.memory_space<hbm>>
        tpu.wait_dma2 semaphore(%arg10 : memref<!tpu.dma_semaphore, #tpu.memory_space<semaphore_mem>>) src(%dma_wait3A_94 : memref<128x128xf32, #tpu.memory_space<hbm>>) dst(%dma_wait3A_91 : memref<128x128xf32, #tpu.memory_space<vmem>>)
        "tpu.region"() ({
          %run_scoped3A = tpu.sem_alloc : memref<!tpu.dma_semaphore, #tpu.memory_space<semaphore_mem>>
          %dma_start3A_103 = arith.constant 0 : i32
          %dma_start3A_104 = arith.constant 0 : i32
          %dma_start3A_105 = tpu.memref_slice %arg8[%select_n3A_81, %dma_start3A_103, %dma_start3A_104] : memref<2x128x128xf32, #tpu.memory_space<vmem>> -> memref<1x128x128xf32, #tpu.memory_space<vmem>>
          %dma_start3A_106 = tpu.memref_squeeze %dma_start3A_105 : memref<1x128x128xf32, #tpu.memory_space<vmem>> -> memref<128x128xf32, #tpu.memory_space<vmem>>
          %dma_start3A_107 = arith.constant 0 : i32
          %dma_start3A_108 = tpu.memref_slice %arg7[%scan3A_71, %dma_start3A_107] : memref<56x128xi32, #tpu.memory_space<vmem>> -> memref<1x128xi32, #tpu.memory_space<vmem>>
          %dma_start3A_109 = tpu.memref_squeeze %dma_start3A_108 : memref<1x128xi32, #tpu.memory_space<vmem>> -> memref<128xi32, #tpu.memory_space<vmem>>
          %dma_start3A_110 = arith.constant 0 : i32
          %dma_start3A_111 = arith.constant 0 : i32
          %dma_start3A_112 = tpu.memref_slice %arg9[%dma_start3A_110, %dma_start3A_111] : memref<10240x128xf32, #tpu.memory_space<vmem_shared>> -> memref<10240x128xf32, #tpu.memory_space<vmem_shared>>
          tpu.enqueue_indirect_dma source(%dma_start3A_106 : memref<128x128xf32, #tpu.memory_space<vmem>>) target(%dma_start3A_112 : memref<10240x128xf32, #tpu.memory_space<vmem_shared>>) offsets(%dma_start3A_109 : memref<128xi32, #tpu.memory_space<vmem>>) semaphore(%run_scoped3A : memref<!tpu.dma_semaphore, #tpu.memory_space<semaphore_mem>>) {add = true}
          %dma_wait3A_113 = arith.constant 0 : i32
          %dma_wait3A_114 = arith.constant 0 : i32
          %dma_wait3A_115 = tpu.memref_slice %arg8[%select_n3A_81, %dma_wait3A_113, %dma_wait3A_114] : memref<2x128x128xf32, #tpu.memory_space<vmem>> -> memref<1x128x128xf32, #tpu.memory_space<vmem>>
          %dma_wait3A_116 = tpu.memref_squeeze %dma_wait3A_115 : memref<1x128x128xf32, #tpu.memory_space<vmem>> -> memref<128x128xf32, #tpu.memory_space<vmem>>
          %dma_wait3A_117 = arith.constant 0 : i32
          %dma_wait3A_118 = tpu.memref_slice %arg7[%scan3A_71, %dma_wait3A_117] : memref<56x128xi32, #tpu.memory_space<vmem>> -> memref<1x128xi32, #tpu.memory_space<vmem>>
          %dma_wait3A_119 = tpu.memref_squeeze %dma_wait3A_118 : memref<1x128xi32, #tpu.memory_space<vmem>> -> memref<128xi32, #tpu.memory_space<vmem>>
          %dma_wait3A_120 = arith.constant 0 : i32
          %dma_wait3A_121 = arith.constant 0 : i32
          %dma_wait3A_122 = tpu.memref_slice %arg9[%dma_wait3A_120, %dma_wait3A_121] : memref<10240x128xf32, #tpu.memory_space<vmem_shared>> -> memref<10240x128xf32, #tpu.memory_space<vmem_shared>>
          tpu.wait_indirect_dma semaphore(%run_scoped3A : memref<!tpu.dma_semaphore, #tpu.memory_space<semaphore_mem>>) src(%dma_wait3A_116 : memref<128x128xf32, #tpu.memory_space<vmem>>) dst(%dma_wait3A_122 : memref<10240x128xf32, #tpu.memory_space<vmem_shared>>)
          tpu.yield
        }) : () -> ()
        %add3A_95 = arith.constant 2 : i32
        %add3A_96 = arith.addi %scan3A_71, %add3A_95 : i32
        %lt3A_97 = arith.constant 45 : i32
        %lt3A_98 = arith.cmpi slt, %add3A_96, %lt3A_97 : i32
        %convert_element_type3A_99 = arith.extui %lt3A_98 : i1 to i32
        %cond3A_100 = arith.constant 0 : i32
        %cond3A_101 = arith.cmpi ne, %convert_element_type3A_99, %cond3A_100 : i32
        scf.if %cond3A_101 {
          %add3A_103 = arith.constant 2 : i32
          %add3A_104 = arith.addi %scan3A_71, %add3A_103 : i32
          %dma_start3A_105 = arith.constant 0 : i32
          %dma_start3A_106 = arith.constant 0 : i32
          %dma_start3A_107 = tpu.memref_slice %arg8[%select_n3A_81, %dma_start3A_105, %dma_start3A_106] : memref<2x128x128xf32, #tpu.memory_space<vmem>> -> memref<1x128x128xf32, #tpu.memory_space<vmem>>
          %dma_start3A_108 = tpu.memref_squeeze %dma_start3A_107 : memref<1x128x128xf32, #tpu.memory_space<vmem>> -> memref<128x128xf32, #tpu.memory_space<vmem>>
          %dma_start3A_109 = arith.constant 0 : i32
          %dma_start3A_110 = tpu.memref_slice %arg6[%add3A_104, %dma_start3A_109] : memref<56x128xi32, #tpu.memory_space<vmem>> -> memref<1x128xi32, #tpu.memory_space<vmem>>
          %dma_start3A_111 = tpu.memref_squeeze %dma_start3A_110 : memref<1x128xi32, #tpu.memory_space<vmem>> -> memref<128xi32, #tpu.memory_space<vmem>>
          %dma_start3A_112 = arith.constant 0 : i32
          %dma_start3A_113 = arith.constant 0 : i32
          %dma_start3A_114 = tpu.memref_slice %arg2[%dma_start3A_112, %dma_start3A_113] : memref<10240x128xf32, #tpu.memory_space<hbm>> -> memref<10240x128xf32, #tpu.memory_space<hbm>>
          tpu.enqueue_indirect_dma source(%dma_start3A_114 : memref<10240x128xf32, #tpu.memory_space<hbm>>) target(%dma_start3A_108 : memref<128x128xf32, #tpu.memory_space<vmem>>) offsets(%dma_start3A_111 : memref<128xi32, #tpu.memory_space<vmem>>) semaphore(%arg10 : memref<!tpu.dma_semaphore, #tpu.memory_space<semaphore_mem>>)
        } else {
        }
        %scan3A_102 = arith.constant 0 : i32
        scf.yield %scan3A_102 : i32
      }
      %scan3A_70 = arith.constant 45 : i32
    } else {
    }
    %barrier3A_37 = arith.constant 0 : index
    tpu.barrier barrier_id(%barrier3A_37)
    %convert_element_type3A_38 = arith.extui %eq3A_0 : i1 to i32
    %cond3A_39 = arith.constant 0 : i32
    %cond3A_40 = arith.cmpi ne, %convert_element_type3A_38, %cond3A_39 : i32
    scf.if %cond3A_40 {
      "tpu.region"() ({
        %run_scoped3A = tpu.sem_alloc : memref<!tpu.dma_semaphore, #tpu.memory_space<semaphore_mem>>
        %dma_start3A = arith.constant 0 : i32
        %dma_start3A_41 = tpu.memref_slice %arg5[%mul3A_8, %dma_start3A] : memref<10240x128xf32, #tpu.memory_space<hbm>> -> memref<640x128xf32, #tpu.memory_space<hbm>>
        %dma_start3A_42 = arith.constant 0 : i32
        %dma_start3A_43 = tpu.memref_slice %arg9[%mul3A_8, %dma_start3A_42] : memref<10240x128xf32, #tpu.memory_space<vmem_shared>> -> memref<640x128xf32, #tpu.memory_space<vmem_shared>>
        tpu.enqueue_dma source(%dma_start3A_43 : memref<640x128xf32, #tpu.memory_space<vmem_shared>>) target(%dma_start3A_41 : memref<640x128xf32, #tpu.memory_space<hbm>>) target_semaphore(%run_scoped3A : memref<!tpu.dma_semaphore, #tpu.memory_space<semaphore_mem>>)
        %dma_wait3A = arith.constant 0 : i32
        %dma_wait3A_44 = tpu.memref_slice %arg5[%mul3A_8, %dma_wait3A] : memref<10240x128xf32, #tpu.memory_space<hbm>> -> memref<640x128xf32, #tpu.memory_space<hbm>>
        %dma_wait3A_45 = arith.constant 0 : i32
        %dma_wait3A_46 = tpu.memref_slice %arg9[%mul3A_8, %dma_wait3A_45] : memref<10240x128xf32, #tpu.memory_space<vmem_shared>> -> memref<640x128xf32, #tpu.memory_space<vmem_shared>>
        tpu.wait_dma2 semaphore(%run_scoped3A : memref<!tpu.dma_semaphore, #tpu.memory_space<semaphore_mem>>) src(%dma_wait3A_46 : memref<640x128xf32, #tpu.memory_space<vmem_shared>>) dst(%dma_wait3A_44 : memref<640x128xf32, #tpu.memory_space<hbm>>)
        tpu.yield
      }) : () -> ()
    } else {
    }
    return
  }
}

module attributes {stable_mosaic.version = 14 : i64} {
  func.func @body(%arg0: i32, %arg1: memref<512x128xf32, #tpu.memory_space<vmem>>, %arg2: memref<128x128xf32, #tpu.memory_space<vmem>>, %arg3: memref<128x128xf32, #tpu.memory_space<vmem>>, %arg4: memref<1x128xf32, #tpu.memory_space<vmem>>, %arg5: memref<512x128xf32, #tpu.memory_space<vmem>>, %arg6: memref<512x128xf32, #tpu.memory_space<vmem>>) attributes {dimension_semantics = [#tpu.dimension_semantics<arbitrary>], iteration_bounds = array<i64: 20>, scalar_prefetch = 0 : i64, scratch_operands = 0 : i64, tpu.core_type = #tpu.core_type<tc>, window_params = [{transform_indices = @transform_0, window_bounds = array<i64: 512, 128>}, {pipeline_mode = #tpu.pipeline_mode<synchronous>, transform_indices = @transform_1, window_bounds = array<i64: 128, 128>}, {pipeline_mode = #tpu.pipeline_mode<synchronous>, transform_indices = @transform_2, window_bounds = array<i64: 128, 128>}, {pipeline_mode = #tpu.pipeline_mode<synchronous>, transform_indices = @transform_3, window_bounds = array<i64: 1, 128>}, {transform_indices = @transform_4, window_bounds = array<i64: 512, 128>}, {transform_indices = @transform_5, window_bounds = array<i64: 512, 128>}]} {
    %get3A = arith.constant 0 : index
    %get3A_0 = arith.constant 0 : index
    %get3A_1 = vector.load %arg1[%get3A, %get3A_0] : memref<512x128xf32, #tpu.memory_space<vmem>>, vector<512x128xf32>
    %get3A_2 = arith.constant 0 : index
    %get3A_3 = arith.constant 0 : index
    %get3A_4 = vector.load %arg2[%get3A_2, %get3A_3] : memref<128x128xf32, #tpu.memory_space<vmem>>, vector<128x128xf32>
    %dot_general3A = arith.constant dense<0.000000e+00> : vector<512x128xf32>
    %dot_general3A_5 = tpu.matmul %get3A_1, %get3A_4, %dot_general3A {dimension_numbers = #tpu.dot_dimension_numbers<[1], [1], [0], [0], [0, 0, 1, 0], [], []>, transpose_lhs_hint = false} : vector<512x128xf32>, vector<128x128xf32>, vector<512x128xf32> -> vector<512x128xf32>
    %swap3A = arith.constant 0 : index
    %swap3A_6 = arith.constant 0 : index
    %swap3A_7 = vector.load %arg5[%swap3A, %swap3A_6] : memref<512x128xf32, #tpu.memory_space<vmem>>, vector<512x128xf32>
    tpu.vector_store %arg5[%swap3A, %swap3A_6], %dot_general3A_5 {strides = array<i32>} : memref<512x128xf32, #tpu.memory_space<vmem>>, vector<512x128xf32>,
    %get3A_8 = arith.constant 0 : index
    %get3A_9 = arith.constant 0 : index
    %get3A_10 = vector.load %arg3[%get3A_8, %get3A_9] : memref<128x128xf32, #tpu.memory_space<vmem>>, vector<128x128xf32>
    %dot_general3A_11 = arith.constant dense<0.000000e+00> : vector<512x128xf32>
    %dot_general3A_12 = tpu.matmul %get3A_1, %get3A_10, %dot_general3A_11 {dimension_numbers = #tpu.dot_dimension_numbers<[1], [1], [0], [0], [0, 0, 1, 0], [], []>, transpose_lhs_hint = false} : vector<512x128xf32>, vector<128x128xf32>, vector<512x128xf32> -> vector<512x128xf32>
    %get3A_13 = arith.constant 0 : index
    %get3A_14 = arith.constant 0 : index
    %get3A_15 = vector.load %arg4[%get3A_13, %get3A_14] : memref<1x128xf32, #tpu.memory_space<vmem>>, vector<1x128xf32>
    %add3A = vector.broadcast %get3A_15 : vector<1x128xf32> to vector<512x128xf32>
    %add3A_16 = arith.addf %dot_general3A_12, %add3A : vector<512x128xf32>
    %swap3A_17 = arith.constant 0 : index
    %swap3A_18 = arith.constant 0 : index
    %swap3A_19 = vector.load %arg6[%swap3A_17, %swap3A_18] : memref<512x128xf32, #tpu.memory_space<vmem>>, vector<512x128xf32>
    tpu.vector_store %arg6[%swap3A_17, %swap3A_18], %add3A_16 {strides = array<i32>} : memref<512x128xf32, #tpu.memory_space<vmem>>, vector<512x128xf32>,
    return
  }
  func.func @transform_0(%arg0: i32) -> (i32, i32) {
    %c0_i32 = arith.constant 0 : i32
    %c0_i32_0 = arith.constant 0 : i32
    return %arg0, %c0_i32 : i32, i32
  }
  func.func @transform_1(%arg0: i32) -> (i32, i32) {
    %c0_i32 = arith.constant 0 : i32
    %c0_i32_0 = arith.constant 0 : i32
    %c0_i32_1 = arith.constant 0 : i32
    return %c0_i32, %c0_i32_0 : i32, i32
  }
  func.func @transform_2(%arg0: i32) -> (i32, i32) {
    %c0_i32 = arith.constant 0 : i32
    %c0_i32_0 = arith.constant 0 : i32
    %c0_i32_1 = arith.constant 0 : i32
    return %c0_i32, %c0_i32_0 : i32, i32
  }
  func.func @transform_3(%arg0: i32) -> (i32, i32) {
    %c0_i32 = arith.constant 0 : i32
    %c0_i32_0 = arith.constant 0 : i32
    %c0_i32_1 = arith.constant 0 : i32
    return %c0_i32, %c0_i32_0 : i32, i32
  }
  func.func @transform_4(%arg0: i32) -> (i32, i32) {
    %c0_i32 = arith.constant 0 : i32
    %c0_i32_0 = arith.constant 0 : i32
    return %arg0, %c0_i32 : i32, i32
  }
  func.func @transform_5(%arg0: i32) -> (i32, i32) {
    %c0_i32 = arith.constant 0 : i32
    %c0_i32_0 = arith.constant 0 : i32
    return %arg0, %c0_i32 : i32, i32
  }
}

module attributes {stable_mosaic.version = 14 : i64} {
  func.func @body(%arg0: i32, %arg1: memref<512x128xf32, #tpu.memory_space<vmem>>, %arg2: memref<512x128xf32, #tpu.memory_space<vmem>>, %arg3: memref<512x128xf32, #tpu.memory_space<vmem>>, %arg4: memref<1x128xf32, #tpu.memory_space<vmem>>, %arg5: memref<1x128xf32, #tpu.memory_space<vmem>>, %arg6: memref<1x128xf32, #tpu.memory_space<vmem>>, %arg7: memref<1x128xf32, #tpu.memory_space<vmem>>, %arg8: memref<128x128xf32, #tpu.memory_space<vmem>>, %arg9: memref<128x128xf32, #tpu.memory_space<vmem>>, %arg10: memref<1x128xf32, #tpu.memory_space<vmem>>, %arg11: memref<512x128xf32, #tpu.memory_space<vmem>>, %arg12: memref<512x128xf32, #tpu.memory_space<vmem>>) attributes {dimension_semantics = [#tpu.dimension_semantics<arbitrary>], iteration_bounds = array<i64: 20>, scalar_prefetch = 0 : i64, scratch_operands = 0 : i64, tpu.core_type = #tpu.core_type<tc>, window_params = [{transform_indices = @transform_0, window_bounds = array<i64: 512, 128>}, {transform_indices = @transform_1, window_bounds = array<i64: 512, 128>}, {transform_indices = @transform_2, window_bounds = array<i64: 512, 128>}, {pipeline_mode = #tpu.pipeline_mode<synchronous>, transform_indices = @transform_3, window_bounds = array<i64: 1, 128>}, {pipeline_mode = #tpu.pipeline_mode<synchronous>, transform_indices = @transform_4, window_bounds = array<i64: 1, 128>}, {pipeline_mode = #tpu.pipeline_mode<synchronous>, transform_indices = @transform_5, window_bounds = array<i64: 1, 128>}, {pipeline_mode = #tpu.pipeline_mode<synchronous>, transform_indices = @transform_6, window_bounds = array<i64: 1, 128>}, {pipeline_mode = #tpu.pipeline_mode<synchronous>, transform_indices = @transform_7, window_bounds = array<i64: 128, 128>}, {pipeline_mode = #tpu.pipeline_mode<synchronous>, transform_indices = @transform_8, window_bounds = array<i64: 128, 128>}, {pipeline_mode = #tpu.pipeline_mode<synchronous>, transform_indices = @transform_9, window_bounds = array<i64: 1, 128>}, {transform_indices = @transform_10, window_bounds = array<i64: 512, 128>}, {transform_indices = @transform_11, window_bounds = array<i64: 512, 128>}]} {
    %get3A = arith.constant 0 : index
    %get3A_0 = arith.constant 0 : index
    %get3A_1 = vector.load %arg2[%get3A, %get3A_0] : memref<512x128xf32, #tpu.memory_space<vmem>>, vector<512x1xf32>
    %max3A = arith.constant 1.000000e+00 : f32
    %max3A_2 = vector.broadcast %max3A : f32 to vector<512x1xf32>
    %max3A_3 = arith.maximumf %get3A_1, %max3A_2 : vector<512x1xf32>
    %div3A = arith.constant 1.000000e+00 : f32
    %div3A_4 = vector.broadcast %div3A : f32 to vector<512x1xf32>
    %div3A_5 = arith.divf %div3A_4, %max3A_3 : vector<512x1xf32>
    %get3A_6 = arith.constant 0 : index
    %get3A_7 = arith.constant 0 : index
    %get3A_8 = vector.load %arg1[%get3A_6, %get3A_7] : memref<512x128xf32, #tpu.memory_space<vmem>>, vector<512x128xf32>
    %mul3A = vector.broadcast %div3A_5 : vector<512x1xf32> to vector<512x128xf32>
    %mul3A_9 = arith.mulf %get3A_8, %mul3A : vector<512x128xf32>
    %get3A_10 = arith.constant 0 : index
    %get3A_11 = arith.constant 0 : index
    %get3A_12 = vector.load %arg3[%get3A_10, %get3A_11] : memref<512x128xf32, #tpu.memory_space<vmem>>, vector<512x128xf32>
    %add3A = arith.addf %mul3A_9, %get3A_12 : vector<512x128xf32>
    %get3A_13 = arith.constant 0 : index
    %get3A_14 = arith.constant 0 : index
    %get3A_15 = vector.load %arg4[%get3A_13, %get3A_14] : memref<1x128xf32, #tpu.memory_space<vmem>>, vector<1x128xf32>
    %get3A_16 = arith.constant 0 : index
    %get3A_17 = arith.constant 0 : index
    %get3A_18 = vector.load %arg7[%get3A_16, %get3A_17] : memref<1x128xf32, #tpu.memory_space<vmem>>, vector<1x128xf32>
    %add3A_19 = arith.constant 9.99999974E-6 : f32
    %add3A_20 = vector.broadcast %add3A_19 : f32 to vector<1x128xf32>
    %add3A_21 = arith.addf %get3A_18, %add3A_20 : vector<1x128xf32>
    %rsqrt3A = math.rsqrt %add3A_21 : vector<1x128xf32>
    %mul3A_22 = arith.mulf %get3A_15, %rsqrt3A : vector<1x128xf32>
    %get3A_23 = arith.constant 0 : index
    %get3A_24 = arith.constant 0 : index
    %get3A_25 = vector.load %arg6[%get3A_23, %get3A_24] : memref<1x128xf32, #tpu.memory_space<vmem>>, vector<1x128xf32>
    %sub3A = vector.broadcast %get3A_25 : vector<1x128xf32> to vector<512x128xf32>
    %sub3A_26 = arith.subf %add3A, %sub3A : vector<512x128xf32>
    %mul3A_27 = vector.broadcast %mul3A_22 : vector<1x128xf32> to vector<512x128xf32>
    %mul3A_28 = arith.mulf %sub3A_26, %mul3A_27 : vector<512x128xf32>
    %get3A_29 = arith.constant 0 : index
    %get3A_30 = arith.constant 0 : index
    %get3A_31 = vector.load %arg5[%get3A_29, %get3A_30] : memref<1x128xf32, #tpu.memory_space<vmem>>, vector<1x128xf32>
    %add3A_32 = vector.broadcast %get3A_31 : vector<1x128xf32> to vector<512x128xf32>
    %add3A_33 = arith.addf %mul3A_28, %add3A_32 : vector<512x128xf32>
    %max3A_34 = arith.constant 0.000000e+00 : f32
    %max3A_35 = vector.broadcast %max3A_34 : f32 to vector<512x128xf32>
    %max3A_36 = arith.maximumf %add3A_33, %max3A_35 : vector<512x128xf32>
    %get3A_37 = arith.constant 0 : index
    %get3A_38 = arith.constant 0 : index
    %get3A_39 = vector.load %arg8[%get3A_37, %get3A_38] : memref<128x128xf32, #tpu.memory_space<vmem>>, vector<128x128xf32>
    %dot_general3A = arith.constant dense<0.000000e+00> : vector<512x128xf32>
    %dot_general3A_40 = tpu.matmul %max3A_36, %get3A_39, %dot_general3A {dimension_numbers = #tpu.dot_dimension_numbers<[1], [1], [0], [0], [0, 0, 1, 0], [], []>, transpose_lhs_hint = false} : vector<512x128xf32>, vector<128x128xf32>, vector<512x128xf32> -> vector<512x128xf32>
    %swap3A = arith.constant 0 : index
    %swap3A_41 = arith.constant 0 : index
    %swap3A_42 = vector.load %arg11[%swap3A, %swap3A_41] : memref<512x128xf32, #tpu.memory_space<vmem>>, vector<512x128xf32>
    tpu.vector_store %arg11[%swap3A, %swap3A_41], %dot_general3A_40 {strides = array<i32>} : memref<512x128xf32, #tpu.memory_space<vmem>>, vector<512x128xf32>,
    %get3A_43 = arith.constant 0 : index
    %get3A_44 = arith.constant 0 : index
    %get3A_45 = vector.load %arg9[%get3A_43, %get3A_44] : memref<128x128xf32, #tpu.memory_space<vmem>>, vector<128x128xf32>
    %dot_general3A_46 = arith.constant dense<0.000000e+00> : vector<512x128xf32>
    %dot_general3A_47 = tpu.matmul %max3A_36, %get3A_45, %dot_general3A_46 {dimension_numbers = #tpu.dot_dimension_numbers<[1], [1], [0], [0], [0, 0, 1, 0], [], []>, transpose_lhs_hint = false} : vector<512x128xf32>, vector<128x128xf32>, vector<512x128xf32> -> vector<512x128xf32>
    %get3A_48 = arith.constant 0 : index
    %get3A_49 = arith.constant 0 : index
    %get3A_50 = vector.load %arg10[%get3A_48, %get3A_49] : memref<1x128xf32, #tpu.memory_space<vmem>>, vector<1x128xf32>
    %add3A_51 = vector.broadcast %get3A_50 : vector<1x128xf32> to vector<512x128xf32>
    %add3A_52 = arith.addf %dot_general3A_47, %add3A_51 : vector<512x128xf32>
    %swap3A_53 = arith.constant 0 : index
    %swap3A_54 = arith.constant 0 : index
    %swap3A_55 = vector.load %arg12[%swap3A_53, %swap3A_54] : memref<512x128xf32, #tpu.memory_space<vmem>>, vector<512x128xf32>
    tpu.vector_store %arg12[%swap3A_53, %swap3A_54], %add3A_52 {strides = array<i32>} : memref<512x128xf32, #tpu.memory_space<vmem>>, vector<512x128xf32>,
    return
  }
  func.func @transform_0(%arg0: i32) -> (i32, i32) {
    %c0_i32 = arith.constant 0 : i32
    %c0_i32_0 = arith.constant 0 : i32
    return %arg0, %c0_i32 : i32, i32
  }
  func.func @transform_1(%arg0: i32) -> (i32, i32) {
    %c0_i32 = arith.constant 0 : i32
    %c0_i32_0 = arith.constant 0 : i32
    return %arg0, %c0_i32 : i32, i32
  }
  func.func @transform_2(%arg0: i32) -> (i32, i32) {
    %c0_i32 = arith.constant 0 : i32
    %c0_i32_0 = arith.constant 0 : i32
    return %arg0, %c0_i32 : i32, i32
  }
  func.func @transform_3(%arg0: i32) -> (i32, i32) {
    %c0_i32 = arith.constant 0 : i32
    %c0_i32_0 = arith.constant 0 : i32
    %c0_i32_1 = arith.constant 0 : i32
    return %c0_i32, %c0_i32_0 : i32, i32
  }
  func.func @transform_4(%arg0: i32) -> (i32, i32) {
    %c0_i32 = arith.constant 0 : i32
    %c0_i32_0 = arith.constant 0 : i32
    %c0_i32_1 = arith.constant 0 : i32
    return %c0_i32, %c0_i32_0 : i32, i32
  }
  func.func @transform_5(%arg0: i32) -> (i32, i32) {
    %c0_i32 = arith.constant 0 : i32
    %c0_i32_0 = arith.constant 0 : i32
    %c0_i32_1 = arith.constant 0 : i32
    return %c0_i32, %c0_i32_0 : i32, i32
  }
  func.func @transform_6(%arg0: i32) -> (i32, i32) {
    %c0_i32 = arith.constant 0 : i32
    %c0_i32_0 = arith.constant 0 : i32
    %c0_i32_1 = arith.constant 0 : i32
    return %c0_i32, %c0_i32_0 : i32, i32
  }
  func.func @transform_7(%arg0: i32) -> (i32, i32) {
    %c0_i32 = arith.constant 0 : i32
    %c0_i32_0 = arith.constant 0 : i32
    %c0_i32_1 = arith.constant 0 : i32
    return %c0_i32, %c0_i32_0 : i32, i32
  }
  func.func @transform_8(%arg0: i32) -> (i32, i32) {
    %c0_i32 = arith.constant 0 : i32
    %c0_i32_0 = arith.constant 0 : i32
    %c0_i32_1 = arith.constant 0 : i32
    return %c0_i32, %c0_i32_0 : i32, i32
  }
  func.func @transform_9(%arg0: i32) -> (i32, i32) {
    %c0_i32 = arith.constant 0 : i32
    %c0_i32_0 = arith.constant 0 : i32
    %c0_i32_1 = arith.constant 0 : i32
    return %c0_i32, %c0_i32_0 : i32, i32
  }
  func.func @transform_10(%arg0: i32) -> (i32, i32) {
    %c0_i32 = arith.constant 0 : i32
    %c0_i32_0 = arith.constant 0 : i32
    return %arg0, %c0_i32 : i32, i32
  }
  func.func @transform_11(%arg0: i32) -> (i32, i32) {
    %c0_i32 = arith.constant 0 : i32
    %c0_i32_0 = arith.constant 0 : i32
    return %arg0, %c0_i32 : i32, i32
  }
}

module attributes {stable_mosaic.version = 14 : i64} {
  func.func @body(%arg0: i32, %arg1: memref<512x128xf32, #tpu.memory_space<vmem>>, %arg2: memref<512x128xf32, #tpu.memory_space<vmem>>, %arg3: memref<512x128xf32, #tpu.memory_space<vmem>>, %arg4: memref<512x128xf32, #tpu.memory_space<vmem>>) attributes {dimension_semantics = [#tpu.dimension_semantics<arbitrary>], iteration_bounds = array<i64: 20>, scalar_prefetch = 0 : i64, scratch_operands = 0 : i64, tpu.core_type = #tpu.core_type<tc>, window_params = [{transform_indices = @transform_0, window_bounds = array<i64: 512, 128>}, {transform_indices = @transform_1, window_bounds = array<i64: 512, 128>}, {transform_indices = @transform_2, window_bounds = array<i64: 512, 128>}, {transform_indices = @transform_3, window_bounds = array<i64: 512, 128>}]} {
    %get3A = arith.constant 0 : index
    %get3A_0 = arith.constant 0 : index
    %get3A_1 = vector.load %arg2[%get3A, %get3A_0] : memref<512x128xf32, #tpu.memory_space<vmem>>, vector<512x1xf32>
    %max3A = arith.constant 1.000000e+00 : f32
    %max3A_2 = vector.broadcast %max3A : f32 to vector<512x1xf32>
    %max3A_3 = arith.maximumf %get3A_1, %max3A_2 : vector<512x1xf32>
    %div3A = arith.constant 1.000000e+00 : f32
    %div3A_4 = vector.broadcast %div3A : f32 to vector<512x1xf32>
    %div3A_5 = arith.divf %div3A_4, %max3A_3 : vector<512x1xf32>
    %get3A_6 = arith.constant 0 : index
    %get3A_7 = arith.constant 0 : index
    %get3A_8 = vector.load %arg1[%get3A_6, %get3A_7] : memref<512x128xf32, #tpu.memory_space<vmem>>, vector<512x128xf32>
    %mul3A = vector.broadcast %div3A_5 : vector<512x1xf32> to vector<512x128xf32>
    %mul3A_9 = arith.mulf %get3A_8, %mul3A : vector<512x128xf32>
    %get3A_10 = arith.constant 0 : index
    %get3A_11 = arith.constant 0 : index
    %get3A_12 = vector.load %arg3[%get3A_10, %get3A_11] : memref<512x128xf32, #tpu.memory_space<vmem>>, vector<512x128xf32>
    %add3A = arith.addf %mul3A_9, %get3A_12 : vector<512x128xf32>
    %swap3A = arith.constant 0 : index
    %swap3A_13 = arith.constant 0 : index
    %swap3A_14 = vector.load %arg4[%swap3A, %swap3A_13] : memref<512x128xf32, #tpu.memory_space<vmem>>, vector<512x128xf32>
    tpu.vector_store %arg4[%swap3A, %swap3A_13], %add3A {strides = array<i32>} : memref<512x128xf32, #tpu.memory_space<vmem>>, vector<512x128xf32>,
    return
  }
  func.func @transform_0(%arg0: i32) -> (i32, i32) {
    %c0_i32 = arith.constant 0 : i32
    %c0_i32_0 = arith.constant 0 : i32
    return %arg0, %c0_i32 : i32, i32
  }
  func.func @transform_1(%arg0: i32) -> (i32, i32) {
    %c0_i32 = arith.constant 0 : i32
    %c0_i32_0 = arith.constant 0 : i32
    return %arg0, %c0_i32 : i32, i32
  }
  func.func @transform_2(%arg0: i32) -> (i32, i32) {
    %c0_i32 = arith.constant 0 : i32
    %c0_i32_0 = arith.constant 0 : i32
    return %arg0, %c0_i32 : i32, i32
  }
  func.func @transform_3(%arg0: i32) -> (i32, i32) {
    %c0_i32 = arith.constant 0 : i32
    %c0_i32_0 = arith.constant 0 : i32
    return %arg0, %c0_i32 : i32, i32
  }
}

</mosaic_0001>

<sc_bundles>
// kernel: kernel.12.cloned.1.call-start
scs
__scs_entry_jumppad:
0x0: {  	(pc) =	sbr.rel $0x88, $3  }
0x1: {  	(tag) =	ssettag $0x0;
	lr =	simm.s32 $0x1  }
0x2: {  	[smem:$0x3F8E] =	sst lr;
	_ =	strace $0xD0000000  }
0x3: {  	_ = 	snop  }
0x4: {  	_ = 	snop  }
0x5: {  	_ = 	snop  }
0x6: {  	_ = 	snop  }
0x7: {  	_ = 	snop  }
__scs_overlays_trampoline_lowered:
0x8: {  	[smem:$0x3F9D] =	sst s0  }
0x9: {  	[smem:$0x3F9E] =	sst s1  }
0xa: {  	[smem:$0x3F9F] =	sst s2  }
0xb: {  	[smem:$0x3FA0] =	sst s3  }
0xc: {  	[smem:$0x3FA1] =	sst s4  }
0xd: {  	[smem:$0x3FA2] =	sst s5  }
0xe: {  	[smem:$0x3FA3] =	sst s6  }
0xf: {  	[smem:$0x3FA4] =	sst s7  }
0x10: {  	[smem:$0x3FA5] =	sst s8  }
0x11: {  	[smem:$0x3FA6] =	sst s9;
	s0 =	simm.s32 @!p0 $0x0  }
0x12: {  	s1 =	sld [smem:$0x3F8C];
	s0 =	simm.s32 @p0 $0x1  }
0x13: {  	[smem:$0x3FA7] =	sst s0;
	s0 =	simm.s32 @!p1 $0x0  }
0x14: {  	s2 =	sld [smem:$0x3F8B];
	s0 =	simm.s32 @p1 $0x1  }
0x15: {  	[smem:$0x3FA8] =	sst s0;
	s0 =	simm.s32 @!p2 $0x0  }
0x16: {  	s3 =	sld [smem:$0x3FDB];
	s0 =	simm.s32 @p2 $0x1  }
0x17: {  	s4 =	simm.s32 $0x1BF5;
	[smem:$0x3FAA] =	sst s0  }
0x18: {  	s0 =	sld [smem:$0x3F8D];
	_ =	swait.ge [sflag:s4], $0x0  }
0x19: {  	s7 =	sld [smem:$0x3F8E]  }
0x1a: {  	s8 =	sadd.s32 $0xFFFFE003, lr  }
0x1b: {  	s9 =	sadd.s32 $0xFFFFFEF7, lr;
	s5 =	simm.s32 $0xFFFFFFFF;
	p2 =	slt.u32 s8, $0xFFFFF086  }
0x1c: {  	p1 =	slt.u32 s9, $0xF7A;
	s5 =	simm.s32 @!p2 $0x0  }
0x1d: {  	s5 =	simm.s32 @p1 $0x1;
	p0 =	seq.s32 s7, s2  }
0x1e: {  	s7 =	smul.u32 @!p0 $0xF7A, s2;
	p2 =	seq.s32 @!p0 s5, $0x0  }
0x1f: {  	s9 =	smul.u32 $0xF7A, s1;
	s8 =	simm.s32 @!p0 $0x1BF5;
	p2 =	por !p2, p0  }
0x20: {  	[sflag:s8] =	ssyncset.s32 @!p0 $0xFFFFF086;
	s6 =	sadd.s32 @!p0 s3, s7;
	s7 =	simm.s32 @!p0 $0x108  }
0x21: {  	s3 =	sadd.s32 s3, s9;
	s6 =	sadd.s32 @!p0 $0x88, s6;
	s7 =	simm.s32 @p2 $0x1082  }
0x22: {  	[simem:s7], [sflag:s8] =	dma.local @!p0 [hbm:s6], $0xF7A  }
0x23: {  	s9 =	sor.u32 $0xD0000000, s2;
	s6 =	simm.s32 $0x108;
	_ =	swait.ge @!p0 [sflag:s8], $0x0  }
0x24: {  	s3 =	sadd.s32 $0x88, s3;
	s6 =	simm.s32 @!p1 $0x1082;
	[sflag:s4] =	ssyncset.s32 $0xFFFFF086  }
0x25: {  	[simem:s6], [sflag:s4] =	dma.local [hbm:s3], $0xF7A  }
0x26: {  	[smem:$0x3F8E] =	sst s1;
	(tag) =	ssettag s2;
	_ =	strace s9  }
0x27: {  	s1 =	sld [smem:$0x3F9E]  }
0x28: {  	s2 =	sld [smem:$0x3F9F]  }
0x29: {  	s4 =	sld [smem:$0x3FA1]  }
0x2a: {  	p0 =	seq.s32 s5, $0x0;
	s5 =	sld [smem:$0x3FA2]  }
0x2b: {  	s6 =	sld [smem:$0x3FA3]  }
0x2c: {  	s7 =	sld [smem:$0x3FA4]  }
0x2d: {  	s3 =	simm.s32 $0x108;
	s8 =	sld [smem:$0x3FA5]  }
0x2e: {  	s3 =	simm.s32 @!p0 $0x1082;
	s9 =	sld [smem:$0x3FA6]  }
0x2f: {  	lr =	sadd.s32 s0, s3;
	s0 =	sld [smem:$0x3F9D]  }
0x30: {  	s3 =	sld [smem:$0x3FA0]  }
0x31: {  	[smem:$0x3FA9] =	sst s10  }
0x32: {  	s10 =	sld [smem:$0x3FA7];
	_ =	sdelay $0x3  }
0x33: {  	p0 =	seq.s32 s10, $0x1;
	s10 =	sld [smem:$0x3FA9];
	_ =	sdelay $0x3  }
0x34: {  	[smem:$0x3FA9] =	sst s10  }
0x35: {  	s10 =	sld [smem:$0x3FA8];
	_ =	sdelay $0x3  }
0x36: {  	p1 =	seq.s32 s10, $0x1;
	s10 =	sld [smem:$0x3FA9];
	_ =	sdelay $0x3  }
0x37: {  	[smem:$0x3FA9] =	sst s10  }
0x38: {  	s10 =	sld [smem:$0x3FAA]  }
0x39: {  	_ = 	snop;
	(pc) =	sbr.ind lr, $3  }
0x3a: {  	_ = 	snop  }
0x3b: {  	_ = 	snop  }
0x3c: {  	p2 =	seq.s32 s10, $0x1;
	s10 =	sld [smem:$0x3FA9]  }
0x3d: {  	_ =	shalt  }
0x3e: {  	_ =	shalt  }
0x3f: {  	_ =	shalt  }
0x40: {  	_ =	shalt  }
0x41: {  	_ =	shalt  }
0x42: {  	_ =	shalt  }
0x43: {  	_ =	shalt  }
0x44: {  	_ =	shalt  }
0x45: {  	_ =	shalt  }
0x46: {  	_ =	shalt  }
0x47: {  	_ =	shalt  }
0x48: {  	_ =	shalt  }
0x49: {  	_ =	shalt  }
0x4a: {  	_ =	shalt  }
0x4b: {  	_ =	shalt  }
0x4c: {  	_ =	shalt  }
0x4d: {  	_ =	shalt  }
0x4e: {  	_ =	shalt  }
0x4f: {  	_ =	shalt  }
0x50: {  	_ =	shalt  }
0x51: {  	_ =	shalt  }
0x52: {  	_ =	shalt  }
0x53: {  	_ =	shalt  }
0x54: {  	_ =	shalt  }
0x55: {  	_ =	shalt  }
0x56: {  	_ =	shalt  }
0x57: {  	_ =	shalt  }
0x58: {  	_ =	shalt  }
0x59: {  	_ =	shalt  }
0x5a: {  	_ =	shalt  }
0x5b: {  	_ =	shalt  }
0x5c: {  	_ =	shalt  }
0x5d: {  	_ =	shalt  }
0x5e: {  	_ =	shalt  }
0x5f: {  	_ =	shalt  }
0x60: {  	_ =	shalt  }
0x61: {  	_ =	shalt  }
0x62: {  	_ =	shalt  }
0x63: {  	_ =	shalt  }
0x64: {  	_ =	shalt  }
0x65: {  	_ =	shalt  }
0x66: {  	_ =	shalt  }
0x67: {  	_ =	shalt  }
0x68: {  	_ =	shalt  }
0x69: {  	_ =	shalt  }
0x6a: {  	_ =	shalt  }
0x6b: {  	_ =	shalt  }
0x6c: {  	_ =	shalt  }
0x6d: {  	_ =	shalt  }
0x6e: {  	_ =	shalt  }
0x6f: {  	_ =	shalt  }
0x70: {  	_ =	shalt  }
0x71: {  	_ =	shalt  }
0x72: {  	_ =	shalt  }
0x73: {  	_ =	shalt  }
0x74: {  	_ =	shalt  }
0x75: {  	_ =	shalt  }
0x76: {  	_ =	shalt  }
0x77: {  	_ =	shalt  }
0x78: {  	_ =	shalt  }
0x79: {  	_ =	shalt  }
0x7a: {  	_ =	shalt  }
0x7b: {  	_ =	shalt  }
0x7c: {  	_ =	shalt  }
0x7d: {  	_ =	shalt  }
0x7e: {  	_ =	shalt  }
0x7f: {  	_ =	shalt  }
0x80: {  	_ =	shalt  }
0x81: {  	_ =	shalt  }
0x82: {  	_ =	shalt  }
0x83: {  	_ =	shalt  }
0x84: {  	_ =	shalt  }
0x85: {  	_ =	shalt  }
0x86: {  	_ =	shalt  }
0x87: {  	_ =	shalt  }
.Lfunc_end0:
.L_simem_size_0:
called_computation.1_lowered:
.L_overlay_start_0:
0x88: {  	s2 =	sld [smem:$0x3FD9]  }
0x89: {  	s3 =	sld [smem:$0x3FFE];
	_ =	sdelay $0x1  }
0x8a: {  	s1 =	srdreg.scid  }
0x8b: {  	s0 =	sand.u32 $0x1, s1  }
0x8c: {  	s17 =	sshll.u32 s0, $0xA;
	s2 =	sadd.s32 s3, s2  }
0x8d: {  	s2 =	sadd.s32 s2, s17  }
0x8e: {  	[smem:$0x3FB5] =	sst s2  }
0x8f: {  	_ = 	snop  }
0x90: {  	s2 =	sld [smem:$0x3FD0];
	(tm) =	ssettm $0x1  }
0x91: {  	s18 =	sld [smem:$0x3FFB];
	_ =	sdelay $0x3  }
0x92: {  	_ =	strace s18  }
0x93: {  	s3 =	sld [smem:$0x3FFC];
	_ =	sdelay $0x3  }
0x94: {  	_ =	strace s3  }
0x95: {  	s3 =	sld [smem:$0x3FFD];
	_ =	sdelay $0x3  }
0x96: {  	_ =	strace s3  }
0x97: {  	_ =	strace $0x8FFFFFFF  }
0x98: {  	s19 =	sld [smem:$0x3FDB];
	_ =	sdelay $0x1  }
0x99: {  	s4 =	simm.s32 $_scs_section_size  }
0x9a: {  	s5 =	simm.s32 $_size__tile_overlayer_lowered;
	s6 =	simm.s32 $_tile_overlayer_lowered  }
0x9b: {  	s22 =	simm.s32 $0x1BFF;
	s21 =	sshll.u32 s6, $0x1;
	s3 =	sadd.s32 s4, s19  }
0x9c: {  	s7 =	simm.s32 $0x0;
	s20 =	sshll.u32 s5, $0x1;
	s5 =	sadd.s32 s21, s3  }
0x9d: {  	[timem:s7], [sflag:s22] =	dma.local [hbm:s5], s20  }
0x9e: {  	_ =	swait.ge [sflag:s22], s20  }
0x9f: {  	s4 =	ssub.s32 $0x0, s20;
	[sflag:s22] =	ssyncset.done $0x0  }
0xa0: {  	[sflag:s22] =	ssyncadd.s32 s4;
	_ =	sdelay $0x1  }
0xa1: {  	s23 =	simm.s32 $0x1B8B  }
0xa2: {  	_ =	swait.ge [sflag:s23], $0x1  }
0xa3: {  	[sflag:s23] =	ssyncset.done $0x0  }
0xa4: {  	s25 =	simm.s32 $0x1B8E;
	s24 =	sld [smem:$0x3FFE];
	[sflag:s23] =	ssyncadd.s32 $0xFFFFFFFF  }
0xa5: {  	s26 =	simm.s32 $execute0_lowered;
	[smem:$0x3FD2] =	sst s25  }
0xa6: {  	s5 =	sshll.u32 s26, $0x1;
	_ =	strace $0x80000049;
	[dreg:$0x1] =	wrdreg $0xFFFFFFFF  }
0xa7: {  	s28 =	simm.s32 $_size_execute0_lowered;
	s3 =	sadd.s32 s3, s5;
	[dreg:$0x0] =	wrdreg $0x0  }
0xa8: {  	s5 =	sshll.u32 s28, $0x1;
	[dreg:$0x2] =	wrdreg s3  }
0xa9: {  	[dreg:$0x3] =	wrdreg s5  }
0xaa: {  	[dreg:$0x4] =	wrdreg $0xC0  }
0xab: {  	_ =	task [dreg:s7], $0x5FFFF  }
0xac: {  	[dreg:$0x1] =	wrdreg $0xFFFFFFFF  }
0xad: {  	[dreg:$0x0] =	wrdreg $0x60  }
0xae: {  	[dreg:$0x2] =	wrdreg s24  }
0xaf: {  	[dreg:$0x3] =	wrdreg s2  }
0xb0: {  	[dreg:$0x4] =	wrdreg $0xB8000  }
0xb1: {  	[dreg:$0x5] =	wrdreg $0x9  }
0xb2: {  	_ =	task.clear_ibuf [dreg:s7], $0x6FFFF;
	_ =	strace $0x90000049  }
0xb3: {  	s29 =	simm.s32 $0x9;
	_ =	strace $0x8000004B  }
0xb4: {  	_ =	swait.ge [sflag:s29], $0x1  }
0xb5: {  	[sflag:s29] =	ssyncadd.s32 $0xFFFFFFFF  }
0xb6: {  	_ =	strace $0x9000004B  }
0xb7: {  	_ =	sfence  }
0xb8: {  	s30 =	sld [smem:$0x0];
	_ =	sdelay $0x2  }
0xb9: {  	s31 =	sshll.u32 s1, $0xD;
	s1 =	sshrl.u32 s1, $0x2  }
0xba: {  	s3 =	sand.u32 $0x4000, s31;
	s1 =	sadd.s32 s1, s30  }
0xbb: {  	s0 =	sor.u32 s3, s0;
	s1 =	sshll.u32 s1, $0x11  }
0xbc: {  	s0 =	sor.u32 s1, s0  }
0xbd: {  	s0 =	sadd.s32 $0x8F2B, s0  }
0xbe: {  	[sflag:s0] =	ssyncadd.remote.s32 $0x1  }
0xbf: {  	_ =	sfence.sel $0xFFFF  }
0xc0: {  	[dreg:$0x0] =	wrdreg $0xFFFFFFFF;
	(pc) =	sbr.abs _section_cstart, $3  }
0xc1: {  	[dreg:$0x1] =	wrdreg $0xFFFFFFFF  }
0xc2: {  	_ =	task.clear_ibuf [dreg:s7], $0x2FFFF;
	_ =	strace $0x9FFFFFFF  }
0xc3: {  	(tm) =	ssettm $0x7FFFFFFF  }
tec
execute0_lowered:
.L_overlay_start_1:
0x0: {  	(tag) =	ssettag $0x1  }
0x1: {  	s5 =	rddreg [dreg:$0x0]  }
0x2: {  	s10 =	rddreg [dreg:$0x1]  }
0x3: {  	s1 =	rddreg [dreg:$0x2]  }
0x4: {  	s0 =	rddreg [dreg:$0x3];
	s3 =	simm.s32 $0x0;
	s2 =	stileid.u32  }
0x5: {  	s7 =	srdreg.scid;
	s19 =	simm.s32 $0x2;
	s20 =	simm.s32 $0x80  }
0x6: {  	s21 =	simm.s32 $0x7800;
	s22 =	simm.s32 $0x1;
	s6 =	smul.u32 $0x2800, s2  }
0x7: {  	s23 =	simm.s32 $0x0;
	[smem:$0x7FF] =	sst s3;
	s28 =	smul.u32 $0x50000, s2  }
0x8: {  	s4 =	sadd.s32 $0xF200, s5;
	s11 =	sadd.s32 $0x5200, s5;
	s30 =	smul.u32 $0x5000, s2  }
0x9: {  	s18 =	sand.u32 $0x1, s7;
	s9 =	smul.u32 $0xA00, s2;
	_ =	strace $0x8000004A  }
0xa: {  	s29 =	ssub.s32 $0x2, s18;
	p0 =	sne.s32 s18, $0x0;
	s18 =	simm.s32 $0x3800  }
0xb: {  	s12 =	sadd.s32 s6, s5;
	s8 =	sshrl.u32 s29, $0x1;
	s7 =	sshrl.u32 s28, $0x2  }
0xc: {  	s14 =	sshrl.u32 s30, $0x3;
	s6 =	sadd.s32 s10, s9;
	s13 =	ssub.s32 s29, s8  }
.Ltmp0:
0xd: {  	s5 =	sadd.s32 s7, s1;
	s7 =	sadd.s32 s11, s9;
	(pc) =	sbr.rel .LBB2_1-.Ltmp0, $4  }
0xe: {  	s31 =	sadd.s32 $0x380, s14;
	s14 =	sadd.s32 $0x700, s14;
	s12 =	sadd.s32 $0x5F200, s12  }
0xf: {  	s8 =	sadd.s32 s10, s31;
	s9 =	sadd.s32 s11, s31;
	s10 =	sadd.s32 s10, s14  }
0x10: {  	s11 =	sadd.s32 s11, s14;
	s13 =	smax.u32 s13, $0x1;
	s14 =	sadd.s32 $0x4000, s5  }
0x11: {  	v0 =	vimm.f32 $0.0e+00;
	s15 =	sadd.s32 $0x8000, s5;
	s16 =	sadd.s32 $0xC000, s5;
	s17 =	sadd.s32 $0x10000, s5  }
.LBB2_13:
0x12: {  	[bflag:$0x0] =	sbarrier.arrive $0xFFFF  }
0x13: {  	[bflag:$0x0] =	sbarrier.arrive $0xFFFF  }
.LBB2_11:
0x14: {  	s23 =	sadd.s32 $0x1, s23  }
0x15: {  	p1 =	sne.s32 s23, s13  }
.Ltmp1:
0x16: {  	_ = 	snop;
	(pc) =	sbr.rel @!p1 .LBB2_12-.Ltmp1, $1  }
0x17: {  	_ =	sdelay $0x3  }
.LBB2_1:
0x18: {  	s24 =	sand.u32 $0xFE00, s3  }
0x19: {  	s25 =	sand.u32 $0x70, s3;
	s26 =	sshrl.u32 s24, $0x2  }
0x1a: {  	s24 =	simm.s32 $0x40;
	s26 =	sor.u32 s25, s26;
	s25 =	simm.s32 $0x0  }
.LBB2_2:
0x1b: {  	p1 =	sne.s32 s24, $0xFFC0  }
0x1c: {  	[tilespmem:s26+$0x3800] =	vst v0;
	s25 =	sadd.s32 $0x10, s25;
	s26 =	smov.u32 s24;
	s24 =	sadd.s32 $0x40, s24  }
.Ltmp2:
0x1d: {  	(pc) =	sbr.rel @p1 .LBB2_2-.Ltmp2, $4  }
0x1e: {  	_ = 	snop  }
0x1f: {  	s26 =	sand.u32 $0xFE00, s26  }
0x20: {  	s28 =	sand.u32 $0x70, s25;
	s26 =	sshrl.u32 s26, $0x2  }
0x21: {  	s26 =	sor.u32 s28, s26  }
.Ltmp3:
0x22: {  	(pc) =	sbr.rel @p0 .LBB2_13-.Ltmp3, $2  }
0x23: {  	_ =	sdelay $0x2  }
0x24: {  	[tilespmem:s26+$0x3800] =	vst v0  }
0x25: {  	[spmem:s5] =	stream.linear.scatter [tilespmem:s18], [sflag:$0x2], $0x4000, $0x38;
	[tilespmem:$0x1F800] =	vst v63  }
0x26: {  	_ =	swait.ge [sflag:s19], $0x4000  }
0x27: {  	[sflag:s19] =	ssyncset.done $0x0  }
0x28: {  	[sflag:s19] =	ssyncadd.s32 $0xFFFFC000  }
0x29: {  	[spmem:s14] =	stream.linear.scatter [tilespmem:s18], [sflag:$0x2], $0x4000, $0x38;
	[tilespmem:$0x1F800] =	vst v63  }
0x2a: {  	_ =	swait.ge [sflag:s19], $0x4000  }
0x2b: {  	[sflag:s19] =	ssyncset.done $0x0  }
0x2c: {  	[sflag:s19] =	ssyncadd.s32 $0xFFFFC000  }
0x2d: {  	[spmem:s15] =	stream.linear.scatter [tilespmem:s18], [sflag:$0x2], $0x4000, $0x38;
	[tilespmem:$0x1F800] =	vst v63  }
0x2e: {  	_ =	swait.ge [sflag:s19], $0x4000  }
0x2f: {  	[sflag:s19] =	ssyncset.done $0x0  }
0x30: {  	[sflag:s19] =	ssyncadd.s32 $0xFFFFC000  }
0x31: {  	[spmem:s16] =	stream.linear.scatter [tilespmem:s18], [sflag:$0x2], $0x4000, $0x38;
	[tilespmem:$0x1F800] =	vst v63  }
0x32: {  	_ =	swait.ge [sflag:s19], $0x4000  }
0x33: {  	[sflag:s19] =	ssyncset.done $0x0  }
0x34: {  	[sflag:s19] =	ssyncadd.s32 $0xFFFFC000  }
0x35: {  	[spmem:s17] =	stream.linear.scatter [tilespmem:s18], [sflag:$0x2], $0x4000, $0x38;
	[tilespmem:$0x1F800] =	vst v63  }
0x36: {  	_ =	swait.ge [sflag:s19], $0x4000  }
0x37: {  	[sflag:s19] =	ssyncset.done $0x0  }
0x38: {  	[sflag:s19] =	ssyncadd.s32 $0xFFFFC000  }
0x39: {  	s24 =	simm.s32 $0x0;
	[bflag:$0x0] =	sbarrier.arrive $0xFFFF  }
0x3a: {  	[tilespmem:s24], [sflag:$0x2] =	stream.linear.gather [hbm4b:s6+s24], $0x1C00, $0x38;
	[tilespmem:$0x1F800] =	vst v63  }
0x3b: {  	_ =	swait.ge [sflag:s19], $0x1C00  }
0x3c: {  	[sflag:s19] =	ssyncset.done $0x0  }
0x3d: {  	s25 =	simm.s32 $0x1C00;
	[sflag:s19] =	ssyncadd.s32 $0xFFFFE400  }
0x3e: {  	[tilespmem:s25], [sflag:$0x2] =	stream.linear.gather [hbm4b:s7+s24], $0x1C00, $0x38;
	[tilespmem:$0x1F800] =	vst v63  }
0x3f: {  	_ =	swait.ge [sflag:s19], $0x1C00  }
0x40: {  	[sflag:s19] =	ssyncset.done $0x0  }
0x41: {  	[sflag:s19] =	ssyncadd.s32 $0xFFFFE400  }
0x42: {  	[tilespmem:s18], [sflag:$0x1] =	stream.indirect.gather [hbm4b:s4+s20], $0x80, s24, s20, $0xb8;
	[tilespmem:$0x1F800] =	vst v63  }
0x43: {  	_ = 	snop  }
0x44: {  	[tilespmem:s21], [sflag:$0x1] =	stream.indirect.gather [hbm4b:s4+s20], $0x80, s20, s20, $0xb8;
	[tilespmem:$0x1F800] =	vst v63  }
0x45: {  	_ =	swait.ge [sflag:s22], $0x4000  }
0x46: {  	s24 =	sand.u32 $0x4000, s24;
	[sflag:s22] =	ssyncset.done $0x0  }
0x47: {  	s29 =	simm.s32 $0x100;
	s28 =	sor.u32 $0x3800, s24;
	[sflag:s22] =	ssyncadd.s32 $0xFFFFC000  }
0x48: {  	[spmem:s1] =	stream.indirect.scatter.add.f32 [tilespmem:s28], [sflag:$0x2], $0x80, s25, s20, $0xb8;
	[tilespmem:$0x1F800] =	vst v63  }
0x49: {  	p2 =	por $0x0, $0x0;
	s26 =	simm.s32 $0x1C80;
	_ =	swait.ge [sflag:s19], $0x4000  }
0x4a: {  	s30 =	simm.s32 $0x180;
	s31 =	simm.s32 @!p2 $0x80;
	[sflag:s19] =	ssyncset.done $0x0  }
0x4b: {  	s24 =	simm.s32 $0x1;
	s25 =	simm.s32 $0x4000;
	[sflag:s19] =	ssyncadd.s32 $0xFFFFC000  }
.LBB2_5:
0x4c: {  	[tilespmem:s28], [sflag:$0x1] =	stream.indirect.gather @!p2 [hbm4b:s4+s31], $0x80, s29, s31, $0xb8;
	[tilespmem:$0x1F800] =	vst v63  }
0x4d: {  	s31 =	smov.u32 s24;
	s24 =	sadd.s32 $0x1, s24;
	_ =	swait.ge [sflag:s22], $0x4000  }
0x4e: {  	s28 =	sand.u32 $0x4000, s25;
	p1 =	sne.s32 s24, $0x38;
	[sflag:s22] =	ssyncset.done $0x0  }
.Ltmp4:
0x4f: {  	s28 =	sor.u32 $0x3800, s28;
	[sflag:s22] =	ssyncadd.s32 $0xFFFFC000;
	(pc) =	sbr.rel @p1 .LBB2_5-.Ltmp4, $4  }
0x50: {  	[spmem:s1] =	stream.indirect.scatter.add.f32 [tilespmem:s28], [sflag:$0x2], $0x80, s26, s20, $0xb8;
	[tilespmem:$0x1F800] =	vst v63  }
0x51: {  	s25 =	sadd.s32 $0x4000, s25;
	s29 =	smov.u32 s30;
	_ =	swait.ge [sflag:s19], $0x4000  }
0x52: {  	p2 =	sgt.u32 s31, $0x35;
	s26 =	sadd.s32 $0x80, s26;
	[sflag:s19] =	ssyncset.done $0x0  }
0x53: {  	s30 =	sadd.s32 $0x80, s30;
	s31 =	simm.s32 @!p2 $0x80;
	[sflag:s19] =	ssyncadd.s32 $0xFFFFC000  }
0x54: {  	[tilespmem:s28], [sflag:$0x1] =	stream.indirect.gather @!p2 [hbm4b:s4+s31], $0x80, s29, s31, $0xb8;
	[tilespmem:$0x1F800] =	vst v63  }
0x55: {  	s24 =	simm.s32 $0x0  }
0x56: {  	[tilespmem:s24], [sflag:$0x2] =	stream.linear.gather [hbm4b:s8+s24], $0x1C00, $0x38;
	[tilespmem:$0x1F800] =	vst v63  }
0x57: {  	_ =	swait.ge [sflag:s19], $0x1C00  }
0x58: {  	[sflag:s19] =	ssyncset.done $0x0  }
0x59: {  	s25 =	simm.s32 $0x1C00;
	[sflag:s19] =	ssyncadd.s32 $0xFFFFE400  }
0x5a: {  	[tilespmem:s25], [sflag:$0x2] =	stream.linear.gather [hbm4b:s9+s24], $0x1C00, $0x38;
	[tilespmem:$0x1F800] =	vst v63  }
0x5b: {  	_ =	swait.ge [sflag:s19], $0x1C00  }
0x5c: {  	[sflag:s19] =	ssyncset.done $0x0  }
0x5d: {  	[sflag:s19] =	ssyncadd.s32 $0xFFFFE400  }
0x5e: {  	[tilespmem:s18], [sflag:$0x1] =	stream.indirect.gather [hbm4b:s4+s20], $0x80, s24, s20, $0xb8;
	[tilespmem:$0x1F800] =	vst v63  }
0x5f: {  	_ = 	snop  }
0x60: {  	[tilespmem:s21], [sflag:$0x1] =	stream.indirect.gather [hbm4b:s4+s20], $0x80, s20, s20, $0xb8;
	[tilespmem:$0x1F800] =	vst v63  }
0x61: {  	_ =	swait.ge [sflag:s22], $0x4000  }
0x62: {  	s24 =	sand.u32 $0x4000, s24;
	[sflag:s22] =	ssyncset.done $0x0  }
0x63: {  	s30 =	simm.s32 $0x100;
	s28 =	sor.u32 $0x3800, s24;
	[sflag:s22] =	ssyncadd.s32 $0xFFFFC000  }
0x64: {  	[spmem:s1] =	stream.indirect.scatter.add.f32 [tilespmem:s28], [sflag:$0x2], $0x80, s25, s20, $0xb8;
	[tilespmem:$0x1F800] =	vst v63  }
0x65: {  	p2 =	por $0x0, $0x0;
	s26 =	simm.s32 $0x1C80;
	_ =	swait.ge [sflag:s19], $0x4000  }
0x66: {  	s29 =	simm.s32 $0x180;
	s31 =	simm.s32 @!p2 $0x80;
	[sflag:s19] =	ssyncset.done $0x0  }
0x67: {  	s24 =	simm.s32 $0x1;
	s25 =	simm.s32 $0x4000;
	[sflag:s19] =	ssyncadd.s32 $0xFFFFC000  }
.LBB2_7:
0x68: {  	[tilespmem:s28], [sflag:$0x1] =	stream.indirect.gather @!p2 [hbm4b:s4+s31], $0x80, s30, s31, $0xb8;
	[tilespmem:$0x1F800] =	vst v63  }
0x69: {  	s31 =	smov.u32 s24;
	s24 =	sadd.s32 $0x1, s24;
	_ =	swait.ge [sflag:s22], $0x4000  }
0x6a: {  	s28 =	sand.u32 $0x4000, s25;
	p1 =	sne.s32 s24, $0x38;
	[sflag:s22] =	ssyncset.done $0x0  }
.Ltmp5:
0x6b: {  	s28 =	sor.u32 $0x3800, s28;
	[sflag:s22] =	ssyncadd.s32 $0xFFFFC000;
	(pc) =	sbr.rel @p1 .LBB2_7-.Ltmp5, $4  }
0x6c: {  	[spmem:s1] =	stream.indirect.scatter.add.f32 [tilespmem:s28], [sflag:$0x2], $0x80, s26, s20, $0xb8;
	[tilespmem:$0x1F800] =	vst v63  }
0x6d: {  	s25 =	sadd.s32 $0x4000, s25;
	s30 =	smov.u32 s29;
	_ =	swait.ge [sflag:s19], $0x4000  }
0x6e: {  	p2 =	sgt.u32 s31, $0x35;
	s26 =	sadd.s32 $0x80, s26;
	[sflag:s19] =	ssyncset.done $0x0  }
0x6f: {  	s29 =	sadd.s32 $0x80, s29;
	s31 =	simm.s32 @!p2 $0x80;
	[sflag:s19] =	ssyncadd.s32 $0xFFFFC000  }
0x70: {  	[tilespmem:s28], [sflag:$0x1] =	stream.indirect.gather @!p2 [hbm4b:s4+s31], $0x80, s30, s31, $0xb8;
	[tilespmem:$0x1F800] =	vst v63  }
0x71: {  	s24 =	simm.s32 $0x0  }
0x72: {  	[tilespmem:s24], [sflag:$0x2] =	stream.linear.gather [hbm4b:s10+s24], $0x1680, $0x38;
	[tilespmem:$0x1F800] =	vst v63  }
0x73: {  	_ =	swait.ge [sflag:s19], $0x1680  }
0x74: {  	[sflag:s19] =	ssyncset.done $0x0  }
0x75: {  	s25 =	simm.s32 $0x1C00;
	[sflag:s19] =	ssyncadd.s32 $0xFFFFE980  }
0x76: {  	[tilespmem:s25], [sflag:$0x2] =	stream.linear.gather [hbm4b:s11+s24], $0x1680, $0x38;
	[tilespmem:$0x1F800] =	vst v63  }
0x77: {  	_ =	swait.ge [sflag:s19], $0x1680  }
0x78: {  	[sflag:s19] =	ssyncset.done $0x0  }
0x79: {  	[sflag:s19] =	ssyncadd.s32 $0xFFFFE980  }
0x7a: {  	[tilespmem:s18], [sflag:$0x1] =	stream.indirect.gather [hbm4b:s4+s20], $0x80, s24, s20, $0xb8;
	[tilespmem:$0x1F800] =	vst v63  }
0x7b: {  	_ = 	snop  }
0x7c: {  	[tilespmem:s21], [sflag:$0x1] =	stream.indirect.gather [hbm4b:s4+s20], $0x80, s20, s20, $0xb8;
	[tilespmem:$0x1F800] =	vst v63  }
0x7d: {  	_ =	swait.ge [sflag:s22], $0x4000  }
0x7e: {  	s24 =	sand.u32 $0x4000, s24;
	[sflag:s22] =	ssyncset.done $0x0  }
0x7f: {  	s30 =	simm.s32 $0x100;
	s28 =	sor.u32 $0x3800, s24;
	[sflag:s22] =	ssyncadd.s32 $0xFFFFC000  }
0x80: {  	[spmem:s1] =	stream.indirect.scatter.add.f32 [tilespmem:s28], [sflag:$0x2], $0x80, s25, s20, $0xb8;
	[tilespmem:$0x1F800] =	vst v63  }
0x81: {  	p2 =	por $0x0, $0x0;
	s26 =	simm.s32 $0x1C80;
	_ =	swait.ge [sflag:s19], $0x4000  }
0x82: {  	s29 =	simm.s32 $0x180;
	s31 =	simm.s32 @!p2 $0x80;
	[sflag:s19] =	ssyncset.done $0x0  }
0x83: {  	s24 =	simm.s32 $0x1;
	s25 =	simm.s32 $0x4000;
	[sflag:s19] =	ssyncadd.s32 $0xFFFFC000  }
.LBB2_9:
0x84: {  	[tilespmem:s28], [sflag:$0x1] =	stream.indirect.gather @!p2 [hbm4b:s4+s31], $0x80, s30, s31, $0xb8;
	[tilespmem:$0x1F800] =	vst v63  }
0x85: {  	s31 =	smov.u32 s24;
	s24 =	sadd.s32 $0x1, s24;
	_ =	swait.ge [sflag:s22], $0x4000  }
0x86: {  	s28 =	sand.u32 $0x4000, s25;
	p1 =	sne.s32 s24, $0x2D;
	[sflag:s22] =	ssyncset.done $0x0  }
.Ltmp6:
0x87: {  	s28 =	sor.u32 $0x3800, s28;
	[sflag:s22] =	ssyncadd.s32 $0xFFFFC000;
	(pc) =	sbr.rel @p1 .LBB2_9-.Ltmp6, $4  }
0x88: {  	[spmem:s1] =	stream.indirect.scatter.add.f32 [tilespmem:s28], [sflag:$0x2], $0x80, s26, s20, $0xb8;
	[tilespmem:$0x1F800] =	vst v63  }
0x89: {  	s25 =	sadd.s32 $0x4000, s25;
	s30 =	smov.u32 s29;
	_ =	swait.ge [sflag:s19], $0x4000  }
0x8a: {  	p2 =	sgt.u32 s31, $0x2A;
	s26 =	sadd.s32 $0x80, s26;
	[sflag:s19] =	ssyncset.done $0x0  }
0x8b: {  	s29 =	sadd.s32 $0x80, s29;
	s31 =	simm.s32 @!p2 $0x80;
	[sflag:s19] =	ssyncadd.s32 $0xFFFFC000  }
0x8c: {  	[tilespmem:s28], [sflag:$0x1] =	stream.indirect.gather @!p2 [hbm4b:s4+s31], $0x80, s30, s31, $0xb8;
	[tilespmem:$0x1F800] =	vst v63  }
0x8d: {  	s24 =	sshll.u32 s2, $0x6;
	s25 =	sshrl.u32 s5, $0x3  }
.Ltmp7:
0x8e: {  	[bflag:$0x0] =	sbarrier.arrive $0xFFFF;
	s24 =	sor.u32 $0x1C02, s24;
	(pc) =	sbr.rel .LBB2_11-.Ltmp7, $4  }
0x8f: {  	[hbm:s12], [sflag:s24] =	dma.local [spmem:s25], $0x2800  }
0x90: {  	_ =	swait.ge [sflag:s19], $0x2800  }
0x91: {  	[sflag:s19] =	ssyncset.done $0x0  }
0x92: {  	[sflag:s19] =	ssyncadd.s32 $0xFFFFD800  }
.LBB2_12:
0x93: {  	_ =	sfence.sel $0x180000  }
0x94: {  	[bflag:$0x0] =	sbarrier.arrive $0xFFFF  }
0x95: {  	p0 =	sne.s32 s2, $0x0;
	_ =	strace $0x9000004A  }
0x96: {  	s0 =	sadd.s32 @!p0 $0x100000, s0;
	[bflag:$0x2] =	sbarrier.arrive $0xFFFF  }
0x97: {  	[sflag:s0] =	ssyncadd.tile.s32 @!p0 $0x1;
	_ =	shalt  }
.Lfunc_end2:
_tile_overlayer_lowered:
.L_overlay_start_2:
0x98: {  	(tag) =	ssettag $0x2  }
0x99: {  	s0 =	rddreg [dreg:$0x0];
	s2 =	stileid.u32  }
0x9a: {  	s1 =	rddreg [dreg:$0x1];
	p0 =	sne.s32 s2, $0x0  }
0x9b: {  	s3 =	rddreg [dreg:$0x2];
	[bflag:$0x3] =	sbarrier.arrive $0xFFFF;
	s2 =	simm.s32 @!p0 $0x1C02  }
0x9c: {  	[timem:s3], [sflag:s2] =	dma.local @!p0 [hbm:s0], s1  }
0x9d: {  	s0 =	simm.s32 @!p0 $0x2  }
0x9e: {  	_ =	swait.ge @!p0 [sflag:s0], s1  }
0x9f: {  	s1 =	ssub.s32 @!p0 $0x0, s1;
	[sflag:s0] =	ssyncset.done @!p0 $0x0  }
0xa0: {  	[sflag:s0] =	ssyncadd.s32 @!p0 s1  }
0xa1: {  	[bflag:$0x3] =	sbarrier.arrive $0xFFFF  }
0xa2: {  	_ =	shalt  }

// kernel: kernel.15.cloned.1.call-start
scs
__scs_entry_jumppad:
0x0: {  	(pc) =	sbr.rel $0x88, $3  }
0x1: {  	(tag) =	ssettag $0x0;
	lr =	simm.s32 $0x1  }
0x2: {  	[smem:$0x3F8E] =	sst lr;
	_ =	strace $0xD0000000  }
0x3: {  	_ = 	snop  }
0x4: {  	_ = 	snop  }
0x5: {  	_ = 	snop  }
0x6: {  	_ = 	snop  }
0x7: {  	_ = 	snop  }
__scs_overlays_trampoline_lowered:
0x8: {  	[smem:$0x3F9D] =	sst s0  }
0x9: {  	[smem:$0x3F9E] =	sst s1  }
0xa: {  	[smem:$0x3F9F] =	sst s2  }
0xb: {  	[smem:$0x3FA0] =	sst s3  }
0xc: {  	[smem:$0x3FA1] =	sst s4  }
0xd: {  	[smem:$0x3FA2] =	sst s5  }
0xe: {  	[smem:$0x3FA3] =	sst s6  }
0xf: {  	[smem:$0x3FA4] =	sst s7  }
0x10: {  	[smem:$0x3FA5] =	sst s8  }
0x11: {  	[smem:$0x3FA6] =	sst s9;
	s0 =	simm.s32 @!p0 $0x0  }
0x12: {  	s1 =	sld [smem:$0x3F8C];
	s0 =	simm.s32 @p0 $0x1  }
0x13: {  	[smem:$0x3FA7] =	sst s0;
	s0 =	simm.s32 @!p1 $0x0  }
0x14: {  	s2 =	sld [smem:$0x3F8B];
	s0 =	simm.s32 @p1 $0x1  }
0x15: {  	[smem:$0x3FA8] =	sst s0;
	s0 =	simm.s32 @!p2 $0x0  }
0x16: {  	s3 =	sld [smem:$0x3FDB];
	s0 =	simm.s32 @p2 $0x1  }
0x17: {  	s4 =	simm.s32 $0x1BF5;
	[smem:$0x3FAA] =	sst s0  }
0x18: {  	s0 =	sld [smem:$0x3F8D];
	_ =	swait.ge [sflag:s4], $0x0  }
0x19: {  	s7 =	sld [smem:$0x3F8E]  }
0x1a: {  	s8 =	sadd.s32 $0xFFFFE003, lr  }
0x1b: {  	s9 =	sadd.s32 $0xFFFFFEF7, lr;
	s5 =	simm.s32 $0xFFFFFFFF;
	p2 =	slt.u32 s8, $0xFFFFF086  }
0x1c: {  	p1 =	slt.u32 s9, $0xF7A;
	s5 =	simm.s32 @!p2 $0x0  }
0x1d: {  	s5 =	simm.s32 @p1 $0x1;
	p0 =	seq.s32 s7, s2  }
0x1e: {  	s7 =	smul.u32 @!p0 $0xF7A, s2;
	p2 =	seq.s32 @!p0 s5, $0x0  }
0x1f: {  	s9 =	smul.u32 $0xF7A, s1;
	s8 =	simm.s32 @!p0 $0x1BF5;
	p2 =	por !p2, p0  }
0x20: {  	[sflag:s8] =	ssyncset.s32 @!p0 $0xFFFFF086;
	s6 =	sadd.s32 @!p0 s3, s7;
	s7 =	simm.s32 @!p0 $0x108  }
0x21: {  	s3 =	sadd.s32 s3, s9;
	s6 =	sadd.s32 @!p0 $0x88, s6;
	s7 =	simm.s32 @p2 $0x1082  }
0x22: {  	[simem:s7], [sflag:s8] =	dma.local @!p0 [hbm:s6], $0xF7A  }
0x23: {  	s9 =	sor.u32 $0xD0000000, s2;
	s6 =	simm.s32 $0x108;
	_ =	swait.ge @!p0 [sflag:s8], $0x0  }
0x24: {  	s3 =	sadd.s32 $0x88, s3;
	s6 =	simm.s32 @!p1 $0x1082;
	[sflag:s4] =	ssyncset.s32 $0xFFFFF086  }
0x25: {  	[simem:s6], [sflag:s4] =	dma.local [hbm:s3], $0xF7A  }
0x26: {  	[smem:$0x3F8E] =	sst s1;
	(tag) =	ssettag s2;
	_ =	strace s9  }
0x27: {  	s1 =	sld [smem:$0x3F9E]  }
0x28: {  	s2 =	sld [smem:$0x3F9F]  }
0x29: {  	s4 =	sld [smem:$0x3FA1]  }
0x2a: {  	p0 =	seq.s32 s5, $0x0;
	s5 =	sld [smem:$0x3FA2]  }
0x2b: {  	s6 =	sld [smem:$0x3FA3]  }
0x2c: {  	s7 =	sld [smem:$0x3FA4]  }
0x2d: {  	s3 =	simm.s32 $0x108;
	s8 =	sld [smem:$0x3FA5]  }
0x2e: {  	s3 =	simm.s32 @!p0 $0x1082;
	s9 =	sld [smem:$0x3FA6]  }
0x2f: {  	lr =	sadd.s32 s0, s3;
	s0 =	sld [smem:$0x3F9D]  }
0x30: {  	s3 =	sld [smem:$0x3FA0]  }
0x31: {  	[smem:$0x3FA9] =	sst s10  }
0x32: {  	s10 =	sld [smem:$0x3FA7];
	_ =	sdelay $0x3  }
0x33: {  	p0 =	seq.s32 s10, $0x1;
	s10 =	sld [smem:$0x3FA9];
	_ =	sdelay $0x3  }
0x34: {  	[smem:$0x3FA9] =	sst s10  }
0x35: {  	s10 =	sld [smem:$0x3FA8];
	_ =	sdelay $0x3  }
0x36: {  	p1 =	seq.s32 s10, $0x1;
	s10 =	sld [smem:$0x3FA9];
	_ =	sdelay $0x3  }
0x37: {  	[smem:$0x3FA9] =	sst s10  }
0x38: {  	s10 =	sld [smem:$0x3FAA]  }
0x39: {  	_ = 	snop;
	(pc) =	sbr.ind lr, $3  }
0x3a: {  	_ = 	snop  }
0x3b: {  	_ = 	snop  }
0x3c: {  	p2 =	seq.s32 s10, $0x1;
	s10 =	sld [smem:$0x3FA9]  }
0x3d: {  	_ =	shalt  }
0x3e: {  	_ =	shalt  }
0x3f: {  	_ =	shalt  }
0x40: {  	_ =	shalt  }
0x41: {  	_ =	shalt  }
0x42: {  	_ =	shalt  }
0x43: {  	_ =	shalt  }
0x44: {  	_ =	shalt  }
0x45: {  	_ =	shalt  }
0x46: {  	_ =	shalt  }
0x47: {  	_ =	shalt  }
0x48: {  	_ =	shalt  }
0x49: {  	_ =	shalt  }
0x4a: {  	_ =	shalt  }
0x4b: {  	_ =	shalt  }
0x4c: {  	_ =	shalt  }
0x4d: {  	_ =	shalt  }
0x4e: {  	_ =	shalt  }
0x4f: {  	_ =	shalt  }
0x50: {  	_ =	shalt  }
0x51: {  	_ =	shalt  }
0x52: {  	_ =	shalt  }
0x53: {  	_ =	shalt  }
0x54: {  	_ =	shalt  }
0x55: {  	_ =	shalt  }
0x56: {  	_ =	shalt  }
0x57: {  	_ =	shalt  }
0x58: {  	_ =	shalt  }
0x59: {  	_ =	shalt  }
0x5a: {  	_ =	shalt  }
0x5b: {  	_ =	shalt  }
0x5c: {  	_ =	shalt  }
0x5d: {  	_ =	shalt  }
0x5e: {  	_ =	shalt  }
0x5f: {  	_ =	shalt  }
0x60: {  	_ =	shalt  }
0x61: {  	_ =	shalt  }
0x62: {  	_ =	shalt  }
0x63: {  	_ =	shalt  }
0x64: {  	_ =	shalt  }
0x65: {  	_ =	shalt  }
0x66: {  	_ =	shalt  }
0x67: {  	_ =	shalt  }
0x68: {  	_ =	shalt  }
0x69: {  	_ =	shalt  }
0x6a: {  	_ =	shalt  }
0x6b: {  	_ =	shalt  }
0x6c: {  	_ =	shalt  }
0x6d: {  	_ =	shalt  }
0x6e: {  	_ =	shalt  }
0x6f: {  	_ =	shalt  }
0x70: {  	_ =	shalt  }
0x71: {  	_ =	shalt  }
0x72: {  	_ =	shalt  }
0x73: {  	_ =	shalt  }
0x74: {  	_ =	shalt  }
0x75: {  	_ =	shalt  }
0x76: {  	_ =	shalt  }
0x77: {  	_ =	shalt  }
0x78: {  	_ =	shalt  }
0x79: {  	_ =	shalt  }
0x7a: {  	_ =	shalt  }
0x7b: {  	_ =	shalt  }
0x7c: {  	_ =	shalt  }
0x7d: {  	_ =	shalt  }
0x7e: {  	_ =	shalt  }
0x7f: {  	_ =	shalt  }
0x80: {  	_ =	shalt  }
0x81: {  	_ =	shalt  }
0x82: {  	_ =	shalt  }
0x83: {  	_ =	shalt  }
0x84: {  	_ =	shalt  }
0x85: {  	_ =	shalt  }
0x86: {  	_ =	shalt  }
0x87: {  	_ =	shalt  }
.Lfunc_end0:
.L_simem_size_0:
called_computation.2_lowered:
.L_overlay_start_0:
0x88: {  	s2 =	sld [smem:$0x3FD9]  }
0x89: {  	s3 =	sld [smem:$0x3FFE];
	_ =	sdelay $0x1  }
0x8a: {  	s1 =	srdreg.scid  }
0x8b: {  	s0 =	sand.u32 $0x1, s1  }
0x8c: {  	s17 =	sshll.u32 s0, $0xA;
	s2 =	sadd.s32 s3, s2  }
0x8d: {  	s2 =	sadd.s32 s2, s17  }
0x8e: {  	[smem:$0x3FB5] =	sst s2  }
0x8f: {  	_ = 	snop  }
0x90: {  	s2 =	sld [smem:$0x3FD0];
	(tm) =	ssettm $0x1  }
0x91: {  	s18 =	sld [smem:$0x3FFB];
	_ =	sdelay $0x3  }
0x92: {  	_ =	strace s18  }
0x93: {  	s3 =	sld [smem:$0x3FFC];
	_ =	sdelay $0x3  }
0x94: {  	_ =	strace s3  }
0x95: {  	s3 =	sld [smem:$0x3FFD];
	_ =	sdelay $0x3  }
0x96: {  	_ =	strace s3  }
0x97: {  	_ =	strace $0x8FFFFFFF  }
0x98: {  	s19 =	sld [smem:$0x3FDB];
	_ =	sdelay $0x1  }
0x99: {  	s4 =	simm.s32 $_scs_section_size  }
0x9a: {  	s5 =	simm.s32 $_size__tile_overlayer_lowered;
	s6 =	simm.s32 $_tile_overlayer_lowered  }
0x9b: {  	s22 =	simm.s32 $0x1BFF;
	s21 =	sshll.u32 s6, $0x1;
	s3 =	sadd.s32 s4, s19  }
0x9c: {  	s7 =	simm.s32 $0x0;
	s20 =	sshll.u32 s5, $0x1;
	s5 =	sadd.s32 s21, s3  }
0x9d: {  	[timem:s7], [sflag:s22] =	dma.local [hbm:s5], s20  }
0x9e: {  	_ =	swait.ge [sflag:s22], s20  }
0x9f: {  	s4 =	ssub.s32 $0x0, s20;
	[sflag:s22] =	ssyncset.done $0x0  }
0xa0: {  	[sflag:s22] =	ssyncadd.s32 s4;
	_ =	sdelay $0x1  }
0xa1: {  	s23 =	simm.s32 $0x1B8B  }
0xa2: {  	_ =	swait.ge [sflag:s23], $0x1  }
0xa3: {  	[sflag:s23] =	ssyncset.done $0x0  }
0xa4: {  	s25 =	simm.s32 $0x1B8E;
	s24 =	sld [smem:$0x3FFE];
	[sflag:s23] =	ssyncadd.s32 $0xFFFFFFFF  }
0xa5: {  	s26 =	simm.s32 $execute0_lowered;
	[smem:$0x3FD2] =	sst s25  }
0xa6: {  	s5 =	sshll.u32 s26, $0x1;
	_ =	strace $0x8000004C;
	[dreg:$0x1] =	wrdreg $0xFFFFFFFF  }
0xa7: {  	s28 =	simm.s32 $_size_execute0_lowered;
	s3 =	sadd.s32 s3, s5;
	[dreg:$0x0] =	wrdreg $0x0  }
0xa8: {  	s5 =	sshll.u32 s28, $0x1;
	[dreg:$0x2] =	wrdreg s3  }
0xa9: {  	[dreg:$0x3] =	wrdreg s5  }
0xaa: {  	[dreg:$0x4] =	wrdreg $0xC0  }
0xab: {  	_ =	task [dreg:s7], $0x5FFFF  }
0xac: {  	[dreg:$0x1] =	wrdreg $0xFFFFFFFF  }
0xad: {  	[dreg:$0x0] =	wrdreg $0x60  }
0xae: {  	[dreg:$0x2] =	wrdreg s24  }
0xaf: {  	[dreg:$0x3] =	wrdreg s2  }
0xb0: {  	[dreg:$0x4] =	wrdreg $0xB8000  }
0xb1: {  	[dreg:$0x5] =	wrdreg $0x9  }
0xb2: {  	_ =	task.clear_ibuf [dreg:s7], $0x6FFFF;
	_ =	strace $0x9000004C  }
0xb3: {  	s29 =	simm.s32 $0x9;
	_ =	strace $0x8000004E  }
0xb4: {  	_ =	swait.ge [sflag:s29], $0x1  }
0xb5: {  	[sflag:s29] =	ssyncadd.s32 $0xFFFFFFFF  }
0xb6: {  	_ =	strace $0x9000004E  }
0xb7: {  	_ =	sfence  }
0xb8: {  	s30 =	sld [smem:$0x0];
	_ =	sdelay $0x2  }
0xb9: {  	s31 =	sshll.u32 s1, $0xD;
	s1 =	sshrl.u32 s1, $0x2  }
0xba: {  	s3 =	sand.u32 $0x4000, s31;
	s1 =	sadd.s32 s1, s30  }
0xbb: {  	s0 =	sor.u32 s3, s0;
	s1 =	sshll.u32 s1, $0x11  }
0xbc: {  	s0 =	sor.u32 s1, s0  }
0xbd: {  	s0 =	sadd.s32 $0x8F2B, s0  }
0xbe: {  	[sflag:s0] =	ssyncadd.remote.s32 $0x1  }
0xbf: {  	_ =	sfence.sel $0xFFFF  }
0xc0: {  	[dreg:$0x0] =	wrdreg $0xFFFFFFFF;
	(pc) =	sbr.abs _section_cstart, $3  }
0xc1: {  	[dreg:$0x1] =	wrdreg $0xFFFFFFFF  }
0xc2: {  	_ =	task.clear_ibuf [dreg:s7], $0x2FFFF;
	_ =	strace $0x9FFFFFFF  }
0xc3: {  	(tm) =	ssettm $0x7FFFFFFF  }
tec
execute0_lowered:
.L_overlay_start_1:
0x0: {  	(tag) =	ssettag $0x1  }
0x1: {  	s5 =	rddreg [dreg:$0x0]  }
0x2: {  	s10 =	rddreg [dreg:$0x1]  }
0x3: {  	s1 =	rddreg [dreg:$0x2]  }
0x4: {  	s0 =	rddreg [dreg:$0x3];
	s3 =	simm.s32 $0x0;
	s2 =	stileid.u32  }
0x5: {  	s7 =	srdreg.scid;
	s19 =	simm.s32 $0x2;
	s20 =	simm.s32 $0x80  }
0x6: {  	s21 =	simm.s32 $0x7800;
	s22 =	simm.s32 $0x1;
	s6 =	smul.u32 $0x2800, s2  }
0x7: {  	s23 =	simm.s32 $0x0;
	[smem:$0x7FF] =	sst s3;
	s28 =	smul.u32 $0x50000, s2  }
0x8: {  	s4 =	sadd.s32 $0xF200, s5;
	s11 =	sadd.s32 $0x5200, s5;
	s30 =	smul.u32 $0x5000, s2  }
0x9: {  	s18 =	sand.u32 $0x1, s7;
	s9 =	smul.u32 $0xA00, s2;
	_ =	strace $0x8000004D  }
0xa: {  	s29 =	ssub.s32 $0x2, s18;
	p0 =	sne.s32 s18, $0x0;
	s18 =	simm.s32 $0x3800  }
0xb: {  	s12 =	sadd.s32 s6, s5;
	s8 =	sshrl.u32 s29, $0x1;
	s7 =	sshrl.u32 s28, $0x2  }
0xc: {  	s14 =	sshrl.u32 s30, $0x3;
	s6 =	sadd.s32 s10, s9;
	s13 =	ssub.s32 s29, s8  }
.Ltmp0:
0xd: {  	s5 =	sadd.s32 s7, s1;
	s7 =	sadd.s32 s11, s9;
	(pc) =	sbr.rel .LBB2_1-.Ltmp0, $4  }
0xe: {  	s31 =	sadd.s32 $0x380, s14;
	s14 =	sadd.s32 $0x700, s14;
	s12 =	sadd.s32 $0x37200, s12  }
0xf: {  	s8 =	sadd.s32 s10, s31;
	s9 =	sadd.s32 s11, s31;
	s10 =	sadd.s32 s10, s14  }
0x10: {  	s11 =	sadd.s32 s11, s14;
	s13 =	smax.u32 s13, $0x1;
	s14 =	sadd.s32 $0x4000, s5  }
0x11: {  	v0 =	vimm.f32 $0.0e+00;
	s15 =	sadd.s32 $0x8000, s5;
	s16 =	sadd.s32 $0xC000, s5;
	s17 =	sadd.s32 $0x10000, s5  }
.LBB2_13:
0x12: {  	[bflag:$0x0] =	sbarrier.arrive $0xFFFF  }
0x13: {  	[bflag:$0x0] =	sbarrier.arrive $0xFFFF  }
.LBB2_11:
0x14: {  	s23 =	sadd.s32 $0x1, s23  }
0x15: {  	p1 =	sne.s32 s23, s13  }
.Ltmp1:
0x16: {  	_ = 	snop;
	(pc) =	sbr.rel @!p1 .LBB2_12-.Ltmp1, $1  }
0x17: {  	_ =	sdelay $0x3  }
.LBB2_1:
0x18: {  	s24 =	sand.u32 $0xFE00, s3  }
0x19: {  	s25 =	sand.u32 $0x70, s3;
	s26 =	sshrl.u32 s24, $0x2  }
0x1a: {  	s24 =	simm.s32 $0x40;
	s26 =	sor.u32 s25, s26;
	s25 =	simm.s32 $0x0  }
.LBB2_2:
0x1b: {  	p1 =	sne.s32 s24, $0xFFC0  }
0x1c: {  	[tilespmem:s26+$0x3800] =	vst v0;
	s25 =	sadd.s32 $0x10, s25;
	s26 =	smov.u32 s24;
	s24 =	sadd.s32 $0x40, s24  }
.Ltmp2:
0x1d: {  	(pc) =	sbr.rel @p1 .LBB2_2-.Ltmp2, $4  }
0x1e: {  	_ = 	snop  }
0x1f: {  	s26 =	sand.u32 $0xFE00, s26  }
0x20: {  	s28 =	sand.u32 $0x70, s25;
	s26 =	sshrl.u32 s26, $0x2  }
0x21: {  	s26 =	sor.u32 s28, s26  }
.Ltmp3:
0x22: {  	(pc) =	sbr.rel @p0 .LBB2_13-.Ltmp3, $2  }
0x23: {  	_ =	sdelay $0x2  }
0x24: {  	[tilespmem:s26+$0x3800] =	vst v0  }
0x25: {  	[spmem:s5] =	stream.linear.scatter [tilespmem:s18], [sflag:$0x2], $0x4000, $0x38;
	[tilespmem:$0x1F800] =	vst v63  }
0x26: {  	_ =	swait.ge [sflag:s19], $0x4000  }
0x27: {  	[sflag:s19] =	ssyncset.done $0x0  }
0x28: {  	[sflag:s19] =	ssyncadd.s32 $0xFFFFC000  }
0x29: {  	[spmem:s14] =	stream.linear.scatter [tilespmem:s18], [sflag:$0x2], $0x4000, $0x38;
	[tilespmem:$0x1F800] =	vst v63  }
0x2a: {  	_ =	swait.ge [sflag:s19], $0x4000  }
0x2b: {  	[sflag:s19] =	ssyncset.done $0x0  }
0x2c: {  	[sflag:s19] =	ssyncadd.s32 $0xFFFFC000  }
0x2d: {  	[spmem:s15] =	stream.linear.scatter [tilespmem:s18], [sflag:$0x2], $0x4000, $0x38;
	[tilespmem:$0x1F800] =	vst v63  }
0x2e: {  	_ =	swait.ge [sflag:s19], $0x4000  }
0x2f: {  	[sflag:s19] =	ssyncset.done $0x0  }
0x30: {  	[sflag:s19] =	ssyncadd.s32 $0xFFFFC000  }
0x31: {  	[spmem:s16] =	stream.linear.scatter [tilespmem:s18], [sflag:$0x2], $0x4000, $0x38;
	[tilespmem:$0x1F800] =	vst v63  }
0x32: {  	_ =	swait.ge [sflag:s19], $0x4000  }
0x33: {  	[sflag:s19] =	ssyncset.done $0x0  }
0x34: {  	[sflag:s19] =	ssyncadd.s32 $0xFFFFC000  }
0x35: {  	[spmem:s17] =	stream.linear.scatter [tilespmem:s18], [sflag:$0x2], $0x4000, $0x38;
	[tilespmem:$0x1F800] =	vst v63  }
0x36: {  	_ =	swait.ge [sflag:s19], $0x4000  }
0x37: {  	[sflag:s19] =	ssyncset.done $0x0  }
0x38: {  	[sflag:s19] =	ssyncadd.s32 $0xFFFFC000  }
0x39: {  	s24 =	simm.s32 $0x0;
	[bflag:$0x0] =	sbarrier.arrive $0xFFFF  }
0x3a: {  	[tilespmem:s24], [sflag:$0x2] =	stream.linear.gather [hbm4b:s6+s24], $0x1C00, $0x38;
	[tilespmem:$0x1F800] =	vst v63  }
0x3b: {  	_ =	swait.ge [sflag:s19], $0x1C00  }
0x3c: {  	[sflag:s19] =	ssyncset.done $0x0  }
0x3d: {  	s25 =	simm.s32 $0x1C00;
	[sflag:s19] =	ssyncadd.s32 $0xFFFFE400  }
0x3e: {  	[tilespmem:s25], [sflag:$0x2] =	stream.linear.gather [hbm4b:s7+s24], $0x1C00, $0x38;
	[tilespmem:$0x1F800] =	vst v63  }
0x3f: {  	_ =	swait.ge [sflag:s19], $0x1C00  }
0x40: {  	[sflag:s19] =	ssyncset.done $0x0  }
0x41: {  	[sflag:s19] =	ssyncadd.s32 $0xFFFFE400  }
0x42: {  	[tilespmem:s18], [sflag:$0x1] =	stream.indirect.gather [hbm4b:s4+s20], $0x80, s24, s20, $0xb8;
	[tilespmem:$0x1F800] =	vst v63  }
0x43: {  	_ = 	snop  }
0x44: {  	[tilespmem:s21], [sflag:$0x1] =	stream.indirect.gather [hbm4b:s4+s20], $0x80, s20, s20, $0xb8;
	[tilespmem:$0x1F800] =	vst v63  }
0x45: {  	_ =	swait.ge [sflag:s22], $0x4000  }
0x46: {  	s24 =	sand.u32 $0x4000, s24;
	[sflag:s22] =	ssyncset.done $0x0  }
0x47: {  	s29 =	simm.s32 $0x100;
	s28 =	sor.u32 $0x3800, s24;
	[sflag:s22] =	ssyncadd.s32 $0xFFFFC000  }
0x48: {  	[spmem:s1] =	stream.indirect.scatter.add.f32 [tilespmem:s28], [sflag:$0x2], $0x80, s25, s20, $0xb8;
	[tilespmem:$0x1F800] =	vst v63  }
0x49: {  	p2 =	por $0x0, $0x0;
	s26 =	simm.s32 $0x1C80;
	_ =	swait.ge [sflag:s19], $0x4000  }
0x4a: {  	s30 =	simm.s32 $0x180;
	s31 =	simm.s32 @!p2 $0x80;
	[sflag:s19] =	ssyncset.done $0x0  }
0x4b: {  	s24 =	simm.s32 $0x1;
	s25 =	simm.s32 $0x4000;
	[sflag:s19] =	ssyncadd.s32 $0xFFFFC000  }
.LBB2_5:
0x4c: {  	[tilespmem:s28], [sflag:$0x1] =	stream.indirect.gather @!p2 [hbm4b:s4+s31], $0x80, s29, s31, $0xb8;
	[tilespmem:$0x1F800] =	vst v63  }
0x4d: {  	s31 =	smov.u32 s24;
	s24 =	sadd.s32 $0x1, s24;
	_ =	swait.ge [sflag:s22], $0x4000  }
0x4e: {  	s28 =	sand.u32 $0x4000, s25;
	p1 =	sne.s32 s24, $0x38;
	[sflag:s22] =	ssyncset.done $0x0  }
.Ltmp4:
0x4f: {  	s28 =	sor.u32 $0x3800, s28;
	[sflag:s22] =	ssyncadd.s32 $0xFFFFC000;
	(pc) =	sbr.rel @p1 .LBB2_5-.Ltmp4, $4  }
0x50: {  	[spmem:s1] =	stream.indirect.scatter.add.f32 [tilespmem:s28], [sflag:$0x2], $0x80, s26, s20, $0xb8;
	[tilespmem:$0x1F800] =	vst v63  }
0x51: {  	s25 =	sadd.s32 $0x4000, s25;
	s29 =	smov.u32 s30;
	_ =	swait.ge [sflag:s19], $0x4000  }
0x52: {  	p2 =	sgt.u32 s31, $0x35;
	s26 =	sadd.s32 $0x80, s26;
	[sflag:s19] =	ssyncset.done $0x0  }
0x53: {  	s30 =	sadd.s32 $0x80, s30;
	s31 =	simm.s32 @!p2 $0x80;
	[sflag:s19] =	ssyncadd.s32 $0xFFFFC000  }
0x54: {  	[tilespmem:s28], [sflag:$0x1] =	stream.indirect.gather @!p2 [hbm4b:s4+s31], $0x80, s29, s31, $0xb8;
	[tilespmem:$0x1F800] =	vst v63  }
0x55: {  	s24 =	simm.s32 $0x0  }
0x56: {  	[tilespmem:s24], [sflag:$0x2] =	stream.linear.gather [hbm4b:s8+s24], $0x1C00, $0x38;
	[tilespmem:$0x1F800] =	vst v63  }
0x57: {  	_ =	swait.ge [sflag:s19], $0x1C00  }
0x58: {  	[sflag:s19] =	ssyncset.done $0x0  }
0x59: {  	s25 =	simm.s32 $0x1C00;
	[sflag:s19] =	ssyncadd.s32 $0xFFFFE400  }
0x5a: {  	[tilespmem:s25], [sflag:$0x2] =	stream.linear.gather [hbm4b:s9+s24], $0x1C00, $0x38;
	[tilespmem:$0x1F800] =	vst v63  }
0x5b: {  	_ =	swait.ge [sflag:s19], $0x1C00  }
0x5c: {  	[sflag:s19] =	ssyncset.done $0x0  }
0x5d: {  	[sflag:s19] =	ssyncadd.s32 $0xFFFFE400  }
0x5e: {  	[tilespmem:s18], [sflag:$0x1] =	stream.indirect.gather [hbm4b:s4+s20], $0x80, s24, s20, $0xb8;
	[tilespmem:$0x1F800] =	vst v63  }
0x5f: {  	_ = 	snop  }
0x60: {  	[tilespmem:s21], [sflag:$0x1] =	stream.indirect.gather [hbm4b:s4+s20], $0x80, s20, s20, $0xb8;
	[tilespmem:$0x1F800] =	vst v63  }
0x61: {  	_ =	swait.ge [sflag:s22], $0x4000  }
0x62: {  	s24 =	sand.u32 $0x4000, s24;
	[sflag:s22] =	ssyncset.done $0x0  }
0x63: {  	s30 =	simm.s32 $0x100;
	s28 =	sor.u32 $0x3800, s24;
	[sflag:s22] =	ssyncadd.s32 $0xFFFFC000  }
0x64: {  	[spmem:s1] =	stream.indirect.scatter.add.f32 [tilespmem:s28], [sflag:$0x2], $0x80, s25, s20, $0xb8;
	[tilespmem:$0x1F800] =	vst v63  }
0x65: {  	p2 =	por $0x0, $0x0;
	s26 =	simm.s32 $0x1C80;
	_ =	swait.ge [sflag:s19], $0x4000  }
0x66: {  	s29 =	simm.s32 $0x180;
	s31 =	simm.s32 @!p2 $0x80;
	[sflag:s19] =	ssyncset.done $0x0  }
0x67: {  	s24 =	simm.s32 $0x1;
	s25 =	simm.s32 $0x4000;
	[sflag:s19] =	ssyncadd.s32 $0xFFFFC000  }
.LBB2_7:
0x68: {  	[tilespmem:s28], [sflag:$0x1] =	stream.indirect.gather @!p2 [hbm4b:s4+s31], $0x80, s30, s31, $0xb8;
	[tilespmem:$0x1F800] =	vst v63  }
0x69: {  	s31 =	smov.u32 s24;
	s24 =	sadd.s32 $0x1, s24;
	_ =	swait.ge [sflag:s22], $0x4000  }
0x6a: {  	s28 =	sand.u32 $0x4000, s25;
	p1 =	sne.s32 s24, $0x38;
	[sflag:s22] =	ssyncset.done $0x0  }
.Ltmp5:
0x6b: {  	s28 =	sor.u32 $0x3800, s28;
	[sflag:s22] =	ssyncadd.s32 $0xFFFFC000;
	(pc) =	sbr.rel @p1 .LBB2_7-.Ltmp5, $4  }
0x6c: {  	[spmem:s1] =	stream.indirect.scatter.add.f32 [tilespmem:s28], [sflag:$0x2], $0x80, s26, s20, $0xb8;
	[tilespmem:$0x1F800] =	vst v63  }
0x6d: {  	s25 =	sadd.s32 $0x4000, s25;
	s30 =	smov.u32 s29;
	_ =	swait.ge [sflag:s19], $0x4000  }
0x6e: {  	p2 =	sgt.u32 s31, $0x35;
	s26 =	sadd.s32 $0x80, s26;
	[sflag:s19] =	ssyncset.done $0x0  }
0x6f: {  	s29 =	sadd.s32 $0x80, s29;
	s31 =	simm.s32 @!p2 $0x80;
	[sflag:s19] =	ssyncadd.s32 $0xFFFFC000  }
0x70: {  	[tilespmem:s28], [sflag:$0x1] =	stream.indirect.gather @!p2 [hbm4b:s4+s31], $0x80, s30, s31, $0xb8;
	[tilespmem:$0x1F800] =	vst v63  }
0x71: {  	s24 =	simm.s32 $0x0  }
0x72: {  	[tilespmem:s24], [sflag:$0x2] =	stream.linear.gather [hbm4b:s10+s24], $0x1680, $0x38;
	[tilespmem:$0x1F800] =	vst v63  }
0x73: {  	_ =	swait.ge [sflag:s19], $0x1680  }
0x74: {  	[sflag:s19] =	ssyncset.done $0x0  }
0x75: {  	s25 =	simm.s32 $0x1C00;
	[sflag:s19] =	ssyncadd.s32 $0xFFFFE980  }
0x76: {  	[tilespmem:s25], [sflag:$0x2] =	stream.linear.gather [hbm4b:s11+s24], $0x1680, $0x38;
	[tilespmem:$0x1F800] =	vst v63  }
0x77: {  	_ =	swait.ge [sflag:s19], $0x1680  }
0x78: {  	[sflag:s19] =	ssyncset.done $0x0  }
0x79: {  	[sflag:s19] =	ssyncadd.s32 $0xFFFFE980  }
0x7a: {  	[tilespmem:s18], [sflag:$0x1] =	stream.indirect.gather [hbm4b:s4+s20], $0x80, s24, s20, $0xb8;
	[tilespmem:$0x1F800] =	vst v63  }
0x7b: {  	_ = 	snop  }
0x7c: {  	[tilespmem:s21], [sflag:$0x1] =	stream.indirect.gather [hbm4b:s4+s20], $0x80, s20, s20, $0xb8;
	[tilespmem:$0x1F800] =	vst v63  }
0x7d: {  	_ =	swait.ge [sflag:s22], $0x4000  }
0x7e: {  	s24 =	sand.u32 $0x4000, s24;
	[sflag:s22] =	ssyncset.done $0x0  }
0x7f: {  	s30 =	simm.s32 $0x100;
	s28 =	sor.u32 $0x3800, s24;
	[sflag:s22] =	ssyncadd.s32 $0xFFFFC000  }
0x80: {  	[spmem:s1] =	stream.indirect.scatter.add.f32 [tilespmem:s28], [sflag:$0x2], $0x80, s25, s20, $0xb8;
	[tilespmem:$0x1F800] =	vst v63  }
0x81: {  	p2 =	por $0x0, $0x0;
	s26 =	simm.s32 $0x1C80;
	_ =	swait.ge [sflag:s19], $0x4000  }
0x82: {  	s29 =	simm.s32 $0x180;
	s31 =	simm.s32 @!p2 $0x80;
	[sflag:s19] =	ssyncset.done $0x0  }
0x83: {  	s24 =	simm.s32 $0x1;
	s25 =	simm.s32 $0x4000;
	[sflag:s19] =	ssyncadd.s32 $0xFFFFC000  }
.LBB2_9:
0x84: {  	[tilespmem:s28], [sflag:$0x1] =	stream.indirect.gather @!p2 [hbm4b:s4+s31], $0x80, s30, s31, $0xb8;
	[tilespmem:$0x1F800] =	vst v63  }
0x85: {  	s31 =	smov.u32 s24;
	s24 =	sadd.s32 $0x1, s24;
	_ =	swait.ge [sflag:s22], $0x4000  }
0x86: {  	s28 =	sand.u32 $0x4000, s25;
	p1 =	sne.s32 s24, $0x2D;
	[sflag:s22] =	ssyncset.done $0x0  }
.Ltmp6:
0x87: {  	s28 =	sor.u32 $0x3800, s28;
	[sflag:s22] =	ssyncadd.s32 $0xFFFFC000;
	(pc) =	sbr.rel @p1 .LBB2_9-.Ltmp6, $4  }
0x88: {  	[spmem:s1] =	stream.indirect.scatter.add.f32 [tilespmem:s28], [sflag:$0x2], $0x80, s26, s20, $0xb8;
	[tilespmem:$0x1F800] =	vst v63  }
0x89: {  	s25 =	sadd.s32 $0x4000, s25;
	s30 =	smov.u32 s29;
	_ =	swait.ge [sflag:s19], $0x4000  }
0x8a: {  	p2 =	sgt.u32 s31, $0x2A;
	s26 =	sadd.s32 $0x80, s26;
	[sflag:s19] =	ssyncset.done $0x0  }
0x8b: {  	s29 =	sadd.s32 $0x80, s29;
	s31 =	simm.s32 @!p2 $0x80;
	[sflag:s19] =	ssyncadd.s32 $0xFFFFC000  }
0x8c: {  	[tilespmem:s28], [sflag:$0x1] =	stream.indirect.gather @!p2 [hbm4b:s4+s31], $0x80, s30, s31, $0xb8;
	[tilespmem:$0x1F800] =	vst v63  }
0x8d: {  	s24 =	sshll.u32 s2, $0x6;
	s25 =	sshrl.u32 s5, $0x3  }
.Ltmp7:
0x8e: {  	[bflag:$0x0] =	sbarrier.arrive $0xFFFF;
	s24 =	sor.u32 $0x1C02, s24;
	(pc) =	sbr.rel .LBB2_11-.Ltmp7, $4  }
0x8f: {  	[hbm:s12], [sflag:s24] =	dma.local [spmem:s25], $0x2800  }
0x90: {  	_ =	swait.ge [sflag:s19], $0x2800  }
0x91: {  	[sflag:s19] =	ssyncset.done $0x0  }
0x92: {  	[sflag:s19] =	ssyncadd.s32 $0xFFFFD800  }
.LBB2_12:
0x93: {  	_ =	sfence.sel $0x180000  }
0x94: {  	[bflag:$0x0] =	sbarrier.arrive $0xFFFF  }
0x95: {  	p0 =	sne.s32 s2, $0x0;
	_ =	strace $0x9000004D  }
0x96: {  	s0 =	sadd.s32 @!p0 $0x100000, s0;
	[bflag:$0x2] =	sbarrier.arrive $0xFFFF  }
0x97: {  	[sflag:s0] =	ssyncadd.tile.s32 @!p0 $0x1;
	_ =	shalt  }
.Lfunc_end2:
_tile_overlayer_lowered:
.L_overlay_start_2:
0x98: {  	(tag) =	ssettag $0x2  }
0x99: {  	s0 =	rddreg [dreg:$0x0];
	s2 =	stileid.u32  }
0x9a: {  	s1 =	rddreg [dreg:$0x1];
	p0 =	sne.s32 s2, $0x0  }
0x9b: {  	s3 =	rddreg [dreg:$0x2];
	[bflag:$0x3] =	sbarrier.arrive $0xFFFF;
	s2 =	simm.s32 @!p0 $0x1C02  }
0x9c: {  	[timem:s3], [sflag:s2] =	dma.local @!p0 [hbm:s0], s1  }
0x9d: {  	s0 =	simm.s32 @!p0 $0x2  }
0x9e: {  	_ =	swait.ge @!p0 [sflag:s0], s1  }
0x9f: {  	s1 =	ssub.s32 @!p0 $0x0, s1;
	[sflag:s0] =	ssyncset.done @!p0 $0x0  }
0xa0: {  	[sflag:s0] =	ssyncadd.s32 @!p0 s1  }
0xa1: {  	[bflag:$0x3] =	sbarrier.arrive $0xFFFF  }
0xa2: {  	_ =	shalt  }

// kernel: kernel.9.cloned.1.call-start
scs
__scs_entry_jumppad:
0x0: {  	(pc) =	sbr.rel $0x88, $3  }
0x1: {  	(tag) =	ssettag $0x0;
	lr =	simm.s32 $0x1  }
0x2: {  	[smem:$0x3F8E] =	sst lr;
	_ =	strace $0xD0000000  }
0x3: {  	_ = 	snop  }
0x4: {  	_ = 	snop  }
0x5: {  	_ = 	snop  }
0x6: {  	_ = 	snop  }
0x7: {  	_ = 	snop  }
__scs_overlays_trampoline_lowered:
0x8: {  	[smem:$0x3F9D] =	sst s0  }
0x9: {  	[smem:$0x3F9E] =	sst s1  }
0xa: {  	[smem:$0x3F9F] =	sst s2  }
0xb: {  	[smem:$0x3FA0] =	sst s3  }
0xc: {  	[smem:$0x3FA1] =	sst s4  }
0xd: {  	[smem:$0x3FA2] =	sst s5  }
0xe: {  	[smem:$0x3FA3] =	sst s6  }
0xf: {  	[smem:$0x3FA4] =	sst s7  }
0x10: {  	[smem:$0x3FA5] =	sst s8  }
0x11: {  	[smem:$0x3FA6] =	sst s9;
	s0 =	simm.s32 @!p0 $0x0  }
0x12: {  	s1 =	sld [smem:$0x3F8C];
	s0 =	simm.s32 @p0 $0x1  }
0x13: {  	[smem:$0x3FA7] =	sst s0;
	s0 =	simm.s32 @!p1 $0x0  }
0x14: {  	s2 =	sld [smem:$0x3F8B];
	s0 =	simm.s32 @p1 $0x1  }
0x15: {  	[smem:$0x3FA8] =	sst s0;
	s0 =	simm.s32 @!p2 $0x0  }
0x16: {  	s3 =	sld [smem:$0x3FDB];
	s0 =	simm.s32 @p2 $0x1  }
0x17: {  	s4 =	simm.s32 $0x1BF5;
	[smem:$0x3FAA] =	sst s0  }
0x18: {  	s0 =	sld [smem:$0x3F8D];
	_ =	swait.ge [sflag:s4], $0x0  }
0x19: {  	s7 =	sld [smem:$0x3F8E]  }
0x1a: {  	s8 =	sadd.s32 $0xFFFFE003, lr  }
0x1b: {  	s9 =	sadd.s32 $0xFFFFFEF7, lr;
	s5 =	simm.s32 $0xFFFFFFFF;
	p2 =	slt.u32 s8, $0xFFFFF086  }
0x1c: {  	p1 =	slt.u32 s9, $0xF7A;
	s5 =	simm.s32 @!p2 $0x0  }
0x1d: {  	s5 =	simm.s32 @p1 $0x1;
	p0 =	seq.s32 s7, s2  }
0x1e: {  	s7 =	smul.u32 @!p0 $0xF7A, s2;
	p2 =	seq.s32 @!p0 s5, $0x0  }
0x1f: {  	s9 =	smul.u32 $0xF7A, s1;
	s8 =	simm.s32 @!p0 $0x1BF5;
	p2 =	por !p2, p0  }
0x20: {  	[sflag:s8] =	ssyncset.s32 @!p0 $0xFFFFF086;
	s6 =	sadd.s32 @!p0 s3, s7;
	s7 =	simm.s32 @!p0 $0x108  }
0x21: {  	s3 =	sadd.s32 s3, s9;
	s6 =	sadd.s32 @!p0 $0x88, s6;
	s7 =	simm.s32 @p2 $0x1082  }
0x22: {  	[simem:s7], [sflag:s8] =	dma.local @!p0 [hbm:s6], $0xF7A  }
0x23: {  	s9 =	sor.u32 $0xD0000000, s2;
	s6 =	simm.s32 $0x108;
	_ =	swait.ge @!p0 [sflag:s8], $0x0  }
0x24: {  	s3 =	sadd.s32 $0x88, s3;
	s6 =	simm.s32 @!p1 $0x1082;
	[sflag:s4] =	ssyncset.s32 $0xFFFFF086  }
0x25: {  	[simem:s6], [sflag:s4] =	dma.local [hbm:s3], $0xF7A  }
0x26: {  	[smem:$0x3F8E] =	sst s1;
	(tag) =	ssettag s2;
	_ =	strace s9  }
0x27: {  	s1 =	sld [smem:$0x3F9E]  }
0x28: {  	s2 =	sld [smem:$0x3F9F]  }
0x29: {  	s4 =	sld [smem:$0x3FA1]  }
0x2a: {  	p0 =	seq.s32 s5, $0x0;
	s5 =	sld [smem:$0x3FA2]  }
0x2b: {  	s6 =	sld [smem:$0x3FA3]  }
0x2c: {  	s7 =	sld [smem:$0x3FA4]  }
0x2d: {  	s3 =	simm.s32 $0x108;
	s8 =	sld [smem:$0x3FA5]  }
0x2e: {  	s3 =	simm.s32 @!p0 $0x1082;
	s9 =	sld [smem:$0x3FA6]  }
0x2f: {  	lr =	sadd.s32 s0, s3;
	s0 =	sld [smem:$0x3F9D]  }
0x30: {  	s3 =	sld [smem:$0x3FA0]  }
0x31: {  	[smem:$0x3FA9] =	sst s10  }
0x32: {  	s10 =	sld [smem:$0x3FA7];
	_ =	sdelay $0x3  }
0x33: {  	p0 =	seq.s32 s10, $0x1;
	s10 =	sld [smem:$0x3FA9];
	_ =	sdelay $0x3  }
0x34: {  	[smem:$0x3FA9] =	sst s10  }
0x35: {  	s10 =	sld [smem:$0x3FA8];
	_ =	sdelay $0x3  }
0x36: {  	p1 =	seq.s32 s10, $0x1;
	s10 =	sld [smem:$0x3FA9];
	_ =	sdelay $0x3  }
0x37: {  	[smem:$0x3FA9] =	sst s10  }
0x38: {  	s10 =	sld [smem:$0x3FAA]  }
0x39: {  	_ = 	snop;
	(pc) =	sbr.ind lr, $3  }
0x3a: {  	_ = 	snop  }
0x3b: {  	_ = 	snop  }
0x3c: {  	p2 =	seq.s32 s10, $0x1;
	s10 =	sld [smem:$0x3FA9]  }
0x3d: {  	_ =	shalt  }
0x3e: {  	_ =	shalt  }
0x3f: {  	_ =	shalt  }
0x40: {  	_ =	shalt  }
0x41: {  	_ =	shalt  }
0x42: {  	_ =	shalt  }
0x43: {  	_ =	shalt  }
0x44: {  	_ =	shalt  }
0x45: {  	_ =	shalt  }
0x46: {  	_ =	shalt  }
0x47: {  	_ =	shalt  }
0x48: {  	_ =	shalt  }
0x49: {  	_ =	shalt  }
0x4a: {  	_ =	shalt  }
0x4b: {  	_ =	shalt  }
0x4c: {  	_ =	shalt  }
0x4d: {  	_ =	shalt  }
0x4e: {  	_ =	shalt  }
0x4f: {  	_ =	shalt  }
0x50: {  	_ =	shalt  }
0x51: {  	_ =	shalt  }
0x52: {  	_ =	shalt  }
0x53: {  	_ =	shalt  }
0x54: {  	_ =	shalt  }
0x55: {  	_ =	shalt  }
0x56: {  	_ =	shalt  }
0x57: {  	_ =	shalt  }
0x58: {  	_ =	shalt  }
0x59: {  	_ =	shalt  }
0x5a: {  	_ =	shalt  }
0x5b: {  	_ =	shalt  }
0x5c: {  	_ =	shalt  }
0x5d: {  	_ =	shalt  }
0x5e: {  	_ =	shalt  }
0x5f: {  	_ =	shalt  }
0x60: {  	_ =	shalt  }
0x61: {  	_ =	shalt  }
0x62: {  	_ =	shalt  }
0x63: {  	_ =	shalt  }
0x64: {  	_ =	shalt  }
0x65: {  	_ =	shalt  }
0x66: {  	_ =	shalt  }
0x67: {  	_ =	shalt  }
0x68: {  	_ =	shalt  }
0x69: {  	_ =	shalt  }
0x6a: {  	_ =	shalt  }
0x6b: {  	_ =	shalt  }
0x6c: {  	_ =	shalt  }
0x6d: {  	_ =	shalt  }
0x6e: {  	_ =	shalt  }
0x6f: {  	_ =	shalt  }
0x70: {  	_ =	shalt  }
0x71: {  	_ =	shalt  }
0x72: {  	_ =	shalt  }
0x73: {  	_ =	shalt  }
0x74: {  	_ =	shalt  }
0x75: {  	_ =	shalt  }
0x76: {  	_ =	shalt  }
0x77: {  	_ =	shalt  }
0x78: {  	_ =	shalt  }
0x79: {  	_ =	shalt  }
0x7a: {  	_ =	shalt  }
0x7b: {  	_ =	shalt  }
0x7c: {  	_ =	shalt  }
0x7d: {  	_ =	shalt  }
0x7e: {  	_ =	shalt  }
0x7f: {  	_ =	shalt  }
0x80: {  	_ =	shalt  }
0x81: {  	_ =	shalt  }
0x82: {  	_ =	shalt  }
0x83: {  	_ =	shalt  }
0x84: {  	_ =	shalt  }
0x85: {  	_ =	shalt  }
0x86: {  	_ =	shalt  }
0x87: {  	_ =	shalt  }
.Lfunc_end0:
.L_simem_size_0:
called_computation_lowered:
.L_overlay_start_0:
0x88: {  	s2 =	sld [smem:$0x3FD9]  }
0x89: {  	s3 =	sld [smem:$0x3FFE];
	_ =	sdelay $0x1  }
0x8a: {  	s1 =	srdreg.scid  }
0x8b: {  	s0 =	sand.u32 $0x1, s1  }
0x8c: {  	s17 =	sshll.u32 s0, $0xA;
	s2 =	sadd.s32 s3, s2  }
0x8d: {  	s2 =	sadd.s32 s2, s17  }
0x8e: {  	[smem:$0x3FB5] =	sst s2  }
0x8f: {  	_ = 	snop  }
0x90: {  	s2 =	sld [smem:$0x3FD0];
	(tm) =	ssettm $0x1  }
0x91: {  	s18 =	sld [smem:$0x3FFB];
	_ =	sdelay $0x3  }
0x92: {  	_ =	strace s18  }
0x93: {  	s3 =	sld [smem:$0x3FFC];
	_ =	sdelay $0x3  }
0x94: {  	_ =	strace s3  }
0x95: {  	s3 =	sld [smem:$0x3FFD];
	_ =	sdelay $0x3  }
0x96: {  	_ =	strace s3  }
0x97: {  	_ =	strace $0x8FFFFFFF  }
0x98: {  	s19 =	sld [smem:$0x3FDB];
	_ =	sdelay $0x1  }
0x99: {  	s4 =	simm.s32 $_scs_section_size  }
0x9a: {  	s5 =	simm.s32 $_size__tile_overlayer_lowered;
	s6 =	simm.s32 $_tile_overlayer_lowered  }
0x9b: {  	s22 =	simm.s32 $0x1BFF;
	s21 =	sshll.u32 s6, $0x1;
	s3 =	sadd.s32 s4, s19  }
0x9c: {  	s7 =	simm.s32 $0x0;
	s20 =	sshll.u32 s5, $0x1;
	s5 =	sadd.s32 s21, s3  }
0x9d: {  	[timem:s7], [sflag:s22] =	dma.local [hbm:s5], s20  }
0x9e: {  	_ =	swait.ge [sflag:s22], s20  }
0x9f: {  	s4 =	ssub.s32 $0x0, s20;
	[sflag:s22] =	ssyncset.done $0x0  }
0xa0: {  	[sflag:s22] =	ssyncadd.s32 s4;
	_ =	sdelay $0x1  }
0xa1: {  	s23 =	simm.s32 $0x1B8B  }
0xa2: {  	_ =	swait.ge [sflag:s23], $0x1  }
0xa3: {  	[sflag:s23] =	ssyncset.done $0x0  }
0xa4: {  	s25 =	simm.s32 $0x1B8E;
	s24 =	sld [smem:$0x3FFE];
	[sflag:s23] =	ssyncadd.s32 $0xFFFFFFFF  }
0xa5: {  	s26 =	simm.s32 $execute0_lowered;
	[smem:$0x3FD2] =	sst s25  }
0xa6: {  	s5 =	sshll.u32 s26, $0x1;
	_ =	strace $0x80000046;
	[dreg:$0x1] =	wrdreg $0xFFFFFFFF  }
0xa7: {  	s28 =	simm.s32 $_size_execute0_lowered;
	s3 =	sadd.s32 s3, s5;
	[dreg:$0x0] =	wrdreg $0x0  }
0xa8: {  	s5 =	sshll.u32 s28, $0x1;
	[dreg:$0x2] =	wrdreg s3  }
0xa9: {  	[dreg:$0x3] =	wrdreg s5  }
0xaa: {  	[dreg:$0x4] =	wrdreg $0xC0  }
0xab: {  	_ =	task [dreg:s7], $0x5FFFF  }
0xac: {  	[dreg:$0x1] =	wrdreg $0xFFFFFFFF  }
0xad: {  	[dreg:$0x0] =	wrdreg $0x60  }
0xae: {  	[dreg:$0x2] =	wrdreg s24  }
0xaf: {  	[dreg:$0x3] =	wrdreg s2  }
0xb0: {  	[dreg:$0x4] =	wrdreg $0xB8000  }
0xb1: {  	[dreg:$0x5] =	wrdreg $0x9  }
0xb2: {  	_ =	task.clear_ibuf [dreg:s7], $0x6FFFF;
	_ =	strace $0x90000046  }
0xb3: {  	s29 =	simm.s32 $0x9;
	_ =	strace $0x80000048  }
0xb4: {  	_ =	swait.ge [sflag:s29], $0x1  }
0xb5: {  	[sflag:s29] =	ssyncadd.s32 $0xFFFFFFFF  }
0xb6: {  	_ =	strace $0x90000048  }
0xb7: {  	_ =	sfence  }
0xb8: {  	s30 =	sld [smem:$0x0];
	_ =	sdelay $0x2  }
0xb9: {  	s31 =	sshll.u32 s1, $0xD;
	s1 =	sshrl.u32 s1, $0x2  }
0xba: {  	s3 =	sand.u32 $0x4000, s31;
	s1 =	sadd.s32 s1, s30  }
0xbb: {  	s0 =	sor.u32 s3, s0;
	s1 =	sshll.u32 s1, $0x11  }
0xbc: {  	s0 =	sor.u32 s1, s0  }
0xbd: {  	s0 =	sadd.s32 $0x8F2B, s0  }
0xbe: {  	[sflag:s0] =	ssyncadd.remote.s32 $0x1  }
0xbf: {  	_ =	sfence.sel $0xFFFF  }
0xc0: {  	[dreg:$0x0] =	wrdreg $0xFFFFFFFF;
	(pc) =	sbr.abs _section_cstart, $3  }
0xc1: {  	[dreg:$0x1] =	wrdreg $0xFFFFFFFF  }
0xc2: {  	_ =	task.clear_ibuf [dreg:s7], $0x2FFFF;
	_ =	strace $0x9FFFFFFF  }
0xc3: {  	(tm) =	ssettm $0x7FFFFFFF  }
tec
execute0_lowered:
.L_overlay_start_1:
0x0: {  	(tag) =	ssettag $0x1  }
0x1: {  	s0 =	rddreg [dreg:$0x0]  }
0x2: {  	s5 =	rddreg [dreg:$0x1]  }
0x3: {  	s1 =	rddreg [dreg:$0x2];
	s3 =	simm.s32 $0x0;
	s6 =	srdreg.scid  }
0x4: {  	s2 =	stileid.u32;
	s20 =	simm.s32 $0x3800;
	s21 =	simm.s32 $0x2  }
0x5: {  	s22 =	simm.s32 $0x1C00;
	s23 =	simm.s32 $0x80;
	s24 =	simm.s32 $0x7800  }
0x6: {  	s25 =	simm.s32 $0x1;
	s26 =	simm.s32 $0x0;
	[smem:$0x7FF] =	sst s3  }
0x7: {  	s4 =	sadd.s32 $0xF200, s0;
	s8 =	sand.u32 $0x1, s6;
	s7 =	smul.u32 $0x50000, s2  }
0x8: {  	s12 =	sadd.s32 $0x5200, s0;
	s10 =	smul.u32 $0xA00, s2;
	s28 =	sadd.s32 $0x5F200, s0  }
0x9: {  	s13 =	smul.u32 $0x5000, s2;
	s6 =	sadd.s32 $0x87200, s0;
	_ =	strace $0x80000047  }
0xa: {  	s9 =	ssub.s32 $0x2, s8;
	[dreg:$0x4] =	wrdreg s28;
	p0 =	sne.s32 s8, $0x0  }
0xb: {  	s11 =	sshrl.u32 s9, $0x1;
	s7 =	sshrl.u32 s7, $0x2;
	s30 =	sadd.s32 s5, s10  }
0xc: {  	s31 =	sshrl.u32 s13, $0x3;
	s29 =	ssub.s32 s9, s11;
	s7 =	sadd.s32 s7, s1  }
.Ltmp0:
0xd: {  	[dreg:$0x5] =	wrdreg s30;
	s13 =	sadd.s32 $0x380, s31;
	(pc) =	sbr.rel .LBB2_1-.Ltmp0, $4  }
0xe: {  	s9 =	sadd.s32 s12, s10;
	s14 =	sadd.s32 $0x700, s31;
	s10 =	sadd.s32 s5, s13  }
0xf: {  	s11 =	sadd.s32 s12, s13;
	s12 =	sadd.s32 s12, s14;
	s13 =	sadd.s32 s5, s14  }
0x10: {  	s14 =	smul.u32 $0x2800, s2;
	s15 =	smax.u32 s29, $0x1;
	s16 =	sadd.s32 $0x4000, s7  }
0x11: {  	v0 =	vimm.f32 $0.0e+00;
	v1 =	vimm.f32 $1.000000000e+00;
	s17 =	sadd.s32 $0x8000, s7;
	s18 =	sadd.s32 $0xC000, s7;
	s19 =	sadd.s32 $0x10000, s7  }
.LBB2_25:
0x12: {  	[sflag:s21] =	ssyncset.done $0x0  }
0x13: {  	s0 =	smov.u32 s6;
	[sflag:s21] =	ssyncadd.s32 $0xFFFFC000  }
.LBB2_26:
0x14: {  	s0 =	sadd.s32 s0, s14;
	s26 =	sadd.s32 $0x1, s26  }
0x15: {  	s5 =	sshll.u32 s2, $0x6;
	[bflag:$0x0] =	sbarrier.arrive $0xFFFF;
	p1 =	sne.s32 s26, s15  }
.Ltmp1:
0x16: {  	s8 =	sshrl.u32 s7, $0x3;
	s5 =	sor.u32 $0x1C02, s5;
	(pc) =	sbr.rel @!p1 .LBB2_27-.Ltmp1, $4  }
0x17: {  	[hbm:s0], [sflag:s5] =	dma.local [spmem:s8], $0x2800  }
0x18: {  	_ =	swait.ge [sflag:s21], $0x2800  }
0x19: {  	[sflag:s21] =	ssyncset.done $0x0  }
0x1a: {  	[sflag:s21] =	ssyncadd.s32 $0xFFFFD800  }
.LBB2_1:
0x1b: {  	s0 =	sand.u32 $0xFE00, s3  }
0x1c: {  	s5 =	sand.u32 $0x70, s3;
	s8 =	sshrl.u32 s0, $0x2  }
0x1d: {  	s0 =	simm.s32 $0x40;
	s28 =	sor.u32 s5, s8;
	s5 =	simm.s32 $0x0  }
.LBB2_2:
0x1e: {  	p1 =	sne.s32 s0, $0xFFC0  }
0x1f: {  	[tilespmem:s28+$0x3800] =	vst v0;
	s5 =	sadd.s32 $0x10, s5;
	s8 =	smov.u32 s0;
	s0 =	sadd.s32 $0x40, s0  }
.Ltmp2:
0x20: {  	(pc) =	sbr.rel @p1 .LBB2_2-.Ltmp2, $4  }
0x21: {  	_ = 	snop  }
0x22: {  	s8 =	sand.u32 $0xFE00, s8  }
0x23: {  	s28 =	sand.u32 $0x70, s5;
	s8 =	sshrl.u32 s8, $0x2  }
0x24: {  	s28 =	sor.u32 s28, s8  }
0x25: {  	[tilespmem:s28+$0x3800] =	vst v0  }
0x26: {  	[spmem:s7] =	stream.linear.scatter [tilespmem:s20], [sflag:$0x2], $0x4000, $0x38;
	[tilespmem:$0x1F800] =	vst v63  }
0x27: {  	_ =	swait.ge [sflag:s21], $0x4000  }
0x28: {  	[sflag:s21] =	ssyncset.done $0x0  }
0x29: {  	[sflag:s21] =	ssyncadd.s32 $0xFFFFC000  }
0x2a: {  	[spmem:s16] =	stream.linear.scatter [tilespmem:s20], [sflag:$0x2], $0x4000, $0x38;
	[tilespmem:$0x1F800] =	vst v63  }
0x2b: {  	_ =	swait.ge [sflag:s21], $0x4000  }
0x2c: {  	[sflag:s21] =	ssyncset.done $0x0  }
0x2d: {  	[sflag:s21] =	ssyncadd.s32 $0xFFFFC000  }
0x2e: {  	[spmem:s17] =	stream.linear.scatter [tilespmem:s20], [sflag:$0x2], $0x4000, $0x38;
	[tilespmem:$0x1F800] =	vst v63  }
0x2f: {  	_ =	swait.ge [sflag:s21], $0x4000  }
0x30: {  	[sflag:s21] =	ssyncset.done $0x0  }
0x31: {  	[sflag:s21] =	ssyncadd.s32 $0xFFFFC000  }
0x32: {  	[spmem:s18] =	stream.linear.scatter [tilespmem:s20], [sflag:$0x2], $0x4000, $0x38;
	[tilespmem:$0x1F800] =	vst v63  }
0x33: {  	_ =	swait.ge [sflag:s21], $0x4000  }
0x34: {  	[sflag:s21] =	ssyncset.done $0x0  }
.Ltmp3:
0x35: {  	[sflag:s21] =	ssyncadd.s32 $0xFFFFC000;
	(pc) =	sbr.rel @p0 .LBB2_5-.Ltmp3, $4  }
0x36: {  	[spmem:s19] =	stream.linear.scatter [tilespmem:s20], [sflag:$0x2], $0x4000, $0x38;
	[tilespmem:$0x1F800] =	vst v63  }
0x37: {  	_ =	swait.ge [sflag:s21], $0x4000  }
0x38: {  	[sflag:s21] =	ssyncset.done $0x0  }
0x39: {  	s0 =	simm.s32 $0x0;
	[sflag:s21] =	ssyncadd.s32 $0xFFFFC000  }
0x3a: {  	[bflag:$0x0] =	sbarrier.arrive $0xFFFF  }
.Ltmp4:
0x3b: {  	s0 =	rddreg [dreg:$0x5];
	(pc) =	sbr.rel .LBB2_8-.Ltmp4, $4  }
0x3c: {  	[tilespmem:s3], [sflag:$0x2] =	stream.linear.gather [hbm4b:s0+s3], $0x1C00, $0x38;
	[tilespmem:$0x1F800] =	vst v63  }
0x3d: {  	_ =	swait.ge [sflag:s21], $0x1C00  }
0x3e: {  	[sflag:s21] =	ssyncset.done $0x0  }
0x3f: {  	[sflag:s21] =	ssyncadd.s32 $0xFFFFE400  }
.LBB2_5:
0x40: {  	s5 =	sand.u32 $0xFE00, s0  }
0x41: {  	s8 =	sand.u32 $0x70, s0;
	s28 =	sshrl.u32 s5, $0x2  }
0x42: {  	s5 =	simm.s32 $0x40;
	s8 =	sor.u32 s8, s28  }
.LBB2_6:
0x43: {  	p1 =	sne.s32 s5, $0xFFC0  }
0x44: {  	[tilespmem:s8+$0x3800] =	vst v1;
	s0 =	sadd.s32 $0x10, s0;
	s8 =	smov.u32 s5;
	s5 =	sadd.s32 $0x40, s5  }
.Ltmp5:
0x45: {  	(pc) =	sbr.rel @p1 .LBB2_6-.Ltmp5, $4  }
0x46: {  	_ = 	snop  }
0x47: {  	s8 =	sand.u32 $0xFE00, s8  }
0x48: {  	s28 =	sand.u32 $0x70, s0;
	s8 =	sshrl.u32 s8, $0x2  }
0x49: {  	s8 =	sor.u32 s28, s8  }
0x4a: {  	[tilespmem:s8+$0x3800] =	vst v1  }
0x4b: {  	[bflag:$0x0] =	sbarrier.arrive $0xFFFF  }
.LBB2_8:
.Ltmp6:
0x4c: {  	s0 =	simm.s32 $0x0;
	(pc) =	sbr.rel @p0 .LBB2_12-.Ltmp6, $4  }
0x4d: {  	[tilespmem:s22], [sflag:$0x2] =	stream.linear.gather [hbm4b:s9+s0], $0x1C00, $0x38;
	[tilespmem:$0x1F800] =	vst v63  }
0x4e: {  	_ =	swait.ge [sflag:s21], $0x1C00  }
0x4f: {  	[sflag:s21] =	ssyncset.done $0x0  }
0x50: {  	[sflag:s21] =	ssyncadd.s32 $0xFFFFE400  }
0x51: {  	s0 =	simm.s32 $0x0  }
0x52: {  	[tilespmem:s20], [sflag:$0x1] =	stream.indirect.gather [hbm4b:s4+s23], $0x80, s0, s23, $0xb8;
	[tilespmem:$0x1F800] =	vst v63  }
0x53: {  	_ = 	snop  }
0x54: {  	[tilespmem:s24], [sflag:$0x1] =	stream.indirect.gather [hbm4b:s4+s23], $0x80, s23, s23, $0xb8;
	[tilespmem:$0x1F800] =	vst v63  }
0x55: {  	_ =	swait.ge [sflag:s25], $0x4000  }
0x56: {  	s5 =	simm.s32 $0x100;
	s0 =	sand.u32 $0x4000, s0;
	[sflag:s25] =	ssyncset.done $0x0  }
0x57: {  	s8 =	simm.s32 $0x1C00;
	s31 =	sor.u32 $0x3800, s0;
	[sflag:s25] =	ssyncadd.s32 $0xFFFFC000  }
0x58: {  	[spmem:s1] =	stream.indirect.scatter.add.f32 [tilespmem:s31], [sflag:$0x2], $0x80, s8, s23, $0xb8;
	[tilespmem:$0x1F800] =	vst v63  }
0x59: {  	s28 =	simm.s32 $0x1;
	s29 =	simm.s32 $0x4000;
	_ =	swait.ge [sflag:s21], $0x4000  }
0x5a: {  	p2 =	por $0x0, $0x0;
	s30 =	simm.s32 $0x1C80;
	[sflag:s21] =	ssyncset.done $0x0  }
0x5b: {  	s0 =	simm.s32 $0x180;
	s8 =	simm.s32 @!p2 $0x80;
	[sflag:s21] =	ssyncadd.s32 $0xFFFFC000  }
.LBB2_10:
0x5c: {  	[tilespmem:s31], [sflag:$0x1] =	stream.indirect.gather @!p2 [hbm4b:s4+s8], $0x80, s5, s8, $0xb8;
	[tilespmem:$0x1F800] =	vst v63  }
0x5d: {  	s8 =	smov.u32 s28;
	s28 =	sadd.s32 $0x1, s28;
	_ =	swait.ge [sflag:s25], $0x4000  }
0x5e: {  	s5 =	sand.u32 $0x4000, s29;
	p1 =	seq.s32 s28, $0x38;
	[sflag:s25] =	ssyncset.done $0x0  }
.Ltmp7:
0x5f: {  	s31 =	sor.u32 $0x3800, s5;
	[sflag:s25] =	ssyncadd.s32 $0xFFFFC000;
	(pc) =	sbr.rel @!p1 .LBB2_10-.Ltmp7, $4  }
0x60: {  	[spmem:s1] =	stream.indirect.scatter.add.f32 [tilespmem:s31], [sflag:$0x2], $0x80, s30, s23, $0xb8;
	[tilespmem:$0x1F800] =	vst v63  }
0x61: {  	s29 =	sadd.s32 $0x4000, s29;
	s5 =	smov.u32 s0;
	_ =	swait.ge [sflag:s21], $0x4000  }
0x62: {  	p2 =	sgt.u32 s8, $0x35;
	s30 =	sadd.s32 $0x80, s30;
	[sflag:s21] =	ssyncset.done $0x0  }
0x63: {  	s0 =	sadd.s32 $0x80, s0;
	s8 =	simm.s32 @!p2 $0x80;
	[sflag:s21] =	ssyncadd.s32 $0xFFFFC000  }
0x64: {  	[tilespmem:s31], [sflag:$0x1] =	stream.indirect.gather @!p2 [hbm4b:s4+s8], $0x80, s5, s8, $0xb8;
	[tilespmem:$0x1F800] =	vst v63  }
.Ltmp8:
0x65: {  	_ = 	snop;
	(pc) =	sbr.rel .LBB2_15-.Ltmp8, $4  }
0x66: {  	[tilespmem:s3], [sflag:$0x2] =	stream.linear.gather [hbm4b:s10+s3], $0x1C00, $0x38;
	[tilespmem:$0x1F800] =	vst v63  }
0x67: {  	_ =	swait.ge [sflag:s21], $0x1C00  }
0x68: {  	[sflag:s21] =	ssyncset.done $0x0  }
0x69: {  	[sflag:s21] =	ssyncadd.s32 $0xFFFFE400  }
.LBB2_12:
0x6a: {  	s5 =	sshra.s32 s0, $0x2  }
0x6b: {  	s5 =	sadd.s32 $0x1C00, s5  }
0x6c: {  	[spmem:s1] =	stream.indirect.scatter.add.f32 [tilespmem:s20], [sflag:$0x2], $0x80, s5, s23, $0xb8;
	[tilespmem:$0x1F800] =	vst v63  }
0x6d: {  	s0 =	sadd.s32 $0x200, s0;
	_ =	swait.ge [sflag:s21], $0x4000  }
.LBB2_13:
0x6e: {  	s5 =	sshra.s32 s0, $0x2;
	[sflag:s21] =	ssyncset.done $0x0;
	p1 =	seq.s32 s0, $0x6E00  }
.Ltmp9:
0x6f: {  	s5 =	sadd.s32 $0x1C00, s5;
	[sflag:s21] =	ssyncadd.s32 $0xFFFFC000;
	(pc) =	sbr.rel @!p1 .LBB2_13-.Ltmp9, $3  }
0x70: {  	[spmem:s1] =	stream.indirect.scatter.add.f32 [tilespmem:s20], [sflag:$0x2], $0x80, s5, s23, $0xb8;
	[tilespmem:$0x1F800] =	vst v63  }
0x71: {  	s0 =	sadd.s32 $0x200, s0;
	_ =	sdelay $0x1  }
0x72: {  	_ =	swait.ge [sflag:s21], $0x4000  }
0x73: {  	[sflag:s21] =	ssyncset.done $0x0  }
0x74: {  	[sflag:s21] =	ssyncadd.s32 $0xFFFFC000  }
.LBB2_15:
.Ltmp10:
0x75: {  	s0 =	simm.s32 $0x0;
	(pc) =	sbr.rel @p0 .LBB2_21-.Ltmp10, $4  }
0x76: {  	[tilespmem:s22], [sflag:$0x2] =	stream.linear.gather [hbm4b:s11+s0], $0x1C00, $0x38;
	[tilespmem:$0x1F800] =	vst v63  }
0x77: {  	_ =	swait.ge [sflag:s21], $0x1C00  }
0x78: {  	[sflag:s21] =	ssyncset.done $0x0  }
0x79: {  	[sflag:s21] =	ssyncadd.s32 $0xFFFFE400  }
0x7a: {  	s0 =	simm.s32 $0x0  }
0x7b: {  	[tilespmem:s20], [sflag:$0x1] =	stream.indirect.gather [hbm4b:s4+s23], $0x80, s0, s23, $0xb8;
	[tilespmem:$0x1F800] =	vst v63  }
0x7c: {  	_ = 	snop  }
0x7d: {  	[tilespmem:s24], [sflag:$0x1] =	stream.indirect.gather [hbm4b:s4+s23], $0x80, s23, s23, $0xb8;
	[tilespmem:$0x1F800] =	vst v63  }
0x7e: {  	_ =	swait.ge [sflag:s25], $0x4000  }
0x7f: {  	s5 =	simm.s32 $0x100;
	s0 =	sand.u32 $0x4000, s0;
	[sflag:s25] =	ssyncset.done $0x0  }
0x80: {  	s8 =	simm.s32 $0x1C00;
	s31 =	sor.u32 $0x3800, s0;
	[sflag:s25] =	ssyncadd.s32 $0xFFFFC000  }
0x81: {  	[spmem:s1] =	stream.indirect.scatter.add.f32 [tilespmem:s31], [sflag:$0x2], $0x80, s8, s23, $0xb8;
	[tilespmem:$0x1F800] =	vst v63  }
0x82: {  	s28 =	simm.s32 $0x1;
	s29 =	simm.s32 $0x4000;
	_ =	swait.ge [sflag:s21], $0x4000  }
0x83: {  	p2 =	por $0x0, $0x0;
	s30 =	simm.s32 $0x1C80;
	[sflag:s21] =	ssyncset.done $0x0  }
0x84: {  	s0 =	simm.s32 $0x180;
	s8 =	simm.s32 @!p2 $0x80;
	[sflag:s21] =	ssyncadd.s32 $0xFFFFC000  }
.LBB2_17:
0x85: {  	[tilespmem:s31], [sflag:$0x1] =	stream.indirect.gather @!p2 [hbm4b:s4+s8], $0x80, s5, s8, $0xb8;
	[tilespmem:$0x1F800] =	vst v63  }
0x86: {  	s8 =	smov.u32 s28;
	s28 =	sadd.s32 $0x1, s28;
	_ =	swait.ge [sflag:s25], $0x4000  }
0x87: {  	s5 =	sand.u32 $0x4000, s29;
	p1 =	seq.s32 s28, $0x38;
	[sflag:s25] =	ssyncset.done $0x0  }
.Ltmp11:
0x88: {  	s31 =	sor.u32 $0x3800, s5;
	[sflag:s25] =	ssyncadd.s32 $0xFFFFC000;
	(pc) =	sbr.rel @!p1 .LBB2_17-.Ltmp11, $4  }
0x89: {  	[spmem:s1] =	stream.indirect.scatter.add.f32 [tilespmem:s31], [sflag:$0x2], $0x80, s30, s23, $0xb8;
	[tilespmem:$0x1F800] =	vst v63  }
0x8a: {  	s29 =	sadd.s32 $0x4000, s29;
	s5 =	smov.u32 s0;
	_ =	swait.ge [sflag:s21], $0x4000  }
0x8b: {  	p2 =	sgt.u32 s8, $0x35;
	s30 =	sadd.s32 $0x80, s30;
	[sflag:s21] =	ssyncset.done $0x0  }
0x8c: {  	s0 =	sadd.s32 $0x80, s0;
	s8 =	simm.s32 @!p2 $0x80;
	[sflag:s21] =	ssyncadd.s32 $0xFFFFC000  }
0x8d: {  	[tilespmem:s31], [sflag:$0x1] =	stream.indirect.gather @!p2 [hbm4b:s4+s8], $0x80, s5, s8, $0xb8;
	[tilespmem:$0x1F800] =	vst v63  }
0x8e: {  	s0 =	simm.s32 $0x0  }
0x8f: {  	[tilespmem:s0], [sflag:$0x2] =	stream.linear.gather [hbm4b:s13+s0], $0x1680, $0x38;
	[tilespmem:$0x1F800] =	vst v63  }
0x90: {  	_ =	swait.ge [sflag:s21], $0x1680  }
0x91: {  	[sflag:s21] =	ssyncset.done $0x0  }
0x92: {  	s8 =	simm.s32 $0x1C00;
	[sflag:s21] =	ssyncadd.s32 $0xFFFFE980  }
0x93: {  	[tilespmem:s8], [sflag:$0x2] =	stream.linear.gather [hbm4b:s12+s0], $0x1680, $0x38;
	[tilespmem:$0x1F800] =	vst v63  }
0x94: {  	_ =	swait.ge [sflag:s21], $0x1680  }
0x95: {  	[sflag:s21] =	ssyncset.done $0x0  }
0x96: {  	[sflag:s21] =	ssyncadd.s32 $0xFFFFE980  }
0x97: {  	[tilespmem:s20], [sflag:$0x1] =	stream.indirect.gather [hbm4b:s4+s23], $0x80, s0, s23, $0xb8;
	[tilespmem:$0x1F800] =	vst v63  }
0x98: {  	_ = 	snop  }
0x99: {  	[tilespmem:s24], [sflag:$0x1] =	stream.indirect.gather [hbm4b:s4+s23], $0x80, s23, s23, $0xb8;
	[tilespmem:$0x1F800] =	vst v63  }
0x9a: {  	_ =	swait.ge [sflag:s25], $0x4000  }
0x9b: {  	s0 =	sand.u32 $0x4000, s0;
	[sflag:s25] =	ssyncset.done $0x0  }
0x9c: {  	s5 =	simm.s32 $0x100;
	s31 =	sor.u32 $0x3800, s0;
	[sflag:s25] =	ssyncadd.s32 $0xFFFFC000  }
0x9d: {  	[spmem:s1] =	stream.indirect.scatter.add.f32 [tilespmem:s31], [sflag:$0x2], $0x80, s8, s23, $0xb8;
	[tilespmem:$0x1F800] =	vst v63  }
0x9e: {  	s28 =	simm.s32 $0x1;
	s29 =	simm.s32 $0x4000;
	_ =	swait.ge [sflag:s21], $0x4000  }
0x9f: {  	p2 =	por $0x0, $0x0;
	s30 =	simm.s32 $0x1C80;
	[sflag:s21] =	ssyncset.done $0x0  }
0xa0: {  	s0 =	simm.s32 $0x180;
	s8 =	simm.s32 @!p2 $0x80;
	[sflag:s21] =	ssyncadd.s32 $0xFFFFC000  }
.LBB2_19:
0xa1: {  	[tilespmem:s31], [sflag:$0x1] =	stream.indirect.gather @!p2 [hbm4b:s4+s8], $0x80, s5, s8, $0xb8;
	[tilespmem:$0x1F800] =	vst v63  }
0xa2: {  	s8 =	smov.u32 s28;
	s28 =	sadd.s32 $0x1, s28;
	_ =	swait.ge [sflag:s25], $0x4000  }
0xa3: {  	s5 =	sand.u32 $0x4000, s29;
	p1 =	seq.s32 s28, $0x2D;
	[sflag:s25] =	ssyncset.done $0x0  }
.Ltmp12:
0xa4: {  	s31 =	sor.u32 $0x3800, s5;
	[sflag:s25] =	ssyncadd.s32 $0xFFFFC000;
	(pc) =	sbr.rel @!p1 .LBB2_19-.Ltmp12, $4  }
0xa5: {  	[spmem:s1] =	stream.indirect.scatter.add.f32 [tilespmem:s31], [sflag:$0x2], $0x80, s30, s23, $0xb8;
	[tilespmem:$0x1F800] =	vst v63  }
0xa6: {  	s29 =	sadd.s32 $0x4000, s29;
	s5 =	smov.u32 s0;
	_ =	swait.ge [sflag:s21], $0x4000  }
0xa7: {  	p2 =	sgt.u32 s8, $0x2A;
	s30 =	sadd.s32 $0x80, s30;
	[sflag:s21] =	ssyncset.done $0x0  }
0xa8: {  	s0 =	sadd.s32 $0x80, s0;
	s8 =	simm.s32 @!p2 $0x80;
	[sflag:s21] =	ssyncadd.s32 $0xFFFFC000  }
.Ltmp13:
0xa9: {  	(pc) =	sbr.rel .LBB2_26-.Ltmp13, $3  }
0xaa: {  	_ =	sdelay $0x1  }
0xab: {  	[tilespmem:s31], [sflag:$0x1] =	stream.indirect.gather @!p2 [hbm4b:s4+s8], $0x80, s5, s8, $0xb8;
	[tilespmem:$0x1F800] =	vst v63  }
0xac: {  	s0 =	rddreg [dreg:$0x4]  }
.LBB2_21:
0xad: {  	s5 =	sshra.s32 s0, $0x2  }
0xae: {  	s5 =	sadd.s32 $0x1C00, s5  }
0xaf: {  	[spmem:s1] =	stream.indirect.scatter.add.f32 [tilespmem:s20], [sflag:$0x2], $0x80, s5, s23, $0xb8;
	[tilespmem:$0x1F800] =	vst v63  }
0xb0: {  	s0 =	sadd.s32 $0x200, s0;
	_ =	swait.ge [sflag:s21], $0x4000  }
.LBB2_22:
0xb1: {  	s5 =	sshra.s32 s0, $0x2;
	[sflag:s21] =	ssyncset.done $0x0;
	p1 =	sne.s32 s0, $0x6E00  }
.Ltmp14:
0xb2: {  	s5 =	sadd.s32 $0x1C00, s5;
	[sflag:s21] =	ssyncadd.s32 $0xFFFFC000;
	(pc) =	sbr.rel @p1 .LBB2_22-.Ltmp14, $3  }
0xb3: {  	[spmem:s1] =	stream.indirect.scatter.add.f32 [tilespmem:s20], [sflag:$0x2], $0x80, s5, s23, $0xb8;
	[tilespmem:$0x1F800] =	vst v63  }
0xb4: {  	s0 =	sadd.s32 $0x200, s0;
	_ =	sdelay $0x1  }
0xb5: {  	_ =	swait.ge [sflag:s21], $0x4000  }
0xb6: {  	[sflag:s21] =	ssyncset.done $0x0  }
0xb7: {  	s0 =	simm.s32 $0x0;
	[sflag:s21] =	ssyncadd.s32 $0xFFFFC000  }
0xb8: {  	[tilespmem:s22], [sflag:$0x2] =	stream.linear.gather [hbm4b:s12+s0], $0x1680, $0x38;
	[tilespmem:$0x1F800] =	vst v63  }
0xb9: {  	_ =	swait.ge [sflag:s21], $0x1680  }
0xba: {  	[sflag:s21] =	ssyncset.done $0x0  }
0xbb: {  	s31 =	simm.s32 $0x1C00;
	[sflag:s21] =	ssyncadd.s32 $0xFFFFE980  }
0xbc: {  	[spmem:s1] =	stream.indirect.scatter.add.f32 [tilespmem:s20], [sflag:$0x2], $0x80, s31, s23, $0xb8;
	[tilespmem:$0x1F800] =	vst v63  }
0xbd: {  	s0 =	simm.s32 $0x200;
	_ =	swait.ge [sflag:s21], $0x4000  }
.LBB2_24:
0xbe: {  	s5 =	sshra.s32 s0, $0x2;
	[sflag:s21] =	ssyncset.done $0x0;
	p1 =	sne.s32 s0, $0x5800  }
.Ltmp15:
0xbf: {  	s5 =	sadd.s32 $0x1C00, s5;
	[sflag:s21] =	ssyncadd.s32 $0xFFFFC000;
	(pc) =	sbr.rel @p1 .LBB2_24-.Ltmp15, $3  }
0xc0: {  	[spmem:s1] =	stream.indirect.scatter.add.f32 [tilespmem:s20], [sflag:$0x2], $0x80, s5, s23, $0xb8;
	[tilespmem:$0x1F800] =	vst v63  }
0xc1: {  	s0 =	sadd.s32 $0x200, s0;
	_ =	sdelay $0x1  }
0xc2: {  	_ =	swait.ge [sflag:s21], $0x4000  }
.Ltmp16:
0xc3: {  	_ = 	snop;
	(pc) =	sbr.rel .LBB2_25-.Ltmp16, $1  }
0xc4: {  	_ =	sdelay $0x3  }
.LBB2_27:
0xc5: {  	_ =	sfence.sel $0x180000  }
0xc6: {  	[bflag:$0x0] =	sbarrier.arrive $0xFFFF  }
0xc7: {  	_ =	strace $0x90000047  }
0xc8: {  	[bflag:$0x2] =	sbarrier.arrive $0xFFFF  }
0xc9: {  	p0 =	sne.s32 s2, $0x0;
	s0 =	rddreg [dreg:$0x3]  }
0xca: {  	s0 =	sadd.s32 @!p0 $0x100000, s0  }
0xcb: {  	[sflag:s0] =	ssyncadd.tile.s32 @!p0 $0x1;
	_ =	shalt  }
.Lfunc_end2:
_tile_overlayer_lowered:
.L_overlay_start_2:
0xcc: {  	(tag) =	ssettag $0x2  }
0xcd: {  	s0 =	rddreg [dreg:$0x0];
	s2 =	stileid.u32  }
0xce: {  	s1 =	rddreg [dreg:$0x1];
	p0 =	sne.s32 s2, $0x0  }
0xcf: {  	s3 =	rddreg [dreg:$0x2];
	[bflag:$0x3] =	sbarrier.arrive $0xFFFF;
	s2 =	simm.s32 @!p0 $0x1C02  }
0xd0: {  	[timem:s3], [sflag:s2] =	dma.local @!p0 [hbm:s0], s1  }
0xd1: {  	s0 =	simm.s32 @!p0 $0x2  }
0xd2: {  	_ =	swait.ge @!p0 [sflag:s0], s1  }
0xd3: {  	s1 =	ssub.s32 @!p0 $0x0, s1;
	[sflag:s0] =	ssyncset.done @!p0 $0x0  }
0xd4: {  	[sflag:s0] =	ssyncadd.s32 @!p0 s1  }
0xd5: {  	[bflag:$0x3] =	sbarrier.arrive $0xFFFF  }
0xd6: {  	_ =	shalt  }

</sc_bundles>
